<compile_context>
chip_gen: v7x
topology: tpu7x:2x2x1
jax: 0.10.2.dev20260603
libtpu: 0.0.44.dev20260713+nightly
codegen_flags: <defaults>
</compile_context>

<pallas_src>
import functools

import jax
import jax.numpy as jnp
from jax import lax
from jax.experimental import pallas as pl
from jax.experimental.pallas import tpu as pltpu
from jax.experimental.pallas import tpu_sc as plsc

N = 10000
E = 320000
D = 128
V = 10000
M = 1000

NC = 2
NS = 16
NW = NC * NS

NPAD = 10240
MPAD = 1024

ECH = 128
NECH = 80
EPAD = NW * NECH * ECH
G = 10
AECH = 80
ANECH = 125

ROWS_PER_TILE = NPAD // NS


def _mesh():
    return plsc.VectorSubcoreMesh(core_axis_name="c", subcore_axis_name="s")


def _wid():
    return lax.axis_index("s") * NC + lax.axis_index("c")


def _fill_2d(buf, rows, cols, value):
    v = jnp.full((16,), value, jnp.float32)

    def body(i, _):
        for j in range(cols // 16):
            buf[i, pl.ds(j * 16, 16)] = v
        return 0

    lax.fori_loop(0, rows, body, 0)


def _emb_gather(x_flat, emb_table):
    rows_per_w = NPAD // NW
    ch = 64
    nch = rows_per_w // ch

    @functools.partial(
        pl.kernel,
        out_type=jax.ShapeDtypeStruct((NPAD, D), jnp.float32),
        mesh=_mesh(),
        scratch_types=[
            pltpu.VMEM((ch,), jnp.int32),
            pltpu.VMEM((ch, D), jnp.float32),
            pltpu.SemaphoreType.DMA,
        ],
    )
    def k(x_hbm, emb_hbm, h0_hbm, idx_v, rows_v, sem):
        wid = _wid()
        base = wid * rows_per_w
        for j in range(nch):
            pltpu.sync_copy(x_hbm.at[wid, j, 0], idx_v)
            pltpu.async_copy(emb_hbm.at[idx_v], rows_v, sem).wait()
            pltpu.sync_copy(rows_v, h0_hbm.at[pl.ds(base + j * ch, ch)])

    return k(x_flat.reshape(NW, nch, 1, ch), emb_table)


def _edge_aggregate(h, src, dst):
    out_type = [
        jax.ShapeDtypeStruct((NPAD, D), jnp.float32),
        jax.ShapeDtypeStruct((NPAD, D), jnp.float32),
    ]

    scratch = [
        pltpu.VMEM_SHARED((NPAD, D), jnp.float32),
        pltpu.VMEM((AECH,), jnp.int32),
        pltpu.VMEM((AECH,), jnp.int32),
        pltpu.VMEM((AECH, D), jnp.float32),
        pltpu.VMEM((32, D), jnp.float32),
        pltpu.SemaphoreType.DMA,
    ]

    @functools.partial(
        pl.kernel, out_type=out_type, mesh=_mesh(), scratch_types=scratch
    )
    def k(h_hbm, src_hbm, dst_hbm, acc_a, acc_b,
          acc_sh, src_ix, dst_ix, rows_v, zblk, sem):
        c = lax.axis_index("c")
        s = lax.axis_index("s")
        wid = _wid()

        _fill_2d(zblk, 32, D, 0.0)
        for t in range(ROWS_PER_TILE // 32):
            sl = pl.ds(s * ROWS_PER_TILE + t * 32, 32)
            pltpu.sync_copy(zblk, acc_sh.at[sl])

        plsc.subcore_barrier()

        def chunk(j, _):
            pltpu.sync_copy(src_hbm.at[wid, j, 0], src_ix)
            pltpu.sync_copy(dst_hbm.at[wid, j, 0], dst_ix)
            pltpu.async_copy(h_hbm.at[src_ix], rows_v, sem).wait()
            pltpu.sync_copy(rows_v, acc_sh.at[dst_ix], add=True)
            return 0

        lax.fori_loop(0, ANECH, chunk, 0)

        plsc.subcore_barrier()

        sl = pl.ds(s * ROWS_PER_TILE, ROWS_PER_TILE)

        @pl.when(c == 0)
        def _():
            pltpu.sync_copy(acc_sh.at[sl], acc_a.at[sl])

        @pl.when(c == 1)
        def _():
            pltpu.sync_copy(acc_sh.at[sl], acc_b.at[sl])

    return k(h, src.reshape(NW, ANECH, 1, AECH),
             dst.reshape(NW, ANECH, 1, AECH))


def _deg_count(dst):
    out_type = [
        jax.ShapeDtypeStruct((NPAD, D), jnp.float32),
        jax.ShapeDtypeStruct((NPAD, D), jnp.float32),
    ]

    scratch = [
        pltpu.VMEM_SHARED((NPAD, D), jnp.float32),
        pltpu.VMEM((ECH,), jnp.int32),
        pltpu.VMEM((ECH,), jnp.int32),
        pltpu.VMEM((ECH, D), jnp.float32),
        pltpu.VMEM((32, D), jnp.float32),
        pltpu.SemaphoreType.DMA,
        pltpu.SemaphoreType.DMA,
    ]

    @functools.partial(
        pl.kernel, out_type=out_type, mesh=_mesh(), scratch_types=scratch
    )
    def k(dst_hbm, deg_a, deg_b, deg_sh, dst_ix0, dst_ix1, ones_v, zblk,
          sem0, sem1):
        c = lax.axis_index("c")
        s = lax.axis_index("s")
        wid = _wid()
        dst_ix = (dst_ix0, dst_ix1)
        sems = (sem0, sem1)

        _fill_2d(zblk, 32, D, 0.0)
        _fill_2d(ones_v, ECH, D, 1.0)
        for t in range(ROWS_PER_TILE // 32):
            sl = pl.ds(s * ROWS_PER_TILE + t * 32, 32)
            pltpu.sync_copy(zblk, deg_sh.at[sl])

        plsc.subcore_barrier()

        def group(g, _):
            def start(i):
                b = i % 2
                j = g * G + i
                return pltpu.async_copy(dst_hbm.at[wid, j, 0], dst_ix[b],
                                        sems[b])

            descs = {0: start(0)}
            for i in range(G):
                if i + 1 < G:
                    descs[i + 1] = start(i + 1)
                b = i % 2
                descs[i].wait()
                pltpu.sync_copy(ones_v, deg_sh.at[dst_ix[b]], add=True)
            return 0

        lax.fori_loop(0, NECH // G, group, 0)

        plsc.subcore_barrier()

        sl = pl.ds(s * ROWS_PER_TILE, ROWS_PER_TILE)

        @pl.when(c == 0)
        def _():
            pltpu.sync_copy(deg_sh.at[sl], deg_a.at[sl])

        @pl.when(c == 1)
        def _():
            pltpu.sync_copy(deg_sh.at[sl], deg_b.at[sl])

    return k(dst.reshape(NW, NECH, 1, ECH))


def _mask_gather(acc_a, acc_b, h1, degc, mask_pad):
    rpw = MPAD // NW

    @functools.partial(
        pl.kernel,
        out_type=[
            jax.ShapeDtypeStruct((MPAD, D), jnp.float32),
            jax.ShapeDtypeStruct((MPAD, D), jnp.float32),
            jax.ShapeDtypeStruct((MPAD, D), jnp.float32),
            jax.ShapeDtypeStruct((MPAD, D), jnp.float32),
        ],
        mesh=_mesh(),
        scratch_types=[
            pltpu.VMEM((rpw,), jnp.int32),
            pltpu.VMEM((rpw, D), jnp.float32),
            pltpu.SemaphoreType.DMA,
        ],
    )
    def k(acc_a_hbm, acc_b_hbm, h1_hbm, degc_hbm, mask_hbm,
          accm_a, accm_b, h1m, degm, idx_v, rows_v, sem):
        base = _wid() * rpw
        sl = pl.ds(base, rpw)
        pltpu.sync_copy(mask_hbm.at[sl], idx_v)
        pltpu.async_copy(acc_a_hbm.at[idx_v], rows_v, sem).wait()
        pltpu.sync_copy(rows_v, accm_a.at[sl])
        pltpu.async_copy(acc_b_hbm.at[idx_v], rows_v, sem).wait()
        pltpu.sync_copy(rows_v, accm_b.at[sl])
        pltpu.async_copy(h1_hbm.at[idx_v], rows_v, sem).wait()
        pltpu.sync_copy(rows_v, h1m.at[sl])
        pltpu.async_copy(degc_hbm.at[idx_v], rows_v, sem).wait()
        pltpu.sync_copy(rows_v, degm.at[sl])

    return k(acc_a, acc_b, h1, degc, mask_pad)


def _layer1_dense(acc_a, acc_b, deg_a, deg_b, h0, W1_l, b1, W1_r):
    blk = 1024
    grid = (NPAD // blk,)

    def body(acc_a_ref, acc_b_ref, deg_a_ref, deg_b_ref, h0_ref,
             wl_ref, b1_ref, wr_ref, h1_ref, degc_ref):
        deg = jnp.maximum(deg_a_ref[:, :1] + deg_b_ref[:, :1], 1.0)
        agg = (acc_a_ref[...] + acc_b_ref[...]) / deg
        cdims = (((1,), (1,)), ((), ()))
        y = lax.dot_general(agg, wl_ref[...], cdims,
                            preferred_element_type=jnp.float32)
        y = y + b1_ref[...]
        y = y + lax.dot_general(h0_ref[...], wr_ref[...], cdims,
                                preferred_element_type=jnp.float32)
        h1_ref[...] = jnp.maximum(y, 0.0)
        degc_ref[...] = jnp.broadcast_to(deg, (deg.shape[0], D))

    row_spec = pl.BlockSpec((blk, D), lambda i: (i, 0))
    full = pl.BlockSpec((D, D), lambda i: (0, 0))
    return pl.pallas_call(
        body,
        grid=grid,
        in_specs=[row_spec, row_spec, row_spec, row_spec, row_spec,
                  full, pl.BlockSpec((1, D), lambda i: (0, 0)), full],
        out_specs=[row_spec, row_spec],
        out_shape=[
            jax.ShapeDtypeStruct((NPAD, D), jnp.float32),
            jax.ShapeDtypeStruct((NPAD, D), jnp.float32),
        ],
    )(acc_a, acc_b, deg_a, deg_b, h0, W1_l, b1, W1_r)


def _layer2_dense(accm_a, accm_b, degm, h1m, W2_l, b2, W2_r):
    blk = 256
    grid = (MPAD // blk,)

    def body(accm_a_ref, accm_b_ref, degm_ref, h1m_ref,
             wl_ref, b2_ref, wr_ref, out_ref):
        agg = (accm_a_ref[...] + accm_b_ref[...]) / degm_ref[:, :1]
        cdims = (((1,), (1,)), ((), ()))
        logits = lax.dot_general(agg, wl_ref[...], cdims,
                                 preferred_element_type=jnp.float32)
        logits = logits + b2_ref[...]
        logits = logits + lax.dot_general(h1m_ref[...], wr_ref[...], cdims,
                                          preferred_element_type=jnp.float32)
        mx = jnp.max(logits, axis=1, keepdims=True)
        sh = logits - mx
        lse = jnp.log(jnp.sum(jnp.exp(sh), axis=1, keepdims=True))
        out_ref[...] = sh - lse

    row_spec = pl.BlockSpec((blk, D), lambda i: (i, 0))
    return pl.pallas_call(
        body,
        grid=grid,
        in_specs=[row_spec, row_spec, row_spec, row_spec,
                  pl.BlockSpec((V, D), lambda i: (0, 0)),
                  pl.BlockSpec((1, V), lambda i: (0, 0)),
                  pl.BlockSpec((V, D), lambda i: (0, 0))],
        out_specs=pl.BlockSpec((blk, V), lambda i: (i, 0)),
        out_shape=jax.ShapeDtypeStruct((MPAD, V), jnp.float32),
    )(accm_a, accm_b, degm, h1m, W2_l, b2, W2_r)


def kernel(x, edge_index, mask_x_position, emb_table, W1_l, b1, W1_r,
           W2_l, b2, W2_r):
    x_flat = jnp.pad(x[:, 0].astype(jnp.int32), (0, NPAD - N))
    src = edge_index[0].astype(jnp.int32)
    dst = edge_index[1].astype(jnp.int32)
    pad_dst = N + (jnp.arange(EPAD - E, dtype=jnp.int32) % (NPAD - N))
    dst_pad = jnp.concatenate([dst, pad_dst])
    mask_pad = jnp.pad(mask_x_position.astype(jnp.int32), (0, MPAD - M))

    h0 = _emb_gather(x_flat, emb_table)
    acc_a, acc_b = _edge_aggregate(h0, src, dst)
    deg_a, deg_b = _deg_count(dst_pad)
    h1, degc = _layer1_dense(acc_a, acc_b, deg_a, deg_b, h0,
                             W1_l, b1.reshape(1, D), W1_r)
    acc2_a, acc2_b = _edge_aggregate(h1, src, dst)
    accm_a, accm_b, h1m, degm = _mask_gather(acc2_a, acc2_b, h1, degc,
                                             mask_pad)
    out = _layer2_dense(accm_a, accm_b, degm, h1m,
                        W2_l, b2.reshape(1, V), W2_r)
    return out[:M]

# --- scband reference (transcript-rebuilt; emitter-appended) ---
"""Pipeline reference for scband-sage-np-57191784514234 (READ-ONLY COPY).

The authoritative reference and input builder live on the scoring server;
editing this copy changes nothing except your own understanding.
"""

import jax, jax.numpy as jnp
import numpy as np

N = 10000   # n_nodes / node_dict_size
E = 320000  # n_edges
D = 128     # node_dim
H = 128     # hidden_dim
V = 10000   # output classes = node_dict_size
M = 1000    # masked positions


def setup_inputs(seed: int = 0) -> dict:
    key = jax.random.key(seed)
    ks = jax.random.split(key, 12)
    x = jax.random.randint(ks[0], (N, 1), 0, N)
    edge_index = jax.random.randint(ks[1], (2, E), 0, N)
    mask_x_position = jax.random.randint(ks[2], (M,), 0, N)
    # learned parameters
    emb_table = jax.random.normal(ks[3], (N, D), dtype=jnp.float32) * (D ** -0.5)
    W1_l = jax.random.normal(ks[4], (H, D), dtype=jnp.float32) * (D ** -0.5)
    b1 = jnp.zeros((H,), dtype=jnp.float32)
    W1_r = jax.random.normal(ks[5], (H, D), dtype=jnp.float32) * (D ** -0.5)
    W2_l = jax.random.normal(ks[6], (V, H), dtype=jnp.float32) * (H ** -0.5)
    b2 = jnp.zeros((V,), dtype=jnp.float32)
    W2_r = jax.random.normal(ks[7], (V, H), dtype=jnp.float32) * (H ** -0.5)
    return {
        "x": x,
        "edge_index": edge_index,
        "mask_x_position": mask_x_position,
        "emb_table": emb_table,
        "W1_l": W1_l,
        "b1": b1,
        "W1_r": W1_r,
        "W2_l": W2_l,
        "b2": b2,
        "W2_r": W2_r,
    }


def _sage_conv(h, src, dst, W_l, b_l, W_r):
    # PyG SAGEConv (aggr='mean'): out = lin_l(mean_j x_j) + lin_r(x_i)
    num_nodes = h.shape[0]
    msg = jnp.take(h, src, axis=0)
    agg = jax.ops.segment_sum(msg, dst, num_segments=num_nodes)
    deg = jax.ops.segment_sum(jnp.ones((src.shape[0],), dtype=h.dtype), dst, num_segments=num_nodes)
    agg = agg / jnp.clip(deg, 1.0)[:, None]
    return agg @ W_l.T + b_l + h @ W_r.T


def reference(x, edge_index, mask_x_position, emb_table, W1_l, b1, W1_r, W2_l, b2, W2_r):
    src = edge_index[0]
    dst = edge_index[1]
    # embedding lookup + squeeze(1); dropout is identity in eval mode
    h = jnp.take(emb_table, x[:, 0], axis=0)
    h = _sage_conv(h, src, dst, W1_l, b1, W1_r)
    h = jax.nn.relu(h)
    h = _sage_conv(h, src, dst, W2_l, b2, W2_r)
    out = jax.nn.log_softmax(jnp.take(h, mask_x_position, axis=0), axis=1)
    return out

if __name__ == "__main__":
    import jax
    _d = setup_inputs()
    print(jax.jit(kernel)(*tuple(_d.values())))

</pallas_src>

<mosaic_0001>
#map = affine_map<(d0, d1) -> (0, 0)>
#map1 = affine_map<(d0, d1) -> (0, 0, 0, 0)>
module attributes {stable_mosaic.version = 14 : i64} {
  func.func @k(%arg0: i32, %arg1: i32, %arg2: memref<10240x128xf32, #tpu.memory_space<hbm>>, %arg3: memref<32x125x1x80xi32, #tpu.memory_space<hbm>>, %arg4: memref<32x125x1x80xi32, #tpu.memory_space<hbm>>, %arg5: memref<10240x128xf32, #tpu.memory_space<hbm>>, %arg6: memref<10240x128xf32, #tpu.memory_space<hbm>>, %arg7: memref<10240x128xf32, #tpu.memory_space<vmem_shared>>, %arg8: memref<80xi32, #tpu.memory_space<vmem>>, %arg9: memref<80xi32, #tpu.memory_space<vmem>>, %arg10: memref<80x128xf32, #tpu.memory_space<vmem>>, %arg11: memref<32x128xf32, #tpu.memory_space<vmem>>, %arg12: memref<!tpu.dma_semaphore, #tpu.memory_space<semaphore_mem>>) attributes {dimension_semantics = [#tpu.dimension_semantics<core_parallel>, #tpu.dimension_semantics<subcore_parallel>], iteration_bounds = array<i64: 2, 16>, scalar_prefetch = 0 : i64, scratch_operands = 6 : i64, tpu.core_type = #tpu.core_type<sc_vector_subcore>, window_params = [{transform_indices = #map}, {transform_indices = #map1}, {transform_indices = #map1}, {transform_indices = #map}, {transform_indices = #map}]} {
    %mul3A = arith.constant 2 : i32
    %mul3A_0 = arith.muli %arg1, %mul3A : i32
    %add3A = arith.addi %mul3A_0, %arg0 : i32
    %broadcast_in_dim3A = arith.constant 0.000000e+00 : f32
    %broadcast_in_dim3A_1 = vector.broadcast %broadcast_in_dim3A : f32 to vector<16xf32>
    %scan3A = arith.constant 0 : i32
    %scan3A_2 = arith.constant 0 : i32
    %scan3A_3 = arith.constant 32 : i32
    %scan3A_4 = arith.addi %scan3A_2, %scan3A_3 : i32
    %scan3A_5 = arith.constant 1 : i32
    %scan3A_6 = scf.for %scan3A_105 = %scan3A_2 to %scan3A_4 step %scan3A_5 iter_args(%scan3A_106 = %scan3A) -> (i32)  : i32 {
      %swap3A = arith.index_cast %scan3A_105 : i32 to index
      %swap3A_107 = arith.constant 0 : index
      %swap3A_108 = tpu.vector_load %arg11[%swap3A, %swap3A_107] {strides = array<i32>} : memref<32x128xf32, #tpu.memory_space<vmem>>, vector<1x16xf32>,
      %swap3A_109 = vector.shape_cast %swap3A_108 : vector<1x16xf32> to vector<16xf32>
      %swap3A_110 = vector.shape_cast %broadcast_in_dim3A_1 : vector<16xf32> to vector<1x16xf32>
      tpu.vector_store %arg11[%swap3A, %swap3A_107], %swap3A_110 {strides = array<i32>} : memref<32x128xf32, #tpu.memory_space<vmem>>, vector<1x16xf32>,
      %swap3A_111 = arith.index_cast %scan3A_105 : i32 to index
      %swap3A_112 = arith.constant 16 : index
      %swap3A_113 = tpu.vector_load %arg11[%swap3A_111, %swap3A_112] {strides = array<i32>} : memref<32x128xf32, #tpu.memory_space<vmem>>, vector<1x16xf32>,
      %swap3A_114 = vector.shape_cast %swap3A_113 : vector<1x16xf32> to vector<16xf32>
      %swap3A_115 = vector.shape_cast %broadcast_in_dim3A_1 : vector<16xf32> to vector<1x16xf32>
      tpu.vector_store %arg11[%swap3A_111, %swap3A_112], %swap3A_115 {strides = array<i32>} : memref<32x128xf32, #tpu.memory_space<vmem>>, vector<1x16xf32>,
      %swap3A_116 = arith.index_cast %scan3A_105 : i32 to index
      %swap3A_117 = arith.constant 32 : index
      %swap3A_118 = tpu.vector_load %arg11[%swap3A_116, %swap3A_117] {strides = array<i32>} : memref<32x128xf32, #tpu.memory_space<vmem>>, vector<1x16xf32>,
      %swap3A_119 = vector.shape_cast %swap3A_118 : vector<1x16xf32> to vector<16xf32>
      %swap3A_120 = vector.shape_cast %broadcast_in_dim3A_1 : vector<16xf32> to vector<1x16xf32>
      tpu.vector_store %arg11[%swap3A_116, %swap3A_117], %swap3A_120 {strides = array<i32>} : memref<32x128xf32, #tpu.memory_space<vmem>>, vector<1x16xf32>,
      %swap3A_121 = arith.index_cast %scan3A_105 : i32 to index
      %swap3A_122 = arith.constant 48 : index
      %swap3A_123 = tpu.vector_load %arg11[%swap3A_121, %swap3A_122] {strides = array<i32>} : memref<32x128xf32, #tpu.memory_space<vmem>>, vector<1x16xf32>,
      %swap3A_124 = vector.shape_cast %swap3A_123 : vector<1x16xf32> to vector<16xf32>
      %swap3A_125 = vector.shape_cast %broadcast_in_dim3A_1 : vector<16xf32> to vector<1x16xf32>
      tpu.vector_store %arg11[%swap3A_121, %swap3A_122], %swap3A_125 {strides = array<i32>} : memref<32x128xf32, #tpu.memory_space<vmem>>, vector<1x16xf32>,
      %swap3A_126 = arith.index_cast %scan3A_105 : i32 to index
      %swap3A_127 = arith.constant 64 : index
      %swap3A_128 = tpu.vector_load %arg11[%swap3A_126, %swap3A_127] {strides = array<i32>} : memref<32x128xf32, #tpu.memory_space<vmem>>, vector<1x16xf32>,
      %swap3A_129 = vector.shape_cast %swap3A_128 : vector<1x16xf32> to vector<16xf32>
      %swap3A_130 = vector.shape_cast %broadcast_in_dim3A_1 : vector<16xf32> to vector<1x16xf32>
      tpu.vector_store %arg11[%swap3A_126, %swap3A_127], %swap3A_130 {strides = array<i32>} : memref<32x128xf32, #tpu.memory_space<vmem>>, vector<1x16xf32>,
      %swap3A_131 = arith.index_cast %scan3A_105 : i32 to index
      %swap3A_132 = arith.constant 80 : index
      %swap3A_133 = tpu.vector_load %arg11[%swap3A_131, %swap3A_132] {strides = array<i32>} : memref<32x128xf32, #tpu.memory_space<vmem>>, vector<1x16xf32>,
      %swap3A_134 = vector.shape_cast %swap3A_133 : vector<1x16xf32> to vector<16xf32>
      %swap3A_135 = vector.shape_cast %broadcast_in_dim3A_1 : vector<16xf32> to vector<1x16xf32>
      tpu.vector_store %arg11[%swap3A_131, %swap3A_132], %swap3A_135 {strides = array<i32>} : memref<32x128xf32, #tpu.memory_space<vmem>>, vector<1x16xf32>,
      %swap3A_136 = arith.index_cast %scan3A_105 : i32 to index
      %swap3A_137 = arith.constant 96 : index
      %swap3A_138 = tpu.vector_load %arg11[%swap3A_136, %swap3A_137] {strides = array<i32>} : memref<32x128xf32, #tpu.memory_space<vmem>>, vector<1x16xf32>,
      %swap3A_139 = vector.shape_cast %swap3A_138 : vector<1x16xf32> to vector<16xf32>
      %swap3A_140 = vector.shape_cast %broadcast_in_dim3A_1 : vector<16xf32> to vector<1x16xf32>
      tpu.vector_store %arg11[%swap3A_136, %swap3A_137], %swap3A_140 {strides = array<i32>} : memref<32x128xf32, #tpu.memory_space<vmem>>, vector<1x16xf32>,
      %swap3A_141 = arith.index_cast %scan3A_105 : i32 to index
      %swap3A_142 = arith.constant 112 : index
      %swap3A_143 = tpu.vector_load %arg11[%swap3A_141, %swap3A_142] {strides = array<i32>} : memref<32x128xf32, #tpu.memory_space<vmem>>, vector<1x16xf32>,
      %swap3A_144 = vector.shape_cast %swap3A_143 : vector<1x16xf32> to vector<16xf32>
      %swap3A_145 = vector.shape_cast %broadcast_in_dim3A_1 : vector<16xf32> to vector<1x16xf32>
      tpu.vector_store %arg11[%swap3A_141, %swap3A_142], %swap3A_145 {strides = array<i32>} : memref<32x128xf32, #tpu.memory_space<vmem>>, vector<1x16xf32>,
      %scan3A_146 = arith.constant 0 : i32
      scf.yield %scan3A_146 : i32
    }
    %scan3A_7 = arith.constant 32 : i32
    %mul3A_8 = arith.constant 640 : i32
    %mul3A_9 = arith.muli %arg1, %mul3A_8 : i32
    %add3A_10 = arith.constant 0 : i32
    %add3A_11 = arith.addi %mul3A_9, %add3A_10 : i32
    "tpu.region"() ({
      %run_scoped3A = tpu.sem_alloc : memref<!tpu.dma_semaphore, #tpu.memory_space<semaphore_mem>>
      %dma_start3A = arith.constant 0 : i32
      %dma_start3A_105 = tpu.memref_slice %arg7[%add3A_11, %dma_start3A] : memref<10240x128xf32, #tpu.memory_space<vmem_shared>> -> memref<32x128xf32, #tpu.memory_space<vmem_shared>>
      %dma_start3A_106 = arith.constant 0 : i32
      %dma_start3A_107 = tpu.memref_slice %arg7[%add3A_11, %dma_start3A_106] : memref<10240x128xf32, #tpu.memory_space<vmem_shared>> -> memref<32x128xf32, #tpu.memory_space<vmem_shared>>
      tpu.enqueue_dma source(%arg11 : memref<32x128xf32, #tpu.memory_space<vmem>>) target(%dma_start3A_107 : memref<32x128xf32, #tpu.memory_space<vmem_shared>>) target_semaphore(%run_scoped3A : memref<!tpu.dma_semaphore, #tpu.memory_space<semaphore_mem>>)
      %dma_wait3A = arith.constant 0 : i32
      %dma_wait3A_108 = tpu.memref_slice %arg7[%add3A_11, %dma_wait3A] : memref<10240x128xf32, #tpu.memory_space<vmem_shared>> -> memref<32x128xf32, #tpu.memory_space<vmem_shared>>
      %dma_wait3A_109 = arith.constant 0 : i32
      %dma_wait3A_110 = tpu.memref_slice %arg7[%add3A_11, %dma_wait3A_109] : memref<10240x128xf32, #tpu.memory_space<vmem_shared>> -> memref<32x128xf32, #tpu.memory_space<vmem_shared>>
      tpu.wait_dma2 semaphore(%run_scoped3A : memref<!tpu.dma_semaphore, #tpu.memory_space<semaphore_mem>>) src(%arg11 : memref<32x128xf32, #tpu.memory_space<vmem>>) dst(%dma_wait3A_110 : memref<32x128xf32, #tpu.memory_space<vmem_shared>>)
      tpu.yield
    }) : () -> ()
    %mul3A_12 = arith.constant 640 : i32
    %mul3A_13 = arith.muli %arg1, %mul3A_12 : i32
    %add3A_14 = arith.constant 32 : i32
    %add3A_15 = arith.addi %mul3A_13, %add3A_14 : i32
    "tpu.region"() ({
      %run_scoped3A = tpu.sem_alloc : memref<!tpu.dma_semaphore, #tpu.memory_space<semaphore_mem>>
      %dma_start3A = arith.constant 0 : i32
      %dma_start3A_105 = tpu.memref_slice %arg7[%add3A_15, %dma_start3A] : memref<10240x128xf32, #tpu.memory_space<vmem_shared>> -> memref<32x128xf32, #tpu.memory_space<vmem_shared>>
      %dma_start3A_106 = arith.constant 0 : i32
      %dma_start3A_107 = tpu.memref_slice %arg7[%add3A_15, %dma_start3A_106] : memref<10240x128xf32, #tpu.memory_space<vmem_shared>> -> memref<32x128xf32, #tpu.memory_space<vmem_shared>>
      tpu.enqueue_dma source(%arg11 : memref<32x128xf32, #tpu.memory_space<vmem>>) target(%dma_start3A_107 : memref<32x128xf32, #tpu.memory_space<vmem_shared>>) target_semaphore(%run_scoped3A : memref<!tpu.dma_semaphore, #tpu.memory_space<semaphore_mem>>)
      %dma_wait3A = arith.constant 0 : i32
      %dma_wait3A_108 = tpu.memref_slice %arg7[%add3A_15, %dma_wait3A] : memref<10240x128xf32, #tpu.memory_space<vmem_shared>> -> memref<32x128xf32, #tpu.memory_space<vmem_shared>>
      %dma_wait3A_109 = arith.constant 0 : i32
      %dma_wait3A_110 = tpu.memref_slice %arg7[%add3A_15, %dma_wait3A_109] : memref<10240x128xf32, #tpu.memory_space<vmem_shared>> -> memref<32x128xf32, #tpu.memory_space<vmem_shared>>
      tpu.wait_dma2 semaphore(%run_scoped3A : memref<!tpu.dma_semaphore, #tpu.memory_space<semaphore_mem>>) src(%arg11 : memref<32x128xf32, #tpu.memory_space<vmem>>) dst(%dma_wait3A_110 : memref<32x128xf32, #tpu.memory_space<vmem_shared>>)
      tpu.yield
    }) : () -> ()
    %mul3A_16 = arith.constant 640 : i32
    %mul3A_17 = arith.muli %arg1, %mul3A_16 : i32
    %add3A_18 = arith.constant 64 : i32
    %add3A_19 = arith.addi %mul3A_17, %add3A_18 : i32
    "tpu.region"() ({
      %run_scoped3A = tpu.sem_alloc : memref<!tpu.dma_semaphore, #tpu.memory_space<semaphore_mem>>
      %dma_start3A = arith.constant 0 : i32
      %dma_start3A_105 = tpu.memref_slice %arg7[%add3A_19, %dma_start3A] : memref<10240x128xf32, #tpu.memory_space<vmem_shared>> -> memref<32x128xf32, #tpu.memory_space<vmem_shared>>
      %dma_start3A_106 = arith.constant 0 : i32
      %dma_start3A_107 = tpu.memref_slice %arg7[%add3A_19, %dma_start3A_106] : memref<10240x128xf32, #tpu.memory_space<vmem_shared>> -> memref<32x128xf32, #tpu.memory_space<vmem_shared>>
      tpu.enqueue_dma source(%arg11 : memref<32x128xf32, #tpu.memory_space<vmem>>) target(%dma_start3A_107 : memref<32x128xf32, #tpu.memory_space<vmem_shared>>) target_semaphore(%run_scoped3A : memref<!tpu.dma_semaphore, #tpu.memory_space<semaphore_mem>>)
      %dma_wait3A = arith.constant 0 : i32
      %dma_wait3A_108 = tpu.memref_slice %arg7[%add3A_19, %dma_wait3A] : memref<10240x128xf32, #tpu.memory_space<vmem_shared>> -> memref<32x128xf32, #tpu.memory_space<vmem_shared>>
      %dma_wait3A_109 = arith.constant 0 : i32
      %dma_wait3A_110 = tpu.memref_slice %arg7[%add3A_19, %dma_wait3A_109] : memref<10240x128xf32, #tpu.memory_space<vmem_shared>> -> memref<32x128xf32, #tpu.memory_space<vmem_shared>>
      tpu.wait_dma2 semaphore(%run_scoped3A : memref<!tpu.dma_semaphore, #tpu.memory_space<semaphore_mem>>) src(%arg11 : memref<32x128xf32, #tpu.memory_space<vmem>>) dst(%dma_wait3A_110 : memref<32x128xf32, #tpu.memory_space<vmem_shared>>)
      tpu.yield
    }) : () -> ()
    %mul3A_20 = arith.constant 640 : i32
    %mul3A_21 = arith.muli %arg1, %mul3A_20 : i32
    %add3A_22 = arith.constant 96 : i32
    %add3A_23 = arith.addi %mul3A_21, %add3A_22 : i32
    "tpu.region"() ({
      %run_scoped3A = tpu.sem_alloc : memref<!tpu.dma_semaphore, #tpu.memory_space<semaphore_mem>>
      %dma_start3A = arith.constant 0 : i32
      %dma_start3A_105 = tpu.memref_slice %arg7[%add3A_23, %dma_start3A] : memref<10240x128xf32, #tpu.memory_space<vmem_shared>> -> memref<32x128xf32, #tpu.memory_space<vmem_shared>>
      %dma_start3A_106 = arith.constant 0 : i32
      %dma_start3A_107 = tpu.memref_slice %arg7[%add3A_23, %dma_start3A_106] : memref<10240x128xf32, #tpu.memory_space<vmem_shared>> -> memref<32x128xf32, #tpu.memory_space<vmem_shared>>
      tpu.enqueue_dma source(%arg11 : memref<32x128xf32, #tpu.memory_space<vmem>>) target(%dma_start3A_107 : memref<32x128xf32, #tpu.memory_space<vmem_shared>>) target_semaphore(%run_scoped3A : memref<!tpu.dma_semaphore, #tpu.memory_space<semaphore_mem>>)
      %dma_wait3A = arith.constant 0 : i32
      %dma_wait3A_108 = tpu.memref_slice %arg7[%add3A_23, %dma_wait3A] : memref<10240x128xf32, #tpu.memory_space<vmem_shared>> -> memref<32x128xf32, #tpu.memory_space<vmem_shared>>
      %dma_wait3A_109 = arith.constant 0 : i32
      %dma_wait3A_110 = tpu.memref_slice %arg7[%add3A_23, %dma_wait3A_109] : memref<10240x128xf32, #tpu.memory_space<vmem_shared>> -> memref<32x128xf32, #tpu.memory_space<vmem_shared>>
      tpu.wait_dma2 semaphore(%run_scoped3A : memref<!tpu.dma_semaphore, #tpu.memory_space<semaphore_mem>>) src(%arg11 : memref<32x128xf32, #tpu.memory_space<vmem>>) dst(%dma_wait3A_110 : memref<32x128xf32, #tpu.memory_space<vmem_shared>>)
      tpu.yield
    }) : () -> ()
    %mul3A_24 = arith.constant 640 : i32
    %mul3A_25 = arith.muli %arg1, %mul3A_24 : i32
    %add3A_26 = arith.constant 128 : i32
    %add3A_27 = arith.addi %mul3A_25, %add3A_26 : i32
    "tpu.region"() ({
      %run_scoped3A = tpu.sem_alloc : memref<!tpu.dma_semaphore, #tpu.memory_space<semaphore_mem>>
      %dma_start3A = arith.constant 0 : i32
      %dma_start3A_105 = tpu.memref_slice %arg7[%add3A_27, %dma_start3A] : memref<10240x128xf32, #tpu.memory_space<vmem_shared>> -> memref<32x128xf32, #tpu.memory_space<vmem_shared>>
      %dma_start3A_106 = arith.constant 0 : i32
      %dma_start3A_107 = tpu.memref_slice %arg7[%add3A_27, %dma_start3A_106] : memref<10240x128xf32, #tpu.memory_space<vmem_shared>> -> memref<32x128xf32, #tpu.memory_space<vmem_shared>>
      tpu.enqueue_dma source(%arg11 : memref<32x128xf32, #tpu.memory_space<vmem>>) target(%dma_start3A_107 : memref<32x128xf32, #tpu.memory_space<vmem_shared>>) target_semaphore(%run_scoped3A : memref<!tpu.dma_semaphore, #tpu.memory_space<semaphore_mem>>)
      %dma_wait3A = arith.constant 0 : i32
      %dma_wait3A_108 = tpu.memref_slice %arg7[%add3A_27, %dma_wait3A] : memref<10240x128xf32, #tpu.memory_space<vmem_shared>> -> memref<32x128xf32, #tpu.memory_space<vmem_shared>>
      %dma_wait3A_109 = arith.constant 0 : i32
      %dma_wait3A_110 = tpu.memref_slice %arg7[%add3A_27, %dma_wait3A_109] : memref<10240x128xf32, #tpu.memory_space<vmem_shared>> -> memref<32x128xf32, #tpu.memory_space<vmem_shared>>
      tpu.wait_dma2 semaphore(%run_scoped3A : memref<!tpu.dma_semaphore, #tpu.memory_space<semaphore_mem>>) src(%arg11 : memref<32x128xf32, #tpu.memory_space<vmem>>) dst(%dma_wait3A_110 : memref<32x128xf32, #tpu.memory_space<vmem_shared>>)
      tpu.yield
    }) : () -> ()
    %mul3A_28 = arith.constant 640 : i32
    %mul3A_29 = arith.muli %arg1, %mul3A_28 : i32
    %add3A_30 = arith.constant 160 : i32
    %add3A_31 = arith.addi %mul3A_29, %add3A_30 : i32
    "tpu.region"() ({
      %run_scoped3A = tpu.sem_alloc : memref<!tpu.dma_semaphore, #tpu.memory_space<semaphore_mem>>
      %dma_start3A = arith.constant 0 : i32
      %dma_start3A_105 = tpu.memref_slice %arg7[%add3A_31, %dma_start3A] : memref<10240x128xf32, #tpu.memory_space<vmem_shared>> -> memref<32x128xf32, #tpu.memory_space<vmem_shared>>
      %dma_start3A_106 = arith.constant 0 : i32
      %dma_start3A_107 = tpu.memref_slice %arg7[%add3A_31, %dma_start3A_106] : memref<10240x128xf32, #tpu.memory_space<vmem_shared>> -> memref<32x128xf32, #tpu.memory_space<vmem_shared>>
      tpu.enqueue_dma source(%arg11 : memref<32x128xf32, #tpu.memory_space<vmem>>) target(%dma_start3A_107 : memref<32x128xf32, #tpu.memory_space<vmem_shared>>) target_semaphore(%run_scoped3A : memref<!tpu.dma_semaphore, #tpu.memory_space<semaphore_mem>>)
      %dma_wait3A = arith.constant 0 : i32
      %dma_wait3A_108 = tpu.memref_slice %arg7[%add3A_31, %dma_wait3A] : memref<10240x128xf32, #tpu.memory_space<vmem_shared>> -> memref<32x128xf32, #tpu.memory_space<vmem_shared>>
      %dma_wait3A_109 = arith.constant 0 : i32
      %dma_wait3A_110 = tpu.memref_slice %arg7[%add3A_31, %dma_wait3A_109] : memref<10240x128xf32, #tpu.memory_space<vmem_shared>> -> memref<32x128xf32, #tpu.memory_space<vmem_shared>>
      tpu.wait_dma2 semaphore(%run_scoped3A : memref<!tpu.dma_semaphore, #tpu.memory_space<semaphore_mem>>) src(%arg11 : memref<32x128xf32, #tpu.memory_space<vmem>>) dst(%dma_wait3A_110 : memref<32x128xf32, #tpu.memory_space<vmem_shared>>)
      tpu.yield
    }) : () -> ()
    %mul3A_32 = arith.constant 640 : i32
    %mul3A_33 = arith.muli %arg1, %mul3A_32 : i32
    %add3A_34 = arith.constant 192 : i32
    %add3A_35 = arith.addi %mul3A_33, %add3A_34 : i32
    "tpu.region"() ({
      %run_scoped3A = tpu.sem_alloc : memref<!tpu.dma_semaphore, #tpu.memory_space<semaphore_mem>>
      %dma_start3A = arith.constant 0 : i32
      %dma_start3A_105 = tpu.memref_slice %arg7[%add3A_35, %dma_start3A] : memref<10240x128xf32, #tpu.memory_space<vmem_shared>> -> memref<32x128xf32, #tpu.memory_space<vmem_shared>>
      %dma_start3A_106 = arith.constant 0 : i32
      %dma_start3A_107 = tpu.memref_slice %arg7[%add3A_35, %dma_start3A_106] : memref<10240x128xf32, #tpu.memory_space<vmem_shared>> -> memref<32x128xf32, #tpu.memory_space<vmem_shared>>
      tpu.enqueue_dma source(%arg11 : memref<32x128xf32, #tpu.memory_space<vmem>>) target(%dma_start3A_107 : memref<32x128xf32, #tpu.memory_space<vmem_shared>>) target_semaphore(%run_scoped3A : memref<!tpu.dma_semaphore, #tpu.memory_space<semaphore_mem>>)
      %dma_wait3A = arith.constant 0 : i32
      %dma_wait3A_108 = tpu.memref_slice %arg7[%add3A_35, %dma_wait3A] : memref<10240x128xf32, #tpu.memory_space<vmem_shared>> -> memref<32x128xf32, #tpu.memory_space<vmem_shared>>
      %dma_wait3A_109 = arith.constant 0 : i32
      %dma_wait3A_110 = tpu.memref_slice %arg7[%add3A_35, %dma_wait3A_109] : memref<10240x128xf32, #tpu.memory_space<vmem_shared>> -> memref<32x128xf32, #tpu.memory_space<vmem_shared>>
      tpu.wait_dma2 semaphore(%run_scoped3A : memref<!tpu.dma_semaphore, #tpu.memory_space<semaphore_mem>>) src(%arg11 : memref<32x128xf32, #tpu.memory_space<vmem>>) dst(%dma_wait3A_110 : memref<32x128xf32, #tpu.memory_space<vmem_shared>>)
      tpu.yield
    }) : () -> ()
    %mul3A_36 = arith.constant 640 : i32
    %mul3A_37 = arith.muli %arg1, %mul3A_36 : i32
    %add3A_38 = arith.constant 224 : i32
    %add3A_39 = arith.addi %mul3A_37, %add3A_38 : i32
    "tpu.region"() ({
      %run_scoped3A = tpu.sem_alloc : memref<!tpu.dma_semaphore, #tpu.memory_space<semaphore_mem>>
      %dma_start3A = arith.constant 0 : i32
      %dma_start3A_105 = tpu.memref_slice %arg7[%add3A_39, %dma_start3A] : memref<10240x128xf32, #tpu.memory_space<vmem_shared>> -> memref<32x128xf32, #tpu.memory_space<vmem_shared>>
      %dma_start3A_106 = arith.constant 0 : i32
      %dma_start3A_107 = tpu.memref_slice %arg7[%add3A_39, %dma_start3A_106] : memref<10240x128xf32, #tpu.memory_space<vmem_shared>> -> memref<32x128xf32, #tpu.memory_space<vmem_shared>>
      tpu.enqueue_dma source(%arg11 : memref<32x128xf32, #tpu.memory_space<vmem>>) target(%dma_start3A_107 : memref<32x128xf32, #tpu.memory_space<vmem_shared>>) target_semaphore(%run_scoped3A : memref<!tpu.dma_semaphore, #tpu.memory_space<semaphore_mem>>)
      %dma_wait3A = arith.constant 0 : i32
      %dma_wait3A_108 = tpu.memref_slice %arg7[%add3A_39, %dma_wait3A] : memref<10240x128xf32, #tpu.memory_space<vmem_shared>> -> memref<32x128xf32, #tpu.memory_space<vmem_shared>>
      %dma_wait3A_109 = arith.constant 0 : i32
      %dma_wait3A_110 = tpu.memref_slice %arg7[%add3A_39, %dma_wait3A_109] : memref<10240x128xf32, #tpu.memory_space<vmem_shared>> -> memref<32x128xf32, #tpu.memory_space<vmem_shared>>
      tpu.wait_dma2 semaphore(%run_scoped3A : memref<!tpu.dma_semaphore, #tpu.memory_space<semaphore_mem>>) src(%arg11 : memref<32x128xf32, #tpu.memory_space<vmem>>) dst(%dma_wait3A_110 : memref<32x128xf32, #tpu.memory_space<vmem_shared>>)
      tpu.yield
    }) : () -> ()
    %mul3A_40 = arith.constant 640 : i32
    %mul3A_41 = arith.muli %arg1, %mul3A_40 : i32
    %add3A_42 = arith.constant 256 : i32
    %add3A_43 = arith.addi %mul3A_41, %add3A_42 : i32
    "tpu.region"() ({
      %run_scoped3A = tpu.sem_alloc : memref<!tpu.dma_semaphore, #tpu.memory_space<semaphore_mem>>
      %dma_start3A = arith.constant 0 : i32
      %dma_start3A_105 = tpu.memref_slice %arg7[%add3A_43, %dma_start3A] : memref<10240x128xf32, #tpu.memory_space<vmem_shared>> -> memref<32x128xf32, #tpu.memory_space<vmem_shared>>
      %dma_start3A_106 = arith.constant 0 : i32
      %dma_start3A_107 = tpu.memref_slice %arg7[%add3A_43, %dma_start3A_106] : memref<10240x128xf32, #tpu.memory_space<vmem_shared>> -> memref<32x128xf32, #tpu.memory_space<vmem_shared>>
      tpu.enqueue_dma source(%arg11 : memref<32x128xf32, #tpu.memory_space<vmem>>) target(%dma_start3A_107 : memref<32x128xf32, #tpu.memory_space<vmem_shared>>) target_semaphore(%run_scoped3A : memref<!tpu.dma_semaphore, #tpu.memory_space<semaphore_mem>>)
      %dma_wait3A = arith.constant 0 : i32
      %dma_wait3A_108 = tpu.memref_slice %arg7[%add3A_43, %dma_wait3A] : memref<10240x128xf32, #tpu.memory_space<vmem_shared>> -> memref<32x128xf32, #tpu.memory_space<vmem_shared>>
      %dma_wait3A_109 = arith.constant 0 : i32
      %dma_wait3A_110 = tpu.memref_slice %arg7[%add3A_43, %dma_wait3A_109] : memref<10240x128xf32, #tpu.memory_space<vmem_shared>> -> memref<32x128xf32, #tpu.memory_space<vmem_shared>>
      tpu.wait_dma2 semaphore(%run_scoped3A : memref<!tpu.dma_semaphore, #tpu.memory_space<semaphore_mem>>) src(%arg11 : memref<32x128xf32, #tpu.memory_space<vmem>>) dst(%dma_wait3A_110 : memref<32x128xf32, #tpu.memory_space<vmem_shared>>)
      tpu.yield
    }) : () -> ()
    %mul3A_44 = arith.constant 640 : i32
    %mul3A_45 = arith.muli %arg1, %mul3A_44 : i32
    %add3A_46 = arith.constant 288 : i32
    %add3A_47 = arith.addi %mul3A_45, %add3A_46 : i32
    "tpu.region"() ({
      %run_scoped3A = tpu.sem_alloc : memref<!tpu.dma_semaphore, #tpu.memory_space<semaphore_mem>>
      %dma_start3A = arith.constant 0 : i32
      %dma_start3A_105 = tpu.memref_slice %arg7[%add3A_47, %dma_start3A] : memref<10240x128xf32, #tpu.memory_space<vmem_shared>> -> memref<32x128xf32, #tpu.memory_space<vmem_shared>>
      %dma_start3A_106 = arith.constant 0 : i32
      %dma_start3A_107 = tpu.memref_slice %arg7[%add3A_47, %dma_start3A_106] : memref<10240x128xf32, #tpu.memory_space<vmem_shared>> -> memref<32x128xf32, #tpu.memory_space<vmem_shared>>
      tpu.enqueue_dma source(%arg11 : memref<32x128xf32, #tpu.memory_space<vmem>>) target(%dma_start3A_107 : memref<32x128xf32, #tpu.memory_space<vmem_shared>>) target_semaphore(%run_scoped3A : memref<!tpu.dma_semaphore, #tpu.memory_space<semaphore_mem>>)
      %dma_wait3A = arith.constant 0 : i32
      %dma_wait3A_108 = tpu.memref_slice %arg7[%add3A_47, %dma_wait3A] : memref<10240x128xf32, #tpu.memory_space<vmem_shared>> -> memref<32x128xf32, #tpu.memory_space<vmem_shared>>
      %dma_wait3A_109 = arith.constant 0 : i32
      %dma_wait3A_110 = tpu.memref_slice %arg7[%add3A_47, %dma_wait3A_109] : memref<10240x128xf32, #tpu.memory_space<vmem_shared>> -> memref<32x128xf32, #tpu.memory_space<vmem_shared>>
      tpu.wait_dma2 semaphore(%run_scoped3A : memref<!tpu.dma_semaphore, #tpu.memory_space<semaphore_mem>>) src(%arg11 : memref<32x128xf32, #tpu.memory_space<vmem>>) dst(%dma_wait3A_110 : memref<32x128xf32, #tpu.memory_space<vmem_shared>>)
      tpu.yield
    }) : () -> ()
    %mul3A_48 = arith.constant 640 : i32
    %mul3A_49 = arith.muli %arg1, %mul3A_48 : i32
    %add3A_50 = arith.constant 320 : i32
    %add3A_51 = arith.addi %mul3A_49, %add3A_50 : i32
    "tpu.region"() ({
      %run_scoped3A = tpu.sem_alloc : memref<!tpu.dma_semaphore, #tpu.memory_space<semaphore_mem>>
      %dma_start3A = arith.constant 0 : i32
      %dma_start3A_105 = tpu.memref_slice %arg7[%add3A_51, %dma_start3A] : memref<10240x128xf32, #tpu.memory_space<vmem_shared>> -> memref<32x128xf32, #tpu.memory_space<vmem_shared>>
      %dma_start3A_106 = arith.constant 0 : i32
      %dma_start3A_107 = tpu.memref_slice %arg7[%add3A_51, %dma_start3A_106] : memref<10240x128xf32, #tpu.memory_space<vmem_shared>> -> memref<32x128xf32, #tpu.memory_space<vmem_shared>>
      tpu.enqueue_dma source(%arg11 : memref<32x128xf32, #tpu.memory_space<vmem>>) target(%dma_start3A_107 : memref<32x128xf32, #tpu.memory_space<vmem_shared>>) target_semaphore(%run_scoped3A : memref<!tpu.dma_semaphore, #tpu.memory_space<semaphore_mem>>)
      %dma_wait3A = arith.constant 0 : i32
      %dma_wait3A_108 = tpu.memref_slice %arg7[%add3A_51, %dma_wait3A] : memref<10240x128xf32, #tpu.memory_space<vmem_shared>> -> memref<32x128xf32, #tpu.memory_space<vmem_shared>>
      %dma_wait3A_109 = arith.constant 0 : i32
      %dma_wait3A_110 = tpu.memref_slice %arg7[%add3A_51, %dma_wait3A_109] : memref<10240x128xf32, #tpu.memory_space<vmem_shared>> -> memref<32x128xf32, #tpu.memory_space<vmem_shared>>
      tpu.wait_dma2 semaphore(%run_scoped3A : memref<!tpu.dma_semaphore, #tpu.memory_space<semaphore_mem>>) src(%arg11 : memref<32x128xf32, #tpu.memory_space<vmem>>) dst(%dma_wait3A_110 : memref<32x128xf32, #tpu.memory_space<vmem_shared>>)
      tpu.yield
    }) : () -> ()
    %mul3A_52 = arith.constant 640 : i32
    %mul3A_53 = arith.muli %arg1, %mul3A_52 : i32
    %add3A_54 = arith.constant 352 : i32
    %add3A_55 = arith.addi %mul3A_53, %add3A_54 : i32
    "tpu.region"() ({
      %run_scoped3A = tpu.sem_alloc : memref<!tpu.dma_semaphore, #tpu.memory_space<semaphore_mem>>
      %dma_start3A = arith.constant 0 : i32
      %dma_start3A_105 = tpu.memref_slice %arg7[%add3A_55, %dma_start3A] : memref<10240x128xf32, #tpu.memory_space<vmem_shared>> -> memref<32x128xf32, #tpu.memory_space<vmem_shared>>
      %dma_start3A_106 = arith.constant 0 : i32
      %dma_start3A_107 = tpu.memref_slice %arg7[%add3A_55, %dma_start3A_106] : memref<10240x128xf32, #tpu.memory_space<vmem_shared>> -> memref<32x128xf32, #tpu.memory_space<vmem_shared>>
      tpu.enqueue_dma source(%arg11 : memref<32x128xf32, #tpu.memory_space<vmem>>) target(%dma_start3A_107 : memref<32x128xf32, #tpu.memory_space<vmem_shared>>) target_semaphore(%run_scoped3A : memref<!tpu.dma_semaphore, #tpu.memory_space<semaphore_mem>>)
      %dma_wait3A = arith.constant 0 : i32
      %dma_wait3A_108 = tpu.memref_slice %arg7[%add3A_55, %dma_wait3A] : memref<10240x128xf32, #tpu.memory_space<vmem_shared>> -> memref<32x128xf32, #tpu.memory_space<vmem_shared>>
      %dma_wait3A_109 = arith.constant 0 : i32
      %dma_wait3A_110 = tpu.memref_slice %arg7[%add3A_55, %dma_wait3A_109] : memref<10240x128xf32, #tpu.memory_space<vmem_shared>> -> memref<32x128xf32, #tpu.memory_space<vmem_shared>>
      tpu.wait_dma2 semaphore(%run_scoped3A : memref<!tpu.dma_semaphore, #tpu.memory_space<semaphore_mem>>) src(%arg11 : memref<32x128xf32, #tpu.memory_space<vmem>>) dst(%dma_wait3A_110 : memref<32x128xf32, #tpu.memory_space<vmem_shared>>)
      tpu.yield
    }) : () -> ()
    %mul3A_56 = arith.constant 640 : i32
    %mul3A_57 = arith.muli %arg1, %mul3A_56 : i32
    %add3A_58 = arith.constant 384 : i32
    %add3A_59 = arith.addi %mul3A_57, %add3A_58 : i32
    "tpu.region"() ({
      %run_scoped3A = tpu.sem_alloc : memref<!tpu.dma_semaphore, #tpu.memory_space<semaphore_mem>>
      %dma_start3A = arith.constant 0 : i32
      %dma_start3A_105 = tpu.memref_slice %arg7[%add3A_59, %dma_start3A] : memref<10240x128xf32, #tpu.memory_space<vmem_shared>> -> memref<32x128xf32, #tpu.memory_space<vmem_shared>>
      %dma_start3A_106 = arith.constant 0 : i32
      %dma_start3A_107 = tpu.memref_slice %arg7[%add3A_59, %dma_start3A_106] : memref<10240x128xf32, #tpu.memory_space<vmem_shared>> -> memref<32x128xf32, #tpu.memory_space<vmem_shared>>
      tpu.enqueue_dma source(%arg11 : memref<32x128xf32, #tpu.memory_space<vmem>>) target(%dma_start3A_107 : memref<32x128xf32, #tpu.memory_space<vmem_shared>>) target_semaphore(%run_scoped3A : memref<!tpu.dma_semaphore, #tpu.memory_space<semaphore_mem>>)
      %dma_wait3A = arith.constant 0 : i32
      %dma_wait3A_108 = tpu.memref_slice %arg7[%add3A_59, %dma_wait3A] : memref<10240x128xf32, #tpu.memory_space<vmem_shared>> -> memref<32x128xf32, #tpu.memory_space<vmem_shared>>
      %dma_wait3A_109 = arith.constant 0 : i32
      %dma_wait3A_110 = tpu.memref_slice %arg7[%add3A_59, %dma_wait3A_109] : memref<10240x128xf32, #tpu.memory_space<vmem_shared>> -> memref<32x128xf32, #tpu.memory_space<vmem_shared>>
      tpu.wait_dma2 semaphore(%run_scoped3A : memref<!tpu.dma_semaphore, #tpu.memory_space<semaphore_mem>>) src(%arg11 : memref<32x128xf32, #tpu.memory_space<vmem>>) dst(%dma_wait3A_110 : memref<32x128xf32, #tpu.memory_space<vmem_shared>>)
      tpu.yield
    }) : () -> ()
    %mul3A_60 = arith.constant 640 : i32
    %mul3A_61 = arith.muli %arg1, %mul3A_60 : i32
    %add3A_62 = arith.constant 416 : i32
    %add3A_63 = arith.addi %mul3A_61, %add3A_62 : i32
    "tpu.region"() ({
      %run_scoped3A = tpu.sem_alloc : memref<!tpu.dma_semaphore, #tpu.memory_space<semaphore_mem>>
      %dma_start3A = arith.constant 0 : i32
      %dma_start3A_105 = tpu.memref_slice %arg7[%add3A_63, %dma_start3A] : memref<10240x128xf32, #tpu.memory_space<vmem_shared>> -> memref<32x128xf32, #tpu.memory_space<vmem_shared>>
      %dma_start3A_106 = arith.constant 0 : i32
      %dma_start3A_107 = tpu.memref_slice %arg7[%add3A_63, %dma_start3A_106] : memref<10240x128xf32, #tpu.memory_space<vmem_shared>> -> memref<32x128xf32, #tpu.memory_space<vmem_shared>>
      tpu.enqueue_dma source(%arg11 : memref<32x128xf32, #tpu.memory_space<vmem>>) target(%dma_start3A_107 : memref<32x128xf32, #tpu.memory_space<vmem_shared>>) target_semaphore(%run_scoped3A : memref<!tpu.dma_semaphore, #tpu.memory_space<semaphore_mem>>)
      %dma_wait3A = arith.constant 0 : i32
      %dma_wait3A_108 = tpu.memref_slice %arg7[%add3A_63, %dma_wait3A] : memref<10240x128xf32, #tpu.memory_space<vmem_shared>> -> memref<32x128xf32, #tpu.memory_space<vmem_shared>>
      %dma_wait3A_109 = arith.constant 0 : i32
      %dma_wait3A_110 = tpu.memref_slice %arg7[%add3A_63, %dma_wait3A_109] : memref<10240x128xf32, #tpu.memory_space<vmem_shared>> -> memref<32x128xf32, #tpu.memory_space<vmem_shared>>
      tpu.wait_dma2 semaphore(%run_scoped3A : memref<!tpu.dma_semaphore, #tpu.memory_space<semaphore_mem>>) src(%arg11 : memref<32x128xf32, #tpu.memory_space<vmem>>) dst(%dma_wait3A_110 : memref<32x128xf32, #tpu.memory_space<vmem_shared>>)
      tpu.yield
    }) : () -> ()
    %mul3A_64 = arith.constant 640 : i32
    %mul3A_65 = arith.muli %arg1, %mul3A_64 : i32
    %add3A_66 = arith.constant 448 : i32
    %add3A_67 = arith.addi %mul3A_65, %add3A_66 : i32
    "tpu.region"() ({
      %run_scoped3A = tpu.sem_alloc : memref<!tpu.dma_semaphore, #tpu.memory_space<semaphore_mem>>
      %dma_start3A = arith.constant 0 : i32
      %dma_start3A_105 = tpu.memref_slice %arg7[%add3A_67, %dma_start3A] : memref<10240x128xf32, #tpu.memory_space<vmem_shared>> -> memref<32x128xf32, #tpu.memory_space<vmem_shared>>
      %dma_start3A_106 = arith.constant 0 : i32
      %dma_start3A_107 = tpu.memref_slice %arg7[%add3A_67, %dma_start3A_106] : memref<10240x128xf32, #tpu.memory_space<vmem_shared>> -> memref<32x128xf32, #tpu.memory_space<vmem_shared>>
      tpu.enqueue_dma source(%arg11 : memref<32x128xf32, #tpu.memory_space<vmem>>) target(%dma_start3A_107 : memref<32x128xf32, #tpu.memory_space<vmem_shared>>) target_semaphore(%run_scoped3A : memref<!tpu.dma_semaphore, #tpu.memory_space<semaphore_mem>>)
      %dma_wait3A = arith.constant 0 : i32
      %dma_wait3A_108 = tpu.memref_slice %arg7[%add3A_67, %dma_wait3A] : memref<10240x128xf32, #tpu.memory_space<vmem_shared>> -> memref<32x128xf32, #tpu.memory_space<vmem_shared>>
      %dma_wait3A_109 = arith.constant 0 : i32
      %dma_wait3A_110 = tpu.memref_slice %arg7[%add3A_67, %dma_wait3A_109] : memref<10240x128xf32, #tpu.memory_space<vmem_shared>> -> memref<32x128xf32, #tpu.memory_space<vmem_shared>>
      tpu.wait_dma2 semaphore(%run_scoped3A : memref<!tpu.dma_semaphore, #tpu.memory_space<semaphore_mem>>) src(%arg11 : memref<32x128xf32, #tpu.memory_space<vmem>>) dst(%dma_wait3A_110 : memref<32x128xf32, #tpu.memory_space<vmem_shared>>)
      tpu.yield
    }) : () -> ()
    %mul3A_68 = arith.constant 640 : i32
    %mul3A_69 = arith.muli %arg1, %mul3A_68 : i32
    %add3A_70 = arith.constant 480 : i32
    %add3A_71 = arith.addi %mul3A_69, %add3A_70 : i32
    "tpu.region"() ({
      %run_scoped3A = tpu.sem_alloc : memref<!tpu.dma_semaphore, #tpu.memory_space<semaphore_mem>>
      %dma_start3A = arith.constant 0 : i32
      %dma_start3A_105 = tpu.memref_slice %arg7[%add3A_71, %dma_start3A] : memref<10240x128xf32, #tpu.memory_space<vmem_shared>> -> memref<32x128xf32, #tpu.memory_space<vmem_shared>>
      %dma_start3A_106 = arith.constant 0 : i32
      %dma_start3A_107 = tpu.memref_slice %arg7[%add3A_71, %dma_start3A_106] : memref<10240x128xf32, #tpu.memory_space<vmem_shared>> -> memref<32x128xf32, #tpu.memory_space<vmem_shared>>
      tpu.enqueue_dma source(%arg11 : memref<32x128xf32, #tpu.memory_space<vmem>>) target(%dma_start3A_107 : memref<32x128xf32, #tpu.memory_space<vmem_shared>>) target_semaphore(%run_scoped3A : memref<!tpu.dma_semaphore, #tpu.memory_space<semaphore_mem>>)
      %dma_wait3A = arith.constant 0 : i32
      %dma_wait3A_108 = tpu.memref_slice %arg7[%add3A_71, %dma_wait3A] : memref<10240x128xf32, #tpu.memory_space<vmem_shared>> -> memref<32x128xf32, #tpu.memory_space<vmem_shared>>
      %dma_wait3A_109 = arith.constant 0 : i32
      %dma_wait3A_110 = tpu.memref_slice %arg7[%add3A_71, %dma_wait3A_109] : memref<10240x128xf32, #tpu.memory_space<vmem_shared>> -> memref<32x128xf32, #tpu.memory_space<vmem_shared>>
      tpu.wait_dma2 semaphore(%run_scoped3A : memref<!tpu.dma_semaphore, #tpu.memory_space<semaphore_mem>>) src(%arg11 : memref<32x128xf32, #tpu.memory_space<vmem>>) dst(%dma_wait3A_110 : memref<32x128xf32, #tpu.memory_space<vmem_shared>>)
      tpu.yield
    }) : () -> ()
    %mul3A_72 = arith.constant 640 : i32
    %mul3A_73 = arith.muli %arg1, %mul3A_72 : i32
    %add3A_74 = arith.constant 512 : i32
    %add3A_75 = arith.addi %mul3A_73, %add3A_74 : i32
    "tpu.region"() ({
      %run_scoped3A = tpu.sem_alloc : memref<!tpu.dma_semaphore, #tpu.memory_space<semaphore_mem>>
      %dma_start3A = arith.constant 0 : i32
      %dma_start3A_105 = tpu.memref_slice %arg7[%add3A_75, %dma_start3A] : memref<10240x128xf32, #tpu.memory_space<vmem_shared>> -> memref<32x128xf32, #tpu.memory_space<vmem_shared>>
      %dma_start3A_106 = arith.constant 0 : i32
      %dma_start3A_107 = tpu.memref_slice %arg7[%add3A_75, %dma_start3A_106] : memref<10240x128xf32, #tpu.memory_space<vmem_shared>> -> memref<32x128xf32, #tpu.memory_space<vmem_shared>>
      tpu.enqueue_dma source(%arg11 : memref<32x128xf32, #tpu.memory_space<vmem>>) target(%dma_start3A_107 : memref<32x128xf32, #tpu.memory_space<vmem_shared>>) target_semaphore(%run_scoped3A : memref<!tpu.dma_semaphore, #tpu.memory_space<semaphore_mem>>)
      %dma_wait3A = arith.constant 0 : i32
      %dma_wait3A_108 = tpu.memref_slice %arg7[%add3A_75, %dma_wait3A] : memref<10240x128xf32, #tpu.memory_space<vmem_shared>> -> memref<32x128xf32, #tpu.memory_space<vmem_shared>>
      %dma_wait3A_109 = arith.constant 0 : i32
      %dma_wait3A_110 = tpu.memref_slice %arg7[%add3A_75, %dma_wait3A_109] : memref<10240x128xf32, #tpu.memory_space<vmem_shared>> -> memref<32x128xf32, #tpu.memory_space<vmem_shared>>
      tpu.wait_dma2 semaphore(%run_scoped3A : memref<!tpu.dma_semaphore, #tpu.memory_space<semaphore_mem>>) src(%arg11 : memref<32x128xf32, #tpu.memory_space<vmem>>) dst(%dma_wait3A_110 : memref<32x128xf32, #tpu.memory_space<vmem_shared>>)
      tpu.yield
    }) : () -> ()
    %mul3A_76 = arith.constant 640 : i32
    %mul3A_77 = arith.muli %arg1, %mul3A_76 : i32
    %add3A_78 = arith.constant 544 : i32
    %add3A_79 = arith.addi %mul3A_77, %add3A_78 : i32
    "tpu.region"() ({
      %run_scoped3A = tpu.sem_alloc : memref<!tpu.dma_semaphore, #tpu.memory_space<semaphore_mem>>
      %dma_start3A = arith.constant 0 : i32
      %dma_start3A_105 = tpu.memref_slice %arg7[%add3A_79, %dma_start3A] : memref<10240x128xf32, #tpu.memory_space<vmem_shared>> -> memref<32x128xf32, #tpu.memory_space<vmem_shared>>
      %dma_start3A_106 = arith.constant 0 : i32
      %dma_start3A_107 = tpu.memref_slice %arg7[%add3A_79, %dma_start3A_106] : memref<10240x128xf32, #tpu.memory_space<vmem_shared>> -> memref<32x128xf32, #tpu.memory_space<vmem_shared>>
      tpu.enqueue_dma source(%arg11 : memref<32x128xf32, #tpu.memory_space<vmem>>) target(%dma_start3A_107 : memref<32x128xf32, #tpu.memory_space<vmem_shared>>) target_semaphore(%run_scoped3A : memref<!tpu.dma_semaphore, #tpu.memory_space<semaphore_mem>>)
      %dma_wait3A = arith.constant 0 : i32
      %dma_wait3A_108 = tpu.memref_slice %arg7[%add3A_79, %dma_wait3A] : memref<10240x128xf32, #tpu.memory_space<vmem_shared>> -> memref<32x128xf32, #tpu.memory_space<vmem_shared>>
      %dma_wait3A_109 = arith.constant 0 : i32
      %dma_wait3A_110 = tpu.memref_slice %arg7[%add3A_79, %dma_wait3A_109] : memref<10240x128xf32, #tpu.memory_space<vmem_shared>> -> memref<32x128xf32, #tpu.memory_space<vmem_shared>>
      tpu.wait_dma2 semaphore(%run_scoped3A : memref<!tpu.dma_semaphore, #tpu.memory_space<semaphore_mem>>) src(%arg11 : memref<32x128xf32, #tpu.memory_space<vmem>>) dst(%dma_wait3A_110 : memref<32x128xf32, #tpu.memory_space<vmem_shared>>)
      tpu.yield
    }) : () -> ()
    %mul3A_80 = arith.constant 640 : i32
    %mul3A_81 = arith.muli %arg1, %mul3A_80 : i32
    %add3A_82 = arith.constant 576 : i32
    %add3A_83 = arith.addi %mul3A_81, %add3A_82 : i32
    "tpu.region"() ({
      %run_scoped3A = tpu.sem_alloc : memref<!tpu.dma_semaphore, #tpu.memory_space<semaphore_mem>>
      %dma_start3A = arith.constant 0 : i32
      %dma_start3A_105 = tpu.memref_slice %arg7[%add3A_83, %dma_start3A] : memref<10240x128xf32, #tpu.memory_space<vmem_shared>> -> memref<32x128xf32, #tpu.memory_space<vmem_shared>>
      %dma_start3A_106 = arith.constant 0 : i32
      %dma_start3A_107 = tpu.memref_slice %arg7[%add3A_83, %dma_start3A_106] : memref<10240x128xf32, #tpu.memory_space<vmem_shared>> -> memref<32x128xf32, #tpu.memory_space<vmem_shared>>
      tpu.enqueue_dma source(%arg11 : memref<32x128xf32, #tpu.memory_space<vmem>>) target(%dma_start3A_107 : memref<32x128xf32, #tpu.memory_space<vmem_shared>>) target_semaphore(%run_scoped3A : memref<!tpu.dma_semaphore, #tpu.memory_space<semaphore_mem>>)
      %dma_wait3A = arith.constant 0 : i32
      %dma_wait3A_108 = tpu.memref_slice %arg7[%add3A_83, %dma_wait3A] : memref<10240x128xf32, #tpu.memory_space<vmem_shared>> -> memref<32x128xf32, #tpu.memory_space<vmem_shared>>
      %dma_wait3A_109 = arith.constant 0 : i32
      %dma_wait3A_110 = tpu.memref_slice %arg7[%add3A_83, %dma_wait3A_109] : memref<10240x128xf32, #tpu.memory_space<vmem_shared>> -> memref<32x128xf32, #tpu.memory_space<vmem_shared>>
      tpu.wait_dma2 semaphore(%run_scoped3A : memref<!tpu.dma_semaphore, #tpu.memory_space<semaphore_mem>>) src(%arg11 : memref<32x128xf32, #tpu.memory_space<vmem>>) dst(%dma_wait3A_110 : memref<32x128xf32, #tpu.memory_space<vmem_shared>>)
      tpu.yield
    }) : () -> ()
    %mul3A_84 = arith.constant 640 : i32
    %mul3A_85 = arith.muli %arg1, %mul3A_84 : i32
    %add3A_86 = arith.constant 608 : i32
    %add3A_87 = arith.addi %mul3A_85, %add3A_86 : i32
    "tpu.region"() ({
      %run_scoped3A = tpu.sem_alloc : memref<!tpu.dma_semaphore, #tpu.memory_space<semaphore_mem>>
      %dma_start3A = arith.constant 0 : i32
      %dma_start3A_105 = tpu.memref_slice %arg7[%add3A_87, %dma_start3A] : memref<10240x128xf32, #tpu.memory_space<vmem_shared>> -> memref<32x128xf32, #tpu.memory_space<vmem_shared>>
      %dma_start3A_106 = arith.constant 0 : i32
      %dma_start3A_107 = tpu.memref_slice %arg7[%add3A_87, %dma_start3A_106] : memref<10240x128xf32, #tpu.memory_space<vmem_shared>> -> memref<32x128xf32, #tpu.memory_space<vmem_shared>>
      tpu.enqueue_dma source(%arg11 : memref<32x128xf32, #tpu.memory_space<vmem>>) target(%dma_start3A_107 : memref<32x128xf32, #tpu.memory_space<vmem_shared>>) target_semaphore(%run_scoped3A : memref<!tpu.dma_semaphore, #tpu.memory_space<semaphore_mem>>)
      %dma_wait3A = arith.constant 0 : i32
      %dma_wait3A_108 = tpu.memref_slice %arg7[%add3A_87, %dma_wait3A] : memref<10240x128xf32, #tpu.memory_space<vmem_shared>> -> memref<32x128xf32, #tpu.memory_space<vmem_shared>>
      %dma_wait3A_109 = arith.constant 0 : i32
      %dma_wait3A_110 = tpu.memref_slice %arg7[%add3A_87, %dma_wait3A_109] : memref<10240x128xf32, #tpu.memory_space<vmem_shared>> -> memref<32x128xf32, #tpu.memory_space<vmem_shared>>
      tpu.wait_dma2 semaphore(%run_scoped3A : memref<!tpu.dma_semaphore, #tpu.memory_space<semaphore_mem>>) src(%arg11 : memref<32x128xf32, #tpu.memory_space<vmem>>) dst(%dma_wait3A_110 : memref<32x128xf32, #tpu.memory_space<vmem_shared>>)
      tpu.yield
    }) : () -> ()
    %barrier3A = arith.constant 0 : index
    tpu.barrier barrier_id(%barrier3A)
    %scan3A_88 = arith.constant 0 : i32
    %scan3A_89 = arith.constant 0 : i32
    %scan3A_90 = arith.constant 125 : i32
    %scan3A_91 = arith.addi %scan3A_89, %scan3A_90 : i32
    %scan3A_92 = arith.constant 1 : i32
    %scan3A_93 = scf.for %scan3A_105 = %scan3A_89 to %scan3A_91 step %scan3A_92 iter_args(%scan3A_106 = %scan3A_88) -> (i32)  : i32 {
      %run_scoped3A = arith.constant 0 : i32
      "tpu.region"() ({
        %run_scoped3A_113 = tpu.sem_alloc : memref<!tpu.dma_semaphore, #tpu.memory_space<semaphore_mem>>
        %dma_start3A_114 = arith.constant 0 : i32
        %dma_start3A_115 = tpu.memref_slice %arg3[%add3A, %scan3A_105, %run_scoped3A, %dma_start3A_114] : memref<32x125x1x80xi32, #tpu.memory_space<hbm>> -> memref<1x1x1x80xi32, #tpu.memory_space<hbm>>
        %dma_start3A_116 = tpu.memref_squeeze %dma_start3A_115 : memref<1x1x1x80xi32, #tpu.memory_space<hbm>> -> memref<80xi32, #tpu.memory_space<hbm>>
        %dma_start3A_117 = arith.constant 0 : i32
        %dma_start3A_118 = tpu.memref_slice %arg3[%add3A, %scan3A_105, %run_scoped3A, %dma_start3A_117] : memref<32x125x1x80xi32, #tpu.memory_space<hbm>> -> memref<1x1x1x80xi32, #tpu.memory_space<hbm>>
        %dma_start3A_119 = tpu.memref_squeeze %dma_start3A_118 : memref<1x1x1x80xi32, #tpu.memory_space<hbm>> -> memref<80xi32, #tpu.memory_space<hbm>>
        tpu.enqueue_dma source(%dma_start3A_119 : memref<80xi32, #tpu.memory_space<hbm>>) target(%arg8 : memref<80xi32, #tpu.memory_space<vmem>>) target_semaphore(%run_scoped3A_113 : memref<!tpu.dma_semaphore, #tpu.memory_space<semaphore_mem>>)
        %dma_wait3A_120 = arith.constant 0 : i32
        %dma_wait3A_121 = tpu.memref_slice %arg3[%add3A, %scan3A_105, %run_scoped3A, %dma_wait3A_120] : memref<32x125x1x80xi32, #tpu.memory_space<hbm>> -> memref<1x1x1x80xi32, #tpu.memory_space<hbm>>
        %dma_wait3A_122 = tpu.memref_squeeze %dma_wait3A_121 : memref<1x1x1x80xi32, #tpu.memory_space<hbm>> -> memref<80xi32, #tpu.memory_space<hbm>>
        %dma_wait3A_123 = arith.constant 0 : i32
        %dma_wait3A_124 = tpu.memref_slice %arg3[%add3A, %scan3A_105, %run_scoped3A, %dma_wait3A_123] : memref<32x125x1x80xi32, #tpu.memory_space<hbm>> -> memref<1x1x1x80xi32, #tpu.memory_space<hbm>>
        %dma_wait3A_125 = tpu.memref_squeeze %dma_wait3A_124 : memref<1x1x1x80xi32, #tpu.memory_space<hbm>> -> memref<80xi32, #tpu.memory_space<hbm>>
        tpu.wait_dma2 semaphore(%run_scoped3A_113 : memref<!tpu.dma_semaphore, #tpu.memory_space<semaphore_mem>>) src(%dma_wait3A_125 : memref<80xi32, #tpu.memory_space<hbm>>) dst(%arg8 : memref<80xi32, #tpu.memory_space<vmem>>)
        tpu.yield
      }) : () -> ()
      %run_scoped3A_107 = arith.constant 0 : i32
      "tpu.region"() ({
        %run_scoped3A_113 = tpu.sem_alloc : memref<!tpu.dma_semaphore, #tpu.memory_space<semaphore_mem>>
        %dma_start3A_114 = arith.constant 0 : i32
        %dma_start3A_115 = tpu.memref_slice %arg4[%add3A, %scan3A_105, %run_scoped3A_107, %dma_start3A_114] : memref<32x125x1x80xi32, #tpu.memory_space<hbm>> -> memref<1x1x1x80xi32, #tpu.memory_space<hbm>>
        %dma_start3A_116 = tpu.memref_squeeze %dma_start3A_115 : memref<1x1x1x80xi32, #tpu.memory_space<hbm>> -> memref<80xi32, #tpu.memory_space<hbm>>
        %dma_start3A_117 = arith.constant 0 : i32
        %dma_start3A_118 = tpu.memref_slice %arg4[%add3A, %scan3A_105, %run_scoped3A_107, %dma_start3A_117] : memref<32x125x1x80xi32, #tpu.memory_space<hbm>> -> memref<1x1x1x80xi32, #tpu.memory_space<hbm>>
        %dma_start3A_119 = tpu.memref_squeeze %dma_start3A_118 : memref<1x1x1x80xi32, #tpu.memory_space<hbm>> -> memref<80xi32, #tpu.memory_space<hbm>>
        tpu.enqueue_dma source(%dma_start3A_119 : memref<80xi32, #tpu.memory_space<hbm>>) target(%arg9 : memref<80xi32, #tpu.memory_space<vmem>>) target_semaphore(%run_scoped3A_113 : memref<!tpu.dma_semaphore, #tpu.memory_space<semaphore_mem>>)
        %dma_wait3A_120 = arith.constant 0 : i32
        %dma_wait3A_121 = tpu.memref_slice %arg4[%add3A, %scan3A_105, %run_scoped3A_107, %dma_wait3A_120] : memref<32x125x1x80xi32, #tpu.memory_space<hbm>> -> memref<1x1x1x80xi32, #tpu.memory_space<hbm>>
        %dma_wait3A_122 = tpu.memref_squeeze %dma_wait3A_121 : memref<1x1x1x80xi32, #tpu.memory_space<hbm>> -> memref<80xi32, #tpu.memory_space<hbm>>
        %dma_wait3A_123 = arith.constant 0 : i32
        %dma_wait3A_124 = tpu.memref_slice %arg4[%add3A, %scan3A_105, %run_scoped3A_107, %dma_wait3A_123] : memref<32x125x1x80xi32, #tpu.memory_space<hbm>> -> memref<1x1x1x80xi32, #tpu.memory_space<hbm>>
        %dma_wait3A_125 = tpu.memref_squeeze %dma_wait3A_124 : memref<1x1x1x80xi32, #tpu.memory_space<hbm>> -> memref<80xi32, #tpu.memory_space<hbm>>
        tpu.wait_dma2 semaphore(%run_scoped3A_113 : memref<!tpu.dma_semaphore, #tpu.memory_space<semaphore_mem>>) src(%dma_wait3A_125 : memref<80xi32, #tpu.memory_space<hbm>>) dst(%arg9 : memref<80xi32, #tpu.memory_space<vmem>>)
        tpu.yield
      }) : () -> ()
      %dma_start3A = arith.constant 0 : i32
      %dma_start3A_108 = arith.constant 0 : i32
      %dma_start3A_109 = tpu.memref_slice %arg2[%dma_start3A, %dma_start3A_108] : memref<10240x128xf32, #tpu.memory_space<hbm>> -> memref<10240x128xf32, #tpu.memory_space<hbm>>
      tpu.enqueue_indirect_dma source(%dma_start3A_109 : memref<10240x128xf32, #tpu.memory_space<hbm>>) target(%arg10 : memref<80x128xf32, #tpu.memory_space<vmem>>) offsets(%arg8 : memref<80xi32, #tpu.memory_space<vmem>>) semaphore(%arg12 : memref<!tpu.dma_semaphore, #tpu.memory_space<semaphore_mem>>)
      %dma_wait3A = arith.constant 0 : i32
      %dma_wait3A_110 = arith.constant 0 : i32
      %dma_wait3A_111 = tpu.memref_slice %arg2[%dma_wait3A, %dma_wait3A_110] : memref<10240x128xf32, #tpu.memory_space<hbm>> -> memref<10240x128xf32, #tpu.memory_space<hbm>>
      tpu.wait_indirect_dma semaphore(%arg12 : memref<!tpu.dma_semaphore, #tpu.memory_space<semaphore_mem>>) src(%dma_wait3A_111 : memref<10240x128xf32, #tpu.memory_space<hbm>>) dst(%arg10 : memref<80x128xf32, #tpu.memory_space<vmem>>)
      "tpu.region"() ({
        %run_scoped3A_113 = tpu.sem_alloc : memref<!tpu.dma_semaphore, #tpu.memory_space<semaphore_mem>>
        %dma_start3A_114 = arith.constant 0 : i32
        %dma_start3A_115 = arith.constant 0 : i32
        %dma_start3A_116 = tpu.memref_slice %arg7[%dma_start3A_114, %dma_start3A_115] : memref<10240x128xf32, #tpu.memory_space<vmem_shared>> -> memref<10240x128xf32, #tpu.memory_space<vmem_shared>>
        tpu.enqueue_indirect_dma source(%arg10 : memref<80x128xf32, #tpu.memory_space<vmem>>) target(%dma_start3A_116 : memref<10240x128xf32, #tpu.memory_space<vmem_shared>>) offsets(%arg9 : memref<80xi32, #tpu.memory_space<vmem>>) semaphore(%run_scoped3A_113 : memref<!tpu.dma_semaphore, #tpu.memory_space<semaphore_mem>>) {add = true}
        %dma_wait3A_117 = arith.constant 0 : i32
        %dma_wait3A_118 = arith.constant 0 : i32
        %dma_wait3A_119 = tpu.memref_slice %arg7[%dma_wait3A_117, %dma_wait3A_118] : memref<10240x128xf32, #tpu.memory_space<vmem_shared>> -> memref<10240x128xf32, #tpu.memory_space<vmem_shared>>
        tpu.wait_indirect_dma semaphore(%run_scoped3A_113 : memref<!tpu.dma_semaphore, #tpu.memory_space<semaphore_mem>>) src(%arg10 : memref<80x128xf32, #tpu.memory_space<vmem>>) dst(%dma_wait3A_119 : memref<10240x128xf32, #tpu.memory_space<vmem_shared>>)
        tpu.yield
      }) : () -> ()
      %scan3A_112 = arith.constant 0 : i32
      scf.yield %scan3A_112 : i32
    }
    %scan3A_94 = arith.constant 125 : i32
    %barrier3A_95 = arith.constant 0 : index
    tpu.barrier barrier_id(%barrier3A_95)
    %mul3A_96 = arith.constant 640 : i32
    %mul3A_97 = arith.muli %arg1, %mul3A_96 : i32
    %eq3A = arith.constant 0 : i32
    %eq3A_98 = arith.cmpi eq, %arg0, %eq3A : i32
    %convert_element_type3A = arith.extui %eq3A_98 : i1 to i32
    %cond3A = arith.constant 0 : i32
    %cond3A_99 = arith.cmpi ne, %convert_element_type3A, %cond3A : i32
    scf.if %cond3A_99 {
      "tpu.region"() ({
        %run_scoped3A = tpu.sem_alloc : memref<!tpu.dma_semaphore, #tpu.memory_space<semaphore_mem>>
        %dma_start3A = arith.constant 0 : i32
        %dma_start3A_105 = tpu.memref_slice %arg5[%mul3A_97, %dma_start3A] : memref<10240x128xf32, #tpu.memory_space<hbm>> -> memref<640x128xf32, #tpu.memory_space<hbm>>
        %dma_start3A_106 = arith.constant 0 : i32
        %dma_start3A_107 = tpu.memref_slice %arg7[%mul3A_97, %dma_start3A_106] : memref<10240x128xf32, #tpu.memory_space<vmem_shared>> -> memref<640x128xf32, #tpu.memory_space<vmem_shared>>
        tpu.enqueue_dma source(%dma_start3A_107 : memref<640x128xf32, #tpu.memory_space<vmem_shared>>) target(%dma_start3A_105 : memref<640x128xf32, #tpu.memory_space<hbm>>) target_semaphore(%run_scoped3A : memref<!tpu.dma_semaphore, #tpu.memory_space<semaphore_mem>>)
        %dma_wait3A = arith.constant 0 : i32
        %dma_wait3A_108 = tpu.memref_slice %arg5[%mul3A_97, %dma_wait3A] : memref<10240x128xf32, #tpu.memory_space<hbm>> -> memref<640x128xf32, #tpu.memory_space<hbm>>
        %dma_wait3A_109 = arith.constant 0 : i32
        %dma_wait3A_110 = tpu.memref_slice %arg7[%mul3A_97, %dma_wait3A_109] : memref<10240x128xf32, #tpu.memory_space<vmem_shared>> -> memref<640x128xf32, #tpu.memory_space<vmem_shared>>
        tpu.wait_dma2 semaphore(%run_scoped3A : memref<!tpu.dma_semaphore, #tpu.memory_space<semaphore_mem>>) src(%dma_wait3A_110 : memref<640x128xf32, #tpu.memory_space<vmem_shared>>) dst(%dma_wait3A_108 : memref<640x128xf32, #tpu.memory_space<hbm>>)
        tpu.yield
      }) : () -> ()
    } else {
    }
    %eq3A_100 = arith.constant 1 : i32
    %eq3A_101 = arith.cmpi eq, %arg0, %eq3A_100 : i32
    %convert_element_type3A_102 = arith.extui %eq3A_101 : i1 to i32
    %cond3A_103 = arith.constant 0 : i32
    %cond3A_104 = arith.cmpi ne, %convert_element_type3A_102, %cond3A_103 : i32
    scf.if %cond3A_104 {
      "tpu.region"() ({
        %run_scoped3A = tpu.sem_alloc : memref<!tpu.dma_semaphore, #tpu.memory_space<semaphore_mem>>
        %dma_start3A = arith.constant 0 : i32
        %dma_start3A_105 = tpu.memref_slice %arg6[%mul3A_97, %dma_start3A] : memref<10240x128xf32, #tpu.memory_space<hbm>> -> memref<640x128xf32, #tpu.memory_space<hbm>>
        %dma_start3A_106 = arith.constant 0 : i32
        %dma_start3A_107 = tpu.memref_slice %arg7[%mul3A_97, %dma_start3A_106] : memref<10240x128xf32, #tpu.memory_space<vmem_shared>> -> memref<640x128xf32, #tpu.memory_space<vmem_shared>>
        tpu.enqueue_dma source(%dma_start3A_107 : memref<640x128xf32, #tpu.memory_space<vmem_shared>>) target(%dma_start3A_105 : memref<640x128xf32, #tpu.memory_space<hbm>>) target_semaphore(%run_scoped3A : memref<!tpu.dma_semaphore, #tpu.memory_space<semaphore_mem>>)
        %dma_wait3A = arith.constant 0 : i32
        %dma_wait3A_108 = tpu.memref_slice %arg6[%mul3A_97, %dma_wait3A] : memref<10240x128xf32, #tpu.memory_space<hbm>> -> memref<640x128xf32, #tpu.memory_space<hbm>>
        %dma_wait3A_109 = arith.constant 0 : i32
        %dma_wait3A_110 = tpu.memref_slice %arg7[%mul3A_97, %dma_wait3A_109] : memref<10240x128xf32, #tpu.memory_space<vmem_shared>> -> memref<640x128xf32, #tpu.memory_space<vmem_shared>>
        tpu.wait_dma2 semaphore(%run_scoped3A : memref<!tpu.dma_semaphore, #tpu.memory_space<semaphore_mem>>) src(%dma_wait3A_110 : memref<640x128xf32, #tpu.memory_space<vmem_shared>>) dst(%dma_wait3A_108 : memref<640x128xf32, #tpu.memory_space<hbm>>)
        tpu.yield
      }) : () -> ()
    } else {
    }
    return
  }
}

#map = affine_map<(d0, d1) -> (0, 0, 0, 0)>
#map1 = affine_map<(d0, d1) -> (0, 0)>
module attributes {stable_mosaic.version = 14 : i64} {
  func.func @k(%arg0: i32, %arg1: i32, %arg2: memref<32x5x1x64xi32, #tpu.memory_space<hbm>>, %arg3: memref<10000x128xf32, #tpu.memory_space<hbm>>, %arg4: memref<10240x128xf32, #tpu.memory_space<hbm>>, %arg5: memref<64xi32, #tpu.memory_space<vmem>>, %arg6: memref<64x128xf32, #tpu.memory_space<vmem>>, %arg7: memref<!tpu.dma_semaphore, #tpu.memory_space<semaphore_mem>>) attributes {dimension_semantics = [#tpu.dimension_semantics<core_parallel>, #tpu.dimension_semantics<subcore_parallel>], iteration_bounds = array<i64: 2, 16>, scalar_prefetch = 0 : i64, scratch_operands = 3 : i64, tpu.core_type = #tpu.core_type<sc_vector_subcore>, window_params = [{transform_indices = #map}, {transform_indices = #map1}, {transform_indices = #map1}]} {
    %mul3A = arith.constant 2 : i32
    %mul3A_0 = arith.muli %arg1, %mul3A : i32
    %add3A = arith.addi %mul3A_0, %arg0 : i32
    %mul3A_1 = arith.constant 320 : i32
    %mul3A_2 = arith.muli %add3A, %mul3A_1 : i32
    %run_scoped3A = arith.constant 0 : i32
    %run_scoped3A_3 = arith.constant 0 : i32
    "tpu.region"() ({
      %run_scoped3A_50 = tpu.sem_alloc : memref<!tpu.dma_semaphore, #tpu.memory_space<semaphore_mem>>
      %dma_start3A_51 = arith.constant 0 : i32
      %dma_start3A_52 = tpu.memref_slice %arg2[%add3A, %run_scoped3A, %run_scoped3A_3, %dma_start3A_51] : memref<32x5x1x64xi32, #tpu.memory_space<hbm>> -> memref<1x1x1x64xi32, #tpu.memory_space<hbm>>
      %dma_start3A_53 = tpu.memref_squeeze %dma_start3A_52 : memref<1x1x1x64xi32, #tpu.memory_space<hbm>> -> memref<64xi32, #tpu.memory_space<hbm>>
      %dma_start3A_54 = arith.constant 0 : i32
      %dma_start3A_55 = tpu.memref_slice %arg2[%add3A, %run_scoped3A, %run_scoped3A_3, %dma_start3A_54] : memref<32x5x1x64xi32, #tpu.memory_space<hbm>> -> memref<1x1x1x64xi32, #tpu.memory_space<hbm>>
      %dma_start3A_56 = tpu.memref_squeeze %dma_start3A_55 : memref<1x1x1x64xi32, #tpu.memory_space<hbm>> -> memref<64xi32, #tpu.memory_space<hbm>>
      tpu.enqueue_dma source(%dma_start3A_56 : memref<64xi32, #tpu.memory_space<hbm>>) target(%arg5 : memref<64xi32, #tpu.memory_space<vmem>>) target_semaphore(%run_scoped3A_50 : memref<!tpu.dma_semaphore, #tpu.memory_space<semaphore_mem>>)
      %dma_wait3A_57 = arith.constant 0 : i32
      %dma_wait3A_58 = tpu.memref_slice %arg2[%add3A, %run_scoped3A, %run_scoped3A_3, %dma_wait3A_57] : memref<32x5x1x64xi32, #tpu.memory_space<hbm>> -> memref<1x1x1x64xi32, #tpu.memory_space<hbm>>
      %dma_wait3A_59 = tpu.memref_squeeze %dma_wait3A_58 : memref<1x1x1x64xi32, #tpu.memory_space<hbm>> -> memref<64xi32, #tpu.memory_space<hbm>>
      %dma_wait3A_60 = arith.constant 0 : i32
      %dma_wait3A_61 = tpu.memref_slice %arg2[%add3A, %run_scoped3A, %run_scoped3A_3, %dma_wait3A_60] : memref<32x5x1x64xi32, #tpu.memory_space<hbm>> -> memref<1x1x1x64xi32, #tpu.memory_space<hbm>>
      %dma_wait3A_62 = tpu.memref_squeeze %dma_wait3A_61 : memref<1x1x1x64xi32, #tpu.memory_space<hbm>> -> memref<64xi32, #tpu.memory_space<hbm>>
      tpu.wait_dma2 semaphore(%run_scoped3A_50 : memref<!tpu.dma_semaphore, #tpu.memory_space<semaphore_mem>>) src(%dma_wait3A_62 : memref<64xi32, #tpu.memory_space<hbm>>) dst(%arg5 : memref<64xi32, #tpu.memory_space<vmem>>)
      tpu.yield
    }) : () -> ()
    %dma_start3A = arith.constant 0 : i32
    %dma_start3A_4 = arith.constant 0 : i32
    %dma_start3A_5 = tpu.memref_slice %arg3[%dma_start3A, %dma_start3A_4] : memref<10000x128xf32, #tpu.memory_space<hbm>> -> memref<10000x128xf32, #tpu.memory_space<hbm>>
    tpu.enqueue_indirect_dma source(%dma_start3A_5 : memref<10000x128xf32, #tpu.memory_space<hbm>>) target(%arg6 : memref<64x128xf32, #tpu.memory_space<vmem>>) offsets(%arg5 : memref<64xi32, #tpu.memory_space<vmem>>) semaphore(%arg7 : memref<!tpu.dma_semaphore, #tpu.memory_space<semaphore_mem>>)
    %dma_wait3A = arith.constant 0 : i32
    %dma_wait3A_6 = arith.constant 0 : i32
    %dma_wait3A_7 = tpu.memref_slice %arg3[%dma_wait3A, %dma_wait3A_6] : memref<10000x128xf32, #tpu.memory_space<hbm>> -> memref<10000x128xf32, #tpu.memory_space<hbm>>
    tpu.wait_indirect_dma semaphore(%arg7 : memref<!tpu.dma_semaphore, #tpu.memory_space<semaphore_mem>>) src(%dma_wait3A_7 : memref<10000x128xf32, #tpu.memory_space<hbm>>) dst(%arg6 : memref<64x128xf32, #tpu.memory_space<vmem>>)
    %add3A_8 = arith.constant 0 : i32
    %add3A_9 = arith.addi %mul3A_2, %add3A_8 : i32
    "tpu.region"() ({
      %run_scoped3A_50 = tpu.sem_alloc : memref<!tpu.dma_semaphore, #tpu.memory_space<semaphore_mem>>
      %dma_start3A_51 = arith.constant 0 : i32
      %dma_start3A_52 = tpu.memref_slice %arg4[%add3A_9, %dma_start3A_51] : memref<10240x128xf32, #tpu.memory_space<hbm>> -> memref<64x128xf32, #tpu.memory_space<hbm>>
      %dma_start3A_53 = arith.constant 0 : i32
      %dma_start3A_54 = tpu.memref_slice %arg4[%add3A_9, %dma_start3A_53] : memref<10240x128xf32, #tpu.memory_space<hbm>> -> memref<64x128xf32, #tpu.memory_space<hbm>>
      tpu.enqueue_dma source(%arg6 : memref<64x128xf32, #tpu.memory_space<vmem>>) target(%dma_start3A_54 : memref<64x128xf32, #tpu.memory_space<hbm>>) target_semaphore(%run_scoped3A_50 : memref<!tpu.dma_semaphore, #tpu.memory_space<semaphore_mem>>)
      %dma_wait3A_55 = arith.constant 0 : i32
      %dma_wait3A_56 = tpu.memref_slice %arg4[%add3A_9, %dma_wait3A_55] : memref<10240x128xf32, #tpu.memory_space<hbm>> -> memref<64x128xf32, #tpu.memory_space<hbm>>
      %dma_wait3A_57 = arith.constant 0 : i32
      %dma_wait3A_58 = tpu.memref_slice %arg4[%add3A_9, %dma_wait3A_57] : memref<10240x128xf32, #tpu.memory_space<hbm>> -> memref<64x128xf32, #tpu.memory_space<hbm>>
      tpu.wait_dma2 semaphore(%run_scoped3A_50 : memref<!tpu.dma_semaphore, #tpu.memory_space<semaphore_mem>>) src(%arg6 : memref<64x128xf32, #tpu.memory_space<vmem>>) dst(%dma_wait3A_58 : memref<64x128xf32, #tpu.memory_space<hbm>>)
      tpu.yield
    }) : () -> ()
    %run_scoped3A_10 = arith.constant 1 : i32
    %run_scoped3A_11 = arith.constant 0 : i32
    "tpu.region"() ({
      %run_scoped3A_50 = tpu.sem_alloc : memref<!tpu.dma_semaphore, #tpu.memory_space<semaphore_mem>>
      %dma_start3A_51 = arith.constant 0 : i32
      %dma_start3A_52 = tpu.memref_slice %arg2[%add3A, %run_scoped3A_10, %run_scoped3A_11, %dma_start3A_51] : memref<32x5x1x64xi32, #tpu.memory_space<hbm>> -> memref<1x1x1x64xi32, #tpu.memory_space<hbm>>
      %dma_start3A_53 = tpu.memref_squeeze %dma_start3A_52 : memref<1x1x1x64xi32, #tpu.memory_space<hbm>> -> memref<64xi32, #tpu.memory_space<hbm>>
      %dma_start3A_54 = arith.constant 0 : i32
      %dma_start3A_55 = tpu.memref_slice %arg2[%add3A, %run_scoped3A_10, %run_scoped3A_11, %dma_start3A_54] : memref<32x5x1x64xi32, #tpu.memory_space<hbm>> -> memref<1x1x1x64xi32, #tpu.memory_space<hbm>>
      %dma_start3A_56 = tpu.memref_squeeze %dma_start3A_55 : memref<1x1x1x64xi32, #tpu.memory_space<hbm>> -> memref<64xi32, #tpu.memory_space<hbm>>
      tpu.enqueue_dma source(%dma_start3A_56 : memref<64xi32, #tpu.memory_space<hbm>>) target(%arg5 : memref<64xi32, #tpu.memory_space<vmem>>) target_semaphore(%run_scoped3A_50 : memref<!tpu.dma_semaphore, #tpu.memory_space<semaphore_mem>>)
      %dma_wait3A_57 = arith.constant 0 : i32
      %dma_wait3A_58 = tpu.memref_slice %arg2[%add3A, %run_scoped3A_10, %run_scoped3A_11, %dma_wait3A_57] : memref<32x5x1x64xi32, #tpu.memory_space<hbm>> -> memref<1x1x1x64xi32, #tpu.memory_space<hbm>>
      %dma_wait3A_59 = tpu.memref_squeeze %dma_wait3A_58 : memref<1x1x1x64xi32, #tpu.memory_space<hbm>> -> memref<64xi32, #tpu.memory_space<hbm>>
      %dma_wait3A_60 = arith.constant 0 : i32
      %dma_wait3A_61 = tpu.memref_slice %arg2[%add3A, %run_scoped3A_10, %run_scoped3A_11, %dma_wait3A_60] : memref<32x5x1x64xi32, #tpu.memory_space<hbm>> -> memref<1x1x1x64xi32, #tpu.memory_space<hbm>>
      %dma_wait3A_62 = tpu.memref_squeeze %dma_wait3A_61 : memref<1x1x1x64xi32, #tpu.memory_space<hbm>> -> memref<64xi32, #tpu.memory_space<hbm>>
      tpu.wait_dma2 semaphore(%run_scoped3A_50 : memref<!tpu.dma_semaphore, #tpu.memory_space<semaphore_mem>>) src(%dma_wait3A_62 : memref<64xi32, #tpu.memory_space<hbm>>) dst(%arg5 : memref<64xi32, #tpu.memory_space<vmem>>)
      tpu.yield
    }) : () -> ()
    %dma_start3A_12 = arith.constant 0 : i32
    %dma_start3A_13 = arith.constant 0 : i32
    %dma_start3A_14 = tpu.memref_slice %arg3[%dma_start3A_12, %dma_start3A_13] : memref<10000x128xf32, #tpu.memory_space<hbm>> -> memref<10000x128xf32, #tpu.memory_space<hbm>>
    tpu.enqueue_indirect_dma source(%dma_start3A_14 : memref<10000x128xf32, #tpu.memory_space<hbm>>) target(%arg6 : memref<64x128xf32, #tpu.memory_space<vmem>>) offsets(%arg5 : memref<64xi32, #tpu.memory_space<vmem>>) semaphore(%arg7 : memref<!tpu.dma_semaphore, #tpu.memory_space<semaphore_mem>>)
    %dma_wait3A_15 = arith.constant 0 : i32
    %dma_wait3A_16 = arith.constant 0 : i32
    %dma_wait3A_17 = tpu.memref_slice %arg3[%dma_wait3A_15, %dma_wait3A_16] : memref<10000x128xf32, #tpu.memory_space<hbm>> -> memref<10000x128xf32, #tpu.memory_space<hbm>>
    tpu.wait_indirect_dma semaphore(%arg7 : memref<!tpu.dma_semaphore, #tpu.memory_space<semaphore_mem>>) src(%dma_wait3A_17 : memref<10000x128xf32, #tpu.memory_space<hbm>>) dst(%arg6 : memref<64x128xf32, #tpu.memory_space<vmem>>)
    %add3A_18 = arith.constant 64 : i32
    %add3A_19 = arith.addi %mul3A_2, %add3A_18 : i32
    "tpu.region"() ({
      %run_scoped3A_50 = tpu.sem_alloc : memref<!tpu.dma_semaphore, #tpu.memory_space<semaphore_mem>>
      %dma_start3A_51 = arith.constant 0 : i32
      %dma_start3A_52 = tpu.memref_slice %arg4[%add3A_19, %dma_start3A_51] : memref<10240x128xf32, #tpu.memory_space<hbm>> -> memref<64x128xf32, #tpu.memory_space<hbm>>
      %dma_start3A_53 = arith.constant 0 : i32
      %dma_start3A_54 = tpu.memref_slice %arg4[%add3A_19, %dma_start3A_53] : memref<10240x128xf32, #tpu.memory_space<hbm>> -> memref<64x128xf32, #tpu.memory_space<hbm>>
      tpu.enqueue_dma source(%arg6 : memref<64x128xf32, #tpu.memory_space<vmem>>) target(%dma_start3A_54 : memref<64x128xf32, #tpu.memory_space<hbm>>) target_semaphore(%run_scoped3A_50 : memref<!tpu.dma_semaphore, #tpu.memory_space<semaphore_mem>>)
      %dma_wait3A_55 = arith.constant 0 : i32
      %dma_wait3A_56 = tpu.memref_slice %arg4[%add3A_19, %dma_wait3A_55] : memref<10240x128xf32, #tpu.memory_space<hbm>> -> memref<64x128xf32, #tpu.memory_space<hbm>>
      %dma_wait3A_57 = arith.constant 0 : i32
      %dma_wait3A_58 = tpu.memref_slice %arg4[%add3A_19, %dma_wait3A_57] : memref<10240x128xf32, #tpu.memory_space<hbm>> -> memref<64x128xf32, #tpu.memory_space<hbm>>
      tpu.wait_dma2 semaphore(%run_scoped3A_50 : memref<!tpu.dma_semaphore, #tpu.memory_space<semaphore_mem>>) src(%arg6 : memref<64x128xf32, #tpu.memory_space<vmem>>) dst(%dma_wait3A_58 : memref<64x128xf32, #tpu.memory_space<hbm>>)
      tpu.yield
    }) : () -> ()
    %run_scoped3A_20 = arith.constant 2 : i32
    %run_scoped3A_21 = arith.constant 0 : i32
    "tpu.region"() ({
      %run_scoped3A_50 = tpu.sem_alloc : memref<!tpu.dma_semaphore, #tpu.memory_space<semaphore_mem>>
      %dma_start3A_51 = arith.constant 0 : i32
      %dma_start3A_52 = tpu.memref_slice %arg2[%add3A, %run_scoped3A_20, %run_scoped3A_21, %dma_start3A_51] : memref<32x5x1x64xi32, #tpu.memory_space<hbm>> -> memref<1x1x1x64xi32, #tpu.memory_space<hbm>>
      %dma_start3A_53 = tpu.memref_squeeze %dma_start3A_52 : memref<1x1x1x64xi32, #tpu.memory_space<hbm>> -> memref<64xi32, #tpu.memory_space<hbm>>
      %dma_start3A_54 = arith.constant 0 : i32
      %dma_start3A_55 = tpu.memref_slice %arg2[%add3A, %run_scoped3A_20, %run_scoped3A_21, %dma_start3A_54] : memref<32x5x1x64xi32, #tpu.memory_space<hbm>> -> memref<1x1x1x64xi32, #tpu.memory_space<hbm>>
      %dma_start3A_56 = tpu.memref_squeeze %dma_start3A_55 : memref<1x1x1x64xi32, #tpu.memory_space<hbm>> -> memref<64xi32, #tpu.memory_space<hbm>>
      tpu.enqueue_dma source(%dma_start3A_56 : memref<64xi32, #tpu.memory_space<hbm>>) target(%arg5 : memref<64xi32, #tpu.memory_space<vmem>>) target_semaphore(%run_scoped3A_50 : memref<!tpu.dma_semaphore, #tpu.memory_space<semaphore_mem>>)
      %dma_wait3A_57 = arith.constant 0 : i32
      %dma_wait3A_58 = tpu.memref_slice %arg2[%add3A, %run_scoped3A_20, %run_scoped3A_21, %dma_wait3A_57] : memref<32x5x1x64xi32, #tpu.memory_space<hbm>> -> memref<1x1x1x64xi32, #tpu.memory_space<hbm>>
      %dma_wait3A_59 = tpu.memref_squeeze %dma_wait3A_58 : memref<1x1x1x64xi32, #tpu.memory_space<hbm>> -> memref<64xi32, #tpu.memory_space<hbm>>
      %dma_wait3A_60 = arith.constant 0 : i32
      %dma_wait3A_61 = tpu.memref_slice %arg2[%add3A, %run_scoped3A_20, %run_scoped3A_21, %dma_wait3A_60] : memref<32x5x1x64xi32, #tpu.memory_space<hbm>> -> memref<1x1x1x64xi32, #tpu.memory_space<hbm>>
      %dma_wait3A_62 = tpu.memref_squeeze %dma_wait3A_61 : memref<1x1x1x64xi32, #tpu.memory_space<hbm>> -> memref<64xi32, #tpu.memory_space<hbm>>
      tpu.wait_dma2 semaphore(%run_scoped3A_50 : memref<!tpu.dma_semaphore, #tpu.memory_space<semaphore_mem>>) src(%dma_wait3A_62 : memref<64xi32, #tpu.memory_space<hbm>>) dst(%arg5 : memref<64xi32, #tpu.memory_space<vmem>>)
      tpu.yield
    }) : () -> ()
    %dma_start3A_22 = arith.constant 0 : i32
    %dma_start3A_23 = arith.constant 0 : i32
    %dma_start3A_24 = tpu.memref_slice %arg3[%dma_start3A_22, %dma_start3A_23] : memref<10000x128xf32, #tpu.memory_space<hbm>> -> memref<10000x128xf32, #tpu.memory_space<hbm>>
    tpu.enqueue_indirect_dma source(%dma_start3A_24 : memref<10000x128xf32, #tpu.memory_space<hbm>>) target(%arg6 : memref<64x128xf32, #tpu.memory_space<vmem>>) offsets(%arg5 : memref<64xi32, #tpu.memory_space<vmem>>) semaphore(%arg7 : memref<!tpu.dma_semaphore, #tpu.memory_space<semaphore_mem>>)
    %dma_wait3A_25 = arith.constant 0 : i32
    %dma_wait3A_26 = arith.constant 0 : i32
    %dma_wait3A_27 = tpu.memref_slice %arg3[%dma_wait3A_25, %dma_wait3A_26] : memref<10000x128xf32, #tpu.memory_space<hbm>> -> memref<10000x128xf32, #tpu.memory_space<hbm>>
    tpu.wait_indirect_dma semaphore(%arg7 : memref<!tpu.dma_semaphore, #tpu.memory_space<semaphore_mem>>) src(%dma_wait3A_27 : memref<10000x128xf32, #tpu.memory_space<hbm>>) dst(%arg6 : memref<64x128xf32, #tpu.memory_space<vmem>>)
    %add3A_28 = arith.constant 128 : i32
    %add3A_29 = arith.addi %mul3A_2, %add3A_28 : i32
    "tpu.region"() ({
      %run_scoped3A_50 = tpu.sem_alloc : memref<!tpu.dma_semaphore, #tpu.memory_space<semaphore_mem>>
      %dma_start3A_51 = arith.constant 0 : i32
      %dma_start3A_52 = tpu.memref_slice %arg4[%add3A_29, %dma_start3A_51] : memref<10240x128xf32, #tpu.memory_space<hbm>> -> memref<64x128xf32, #tpu.memory_space<hbm>>
      %dma_start3A_53 = arith.constant 0 : i32
      %dma_start3A_54 = tpu.memref_slice %arg4[%add3A_29, %dma_start3A_53] : memref<10240x128xf32, #tpu.memory_space<hbm>> -> memref<64x128xf32, #tpu.memory_space<hbm>>
      tpu.enqueue_dma source(%arg6 : memref<64x128xf32, #tpu.memory_space<vmem>>) target(%dma_start3A_54 : memref<64x128xf32, #tpu.memory_space<hbm>>) target_semaphore(%run_scoped3A_50 : memref<!tpu.dma_semaphore, #tpu.memory_space<semaphore_mem>>)
      %dma_wait3A_55 = arith.constant 0 : i32
      %dma_wait3A_56 = tpu.memref_slice %arg4[%add3A_29, %dma_wait3A_55] : memref<10240x128xf32, #tpu.memory_space<hbm>> -> memref<64x128xf32, #tpu.memory_space<hbm>>
      %dma_wait3A_57 = arith.constant 0 : i32
      %dma_wait3A_58 = tpu.memref_slice %arg4[%add3A_29, %dma_wait3A_57] : memref<10240x128xf32, #tpu.memory_space<hbm>> -> memref<64x128xf32, #tpu.memory_space<hbm>>
      tpu.wait_dma2 semaphore(%run_scoped3A_50 : memref<!tpu.dma_semaphore, #tpu.memory_space<semaphore_mem>>) src(%arg6 : memref<64x128xf32, #tpu.memory_space<vmem>>) dst(%dma_wait3A_58 : memref<64x128xf32, #tpu.memory_space<hbm>>)
      tpu.yield
    }) : () -> ()
    %run_scoped3A_30 = arith.constant 3 : i32
    %run_scoped3A_31 = arith.constant 0 : i32
    "tpu.region"() ({
      %run_scoped3A_50 = tpu.sem_alloc : memref<!tpu.dma_semaphore, #tpu.memory_space<semaphore_mem>>
      %dma_start3A_51 = arith.constant 0 : i32
      %dma_start3A_52 = tpu.memref_slice %arg2[%add3A, %run_scoped3A_30, %run_scoped3A_31, %dma_start3A_51] : memref<32x5x1x64xi32, #tpu.memory_space<hbm>> -> memref<1x1x1x64xi32, #tpu.memory_space<hbm>>
      %dma_start3A_53 = tpu.memref_squeeze %dma_start3A_52 : memref<1x1x1x64xi32, #tpu.memory_space<hbm>> -> memref<64xi32, #tpu.memory_space<hbm>>
      %dma_start3A_54 = arith.constant 0 : i32
      %dma_start3A_55 = tpu.memref_slice %arg2[%add3A, %run_scoped3A_30, %run_scoped3A_31, %dma_start3A_54] : memref<32x5x1x64xi32, #tpu.memory_space<hbm>> -> memref<1x1x1x64xi32, #tpu.memory_space<hbm>>
      %dma_start3A_56 = tpu.memref_squeeze %dma_start3A_55 : memref<1x1x1x64xi32, #tpu.memory_space<hbm>> -> memref<64xi32, #tpu.memory_space<hbm>>
      tpu.enqueue_dma source(%dma_start3A_56 : memref<64xi32, #tpu.memory_space<hbm>>) target(%arg5 : memref<64xi32, #tpu.memory_space<vmem>>) target_semaphore(%run_scoped3A_50 : memref<!tpu.dma_semaphore, #tpu.memory_space<semaphore_mem>>)
      %dma_wait3A_57 = arith.constant 0 : i32
      %dma_wait3A_58 = tpu.memref_slice %arg2[%add3A, %run_scoped3A_30, %run_scoped3A_31, %dma_wait3A_57] : memref<32x5x1x64xi32, #tpu.memory_space<hbm>> -> memref<1x1x1x64xi32, #tpu.memory_space<hbm>>
      %dma_wait3A_59 = tpu.memref_squeeze %dma_wait3A_58 : memref<1x1x1x64xi32, #tpu.memory_space<hbm>> -> memref<64xi32, #tpu.memory_space<hbm>>
      %dma_wait3A_60 = arith.constant 0 : i32
      %dma_wait3A_61 = tpu.memref_slice %arg2[%add3A, %run_scoped3A_30, %run_scoped3A_31, %dma_wait3A_60] : memref<32x5x1x64xi32, #tpu.memory_space<hbm>> -> memref<1x1x1x64xi32, #tpu.memory_space<hbm>>
      %dma_wait3A_62 = tpu.memref_squeeze %dma_wait3A_61 : memref<1x1x1x64xi32, #tpu.memory_space<hbm>> -> memref<64xi32, #tpu.memory_space<hbm>>
      tpu.wait_dma2 semaphore(%run_scoped3A_50 : memref<!tpu.dma_semaphore, #tpu.memory_space<semaphore_mem>>) src(%dma_wait3A_62 : memref<64xi32, #tpu.memory_space<hbm>>) dst(%arg5 : memref<64xi32, #tpu.memory_space<vmem>>)
      tpu.yield
    }) : () -> ()
    %dma_start3A_32 = arith.constant 0 : i32
    %dma_start3A_33 = arith.constant 0 : i32
    %dma_start3A_34 = tpu.memref_slice %arg3[%dma_start3A_32, %dma_start3A_33] : memref<10000x128xf32, #tpu.memory_space<hbm>> -> memref<10000x128xf32, #tpu.memory_space<hbm>>
    tpu.enqueue_indirect_dma source(%dma_start3A_34 : memref<10000x128xf32, #tpu.memory_space<hbm>>) target(%arg6 : memref<64x128xf32, #tpu.memory_space<vmem>>) offsets(%arg5 : memref<64xi32, #tpu.memory_space<vmem>>) semaphore(%arg7 : memref<!tpu.dma_semaphore, #tpu.memory_space<semaphore_mem>>)
    %dma_wait3A_35 = arith.constant 0 : i32
    %dma_wait3A_36 = arith.constant 0 : i32
    %dma_wait3A_37 = tpu.memref_slice %arg3[%dma_wait3A_35, %dma_wait3A_36] : memref<10000x128xf32, #tpu.memory_space<hbm>> -> memref<10000x128xf32, #tpu.memory_space<hbm>>
    tpu.wait_indirect_dma semaphore(%arg7 : memref<!tpu.dma_semaphore, #tpu.memory_space<semaphore_mem>>) src(%dma_wait3A_37 : memref<10000x128xf32, #tpu.memory_space<hbm>>) dst(%arg6 : memref<64x128xf32, #tpu.memory_space<vmem>>)
    %add3A_38 = arith.constant 192 : i32
    %add3A_39 = arith.addi %mul3A_2, %add3A_38 : i32
    "tpu.region"() ({
      %run_scoped3A_50 = tpu.sem_alloc : memref<!tpu.dma_semaphore, #tpu.memory_space<semaphore_mem>>
      %dma_start3A_51 = arith.constant 0 : i32
      %dma_start3A_52 = tpu.memref_slice %arg4[%add3A_39, %dma_start3A_51] : memref<10240x128xf32, #tpu.memory_space<hbm>> -> memref<64x128xf32, #tpu.memory_space<hbm>>
      %dma_start3A_53 = arith.constant 0 : i32
      %dma_start3A_54 = tpu.memref_slice %arg4[%add3A_39, %dma_start3A_53] : memref<10240x128xf32, #tpu.memory_space<hbm>> -> memref<64x128xf32, #tpu.memory_space<hbm>>
      tpu.enqueue_dma source(%arg6 : memref<64x128xf32, #tpu.memory_space<vmem>>) target(%dma_start3A_54 : memref<64x128xf32, #tpu.memory_space<hbm>>) target_semaphore(%run_scoped3A_50 : memref<!tpu.dma_semaphore, #tpu.memory_space<semaphore_mem>>)
      %dma_wait3A_55 = arith.constant 0 : i32
      %dma_wait3A_56 = tpu.memref_slice %arg4[%add3A_39, %dma_wait3A_55] : memref<10240x128xf32, #tpu.memory_space<hbm>> -> memref<64x128xf32, #tpu.memory_space<hbm>>
      %dma_wait3A_57 = arith.constant 0 : i32
      %dma_wait3A_58 = tpu.memref_slice %arg4[%add3A_39, %dma_wait3A_57] : memref<10240x128xf32, #tpu.memory_space<hbm>> -> memref<64x128xf32, #tpu.memory_space<hbm>>
      tpu.wait_dma2 semaphore(%run_scoped3A_50 : memref<!tpu.dma_semaphore, #tpu.memory_space<semaphore_mem>>) src(%arg6 : memref<64x128xf32, #tpu.memory_space<vmem>>) dst(%dma_wait3A_58 : memref<64x128xf32, #tpu.memory_space<hbm>>)
      tpu.yield
    }) : () -> ()
    %run_scoped3A_40 = arith.constant 4 : i32
    %run_scoped3A_41 = arith.constant 0 : i32
    "tpu.region"() ({
      %run_scoped3A_50 = tpu.sem_alloc : memref<!tpu.dma_semaphore, #tpu.memory_space<semaphore_mem>>
      %dma_start3A_51 = arith.constant 0 : i32
      %dma_start3A_52 = tpu.memref_slice %arg2[%add3A, %run_scoped3A_40, %run_scoped3A_41, %dma_start3A_51] : memref<32x5x1x64xi32, #tpu.memory_space<hbm>> -> memref<1x1x1x64xi32, #tpu.memory_space<hbm>>
      %dma_start3A_53 = tpu.memref_squeeze %dma_start3A_52 : memref<1x1x1x64xi32, #tpu.memory_space<hbm>> -> memref<64xi32, #tpu.memory_space<hbm>>
      %dma_start3A_54 = arith.constant 0 : i32
      %dma_start3A_55 = tpu.memref_slice %arg2[%add3A, %run_scoped3A_40, %run_scoped3A_41, %dma_start3A_54] : memref<32x5x1x64xi32, #tpu.memory_space<hbm>> -> memref<1x1x1x64xi32, #tpu.memory_space<hbm>>
      %dma_start3A_56 = tpu.memref_squeeze %dma_start3A_55 : memref<1x1x1x64xi32, #tpu.memory_space<hbm>> -> memref<64xi32, #tpu.memory_space<hbm>>
      tpu.enqueue_dma source(%dma_start3A_56 : memref<64xi32, #tpu.memory_space<hbm>>) target(%arg5 : memref<64xi32, #tpu.memory_space<vmem>>) target_semaphore(%run_scoped3A_50 : memref<!tpu.dma_semaphore, #tpu.memory_space<semaphore_mem>>)
      %dma_wait3A_57 = arith.constant 0 : i32
      %dma_wait3A_58 = tpu.memref_slice %arg2[%add3A, %run_scoped3A_40, %run_scoped3A_41, %dma_wait3A_57] : memref<32x5x1x64xi32, #tpu.memory_space<hbm>> -> memref<1x1x1x64xi32, #tpu.memory_space<hbm>>
      %dma_wait3A_59 = tpu.memref_squeeze %dma_wait3A_58 : memref<1x1x1x64xi32, #tpu.memory_space<hbm>> -> memref<64xi32, #tpu.memory_space<hbm>>
      %dma_wait3A_60 = arith.constant 0 : i32
      %dma_wait3A_61 = tpu.memref_slice %arg2[%add3A, %run_scoped3A_40, %run_scoped3A_41, %dma_wait3A_60] : memref<32x5x1x64xi32, #tpu.memory_space<hbm>> -> memref<1x1x1x64xi32, #tpu.memory_space<hbm>>
      %dma_wait3A_62 = tpu.memref_squeeze %dma_wait3A_61 : memref<1x1x1x64xi32, #tpu.memory_space<hbm>> -> memref<64xi32, #tpu.memory_space<hbm>>
      tpu.wait_dma2 semaphore(%run_scoped3A_50 : memref<!tpu.dma_semaphore, #tpu.memory_space<semaphore_mem>>) src(%dma_wait3A_62 : memref<64xi32, #tpu.memory_space<hbm>>) dst(%arg5 : memref<64xi32, #tpu.memory_space<vmem>>)
      tpu.yield
    }) : () -> ()
    %dma_start3A_42 = arith.constant 0 : i32
    %dma_start3A_43 = arith.constant 0 : i32
    %dma_start3A_44 = tpu.memref_slice %arg3[%dma_start3A_42, %dma_start3A_43] : memref<10000x128xf32, #tpu.memory_space<hbm>> -> memref<10000x128xf32, #tpu.memory_space<hbm>>
    tpu.enqueue_indirect_dma source(%dma_start3A_44 : memref<10000x128xf32, #tpu.memory_space<hbm>>) target(%arg6 : memref<64x128xf32, #tpu.memory_space<vmem>>) offsets(%arg5 : memref<64xi32, #tpu.memory_space<vmem>>) semaphore(%arg7 : memref<!tpu.dma_semaphore, #tpu.memory_space<semaphore_mem>>)
    %dma_wait3A_45 = arith.constant 0 : i32
    %dma_wait3A_46 = arith.constant 0 : i32
    %dma_wait3A_47 = tpu.memref_slice %arg3[%dma_wait3A_45, %dma_wait3A_46] : memref<10000x128xf32, #tpu.memory_space<hbm>> -> memref<10000x128xf32, #tpu.memory_space<hbm>>
    tpu.wait_indirect_dma semaphore(%arg7 : memref<!tpu.dma_semaphore, #tpu.memory_space<semaphore_mem>>) src(%dma_wait3A_47 : memref<10000x128xf32, #tpu.memory_space<hbm>>) dst(%arg6 : memref<64x128xf32, #tpu.memory_space<vmem>>)
    %add3A_48 = arith.constant 256 : i32
    %add3A_49 = arith.addi %mul3A_2, %add3A_48 : i32
    "tpu.region"() ({
      %run_scoped3A_50 = tpu.sem_alloc : memref<!tpu.dma_semaphore, #tpu.memory_space<semaphore_mem>>
      %dma_start3A_51 = arith.constant 0 : i32
      %dma_start3A_52 = tpu.memref_slice %arg4[%add3A_49, %dma_start3A_51] : memref<10240x128xf32, #tpu.memory_space<hbm>> -> memref<64x128xf32, #tpu.memory_space<hbm>>
      %dma_start3A_53 = arith.constant 0 : i32
      %dma_start3A_54 = tpu.memref_slice %arg4[%add3A_49, %dma_start3A_53] : memref<10240x128xf32, #tpu.memory_space<hbm>> -> memref<64x128xf32, #tpu.memory_space<hbm>>
      tpu.enqueue_dma source(%arg6 : memref<64x128xf32, #tpu.memory_space<vmem>>) target(%dma_start3A_54 : memref<64x128xf32, #tpu.memory_space<hbm>>) target_semaphore(%run_scoped3A_50 : memref<!tpu.dma_semaphore, #tpu.memory_space<semaphore_mem>>)
      %dma_wait3A_55 = arith.constant 0 : i32
      %dma_wait3A_56 = tpu.memref_slice %arg4[%add3A_49, %dma_wait3A_55] : memref<10240x128xf32, #tpu.memory_space<hbm>> -> memref<64x128xf32, #tpu.memory_space<hbm>>
      %dma_wait3A_57 = arith.constant 0 : i32
      %dma_wait3A_58 = tpu.memref_slice %arg4[%add3A_49, %dma_wait3A_57] : memref<10240x128xf32, #tpu.memory_space<hbm>> -> memref<64x128xf32, #tpu.memory_space<hbm>>
      tpu.wait_dma2 semaphore(%run_scoped3A_50 : memref<!tpu.dma_semaphore, #tpu.memory_space<semaphore_mem>>) src(%arg6 : memref<64x128xf32, #tpu.memory_space<vmem>>) dst(%dma_wait3A_58 : memref<64x128xf32, #tpu.memory_space<hbm>>)
      tpu.yield
    }) : () -> ()
    return
  }
}

#map = affine_map<(d0, d1) -> (0, 0)>
#map1 = affine_map<(d0, d1) -> (0, 0, 0, 0)>
module attributes {stable_mosaic.version = 14 : i64} {
  func.func @k(%arg0: i32, %arg1: i32, %arg2: memref<10240x128xf32, #tpu.memory_space<hbm>>, %arg3: memref<32x125x1x80xi32, #tpu.memory_space<hbm>>, %arg4: memref<32x125x1x80xi32, #tpu.memory_space<hbm>>, %arg5: memref<10240x128xf32, #tpu.memory_space<hbm>>, %arg6: memref<10240x128xf32, #tpu.memory_space<hbm>>, %arg7: memref<10240x128xf32, #tpu.memory_space<vmem_shared>>, %arg8: memref<80xi32, #tpu.memory_space<vmem>>, %arg9: memref<80xi32, #tpu.memory_space<vmem>>, %arg10: memref<80x128xf32, #tpu.memory_space<vmem>>, %arg11: memref<32x128xf32, #tpu.memory_space<vmem>>, %arg12: memref<!tpu.dma_semaphore, #tpu.memory_space<semaphore_mem>>) attributes {dimension_semantics = [#tpu.dimension_semantics<core_parallel>, #tpu.dimension_semantics<subcore_parallel>], iteration_bounds = array<i64: 2, 16>, scalar_prefetch = 0 : i64, scratch_operands = 6 : i64, tpu.core_type = #tpu.core_type<sc_vector_subcore>, window_params = [{transform_indices = #map}, {transform_indices = #map1}, {transform_indices = #map1}, {transform_indices = #map}, {transform_indices = #map}]} {
    %mul3A = arith.constant 2 : i32
    %mul3A_0 = arith.muli %arg1, %mul3A : i32
    %add3A = arith.addi %mul3A_0, %arg0 : i32
    %broadcast_in_dim3A = arith.constant 0.000000e+00 : f32
    %broadcast_in_dim3A_1 = vector.broadcast %broadcast_in_dim3A : f32 to vector<16xf32>
    %scan3A = arith.constant 0 : i32
    %scan3A_2 = arith.constant 0 : i32
    %scan3A_3 = arith.constant 32 : i32
    %scan3A_4 = arith.addi %scan3A_2, %scan3A_3 : i32
    %scan3A_5 = arith.constant 1 : i32
    %scan3A_6 = scf.for %scan3A_105 = %scan3A_2 to %scan3A_4 step %scan3A_5 iter_args(%scan3A_106 = %scan3A) -> (i32)  : i32 {
      %swap3A = arith.index_cast %scan3A_105 : i32 to index
      %swap3A_107 = arith.constant 0 : index
      %swap3A_108 = tpu.vector_load %arg11[%swap3A, %swap3A_107] {strides = array<i32>} : memref<32x128xf32, #tpu.memory_space<vmem>>, vector<1x16xf32>,
      %swap3A_109 = vector.shape_cast %swap3A_108 : vector<1x16xf32> to vector<16xf32>
      %swap3A_110 = vector.shape_cast %broadcast_in_dim3A_1 : vector<16xf32> to vector<1x16xf32>
      tpu.vector_store %arg11[%swap3A, %swap3A_107], %swap3A_110 {strides = array<i32>} : memref<32x128xf32, #tpu.memory_space<vmem>>, vector<1x16xf32>,
      %swap3A_111 = arith.index_cast %scan3A_105 : i32 to index
      %swap3A_112 = arith.constant 16 : index
      %swap3A_113 = tpu.vector_load %arg11[%swap3A_111, %swap3A_112] {strides = array<i32>} : memref<32x128xf32, #tpu.memory_space<vmem>>, vector<1x16xf32>,
      %swap3A_114 = vector.shape_cast %swap3A_113 : vector<1x16xf32> to vector<16xf32>
      %swap3A_115 = vector.shape_cast %broadcast_in_dim3A_1 : vector<16xf32> to vector<1x16xf32>
      tpu.vector_store %arg11[%swap3A_111, %swap3A_112], %swap3A_115 {strides = array<i32>} : memref<32x128xf32, #tpu.memory_space<vmem>>, vector<1x16xf32>,
      %swap3A_116 = arith.index_cast %scan3A_105 : i32 to index
      %swap3A_117 = arith.constant 32 : index
      %swap3A_118 = tpu.vector_load %arg11[%swap3A_116, %swap3A_117] {strides = array<i32>} : memref<32x128xf32, #tpu.memory_space<vmem>>, vector<1x16xf32>,
      %swap3A_119 = vector.shape_cast %swap3A_118 : vector<1x16xf32> to vector<16xf32>
      %swap3A_120 = vector.shape_cast %broadcast_in_dim3A_1 : vector<16xf32> to vector<1x16xf32>
      tpu.vector_store %arg11[%swap3A_116, %swap3A_117], %swap3A_120 {strides = array<i32>} : memref<32x128xf32, #tpu.memory_space<vmem>>, vector<1x16xf32>,
      %swap3A_121 = arith.index_cast %scan3A_105 : i32 to index
      %swap3A_122 = arith.constant 48 : index
      %swap3A_123 = tpu.vector_load %arg11[%swap3A_121, %swap3A_122] {strides = array<i32>} : memref<32x128xf32, #tpu.memory_space<vmem>>, vector<1x16xf32>,
      %swap3A_124 = vector.shape_cast %swap3A_123 : vector<1x16xf32> to vector<16xf32>
      %swap3A_125 = vector.shape_cast %broadcast_in_dim3A_1 : vector<16xf32> to vector<1x16xf32>
      tpu.vector_store %arg11[%swap3A_121, %swap3A_122], %swap3A_125 {strides = array<i32>} : memref<32x128xf32, #tpu.memory_space<vmem>>, vector<1x16xf32>,
      %swap3A_126 = arith.index_cast %scan3A_105 : i32 to index
      %swap3A_127 = arith.constant 64 : index
      %swap3A_128 = tpu.vector_load %arg11[%swap3A_126, %swap3A_127] {strides = array<i32>} : memref<32x128xf32, #tpu.memory_space<vmem>>, vector<1x16xf32>,
      %swap3A_129 = vector.shape_cast %swap3A_128 : vector<1x16xf32> to vector<16xf32>
      %swap3A_130 = vector.shape_cast %broadcast_in_dim3A_1 : vector<16xf32> to vector<1x16xf32>
      tpu.vector_store %arg11[%swap3A_126, %swap3A_127], %swap3A_130 {strides = array<i32>} : memref<32x128xf32, #tpu.memory_space<vmem>>, vector<1x16xf32>,
      %swap3A_131 = arith.index_cast %scan3A_105 : i32 to index
      %swap3A_132 = arith.constant 80 : index
      %swap3A_133 = tpu.vector_load %arg11[%swap3A_131, %swap3A_132] {strides = array<i32>} : memref<32x128xf32, #tpu.memory_space<vmem>>, vector<1x16xf32>,
      %swap3A_134 = vector.shape_cast %swap3A_133 : vector<1x16xf32> to vector<16xf32>
      %swap3A_135 = vector.shape_cast %broadcast_in_dim3A_1 : vector<16xf32> to vector<1x16xf32>
      tpu.vector_store %arg11[%swap3A_131, %swap3A_132], %swap3A_135 {strides = array<i32>} : memref<32x128xf32, #tpu.memory_space<vmem>>, vector<1x16xf32>,
      %swap3A_136 = arith.index_cast %scan3A_105 : i32 to index
      %swap3A_137 = arith.constant 96 : index
      %swap3A_138 = tpu.vector_load %arg11[%swap3A_136, %swap3A_137] {strides = array<i32>} : memref<32x128xf32, #tpu.memory_space<vmem>>, vector<1x16xf32>,
      %swap3A_139 = vector.shape_cast %swap3A_138 : vector<1x16xf32> to vector<16xf32>
      %swap3A_140 = vector.shape_cast %broadcast_in_dim3A_1 : vector<16xf32> to vector<1x16xf32>
      tpu.vector_store %arg11[%swap3A_136, %swap3A_137], %swap3A_140 {strides = array<i32>} : memref<32x128xf32, #tpu.memory_space<vmem>>, vector<1x16xf32>,
      %swap3A_141 = arith.index_cast %scan3A_105 : i32 to index
      %swap3A_142 = arith.constant 112 : index
      %swap3A_143 = tpu.vector_load %arg11[%swap3A_141, %swap3A_142] {strides = array<i32>} : memref<32x128xf32, #tpu.memory_space<vmem>>, vector<1x16xf32>,
      %swap3A_144 = vector.shape_cast %swap3A_143 : vector<1x16xf32> to vector<16xf32>
      %swap3A_145 = vector.shape_cast %broadcast_in_dim3A_1 : vector<16xf32> to vector<1x16xf32>
      tpu.vector_store %arg11[%swap3A_141, %swap3A_142], %swap3A_145 {strides = array<i32>} : memref<32x128xf32, #tpu.memory_space<vmem>>, vector<1x16xf32>,
      %scan3A_146 = arith.constant 0 : i32
      scf.yield %scan3A_146 : i32
    }
    %scan3A_7 = arith.constant 32 : i32
    %mul3A_8 = arith.constant 640 : i32
    %mul3A_9 = arith.muli %arg1, %mul3A_8 : i32
    %add3A_10 = arith.constant 0 : i32
    %add3A_11 = arith.addi %mul3A_9, %add3A_10 : i32
    "tpu.region"() ({
      %run_scoped3A = tpu.sem_alloc : memref<!tpu.dma_semaphore, #tpu.memory_space<semaphore_mem>>
      %dma_start3A = arith.constant 0 : i32
      %dma_start3A_105 = tpu.memref_slice %arg7[%add3A_11, %dma_start3A] : memref<10240x128xf32, #tpu.memory_space<vmem_shared>> -> memref<32x128xf32, #tpu.memory_space<vmem_shared>>
      %dma_start3A_106 = arith.constant 0 : i32
      %dma_start3A_107 = tpu.memref_slice %arg7[%add3A_11, %dma_start3A_106] : memref<10240x128xf32, #tpu.memory_space<vmem_shared>> -> memref<32x128xf32, #tpu.memory_space<vmem_shared>>
      tpu.enqueue_dma source(%arg11 : memref<32x128xf32, #tpu.memory_space<vmem>>) target(%dma_start3A_107 : memref<32x128xf32, #tpu.memory_space<vmem_shared>>) target_semaphore(%run_scoped3A : memref<!tpu.dma_semaphore, #tpu.memory_space<semaphore_mem>>)
      %dma_wait3A = arith.constant 0 : i32
      %dma_wait3A_108 = tpu.memref_slice %arg7[%add3A_11, %dma_wait3A] : memref<10240x128xf32, #tpu.memory_space<vmem_shared>> -> memref<32x128xf32, #tpu.memory_space<vmem_shared>>
      %dma_wait3A_109 = arith.constant 0 : i32
      %dma_wait3A_110 = tpu.memref_slice %arg7[%add3A_11, %dma_wait3A_109] : memref<10240x128xf32, #tpu.memory_space<vmem_shared>> -> memref<32x128xf32, #tpu.memory_space<vmem_shared>>
      tpu.wait_dma2 semaphore(%run_scoped3A : memref<!tpu.dma_semaphore, #tpu.memory_space<semaphore_mem>>) src(%arg11 : memref<32x128xf32, #tpu.memory_space<vmem>>) dst(%dma_wait3A_110 : memref<32x128xf32, #tpu.memory_space<vmem_shared>>)
      tpu.yield
    }) : () -> ()
    %mul3A_12 = arith.constant 640 : i32
    %mul3A_13 = arith.muli %arg1, %mul3A_12 : i32
    %add3A_14 = arith.constant 32 : i32
    %add3A_15 = arith.addi %mul3A_13, %add3A_14 : i32
    "tpu.region"() ({
      %run_scoped3A = tpu.sem_alloc : memref<!tpu.dma_semaphore, #tpu.memory_space<semaphore_mem>>
      %dma_start3A = arith.constant 0 : i32
      %dma_start3A_105 = tpu.memref_slice %arg7[%add3A_15, %dma_start3A] : memref<10240x128xf32, #tpu.memory_space<vmem_shared>> -> memref<32x128xf32, #tpu.memory_space<vmem_shared>>
      %dma_start3A_106 = arith.constant 0 : i32
      %dma_start3A_107 = tpu.memref_slice %arg7[%add3A_15, %dma_start3A_106] : memref<10240x128xf32, #tpu.memory_space<vmem_shared>> -> memref<32x128xf32, #tpu.memory_space<vmem_shared>>
      tpu.enqueue_dma source(%arg11 : memref<32x128xf32, #tpu.memory_space<vmem>>) target(%dma_start3A_107 : memref<32x128xf32, #tpu.memory_space<vmem_shared>>) target_semaphore(%run_scoped3A : memref<!tpu.dma_semaphore, #tpu.memory_space<semaphore_mem>>)
      %dma_wait3A = arith.constant 0 : i32
      %dma_wait3A_108 = tpu.memref_slice %arg7[%add3A_15, %dma_wait3A] : memref<10240x128xf32, #tpu.memory_space<vmem_shared>> -> memref<32x128xf32, #tpu.memory_space<vmem_shared>>
      %dma_wait3A_109 = arith.constant 0 : i32
      %dma_wait3A_110 = tpu.memref_slice %arg7[%add3A_15, %dma_wait3A_109] : memref<10240x128xf32, #tpu.memory_space<vmem_shared>> -> memref<32x128xf32, #tpu.memory_space<vmem_shared>>
      tpu.wait_dma2 semaphore(%run_scoped3A : memref<!tpu.dma_semaphore, #tpu.memory_space<semaphore_mem>>) src(%arg11 : memref<32x128xf32, #tpu.memory_space<vmem>>) dst(%dma_wait3A_110 : memref<32x128xf32, #tpu.memory_space<vmem_shared>>)
      tpu.yield
    }) : () -> ()
    %mul3A_16 = arith.constant 640 : i32
    %mul3A_17 = arith.muli %arg1, %mul3A_16 : i32
    %add3A_18 = arith.constant 64 : i32
    %add3A_19 = arith.addi %mul3A_17, %add3A_18 : i32
    "tpu.region"() ({
      %run_scoped3A = tpu.sem_alloc : memref<!tpu.dma_semaphore, #tpu.memory_space<semaphore_mem>>
      %dma_start3A = arith.constant 0 : i32
      %dma_start3A_105 = tpu.memref_slice %arg7[%add3A_19, %dma_start3A] : memref<10240x128xf32, #tpu.memory_space<vmem_shared>> -> memref<32x128xf32, #tpu.memory_space<vmem_shared>>
      %dma_start3A_106 = arith.constant 0 : i32
      %dma_start3A_107 = tpu.memref_slice %arg7[%add3A_19, %dma_start3A_106] : memref<10240x128xf32, #tpu.memory_space<vmem_shared>> -> memref<32x128xf32, #tpu.memory_space<vmem_shared>>
      tpu.enqueue_dma source(%arg11 : memref<32x128xf32, #tpu.memory_space<vmem>>) target(%dma_start3A_107 : memref<32x128xf32, #tpu.memory_space<vmem_shared>>) target_semaphore(%run_scoped3A : memref<!tpu.dma_semaphore, #tpu.memory_space<semaphore_mem>>)
      %dma_wait3A = arith.constant 0 : i32
      %dma_wait3A_108 = tpu.memref_slice %arg7[%add3A_19, %dma_wait3A] : memref<10240x128xf32, #tpu.memory_space<vmem_shared>> -> memref<32x128xf32, #tpu.memory_space<vmem_shared>>
      %dma_wait3A_109 = arith.constant 0 : i32
      %dma_wait3A_110 = tpu.memref_slice %arg7[%add3A_19, %dma_wait3A_109] : memref<10240x128xf32, #tpu.memory_space<vmem_shared>> -> memref<32x128xf32, #tpu.memory_space<vmem_shared>>
      tpu.wait_dma2 semaphore(%run_scoped3A : memref<!tpu.dma_semaphore, #tpu.memory_space<semaphore_mem>>) src(%arg11 : memref<32x128xf32, #tpu.memory_space<vmem>>) dst(%dma_wait3A_110 : memref<32x128xf32, #tpu.memory_space<vmem_shared>>)
      tpu.yield
    }) : () -> ()
    %mul3A_20 = arith.constant 640 : i32
    %mul3A_21 = arith.muli %arg1, %mul3A_20 : i32
    %add3A_22 = arith.constant 96 : i32
    %add3A_23 = arith.addi %mul3A_21, %add3A_22 : i32
    "tpu.region"() ({
      %run_scoped3A = tpu.sem_alloc : memref<!tpu.dma_semaphore, #tpu.memory_space<semaphore_mem>>
      %dma_start3A = arith.constant 0 : i32
      %dma_start3A_105 = tpu.memref_slice %arg7[%add3A_23, %dma_start3A] : memref<10240x128xf32, #tpu.memory_space<vmem_shared>> -> memref<32x128xf32, #tpu.memory_space<vmem_shared>>
      %dma_start3A_106 = arith.constant 0 : i32
      %dma_start3A_107 = tpu.memref_slice %arg7[%add3A_23, %dma_start3A_106] : memref<10240x128xf32, #tpu.memory_space<vmem_shared>> -> memref<32x128xf32, #tpu.memory_space<vmem_shared>>
      tpu.enqueue_dma source(%arg11 : memref<32x128xf32, #tpu.memory_space<vmem>>) target(%dma_start3A_107 : memref<32x128xf32, #tpu.memory_space<vmem_shared>>) target_semaphore(%run_scoped3A : memref<!tpu.dma_semaphore, #tpu.memory_space<semaphore_mem>>)
      %dma_wait3A = arith.constant 0 : i32
      %dma_wait3A_108 = tpu.memref_slice %arg7[%add3A_23, %dma_wait3A] : memref<10240x128xf32, #tpu.memory_space<vmem_shared>> -> memref<32x128xf32, #tpu.memory_space<vmem_shared>>
      %dma_wait3A_109 = arith.constant 0 : i32
      %dma_wait3A_110 = tpu.memref_slice %arg7[%add3A_23, %dma_wait3A_109] : memref<10240x128xf32, #tpu.memory_space<vmem_shared>> -> memref<32x128xf32, #tpu.memory_space<vmem_shared>>
      tpu.wait_dma2 semaphore(%run_scoped3A : memref<!tpu.dma_semaphore, #tpu.memory_space<semaphore_mem>>) src(%arg11 : memref<32x128xf32, #tpu.memory_space<vmem>>) dst(%dma_wait3A_110 : memref<32x128xf32, #tpu.memory_space<vmem_shared>>)
      tpu.yield
    }) : () -> ()
    %mul3A_24 = arith.constant 640 : i32
    %mul3A_25 = arith.muli %arg1, %mul3A_24 : i32
    %add3A_26 = arith.constant 128 : i32
    %add3A_27 = arith.addi %mul3A_25, %add3A_26 : i32
    "tpu.region"() ({
      %run_scoped3A = tpu.sem_alloc : memref<!tpu.dma_semaphore, #tpu.memory_space<semaphore_mem>>
      %dma_start3A = arith.constant 0 : i32
      %dma_start3A_105 = tpu.memref_slice %arg7[%add3A_27, %dma_start3A] : memref<10240x128xf32, #tpu.memory_space<vmem_shared>> -> memref<32x128xf32, #tpu.memory_space<vmem_shared>>
      %dma_start3A_106 = arith.constant 0 : i32
      %dma_start3A_107 = tpu.memref_slice %arg7[%add3A_27, %dma_start3A_106] : memref<10240x128xf32, #tpu.memory_space<vmem_shared>> -> memref<32x128xf32, #tpu.memory_space<vmem_shared>>
      tpu.enqueue_dma source(%arg11 : memref<32x128xf32, #tpu.memory_space<vmem>>) target(%dma_start3A_107 : memref<32x128xf32, #tpu.memory_space<vmem_shared>>) target_semaphore(%run_scoped3A : memref<!tpu.dma_semaphore, #tpu.memory_space<semaphore_mem>>)
      %dma_wait3A = arith.constant 0 : i32
      %dma_wait3A_108 = tpu.memref_slice %arg7[%add3A_27, %dma_wait3A] : memref<10240x128xf32, #tpu.memory_space<vmem_shared>> -> memref<32x128xf32, #tpu.memory_space<vmem_shared>>
      %dma_wait3A_109 = arith.constant 0 : i32
      %dma_wait3A_110 = tpu.memref_slice %arg7[%add3A_27, %dma_wait3A_109] : memref<10240x128xf32, #tpu.memory_space<vmem_shared>> -> memref<32x128xf32, #tpu.memory_space<vmem_shared>>
      tpu.wait_dma2 semaphore(%run_scoped3A : memref<!tpu.dma_semaphore, #tpu.memory_space<semaphore_mem>>) src(%arg11 : memref<32x128xf32, #tpu.memory_space<vmem>>) dst(%dma_wait3A_110 : memref<32x128xf32, #tpu.memory_space<vmem_shared>>)
      tpu.yield
    }) : () -> ()
    %mul3A_28 = arith.constant 640 : i32
    %mul3A_29 = arith.muli %arg1, %mul3A_28 : i32
    %add3A_30 = arith.constant 160 : i32
    %add3A_31 = arith.addi %mul3A_29, %add3A_30 : i32
    "tpu.region"() ({
      %run_scoped3A = tpu.sem_alloc : memref<!tpu.dma_semaphore, #tpu.memory_space<semaphore_mem>>
      %dma_start3A = arith.constant 0 : i32
      %dma_start3A_105 = tpu.memref_slice %arg7[%add3A_31, %dma_start3A] : memref<10240x128xf32, #tpu.memory_space<vmem_shared>> -> memref<32x128xf32, #tpu.memory_space<vmem_shared>>
      %dma_start3A_106 = arith.constant 0 : i32
      %dma_start3A_107 = tpu.memref_slice %arg7[%add3A_31, %dma_start3A_106] : memref<10240x128xf32, #tpu.memory_space<vmem_shared>> -> memref<32x128xf32, #tpu.memory_space<vmem_shared>>
      tpu.enqueue_dma source(%arg11 : memref<32x128xf32, #tpu.memory_space<vmem>>) target(%dma_start3A_107 : memref<32x128xf32, #tpu.memory_space<vmem_shared>>) target_semaphore(%run_scoped3A : memref<!tpu.dma_semaphore, #tpu.memory_space<semaphore_mem>>)
      %dma_wait3A = arith.constant 0 : i32
      %dma_wait3A_108 = tpu.memref_slice %arg7[%add3A_31, %dma_wait3A] : memref<10240x128xf32, #tpu.memory_space<vmem_shared>> -> memref<32x128xf32, #tpu.memory_space<vmem_shared>>
      %dma_wait3A_109 = arith.constant 0 : i32
      %dma_wait3A_110 = tpu.memref_slice %arg7[%add3A_31, %dma_wait3A_109] : memref<10240x128xf32, #tpu.memory_space<vmem_shared>> -> memref<32x128xf32, #tpu.memory_space<vmem_shared>>
      tpu.wait_dma2 semaphore(%run_scoped3A : memref<!tpu.dma_semaphore, #tpu.memory_space<semaphore_mem>>) src(%arg11 : memref<32x128xf32, #tpu.memory_space<vmem>>) dst(%dma_wait3A_110 : memref<32x128xf32, #tpu.memory_space<vmem_shared>>)
      tpu.yield
    }) : () -> ()
    %mul3A_32 = arith.constant 640 : i32
    %mul3A_33 = arith.muli %arg1, %mul3A_32 : i32
    %add3A_34 = arith.constant 192 : i32
    %add3A_35 = arith.addi %mul3A_33, %add3A_34 : i32
    "tpu.region"() ({
      %run_scoped3A = tpu.sem_alloc : memref<!tpu.dma_semaphore, #tpu.memory_space<semaphore_mem>>
      %dma_start3A = arith.constant 0 : i32
      %dma_start3A_105 = tpu.memref_slice %arg7[%add3A_35, %dma_start3A] : memref<10240x128xf32, #tpu.memory_space<vmem_shared>> -> memref<32x128xf32, #tpu.memory_space<vmem_shared>>
      %dma_start3A_106 = arith.constant 0 : i32
      %dma_start3A_107 = tpu.memref_slice %arg7[%add3A_35, %dma_start3A_106] : memref<10240x128xf32, #tpu.memory_space<vmem_shared>> -> memref<32x128xf32, #tpu.memory_space<vmem_shared>>
      tpu.enqueue_dma source(%arg11 : memref<32x128xf32, #tpu.memory_space<vmem>>) target(%dma_start3A_107 : memref<32x128xf32, #tpu.memory_space<vmem_shared>>) target_semaphore(%run_scoped3A : memref<!tpu.dma_semaphore, #tpu.memory_space<semaphore_mem>>)
      %dma_wait3A = arith.constant 0 : i32
      %dma_wait3A_108 = tpu.memref_slice %arg7[%add3A_35, %dma_wait3A] : memref<10240x128xf32, #tpu.memory_space<vmem_shared>> -> memref<32x128xf32, #tpu.memory_space<vmem_shared>>
      %dma_wait3A_109 = arith.constant 0 : i32
      %dma_wait3A_110 = tpu.memref_slice %arg7[%add3A_35, %dma_wait3A_109] : memref<10240x128xf32, #tpu.memory_space<vmem_shared>> -> memref<32x128xf32, #tpu.memory_space<vmem_shared>>
      tpu.wait_dma2 semaphore(%run_scoped3A : memref<!tpu.dma_semaphore, #tpu.memory_space<semaphore_mem>>) src(%arg11 : memref<32x128xf32, #tpu.memory_space<vmem>>) dst(%dma_wait3A_110 : memref<32x128xf32, #tpu.memory_space<vmem_shared>>)
      tpu.yield
    }) : () -> ()
    %mul3A_36 = arith.constant 640 : i32
    %mul3A_37 = arith.muli %arg1, %mul3A_36 : i32
    %add3A_38 = arith.constant 224 : i32
    %add3A_39 = arith.addi %mul3A_37, %add3A_38 : i32
    "tpu.region"() ({
      %run_scoped3A = tpu.sem_alloc : memref<!tpu.dma_semaphore, #tpu.memory_space<semaphore_mem>>
      %dma_start3A = arith.constant 0 : i32
      %dma_start3A_105 = tpu.memref_slice %arg7[%add3A_39, %dma_start3A] : memref<10240x128xf32, #tpu.memory_space<vmem_shared>> -> memref<32x128xf32, #tpu.memory_space<vmem_shared>>
      %dma_start3A_106 = arith.constant 0 : i32
      %dma_start3A_107 = tpu.memref_slice %arg7[%add3A_39, %dma_start3A_106] : memref<10240x128xf32, #tpu.memory_space<vmem_shared>> -> memref<32x128xf32, #tpu.memory_space<vmem_shared>>
      tpu.enqueue_dma source(%arg11 : memref<32x128xf32, #tpu.memory_space<vmem>>) target(%dma_start3A_107 : memref<32x128xf32, #tpu.memory_space<vmem_shared>>) target_semaphore(%run_scoped3A : memref<!tpu.dma_semaphore, #tpu.memory_space<semaphore_mem>>)
      %dma_wait3A = arith.constant 0 : i32
      %dma_wait3A_108 = tpu.memref_slice %arg7[%add3A_39, %dma_wait3A] : memref<10240x128xf32, #tpu.memory_space<vmem_shared>> -> memref<32x128xf32, #tpu.memory_space<vmem_shared>>
      %dma_wait3A_109 = arith.constant 0 : i32
      %dma_wait3A_110 = tpu.memref_slice %arg7[%add3A_39, %dma_wait3A_109] : memref<10240x128xf32, #tpu.memory_space<vmem_shared>> -> memref<32x128xf32, #tpu.memory_space<vmem_shared>>
      tpu.wait_dma2 semaphore(%run_scoped3A : memref<!tpu.dma_semaphore, #tpu.memory_space<semaphore_mem>>) src(%arg11 : memref<32x128xf32, #tpu.memory_space<vmem>>) dst(%dma_wait3A_110 : memref<32x128xf32, #tpu.memory_space<vmem_shared>>)
      tpu.yield
    }) : () -> ()
    %mul3A_40 = arith.constant 640 : i32
    %mul3A_41 = arith.muli %arg1, %mul3A_40 : i32
    %add3A_42 = arith.constant 256 : i32
    %add3A_43 = arith.addi %mul3A_41, %add3A_42 : i32
    "tpu.region"() ({
      %run_scoped3A = tpu.sem_alloc : memref<!tpu.dma_semaphore, #tpu.memory_space<semaphore_mem>>
      %dma_start3A = arith.constant 0 : i32
      %dma_start3A_105 = tpu.memref_slice %arg7[%add3A_43, %dma_start3A] : memref<10240x128xf32, #tpu.memory_space<vmem_shared>> -> memref<32x128xf32, #tpu.memory_space<vmem_shared>>
      %dma_start3A_106 = arith.constant 0 : i32
      %dma_start3A_107 = tpu.memref_slice %arg7[%add3A_43, %dma_start3A_106] : memref<10240x128xf32, #tpu.memory_space<vmem_shared>> -> memref<32x128xf32, #tpu.memory_space<vmem_shared>>
      tpu.enqueue_dma source(%arg11 : memref<32x128xf32, #tpu.memory_space<vmem>>) target(%dma_start3A_107 : memref<32x128xf32, #tpu.memory_space<vmem_shared>>) target_semaphore(%run_scoped3A : memref<!tpu.dma_semaphore, #tpu.memory_space<semaphore_mem>>)
      %dma_wait3A = arith.constant 0 : i32
      %dma_wait3A_108 = tpu.memref_slice %arg7[%add3A_43, %dma_wait3A] : memref<10240x128xf32, #tpu.memory_space<vmem_shared>> -> memref<32x128xf32, #tpu.memory_space<vmem_shared>>
      %dma_wait3A_109 = arith.constant 0 : i32
      %dma_wait3A_110 = tpu.memref_slice %arg7[%add3A_43, %dma_wait3A_109] : memref<10240x128xf32, #tpu.memory_space<vmem_shared>> -> memref<32x128xf32, #tpu.memory_space<vmem_shared>>
      tpu.wait_dma2 semaphore(%run_scoped3A : memref<!tpu.dma_semaphore, #tpu.memory_space<semaphore_mem>>) src(%arg11 : memref<32x128xf32, #tpu.memory_space<vmem>>) dst(%dma_wait3A_110 : memref<32x128xf32, #tpu.memory_space<vmem_shared>>)
      tpu.yield
    }) : () -> ()
    %mul3A_44 = arith.constant 640 : i32
    %mul3A_45 = arith.muli %arg1, %mul3A_44 : i32
    %add3A_46 = arith.constant 288 : i32
    %add3A_47 = arith.addi %mul3A_45, %add3A_46 : i32
    "tpu.region"() ({
      %run_scoped3A = tpu.sem_alloc : memref<!tpu.dma_semaphore, #tpu.memory_space<semaphore_mem>>
      %dma_start3A = arith.constant 0 : i32
      %dma_start3A_105 = tpu.memref_slice %arg7[%add3A_47, %dma_start3A] : memref<10240x128xf32, #tpu.memory_space<vmem_shared>> -> memref<32x128xf32, #tpu.memory_space<vmem_shared>>
      %dma_start3A_106 = arith.constant 0 : i32
      %dma_start3A_107 = tpu.memref_slice %arg7[%add3A_47, %dma_start3A_106] : memref<10240x128xf32, #tpu.memory_space<vmem_shared>> -> memref<32x128xf32, #tpu.memory_space<vmem_shared>>
      tpu.enqueue_dma source(%arg11 : memref<32x128xf32, #tpu.memory_space<vmem>>) target(%dma_start3A_107 : memref<32x128xf32, #tpu.memory_space<vmem_shared>>) target_semaphore(%run_scoped3A : memref<!tpu.dma_semaphore, #tpu.memory_space<semaphore_mem>>)
      %dma_wait3A = arith.constant 0 : i32
      %dma_wait3A_108 = tpu.memref_slice %arg7[%add3A_47, %dma_wait3A] : memref<10240x128xf32, #tpu.memory_space<vmem_shared>> -> memref<32x128xf32, #tpu.memory_space<vmem_shared>>
      %dma_wait3A_109 = arith.constant 0 : i32
      %dma_wait3A_110 = tpu.memref_slice %arg7[%add3A_47, %dma_wait3A_109] : memref<10240x128xf32, #tpu.memory_space<vmem_shared>> -> memref<32x128xf32, #tpu.memory_space<vmem_shared>>
      tpu.wait_dma2 semaphore(%run_scoped3A : memref<!tpu.dma_semaphore, #tpu.memory_space<semaphore_mem>>) src(%arg11 : memref<32x128xf32, #tpu.memory_space<vmem>>) dst(%dma_wait3A_110 : memref<32x128xf32, #tpu.memory_space<vmem_shared>>)
      tpu.yield
    }) : () -> ()
    %mul3A_48 = arith.constant 640 : i32
    %mul3A_49 = arith.muli %arg1, %mul3A_48 : i32
    %add3A_50 = arith.constant 320 : i32
    %add3A_51 = arith.addi %mul3A_49, %add3A_50 : i32
    "tpu.region"() ({
      %run_scoped3A = tpu.sem_alloc : memref<!tpu.dma_semaphore, #tpu.memory_space<semaphore_mem>>
      %dma_start3A = arith.constant 0 : i32
      %dma_start3A_105 = tpu.memref_slice %arg7[%add3A_51, %dma_start3A] : memref<10240x128xf32, #tpu.memory_space<vmem_shared>> -> memref<32x128xf32, #tpu.memory_space<vmem_shared>>
      %dma_start3A_106 = arith.constant 0 : i32
      %dma_start3A_107 = tpu.memref_slice %arg7[%add3A_51, %dma_start3A_106] : memref<10240x128xf32, #tpu.memory_space<vmem_shared>> -> memref<32x128xf32, #tpu.memory_space<vmem_shared>>
      tpu.enqueue_dma source(%arg11 : memref<32x128xf32, #tpu.memory_space<vmem>>) target(%dma_start3A_107 : memref<32x128xf32, #tpu.memory_space<vmem_shared>>) target_semaphore(%run_scoped3A : memref<!tpu.dma_semaphore, #tpu.memory_space<semaphore_mem>>)
      %dma_wait3A = arith.constant 0 : i32
      %dma_wait3A_108 = tpu.memref_slice %arg7[%add3A_51, %dma_wait3A] : memref<10240x128xf32, #tpu.memory_space<vmem_shared>> -> memref<32x128xf32, #tpu.memory_space<vmem_shared>>
      %dma_wait3A_109 = arith.constant 0 : i32
      %dma_wait3A_110 = tpu.memref_slice %arg7[%add3A_51, %dma_wait3A_109] : memref<10240x128xf32, #tpu.memory_space<vmem_shared>> -> memref<32x128xf32, #tpu.memory_space<vmem_shared>>
      tpu.wait_dma2 semaphore(%run_scoped3A : memref<!tpu.dma_semaphore, #tpu.memory_space<semaphore_mem>>) src(%arg11 : memref<32x128xf32, #tpu.memory_space<vmem>>) dst(%dma_wait3A_110 : memref<32x128xf32, #tpu.memory_space<vmem_shared>>)
      tpu.yield
    }) : () -> ()
    %mul3A_52 = arith.constant 640 : i32
    %mul3A_53 = arith.muli %arg1, %mul3A_52 : i32
    %add3A_54 = arith.constant 352 : i32
    %add3A_55 = arith.addi %mul3A_53, %add3A_54 : i32
    "tpu.region"() ({
      %run_scoped3A = tpu.sem_alloc : memref<!tpu.dma_semaphore, #tpu.memory_space<semaphore_mem>>
      %dma_start3A = arith.constant 0 : i32
      %dma_start3A_105 = tpu.memref_slice %arg7[%add3A_55, %dma_start3A] : memref<10240x128xf32, #tpu.memory_space<vmem_shared>> -> memref<32x128xf32, #tpu.memory_space<vmem_shared>>
      %dma_start3A_106 = arith.constant 0 : i32
      %dma_start3A_107 = tpu.memref_slice %arg7[%add3A_55, %dma_start3A_106] : memref<10240x128xf32, #tpu.memory_space<vmem_shared>> -> memref<32x128xf32, #tpu.memory_space<vmem_shared>>
      tpu.enqueue_dma source(%arg11 : memref<32x128xf32, #tpu.memory_space<vmem>>) target(%dma_start3A_107 : memref<32x128xf32, #tpu.memory_space<vmem_shared>>) target_semaphore(%run_scoped3A : memref<!tpu.dma_semaphore, #tpu.memory_space<semaphore_mem>>)
      %dma_wait3A = arith.constant 0 : i32
      %dma_wait3A_108 = tpu.memref_slice %arg7[%add3A_55, %dma_wait3A] : memref<10240x128xf32, #tpu.memory_space<vmem_shared>> -> memref<32x128xf32, #tpu.memory_space<vmem_shared>>
      %dma_wait3A_109 = arith.constant 0 : i32
      %dma_wait3A_110 = tpu.memref_slice %arg7[%add3A_55, %dma_wait3A_109] : memref<10240x128xf32, #tpu.memory_space<vmem_shared>> -> memref<32x128xf32, #tpu.memory_space<vmem_shared>>
      tpu.wait_dma2 semaphore(%run_scoped3A : memref<!tpu.dma_semaphore, #tpu.memory_space<semaphore_mem>>) src(%arg11 : memref<32x128xf32, #tpu.memory_space<vmem>>) dst(%dma_wait3A_110 : memref<32x128xf32, #tpu.memory_space<vmem_shared>>)
      tpu.yield
    }) : () -> ()
    %mul3A_56 = arith.constant 640 : i32
    %mul3A_57 = arith.muli %arg1, %mul3A_56 : i32
    %add3A_58 = arith.constant 384 : i32
    %add3A_59 = arith.addi %mul3A_57, %add3A_58 : i32
    "tpu.region"() ({
      %run_scoped3A = tpu.sem_alloc : memref<!tpu.dma_semaphore, #tpu.memory_space<semaphore_mem>>
      %dma_start3A = arith.constant 0 : i32
      %dma_start3A_105 = tpu.memref_slice %arg7[%add3A_59, %dma_start3A] : memref<10240x128xf32, #tpu.memory_space<vmem_shared>> -> memref<32x128xf32, #tpu.memory_space<vmem_shared>>
      %dma_start3A_106 = arith.constant 0 : i32
      %dma_start3A_107 = tpu.memref_slice %arg7[%add3A_59, %dma_start3A_106] : memref<10240x128xf32, #tpu.memory_space<vmem_shared>> -> memref<32x128xf32, #tpu.memory_space<vmem_shared>>
      tpu.enqueue_dma source(%arg11 : memref<32x128xf32, #tpu.memory_space<vmem>>) target(%dma_start3A_107 : memref<32x128xf32, #tpu.memory_space<vmem_shared>>) target_semaphore(%run_scoped3A : memref<!tpu.dma_semaphore, #tpu.memory_space<semaphore_mem>>)
      %dma_wait3A = arith.constant 0 : i32
      %dma_wait3A_108 = tpu.memref_slice %arg7[%add3A_59, %dma_wait3A] : memref<10240x128xf32, #tpu.memory_space<vmem_shared>> -> memref<32x128xf32, #tpu.memory_space<vmem_shared>>
      %dma_wait3A_109 = arith.constant 0 : i32
      %dma_wait3A_110 = tpu.memref_slice %arg7[%add3A_59, %dma_wait3A_109] : memref<10240x128xf32, #tpu.memory_space<vmem_shared>> -> memref<32x128xf32, #tpu.memory_space<vmem_shared>>
      tpu.wait_dma2 semaphore(%run_scoped3A : memref<!tpu.dma_semaphore, #tpu.memory_space<semaphore_mem>>) src(%arg11 : memref<32x128xf32, #tpu.memory_space<vmem>>) dst(%dma_wait3A_110 : memref<32x128xf32, #tpu.memory_space<vmem_shared>>)
      tpu.yield
    }) : () -> ()
    %mul3A_60 = arith.constant 640 : i32
    %mul3A_61 = arith.muli %arg1, %mul3A_60 : i32
    %add3A_62 = arith.constant 416 : i32
    %add3A_63 = arith.addi %mul3A_61, %add3A_62 : i32
    "tpu.region"() ({
      %run_scoped3A = tpu.sem_alloc : memref<!tpu.dma_semaphore, #tpu.memory_space<semaphore_mem>>
      %dma_start3A = arith.constant 0 : i32
      %dma_start3A_105 = tpu.memref_slice %arg7[%add3A_63, %dma_start3A] : memref<10240x128xf32, #tpu.memory_space<vmem_shared>> -> memref<32x128xf32, #tpu.memory_space<vmem_shared>>
      %dma_start3A_106 = arith.constant 0 : i32
      %dma_start3A_107 = tpu.memref_slice %arg7[%add3A_63, %dma_start3A_106] : memref<10240x128xf32, #tpu.memory_space<vmem_shared>> -> memref<32x128xf32, #tpu.memory_space<vmem_shared>>
      tpu.enqueue_dma source(%arg11 : memref<32x128xf32, #tpu.memory_space<vmem>>) target(%dma_start3A_107 : memref<32x128xf32, #tpu.memory_space<vmem_shared>>) target_semaphore(%run_scoped3A : memref<!tpu.dma_semaphore, #tpu.memory_space<semaphore_mem>>)
      %dma_wait3A = arith.constant 0 : i32
      %dma_wait3A_108 = tpu.memref_slice %arg7[%add3A_63, %dma_wait3A] : memref<10240x128xf32, #tpu.memory_space<vmem_shared>> -> memref<32x128xf32, #tpu.memory_space<vmem_shared>>
      %dma_wait3A_109 = arith.constant 0 : i32
      %dma_wait3A_110 = tpu.memref_slice %arg7[%add3A_63, %dma_wait3A_109] : memref<10240x128xf32, #tpu.memory_space<vmem_shared>> -> memref<32x128xf32, #tpu.memory_space<vmem_shared>>
      tpu.wait_dma2 semaphore(%run_scoped3A : memref<!tpu.dma_semaphore, #tpu.memory_space<semaphore_mem>>) src(%arg11 : memref<32x128xf32, #tpu.memory_space<vmem>>) dst(%dma_wait3A_110 : memref<32x128xf32, #tpu.memory_space<vmem_shared>>)
      tpu.yield
    }) : () -> ()
    %mul3A_64 = arith.constant 640 : i32
    %mul3A_65 = arith.muli %arg1, %mul3A_64 : i32
    %add3A_66 = arith.constant 448 : i32
    %add3A_67 = arith.addi %mul3A_65, %add3A_66 : i32
    "tpu.region"() ({
      %run_scoped3A = tpu.sem_alloc : memref<!tpu.dma_semaphore, #tpu.memory_space<semaphore_mem>>
      %dma_start3A = arith.constant 0 : i32
      %dma_start3A_105 = tpu.memref_slice %arg7[%add3A_67, %dma_start3A] : memref<10240x128xf32, #tpu.memory_space<vmem_shared>> -> memref<32x128xf32, #tpu.memory_space<vmem_shared>>
      %dma_start3A_106 = arith.constant 0 : i32
      %dma_start3A_107 = tpu.memref_slice %arg7[%add3A_67, %dma_start3A_106] : memref<10240x128xf32, #tpu.memory_space<vmem_shared>> -> memref<32x128xf32, #tpu.memory_space<vmem_shared>>
      tpu.enqueue_dma source(%arg11 : memref<32x128xf32, #tpu.memory_space<vmem>>) target(%dma_start3A_107 : memref<32x128xf32, #tpu.memory_space<vmem_shared>>) target_semaphore(%run_scoped3A : memref<!tpu.dma_semaphore, #tpu.memory_space<semaphore_mem>>)
      %dma_wait3A = arith.constant 0 : i32
      %dma_wait3A_108 = tpu.memref_slice %arg7[%add3A_67, %dma_wait3A] : memref<10240x128xf32, #tpu.memory_space<vmem_shared>> -> memref<32x128xf32, #tpu.memory_space<vmem_shared>>
      %dma_wait3A_109 = arith.constant 0 : i32
      %dma_wait3A_110 = tpu.memref_slice %arg7[%add3A_67, %dma_wait3A_109] : memref<10240x128xf32, #tpu.memory_space<vmem_shared>> -> memref<32x128xf32, #tpu.memory_space<vmem_shared>>
      tpu.wait_dma2 semaphore(%run_scoped3A : memref<!tpu.dma_semaphore, #tpu.memory_space<semaphore_mem>>) src(%arg11 : memref<32x128xf32, #tpu.memory_space<vmem>>) dst(%dma_wait3A_110 : memref<32x128xf32, #tpu.memory_space<vmem_shared>>)
      tpu.yield
    }) : () -> ()
    %mul3A_68 = arith.constant 640 : i32
    %mul3A_69 = arith.muli %arg1, %mul3A_68 : i32
    %add3A_70 = arith.constant 480 : i32
    %add3A_71 = arith.addi %mul3A_69, %add3A_70 : i32
    "tpu.region"() ({
      %run_scoped3A = tpu.sem_alloc : memref<!tpu.dma_semaphore, #tpu.memory_space<semaphore_mem>>
      %dma_start3A = arith.constant 0 : i32
      %dma_start3A_105 = tpu.memref_slice %arg7[%add3A_71, %dma_start3A] : memref<10240x128xf32, #tpu.memory_space<vmem_shared>> -> memref<32x128xf32, #tpu.memory_space<vmem_shared>>
      %dma_start3A_106 = arith.constant 0 : i32
      %dma_start3A_107 = tpu.memref_slice %arg7[%add3A_71, %dma_start3A_106] : memref<10240x128xf32, #tpu.memory_space<vmem_shared>> -> memref<32x128xf32, #tpu.memory_space<vmem_shared>>
      tpu.enqueue_dma source(%arg11 : memref<32x128xf32, #tpu.memory_space<vmem>>) target(%dma_start3A_107 : memref<32x128xf32, #tpu.memory_space<vmem_shared>>) target_semaphore(%run_scoped3A : memref<!tpu.dma_semaphore, #tpu.memory_space<semaphore_mem>>)
      %dma_wait3A = arith.constant 0 : i32
      %dma_wait3A_108 = tpu.memref_slice %arg7[%add3A_71, %dma_wait3A] : memref<10240x128xf32, #tpu.memory_space<vmem_shared>> -> memref<32x128xf32, #tpu.memory_space<vmem_shared>>
      %dma_wait3A_109 = arith.constant 0 : i32
      %dma_wait3A_110 = tpu.memref_slice %arg7[%add3A_71, %dma_wait3A_109] : memref<10240x128xf32, #tpu.memory_space<vmem_shared>> -> memref<32x128xf32, #tpu.memory_space<vmem_shared>>
      tpu.wait_dma2 semaphore(%run_scoped3A : memref<!tpu.dma_semaphore, #tpu.memory_space<semaphore_mem>>) src(%arg11 : memref<32x128xf32, #tpu.memory_space<vmem>>) dst(%dma_wait3A_110 : memref<32x128xf32, #tpu.memory_space<vmem_shared>>)
      tpu.yield
    }) : () -> ()
    %mul3A_72 = arith.constant 640 : i32
    %mul3A_73 = arith.muli %arg1, %mul3A_72 : i32
    %add3A_74 = arith.constant 512 : i32
    %add3A_75 = arith.addi %mul3A_73, %add3A_74 : i32
    "tpu.region"() ({
      %run_scoped3A = tpu.sem_alloc : memref<!tpu.dma_semaphore, #tpu.memory_space<semaphore_mem>>
      %dma_start3A = arith.constant 0 : i32
      %dma_start3A_105 = tpu.memref_slice %arg7[%add3A_75, %dma_start3A] : memref<10240x128xf32, #tpu.memory_space<vmem_shared>> -> memref<32x128xf32, #tpu.memory_space<vmem_shared>>
      %dma_start3A_106 = arith.constant 0 : i32
      %dma_start3A_107 = tpu.memref_slice %arg7[%add3A_75, %dma_start3A_106] : memref<10240x128xf32, #tpu.memory_space<vmem_shared>> -> memref<32x128xf32, #tpu.memory_space<vmem_shared>>
      tpu.enqueue_dma source(%arg11 : memref<32x128xf32, #tpu.memory_space<vmem>>) target(%dma_start3A_107 : memref<32x128xf32, #tpu.memory_space<vmem_shared>>) target_semaphore(%run_scoped3A : memref<!tpu.dma_semaphore, #tpu.memory_space<semaphore_mem>>)
      %dma_wait3A = arith.constant 0 : i32
      %dma_wait3A_108 = tpu.memref_slice %arg7[%add3A_75, %dma_wait3A] : memref<10240x128xf32, #tpu.memory_space<vmem_shared>> -> memref<32x128xf32, #tpu.memory_space<vmem_shared>>
      %dma_wait3A_109 = arith.constant 0 : i32
      %dma_wait3A_110 = tpu.memref_slice %arg7[%add3A_75, %dma_wait3A_109] : memref<10240x128xf32, #tpu.memory_space<vmem_shared>> -> memref<32x128xf32, #tpu.memory_space<vmem_shared>>
      tpu.wait_dma2 semaphore(%run_scoped3A : memref<!tpu.dma_semaphore, #tpu.memory_space<semaphore_mem>>) src(%arg11 : memref<32x128xf32, #tpu.memory_space<vmem>>) dst(%dma_wait3A_110 : memref<32x128xf32, #tpu.memory_space<vmem_shared>>)
      tpu.yield
    }) : () -> ()
    %mul3A_76 = arith.constant 640 : i32
    %mul3A_77 = arith.muli %arg1, %mul3A_76 : i32
    %add3A_78 = arith.constant 544 : i32
    %add3A_79 = arith.addi %mul3A_77, %add3A_78 : i32
    "tpu.region"() ({
      %run_scoped3A = tpu.sem_alloc : memref<!tpu.dma_semaphore, #tpu.memory_space<semaphore_mem>>
      %dma_start3A = arith.constant 0 : i32
      %dma_start3A_105 = tpu.memref_slice %arg7[%add3A_79, %dma_start3A] : memref<10240x128xf32, #tpu.memory_space<vmem_shared>> -> memref<32x128xf32, #tpu.memory_space<vmem_shared>>
      %dma_start3A_106 = arith.constant 0 : i32
      %dma_start3A_107 = tpu.memref_slice %arg7[%add3A_79, %dma_start3A_106] : memref<10240x128xf32, #tpu.memory_space<vmem_shared>> -> memref<32x128xf32, #tpu.memory_space<vmem_shared>>
      tpu.enqueue_dma source(%arg11 : memref<32x128xf32, #tpu.memory_space<vmem>>) target(%dma_start3A_107 : memref<32x128xf32, #tpu.memory_space<vmem_shared>>) target_semaphore(%run_scoped3A : memref<!tpu.dma_semaphore, #tpu.memory_space<semaphore_mem>>)
      %dma_wait3A = arith.constant 0 : i32
      %dma_wait3A_108 = tpu.memref_slice %arg7[%add3A_79, %dma_wait3A] : memref<10240x128xf32, #tpu.memory_space<vmem_shared>> -> memref<32x128xf32, #tpu.memory_space<vmem_shared>>
      %dma_wait3A_109 = arith.constant 0 : i32
      %dma_wait3A_110 = tpu.memref_slice %arg7[%add3A_79, %dma_wait3A_109] : memref<10240x128xf32, #tpu.memory_space<vmem_shared>> -> memref<32x128xf32, #tpu.memory_space<vmem_shared>>
      tpu.wait_dma2 semaphore(%run_scoped3A : memref<!tpu.dma_semaphore, #tpu.memory_space<semaphore_mem>>) src(%arg11 : memref<32x128xf32, #tpu.memory_space<vmem>>) dst(%dma_wait3A_110 : memref<32x128xf32, #tpu.memory_space<vmem_shared>>)
      tpu.yield
    }) : () -> ()
    %mul3A_80 = arith.constant 640 : i32
    %mul3A_81 = arith.muli %arg1, %mul3A_80 : i32
    %add3A_82 = arith.constant 576 : i32
    %add3A_83 = arith.addi %mul3A_81, %add3A_82 : i32
    "tpu.region"() ({
      %run_scoped3A = tpu.sem_alloc : memref<!tpu.dma_semaphore, #tpu.memory_space<semaphore_mem>>
      %dma_start3A = arith.constant 0 : i32
      %dma_start3A_105 = tpu.memref_slice %arg7[%add3A_83, %dma_start3A] : memref<10240x128xf32, #tpu.memory_space<vmem_shared>> -> memref<32x128xf32, #tpu.memory_space<vmem_shared>>
      %dma_start3A_106 = arith.constant 0 : i32
      %dma_start3A_107 = tpu.memref_slice %arg7[%add3A_83, %dma_start3A_106] : memref<10240x128xf32, #tpu.memory_space<vmem_shared>> -> memref<32x128xf32, #tpu.memory_space<vmem_shared>>
      tpu.enqueue_dma source(%arg11 : memref<32x128xf32, #tpu.memory_space<vmem>>) target(%dma_start3A_107 : memref<32x128xf32, #tpu.memory_space<vmem_shared>>) target_semaphore(%run_scoped3A : memref<!tpu.dma_semaphore, #tpu.memory_space<semaphore_mem>>)
      %dma_wait3A = arith.constant 0 : i32
      %dma_wait3A_108 = tpu.memref_slice %arg7[%add3A_83, %dma_wait3A] : memref<10240x128xf32, #tpu.memory_space<vmem_shared>> -> memref<32x128xf32, #tpu.memory_space<vmem_shared>>
      %dma_wait3A_109 = arith.constant 0 : i32
      %dma_wait3A_110 = tpu.memref_slice %arg7[%add3A_83, %dma_wait3A_109] : memref<10240x128xf32, #tpu.memory_space<vmem_shared>> -> memref<32x128xf32, #tpu.memory_space<vmem_shared>>
      tpu.wait_dma2 semaphore(%run_scoped3A : memref<!tpu.dma_semaphore, #tpu.memory_space<semaphore_mem>>) src(%arg11 : memref<32x128xf32, #tpu.memory_space<vmem>>) dst(%dma_wait3A_110 : memref<32x128xf32, #tpu.memory_space<vmem_shared>>)
      tpu.yield
    }) : () -> ()
    %mul3A_84 = arith.constant 640 : i32
    %mul3A_85 = arith.muli %arg1, %mul3A_84 : i32
    %add3A_86 = arith.constant 608 : i32
    %add3A_87 = arith.addi %mul3A_85, %add3A_86 : i32
    "tpu.region"() ({
      %run_scoped3A = tpu.sem_alloc : memref<!tpu.dma_semaphore, #tpu.memory_space<semaphore_mem>>
      %dma_start3A = arith.constant 0 : i32
      %dma_start3A_105 = tpu.memref_slice %arg7[%add3A_87, %dma_start3A] : memref<10240x128xf32, #tpu.memory_space<vmem_shared>> -> memref<32x128xf32, #tpu.memory_space<vmem_shared>>
      %dma_start3A_106 = arith.constant 0 : i32
      %dma_start3A_107 = tpu.memref_slice %arg7[%add3A_87, %dma_start3A_106] : memref<10240x128xf32, #tpu.memory_space<vmem_shared>> -> memref<32x128xf32, #tpu.memory_space<vmem_shared>>
      tpu.enqueue_dma source(%arg11 : memref<32x128xf32, #tpu.memory_space<vmem>>) target(%dma_start3A_107 : memref<32x128xf32, #tpu.memory_space<vmem_shared>>) target_semaphore(%run_scoped3A : memref<!tpu.dma_semaphore, #tpu.memory_space<semaphore_mem>>)
      %dma_wait3A = arith.constant 0 : i32
      %dma_wait3A_108 = tpu.memref_slice %arg7[%add3A_87, %dma_wait3A] : memref<10240x128xf32, #tpu.memory_space<vmem_shared>> -> memref<32x128xf32, #tpu.memory_space<vmem_shared>>
      %dma_wait3A_109 = arith.constant 0 : i32
      %dma_wait3A_110 = tpu.memref_slice %arg7[%add3A_87, %dma_wait3A_109] : memref<10240x128xf32, #tpu.memory_space<vmem_shared>> -> memref<32x128xf32, #tpu.memory_space<vmem_shared>>
      tpu.wait_dma2 semaphore(%run_scoped3A : memref<!tpu.dma_semaphore, #tpu.memory_space<semaphore_mem>>) src(%arg11 : memref<32x128xf32, #tpu.memory_space<vmem>>) dst(%dma_wait3A_110 : memref<32x128xf32, #tpu.memory_space<vmem_shared>>)
      tpu.yield
    }) : () -> ()
    %barrier3A = arith.constant 0 : index
    tpu.barrier barrier_id(%barrier3A)
    %scan3A_88 = arith.constant 0 : i32
    %scan3A_89 = arith.constant 0 : i32
    %scan3A_90 = arith.constant 125 : i32
    %scan3A_91 = arith.addi %scan3A_89, %scan3A_90 : i32
    %scan3A_92 = arith.constant 1 : i32
    %scan3A_93 = scf.for %scan3A_105 = %scan3A_89 to %scan3A_91 step %scan3A_92 iter_args(%scan3A_106 = %scan3A_88) -> (i32)  : i32 {
      %run_scoped3A = arith.constant 0 : i32
      "tpu.region"() ({
        %run_scoped3A_113 = tpu.sem_alloc : memref<!tpu.dma_semaphore, #tpu.memory_space<semaphore_mem>>
        %dma_start3A_114 = arith.constant 0 : i32
        %dma_start3A_115 = tpu.memref_slice %arg3[%add3A, %scan3A_105, %run_scoped3A, %dma_start3A_114] : memref<32x125x1x80xi32, #tpu.memory_space<hbm>> -> memref<1x1x1x80xi32, #tpu.memory_space<hbm>>
        %dma_start3A_116 = tpu.memref_squeeze %dma_start3A_115 : memref<1x1x1x80xi32, #tpu.memory_space<hbm>> -> memref<80xi32, #tpu.memory_space<hbm>>
        %dma_start3A_117 = arith.constant 0 : i32
        %dma_start3A_118 = tpu.memref_slice %arg3[%add3A, %scan3A_105, %run_scoped3A, %dma_start3A_117] : memref<32x125x1x80xi32, #tpu.memory_space<hbm>> -> memref<1x1x1x80xi32, #tpu.memory_space<hbm>>
        %dma_start3A_119 = tpu.memref_squeeze %dma_start3A_118 : memref<1x1x1x80xi32, #tpu.memory_space<hbm>> -> memref<80xi32, #tpu.memory_space<hbm>>
        tpu.enqueue_dma source(%dma_start3A_119 : memref<80xi32, #tpu.memory_space<hbm>>) target(%arg8 : memref<80xi32, #tpu.memory_space<vmem>>) target_semaphore(%run_scoped3A_113 : memref<!tpu.dma_semaphore, #tpu.memory_space<semaphore_mem>>)
        %dma_wait3A_120 = arith.constant 0 : i32
        %dma_wait3A_121 = tpu.memref_slice %arg3[%add3A, %scan3A_105, %run_scoped3A, %dma_wait3A_120] : memref<32x125x1x80xi32, #tpu.memory_space<hbm>> -> memref<1x1x1x80xi32, #tpu.memory_space<hbm>>
        %dma_wait3A_122 = tpu.memref_squeeze %dma_wait3A_121 : memref<1x1x1x80xi32, #tpu.memory_space<hbm>> -> memref<80xi32, #tpu.memory_space<hbm>>
        %dma_wait3A_123 = arith.constant 0 : i32
        %dma_wait3A_124 = tpu.memref_slice %arg3[%add3A, %scan3A_105, %run_scoped3A, %dma_wait3A_123] : memref<32x125x1x80xi32, #tpu.memory_space<hbm>> -> memref<1x1x1x80xi32, #tpu.memory_space<hbm>>
        %dma_wait3A_125 = tpu.memref_squeeze %dma_wait3A_124 : memref<1x1x1x80xi32, #tpu.memory_space<hbm>> -> memref<80xi32, #tpu.memory_space<hbm>>
        tpu.wait_dma2 semaphore(%run_scoped3A_113 : memref<!tpu.dma_semaphore, #tpu.memory_space<semaphore_mem>>) src(%dma_wait3A_125 : memref<80xi32, #tpu.memory_space<hbm>>) dst(%arg8 : memref<80xi32, #tpu.memory_space<vmem>>)
        tpu.yield
      }) : () -> ()
      %run_scoped3A_107 = arith.constant 0 : i32
      "tpu.region"() ({
        %run_scoped3A_113 = tpu.sem_alloc : memref<!tpu.dma_semaphore, #tpu.memory_space<semaphore_mem>>
        %dma_start3A_114 = arith.constant 0 : i32
        %dma_start3A_115 = tpu.memref_slice %arg4[%add3A, %scan3A_105, %run_scoped3A_107, %dma_start3A_114] : memref<32x125x1x80xi32, #tpu.memory_space<hbm>> -> memref<1x1x1x80xi32, #tpu.memory_space<hbm>>
        %dma_start3A_116 = tpu.memref_squeeze %dma_start3A_115 : memref<1x1x1x80xi32, #tpu.memory_space<hbm>> -> memref<80xi32, #tpu.memory_space<hbm>>
        %dma_start3A_117 = arith.constant 0 : i32
        %dma_start3A_118 = tpu.memref_slice %arg4[%add3A, %scan3A_105, %run_scoped3A_107, %dma_start3A_117] : memref<32x125x1x80xi32, #tpu.memory_space<hbm>> -> memref<1x1x1x80xi32, #tpu.memory_space<hbm>>
        %dma_start3A_119 = tpu.memref_squeeze %dma_start3A_118 : memref<1x1x1x80xi32, #tpu.memory_space<hbm>> -> memref<80xi32, #tpu.memory_space<hbm>>
        tpu.enqueue_dma source(%dma_start3A_119 : memref<80xi32, #tpu.memory_space<hbm>>) target(%arg9 : memref<80xi32, #tpu.memory_space<vmem>>) target_semaphore(%run_scoped3A_113 : memref<!tpu.dma_semaphore, #tpu.memory_space<semaphore_mem>>)
        %dma_wait3A_120 = arith.constant 0 : i32
        %dma_wait3A_121 = tpu.memref_slice %arg4[%add3A, %scan3A_105, %run_scoped3A_107, %dma_wait3A_120] : memref<32x125x1x80xi32, #tpu.memory_space<hbm>> -> memref<1x1x1x80xi32, #tpu.memory_space<hbm>>
        %dma_wait3A_122 = tpu.memref_squeeze %dma_wait3A_121 : memref<1x1x1x80xi32, #tpu.memory_space<hbm>> -> memref<80xi32, #tpu.memory_space<hbm>>
        %dma_wait3A_123 = arith.constant 0 : i32
        %dma_wait3A_124 = tpu.memref_slice %arg4[%add3A, %scan3A_105, %run_scoped3A_107, %dma_wait3A_123] : memref<32x125x1x80xi32, #tpu.memory_space<hbm>> -> memref<1x1x1x80xi32, #tpu.memory_space<hbm>>
        %dma_wait3A_125 = tpu.memref_squeeze %dma_wait3A_124 : memref<1x1x1x80xi32, #tpu.memory_space<hbm>> -> memref<80xi32, #tpu.memory_space<hbm>>
        tpu.wait_dma2 semaphore(%run_scoped3A_113 : memref<!tpu.dma_semaphore, #tpu.memory_space<semaphore_mem>>) src(%dma_wait3A_125 : memref<80xi32, #tpu.memory_space<hbm>>) dst(%arg9 : memref<80xi32, #tpu.memory_space<vmem>>)
        tpu.yield
      }) : () -> ()
      %dma_start3A = arith.constant 0 : i32
      %dma_start3A_108 = arith.constant 0 : i32
      %dma_start3A_109 = tpu.memref_slice %arg2[%dma_start3A, %dma_start3A_108] : memref<10240x128xf32, #tpu.memory_space<hbm>> -> memref<10240x128xf32, #tpu.memory_space<hbm>>
      tpu.enqueue_indirect_dma source(%dma_start3A_109 : memref<10240x128xf32, #tpu.memory_space<hbm>>) target(%arg10 : memref<80x128xf32, #tpu.memory_space<vmem>>) offsets(%arg8 : memref<80xi32, #tpu.memory_space<vmem>>) semaphore(%arg12 : memref<!tpu.dma_semaphore, #tpu.memory_space<semaphore_mem>>)
      %dma_wait3A = arith.constant 0 : i32
      %dma_wait3A_110 = arith.constant 0 : i32
      %dma_wait3A_111 = tpu.memref_slice %arg2[%dma_wait3A, %dma_wait3A_110] : memref<10240x128xf32, #tpu.memory_space<hbm>> -> memref<10240x128xf32, #tpu.memory_space<hbm>>
      tpu.wait_indirect_dma semaphore(%arg12 : memref<!tpu.dma_semaphore, #tpu.memory_space<semaphore_mem>>) src(%dma_wait3A_111 : memref<10240x128xf32, #tpu.memory_space<hbm>>) dst(%arg10 : memref<80x128xf32, #tpu.memory_space<vmem>>)
      "tpu.region"() ({
        %run_scoped3A_113 = tpu.sem_alloc : memref<!tpu.dma_semaphore, #tpu.memory_space<semaphore_mem>>
        %dma_start3A_114 = arith.constant 0 : i32
        %dma_start3A_115 = arith.constant 0 : i32
        %dma_start3A_116 = tpu.memref_slice %arg7[%dma_start3A_114, %dma_start3A_115] : memref<10240x128xf32, #tpu.memory_space<vmem_shared>> -> memref<10240x128xf32, #tpu.memory_space<vmem_shared>>
        tpu.enqueue_indirect_dma source(%arg10 : memref<80x128xf32, #tpu.memory_space<vmem>>) target(%dma_start3A_116 : memref<10240x128xf32, #tpu.memory_space<vmem_shared>>) offsets(%arg9 : memref<80xi32, #tpu.memory_space<vmem>>) semaphore(%run_scoped3A_113 : memref<!tpu.dma_semaphore, #tpu.memory_space<semaphore_mem>>) {add = true}
        %dma_wait3A_117 = arith.constant 0 : i32
        %dma_wait3A_118 = arith.constant 0 : i32
        %dma_wait3A_119 = tpu.memref_slice %arg7[%dma_wait3A_117, %dma_wait3A_118] : memref<10240x128xf32, #tpu.memory_space<vmem_shared>> -> memref<10240x128xf32, #tpu.memory_space<vmem_shared>>
        tpu.wait_indirect_dma semaphore(%run_scoped3A_113 : memref<!tpu.dma_semaphore, #tpu.memory_space<semaphore_mem>>) src(%arg10 : memref<80x128xf32, #tpu.memory_space<vmem>>) dst(%dma_wait3A_119 : memref<10240x128xf32, #tpu.memory_space<vmem_shared>>)
        tpu.yield
      }) : () -> ()
      %scan3A_112 = arith.constant 0 : i32
      scf.yield %scan3A_112 : i32
    }
    %scan3A_94 = arith.constant 125 : i32
    %barrier3A_95 = arith.constant 0 : index
    tpu.barrier barrier_id(%barrier3A_95)
    %mul3A_96 = arith.constant 640 : i32
    %mul3A_97 = arith.muli %arg1, %mul3A_96 : i32
    %eq3A = arith.constant 0 : i32
    %eq3A_98 = arith.cmpi eq, %arg0, %eq3A : i32
    %convert_element_type3A = arith.extui %eq3A_98 : i1 to i32
    %cond3A = arith.constant 0 : i32
    %cond3A_99 = arith.cmpi ne, %convert_element_type3A, %cond3A : i32
    scf.if %cond3A_99 {
      "tpu.region"() ({
        %run_scoped3A = tpu.sem_alloc : memref<!tpu.dma_semaphore, #tpu.memory_space<semaphore_mem>>
        %dma_start3A = arith.constant 0 : i32
        %dma_start3A_105 = tpu.memref_slice %arg5[%mul3A_97, %dma_start3A] : memref<10240x128xf32, #tpu.memory_space<hbm>> -> memref<640x128xf32, #tpu.memory_space<hbm>>
        %dma_start3A_106 = arith.constant 0 : i32
        %dma_start3A_107 = tpu.memref_slice %arg7[%mul3A_97, %dma_start3A_106] : memref<10240x128xf32, #tpu.memory_space<vmem_shared>> -> memref<640x128xf32, #tpu.memory_space<vmem_shared>>
        tpu.enqueue_dma source(%dma_start3A_107 : memref<640x128xf32, #tpu.memory_space<vmem_shared>>) target(%dma_start3A_105 : memref<640x128xf32, #tpu.memory_space<hbm>>) target_semaphore(%run_scoped3A : memref<!tpu.dma_semaphore, #tpu.memory_space<semaphore_mem>>)
        %dma_wait3A = arith.constant 0 : i32
        %dma_wait3A_108 = tpu.memref_slice %arg5[%mul3A_97, %dma_wait3A] : memref<10240x128xf32, #tpu.memory_space<hbm>> -> memref<640x128xf32, #tpu.memory_space<hbm>>
        %dma_wait3A_109 = arith.constant 0 : i32
        %dma_wait3A_110 = tpu.memref_slice %arg7[%mul3A_97, %dma_wait3A_109] : memref<10240x128xf32, #tpu.memory_space<vmem_shared>> -> memref<640x128xf32, #tpu.memory_space<vmem_shared>>
        tpu.wait_dma2 semaphore(%run_scoped3A : memref<!tpu.dma_semaphore, #tpu.memory_space<semaphore_mem>>) src(%dma_wait3A_110 : memref<640x128xf32, #tpu.memory_space<vmem_shared>>) dst(%dma_wait3A_108 : memref<640x128xf32, #tpu.memory_space<hbm>>)
        tpu.yield
      }) : () -> ()
    } else {
    }
    %eq3A_100 = arith.constant 1 : i32
    %eq3A_101 = arith.cmpi eq, %arg0, %eq3A_100 : i32
    %convert_element_type3A_102 = arith.extui %eq3A_101 : i1 to i32
    %cond3A_103 = arith.constant 0 : i32
    %cond3A_104 = arith.cmpi ne, %convert_element_type3A_102, %cond3A_103 : i32
    scf.if %cond3A_104 {
      "tpu.region"() ({
        %run_scoped3A = tpu.sem_alloc : memref<!tpu.dma_semaphore, #tpu.memory_space<semaphore_mem>>
        %dma_start3A = arith.constant 0 : i32
        %dma_start3A_105 = tpu.memref_slice %arg6[%mul3A_97, %dma_start3A] : memref<10240x128xf32, #tpu.memory_space<hbm>> -> memref<640x128xf32, #tpu.memory_space<hbm>>
        %dma_start3A_106 = arith.constant 0 : i32
        %dma_start3A_107 = tpu.memref_slice %arg7[%mul3A_97, %dma_start3A_106] : memref<10240x128xf32, #tpu.memory_space<vmem_shared>> -> memref<640x128xf32, #tpu.memory_space<vmem_shared>>
        tpu.enqueue_dma source(%dma_start3A_107 : memref<640x128xf32, #tpu.memory_space<vmem_shared>>) target(%dma_start3A_105 : memref<640x128xf32, #tpu.memory_space<hbm>>) target_semaphore(%run_scoped3A : memref<!tpu.dma_semaphore, #tpu.memory_space<semaphore_mem>>)
        %dma_wait3A = arith.constant 0 : i32
        %dma_wait3A_108 = tpu.memref_slice %arg6[%mul3A_97, %dma_wait3A] : memref<10240x128xf32, #tpu.memory_space<hbm>> -> memref<640x128xf32, #tpu.memory_space<hbm>>
        %dma_wait3A_109 = arith.constant 0 : i32
        %dma_wait3A_110 = tpu.memref_slice %arg7[%mul3A_97, %dma_wait3A_109] : memref<10240x128xf32, #tpu.memory_space<vmem_shared>> -> memref<640x128xf32, #tpu.memory_space<vmem_shared>>
        tpu.wait_dma2 semaphore(%run_scoped3A : memref<!tpu.dma_semaphore, #tpu.memory_space<semaphore_mem>>) src(%dma_wait3A_110 : memref<640x128xf32, #tpu.memory_space<vmem_shared>>) dst(%dma_wait3A_108 : memref<640x128xf32, #tpu.memory_space<hbm>>)
        tpu.yield
      }) : () -> ()
    } else {
    }
    return
  }
}

#map = affine_map<(d0, d1) -> (0, 0, 0, 0)>
#map1 = affine_map<(d0, d1) -> (0, 0)>
module attributes {stable_mosaic.version = 14 : i64} {
  func.func @k(%arg0: i32, %arg1: i32, %arg2: memref<32x80x1x128xi32, #tpu.memory_space<hbm>>, %arg3: memref<10240x128xf32, #tpu.memory_space<hbm>>, %arg4: memref<10240x128xf32, #tpu.memory_space<hbm>>, %arg5: memref<10240x128xf32, #tpu.memory_space<vmem_shared>>, %arg6: memref<128xi32, #tpu.memory_space<vmem>>, %arg7: memref<128xi32, #tpu.memory_space<vmem>>, %arg8: memref<128x128xf32, #tpu.memory_space<vmem>>, %arg9: memref<32x128xf32, #tpu.memory_space<vmem>>, %arg10: memref<!tpu.dma_semaphore, #tpu.memory_space<semaphore_mem>>, %arg11: memref<!tpu.dma_semaphore, #tpu.memory_space<semaphore_mem>>) attributes {dimension_semantics = [#tpu.dimension_semantics<core_parallel>, #tpu.dimension_semantics<subcore_parallel>], iteration_bounds = array<i64: 2, 16>, scalar_prefetch = 0 : i64, scratch_operands = 7 : i64, tpu.core_type = #tpu.core_type<sc_vector_subcore>, window_params = [{transform_indices = #map}, {transform_indices = #map1}, {transform_indices = #map1}]} {
    %mul3A = arith.constant 2 : i32
    %mul3A_0 = arith.muli %arg1, %mul3A : i32
    %add3A = arith.addi %mul3A_0, %arg0 : i32
    %broadcast_in_dim3A = arith.constant 0.000000e+00 : f32
    %broadcast_in_dim3A_1 = vector.broadcast %broadcast_in_dim3A : f32 to vector<16xf32>
    %scan3A = arith.constant 0 : i32
    %scan3A_2 = arith.constant 0 : i32
    %scan3A_3 = arith.constant 32 : i32
    %scan3A_4 = arith.addi %scan3A_2, %scan3A_3 : i32
    %scan3A_5 = arith.constant 1 : i32
    %scan3A_6 = scf.for %scan3A_114 = %scan3A_2 to %scan3A_4 step %scan3A_5 iter_args(%scan3A_115 = %scan3A) -> (i32)  : i32 {
      %swap3A = arith.index_cast %scan3A_114 : i32 to index
      %swap3A_116 = arith.constant 0 : index
      %swap3A_117 = tpu.vector_load %arg9[%swap3A, %swap3A_116] {strides = array<i32>} : memref<32x128xf32, #tpu.memory_space<vmem>>, vector<1x16xf32>,
      %swap3A_118 = vector.shape_cast %swap3A_117 : vector<1x16xf32> to vector<16xf32>
      %swap3A_119 = vector.shape_cast %broadcast_in_dim3A_1 : vector<16xf32> to vector<1x16xf32>
      tpu.vector_store %arg9[%swap3A, %swap3A_116], %swap3A_119 {strides = array<i32>} : memref<32x128xf32, #tpu.memory_space<vmem>>, vector<1x16xf32>,
      %swap3A_120 = arith.index_cast %scan3A_114 : i32 to index
      %swap3A_121 = arith.constant 16 : index
      %swap3A_122 = tpu.vector_load %arg9[%swap3A_120, %swap3A_121] {strides = array<i32>} : memref<32x128xf32, #tpu.memory_space<vmem>>, vector<1x16xf32>,
      %swap3A_123 = vector.shape_cast %swap3A_122 : vector<1x16xf32> to vector<16xf32>
      %swap3A_124 = vector.shape_cast %broadcast_in_dim3A_1 : vector<16xf32> to vector<1x16xf32>
      tpu.vector_store %arg9[%swap3A_120, %swap3A_121], %swap3A_124 {strides = array<i32>} : memref<32x128xf32, #tpu.memory_space<vmem>>, vector<1x16xf32>,
      %swap3A_125 = arith.index_cast %scan3A_114 : i32 to index
      %swap3A_126 = arith.constant 32 : index
      %swap3A_127 = tpu.vector_load %arg9[%swap3A_125, %swap3A_126] {strides = array<i32>} : memref<32x128xf32, #tpu.memory_space<vmem>>, vector<1x16xf32>,
      %swap3A_128 = vector.shape_cast %swap3A_127 : vector<1x16xf32> to vector<16xf32>
      %swap3A_129 = vector.shape_cast %broadcast_in_dim3A_1 : vector<16xf32> to vector<1x16xf32>
      tpu.vector_store %arg9[%swap3A_125, %swap3A_126], %swap3A_129 {strides = array<i32>} : memref<32x128xf32, #tpu.memory_space<vmem>>, vector<1x16xf32>,
      %swap3A_130 = arith.index_cast %scan3A_114 : i32 to index
      %swap3A_131 = arith.constant 48 : index
      %swap3A_132 = tpu.vector_load %arg9[%swap3A_130, %swap3A_131] {strides = array<i32>} : memref<32x128xf32, #tpu.memory_space<vmem>>, vector<1x16xf32>,
      %swap3A_133 = vector.shape_cast %swap3A_132 : vector<1x16xf32> to vector<16xf32>
      %swap3A_134 = vector.shape_cast %broadcast_in_dim3A_1 : vector<16xf32> to vector<1x16xf32>
      tpu.vector_store %arg9[%swap3A_130, %swap3A_131], %swap3A_134 {strides = array<i32>} : memref<32x128xf32, #tpu.memory_space<vmem>>, vector<1x16xf32>,
      %swap3A_135 = arith.index_cast %scan3A_114 : i32 to index
      %swap3A_136 = arith.constant 64 : index
      %swap3A_137 = tpu.vector_load %arg9[%swap3A_135, %swap3A_136] {strides = array<i32>} : memref<32x128xf32, #tpu.memory_space<vmem>>, vector<1x16xf32>,
      %swap3A_138 = vector.shape_cast %swap3A_137 : vector<1x16xf32> to vector<16xf32>
      %swap3A_139 = vector.shape_cast %broadcast_in_dim3A_1 : vector<16xf32> to vector<1x16xf32>
      tpu.vector_store %arg9[%swap3A_135, %swap3A_136], %swap3A_139 {strides = array<i32>} : memref<32x128xf32, #tpu.memory_space<vmem>>, vector<1x16xf32>,
      %swap3A_140 = arith.index_cast %scan3A_114 : i32 to index
      %swap3A_141 = arith.constant 80 : index
      %swap3A_142 = tpu.vector_load %arg9[%swap3A_140, %swap3A_141] {strides = array<i32>} : memref<32x128xf32, #tpu.memory_space<vmem>>, vector<1x16xf32>,
      %swap3A_143 = vector.shape_cast %swap3A_142 : vector<1x16xf32> to vector<16xf32>
      %swap3A_144 = vector.shape_cast %broadcast_in_dim3A_1 : vector<16xf32> to vector<1x16xf32>
      tpu.vector_store %arg9[%swap3A_140, %swap3A_141], %swap3A_144 {strides = array<i32>} : memref<32x128xf32, #tpu.memory_space<vmem>>, vector<1x16xf32>,
      %swap3A_145 = arith.index_cast %scan3A_114 : i32 to index
      %swap3A_146 = arith.constant 96 : index
      %swap3A_147 = tpu.vector_load %arg9[%swap3A_145, %swap3A_146] {strides = array<i32>} : memref<32x128xf32, #tpu.memory_space<vmem>>, vector<1x16xf32>,
      %swap3A_148 = vector.shape_cast %swap3A_147 : vector<1x16xf32> to vector<16xf32>
      %swap3A_149 = vector.shape_cast %broadcast_in_dim3A_1 : vector<16xf32> to vector<1x16xf32>
      tpu.vector_store %arg9[%swap3A_145, %swap3A_146], %swap3A_149 {strides = array<i32>} : memref<32x128xf32, #tpu.memory_space<vmem>>, vector<1x16xf32>,
      %swap3A_150 = arith.index_cast %scan3A_114 : i32 to index
      %swap3A_151 = arith.constant 112 : index
      %swap3A_152 = tpu.vector_load %arg9[%swap3A_150, %swap3A_151] {strides = array<i32>} : memref<32x128xf32, #tpu.memory_space<vmem>>, vector<1x16xf32>,
      %swap3A_153 = vector.shape_cast %swap3A_152 : vector<1x16xf32> to vector<16xf32>
      %swap3A_154 = vector.shape_cast %broadcast_in_dim3A_1 : vector<16xf32> to vector<1x16xf32>
      tpu.vector_store %arg9[%swap3A_150, %swap3A_151], %swap3A_154 {strides = array<i32>} : memref<32x128xf32, #tpu.memory_space<vmem>>, vector<1x16xf32>,
      %scan3A_155 = arith.constant 0 : i32
      scf.yield %scan3A_155 : i32
    }
    %scan3A_7 = arith.constant 32 : i32
    %broadcast_in_dim3A_8 = arith.constant 1.000000e+00 : f32
    %broadcast_in_dim3A_9 = vector.broadcast %broadcast_in_dim3A_8 : f32 to vector<16xf32>
    %scan3A_10 = arith.constant 0 : i32
    %scan3A_11 = arith.constant 0 : i32
    %scan3A_12 = arith.constant 128 : i32
    %scan3A_13 = arith.addi %scan3A_11, %scan3A_12 : i32
    %scan3A_14 = arith.constant 1 : i32
    %scan3A_15 = scf.for %scan3A_114 = %scan3A_11 to %scan3A_13 step %scan3A_14 iter_args(%scan3A_115 = %scan3A_10) -> (i32)  : i32 {
      %swap3A = arith.index_cast %scan3A_114 : i32 to index
      %swap3A_116 = arith.constant 0 : index
      %swap3A_117 = tpu.vector_load %arg8[%swap3A, %swap3A_116] {strides = array<i32>} : memref<128x128xf32, #tpu.memory_space<vmem>>, vector<1x16xf32>,
      %swap3A_118 = vector.shape_cast %swap3A_117 : vector<1x16xf32> to vector<16xf32>
      %swap3A_119 = vector.shape_cast %broadcast_in_dim3A_9 : vector<16xf32> to vector<1x16xf32>
      tpu.vector_store %arg8[%swap3A, %swap3A_116], %swap3A_119 {strides = array<i32>} : memref<128x128xf32, #tpu.memory_space<vmem>>, vector<1x16xf32>,
      %swap3A_120 = arith.index_cast %scan3A_114 : i32 to index
      %swap3A_121 = arith.constant 16 : index
      %swap3A_122 = tpu.vector_load %arg8[%swap3A_120, %swap3A_121] {strides = array<i32>} : memref<128x128xf32, #tpu.memory_space<vmem>>, vector<1x16xf32>,
      %swap3A_123 = vector.shape_cast %swap3A_122 : vector<1x16xf32> to vector<16xf32>
      %swap3A_124 = vector.shape_cast %broadcast_in_dim3A_9 : vector<16xf32> to vector<1x16xf32>
      tpu.vector_store %arg8[%swap3A_120, %swap3A_121], %swap3A_124 {strides = array<i32>} : memref<128x128xf32, #tpu.memory_space<vmem>>, vector<1x16xf32>,
      %swap3A_125 = arith.index_cast %scan3A_114 : i32 to index
      %swap3A_126 = arith.constant 32 : index
      %swap3A_127 = tpu.vector_load %arg8[%swap3A_125, %swap3A_126] {strides = array<i32>} : memref<128x128xf32, #tpu.memory_space<vmem>>, vector<1x16xf32>,
      %swap3A_128 = vector.shape_cast %swap3A_127 : vector<1x16xf32> to vector<16xf32>
      %swap3A_129 = vector.shape_cast %broadcast_in_dim3A_9 : vector<16xf32> to vector<1x16xf32>
      tpu.vector_store %arg8[%swap3A_125, %swap3A_126], %swap3A_129 {strides = array<i32>} : memref<128x128xf32, #tpu.memory_space<vmem>>, vector<1x16xf32>,
      %swap3A_130 = arith.index_cast %scan3A_114 : i32 to index
      %swap3A_131 = arith.constant 48 : index
      %swap3A_132 = tpu.vector_load %arg8[%swap3A_130, %swap3A_131] {strides = array<i32>} : memref<128x128xf32, #tpu.memory_space<vmem>>, vector<1x16xf32>,
      %swap3A_133 = vector.shape_cast %swap3A_132 : vector<1x16xf32> to vector<16xf32>
      %swap3A_134 = vector.shape_cast %broadcast_in_dim3A_9 : vector<16xf32> to vector<1x16xf32>
      tpu.vector_store %arg8[%swap3A_130, %swap3A_131], %swap3A_134 {strides = array<i32>} : memref<128x128xf32, #tpu.memory_space<vmem>>, vector<1x16xf32>,
      %swap3A_135 = arith.index_cast %scan3A_114 : i32 to index
      %swap3A_136 = arith.constant 64 : index
      %swap3A_137 = tpu.vector_load %arg8[%swap3A_135, %swap3A_136] {strides = array<i32>} : memref<128x128xf32, #tpu.memory_space<vmem>>, vector<1x16xf32>,
      %swap3A_138 = vector.shape_cast %swap3A_137 : vector<1x16xf32> to vector<16xf32>
      %swap3A_139 = vector.shape_cast %broadcast_in_dim3A_9 : vector<16xf32> to vector<1x16xf32>
      tpu.vector_store %arg8[%swap3A_135, %swap3A_136], %swap3A_139 {strides = array<i32>} : memref<128x128xf32, #tpu.memory_space<vmem>>, vector<1x16xf32>,
      %swap3A_140 = arith.index_cast %scan3A_114 : i32 to index
      %swap3A_141 = arith.constant 80 : index
      %swap3A_142 = tpu.vector_load %arg8[%swap3A_140, %swap3A_141] {strides = array<i32>} : memref<128x128xf32, #tpu.memory_space<vmem>>, vector<1x16xf32>,
      %swap3A_143 = vector.shape_cast %swap3A_142 : vector<1x16xf32> to vector<16xf32>
      %swap3A_144 = vector.shape_cast %broadcast_in_dim3A_9 : vector<16xf32> to vector<1x16xf32>
      tpu.vector_store %arg8[%swap3A_140, %swap3A_141], %swap3A_144 {strides = array<i32>} : memref<128x128xf32, #tpu.memory_space<vmem>>, vector<1x16xf32>,
      %swap3A_145 = arith.index_cast %scan3A_114 : i32 to index
      %swap3A_146 = arith.constant 96 : index
      %swap3A_147 = tpu.vector_load %arg8[%swap3A_145, %swap3A_146] {strides = array<i32>} : memref<128x128xf32, #tpu.memory_space<vmem>>, vector<1x16xf32>,
      %swap3A_148 = vector.shape_cast %swap3A_147 : vector<1x16xf32> to vector<16xf32>
      %swap3A_149 = vector.shape_cast %broadcast_in_dim3A_9 : vector<16xf32> to vector<1x16xf32>
      tpu.vector_store %arg8[%swap3A_145, %swap3A_146], %swap3A_149 {strides = array<i32>} : memref<128x128xf32, #tpu.memory_space<vmem>>, vector<1x16xf32>,
      %swap3A_150 = arith.index_cast %scan3A_114 : i32 to index
      %swap3A_151 = arith.constant 112 : index
      %swap3A_152 = tpu.vector_load %arg8[%swap3A_150, %swap3A_151] {strides = array<i32>} : memref<128x128xf32, #tpu.memory_space<vmem>>, vector<1x16xf32>,
      %swap3A_153 = vector.shape_cast %swap3A_152 : vector<1x16xf32> to vector<16xf32>
      %swap3A_154 = vector.shape_cast %broadcast_in_dim3A_9 : vector<16xf32> to vector<1x16xf32>
      tpu.vector_store %arg8[%swap3A_150, %swap3A_151], %swap3A_154 {strides = array<i32>} : memref<128x128xf32, #tpu.memory_space<vmem>>, vector<1x16xf32>,
      %scan3A_155 = arith.constant 0 : i32
      scf.yield %scan3A_155 : i32
    }
    %scan3A_16 = arith.constant 128 : i32
    %mul3A_17 = arith.constant 640 : i32
    %mul3A_18 = arith.muli %arg1, %mul3A_17 : i32
    %add3A_19 = arith.constant 0 : i32
    %add3A_20 = arith.addi %mul3A_18, %add3A_19 : i32
    "tpu.region"() ({
      %run_scoped3A = tpu.sem_alloc : memref<!tpu.dma_semaphore, #tpu.memory_space<semaphore_mem>>
      %dma_start3A = arith.constant 0 : i32
      %dma_start3A_114 = tpu.memref_slice %arg5[%add3A_20, %dma_start3A] : memref<10240x128xf32, #tpu.memory_space<vmem_shared>> -> memref<32x128xf32, #tpu.memory_space<vmem_shared>>
      %dma_start3A_115 = arith.constant 0 : i32
      %dma_start3A_116 = tpu.memref_slice %arg5[%add3A_20, %dma_start3A_115] : memref<10240x128xf32, #tpu.memory_space<vmem_shared>> -> memref<32x128xf32, #tpu.memory_space<vmem_shared>>
      tpu.enqueue_dma source(%arg9 : memref<32x128xf32, #tpu.memory_space<vmem>>) target(%dma_start3A_116 : memref<32x128xf32, #tpu.memory_space<vmem_shared>>) target_semaphore(%run_scoped3A : memref<!tpu.dma_semaphore, #tpu.memory_space<semaphore_mem>>)
      %dma_wait3A = arith.constant 0 : i32
      %dma_wait3A_117 = tpu.memref_slice %arg5[%add3A_20, %dma_wait3A] : memref<10240x128xf32, #tpu.memory_space<vmem_shared>> -> memref<32x128xf32, #tpu.memory_space<vmem_shared>>
      %dma_wait3A_118 = arith.constant 0 : i32
      %dma_wait3A_119 = tpu.memref_slice %arg5[%add3A_20, %dma_wait3A_118] : memref<10240x128xf32, #tpu.memory_space<vmem_shared>> -> memref<32x128xf32, #tpu.memory_space<vmem_shared>>
      tpu.wait_dma2 semaphore(%run_scoped3A : memref<!tpu.dma_semaphore, #tpu.memory_space<semaphore_mem>>) src(%arg9 : memref<32x128xf32, #tpu.memory_space<vmem>>) dst(%dma_wait3A_119 : memref<32x128xf32, #tpu.memory_space<vmem_shared>>)
      tpu.yield
    }) : () -> ()
    %mul3A_21 = arith.constant 640 : i32
    %mul3A_22 = arith.muli %arg1, %mul3A_21 : i32
    %add3A_23 = arith.constant 32 : i32
    %add3A_24 = arith.addi %mul3A_22, %add3A_23 : i32
    "tpu.region"() ({
      %run_scoped3A = tpu.sem_alloc : memref<!tpu.dma_semaphore, #tpu.memory_space<semaphore_mem>>
      %dma_start3A = arith.constant 0 : i32
      %dma_start3A_114 = tpu.memref_slice %arg5[%add3A_24, %dma_start3A] : memref<10240x128xf32, #tpu.memory_space<vmem_shared>> -> memref<32x128xf32, #tpu.memory_space<vmem_shared>>
      %dma_start3A_115 = arith.constant 0 : i32
      %dma_start3A_116 = tpu.memref_slice %arg5[%add3A_24, %dma_start3A_115] : memref<10240x128xf32, #tpu.memory_space<vmem_shared>> -> memref<32x128xf32, #tpu.memory_space<vmem_shared>>
      tpu.enqueue_dma source(%arg9 : memref<32x128xf32, #tpu.memory_space<vmem>>) target(%dma_start3A_116 : memref<32x128xf32, #tpu.memory_space<vmem_shared>>) target_semaphore(%run_scoped3A : memref<!tpu.dma_semaphore, #tpu.memory_space<semaphore_mem>>)
      %dma_wait3A = arith.constant 0 : i32
      %dma_wait3A_117 = tpu.memref_slice %arg5[%add3A_24, %dma_wait3A] : memref<10240x128xf32, #tpu.memory_space<vmem_shared>> -> memref<32x128xf32, #tpu.memory_space<vmem_shared>>
      %dma_wait3A_118 = arith.constant 0 : i32
      %dma_wait3A_119 = tpu.memref_slice %arg5[%add3A_24, %dma_wait3A_118] : memref<10240x128xf32, #tpu.memory_space<vmem_shared>> -> memref<32x128xf32, #tpu.memory_space<vmem_shared>>
      tpu.wait_dma2 semaphore(%run_scoped3A : memref<!tpu.dma_semaphore, #tpu.memory_space<semaphore_mem>>) src(%arg9 : memref<32x128xf32, #tpu.memory_space<vmem>>) dst(%dma_wait3A_119 : memref<32x128xf32, #tpu.memory_space<vmem_shared>>)
      tpu.yield
    }) : () -> ()
    %mul3A_25 = arith.constant 640 : i32
    %mul3A_26 = arith.muli %arg1, %mul3A_25 : i32
    %add3A_27 = arith.constant 64 : i32
    %add3A_28 = arith.addi %mul3A_26, %add3A_27 : i32
    "tpu.region"() ({
      %run_scoped3A = tpu.sem_alloc : memref<!tpu.dma_semaphore, #tpu.memory_space<semaphore_mem>>
      %dma_start3A = arith.constant 0 : i32
      %dma_start3A_114 = tpu.memref_slice %arg5[%add3A_28, %dma_start3A] : memref<10240x128xf32, #tpu.memory_space<vmem_shared>> -> memref<32x128xf32, #tpu.memory_space<vmem_shared>>
      %dma_start3A_115 = arith.constant 0 : i32
      %dma_start3A_116 = tpu.memref_slice %arg5[%add3A_28, %dma_start3A_115] : memref<10240x128xf32, #tpu.memory_space<vmem_shared>> -> memref<32x128xf32, #tpu.memory_space<vmem_shared>>
      tpu.enqueue_dma source(%arg9 : memref<32x128xf32, #tpu.memory_space<vmem>>) target(%dma_start3A_116 : memref<32x128xf32, #tpu.memory_space<vmem_shared>>) target_semaphore(%run_scoped3A : memref<!tpu.dma_semaphore, #tpu.memory_space<semaphore_mem>>)
      %dma_wait3A = arith.constant 0 : i32
      %dma_wait3A_117 = tpu.memref_slice %arg5[%add3A_28, %dma_wait3A] : memref<10240x128xf32, #tpu.memory_space<vmem_shared>> -> memref<32x128xf32, #tpu.memory_space<vmem_shared>>
      %dma_wait3A_118 = arith.constant 0 : i32
      %dma_wait3A_119 = tpu.memref_slice %arg5[%add3A_28, %dma_wait3A_118] : memref<10240x128xf32, #tpu.memory_space<vmem_shared>> -> memref<32x128xf32, #tpu.memory_space<vmem_shared>>
      tpu.wait_dma2 semaphore(%run_scoped3A : memref<!tpu.dma_semaphore, #tpu.memory_space<semaphore_mem>>) src(%arg9 : memref<32x128xf32, #tpu.memory_space<vmem>>) dst(%dma_wait3A_119 : memref<32x128xf32, #tpu.memory_space<vmem_shared>>)
      tpu.yield
    }) : () -> ()
    %mul3A_29 = arith.constant 640 : i32
    %mul3A_30 = arith.muli %arg1, %mul3A_29 : i32
    %add3A_31 = arith.constant 96 : i32
    %add3A_32 = arith.addi %mul3A_30, %add3A_31 : i32
    "tpu.region"() ({
      %run_scoped3A = tpu.sem_alloc : memref<!tpu.dma_semaphore, #tpu.memory_space<semaphore_mem>>
      %dma_start3A = arith.constant 0 : i32
      %dma_start3A_114 = tpu.memref_slice %arg5[%add3A_32, %dma_start3A] : memref<10240x128xf32, #tpu.memory_space<vmem_shared>> -> memref<32x128xf32, #tpu.memory_space<vmem_shared>>
      %dma_start3A_115 = arith.constant 0 : i32
      %dma_start3A_116 = tpu.memref_slice %arg5[%add3A_32, %dma_start3A_115] : memref<10240x128xf32, #tpu.memory_space<vmem_shared>> -> memref<32x128xf32, #tpu.memory_space<vmem_shared>>
      tpu.enqueue_dma source(%arg9 : memref<32x128xf32, #tpu.memory_space<vmem>>) target(%dma_start3A_116 : memref<32x128xf32, #tpu.memory_space<vmem_shared>>) target_semaphore(%run_scoped3A : memref<!tpu.dma_semaphore, #tpu.memory_space<semaphore_mem>>)
      %dma_wait3A = arith.constant 0 : i32
      %dma_wait3A_117 = tpu.memref_slice %arg5[%add3A_32, %dma_wait3A] : memref<10240x128xf32, #tpu.memory_space<vmem_shared>> -> memref<32x128xf32, #tpu.memory_space<vmem_shared>>
      %dma_wait3A_118 = arith.constant 0 : i32
      %dma_wait3A_119 = tpu.memref_slice %arg5[%add3A_32, %dma_wait3A_118] : memref<10240x128xf32, #tpu.memory_space<vmem_shared>> -> memref<32x128xf32, #tpu.memory_space<vmem_shared>>
      tpu.wait_dma2 semaphore(%run_scoped3A : memref<!tpu.dma_semaphore, #tpu.memory_space<semaphore_mem>>) src(%arg9 : memref<32x128xf32, #tpu.memory_space<vmem>>) dst(%dma_wait3A_119 : memref<32x128xf32, #tpu.memory_space<vmem_shared>>)
      tpu.yield
    }) : () -> ()
    %mul3A_33 = arith.constant 640 : i32
    %mul3A_34 = arith.muli %arg1, %mul3A_33 : i32
    %add3A_35 = arith.constant 128 : i32
    %add3A_36 = arith.addi %mul3A_34, %add3A_35 : i32
    "tpu.region"() ({
      %run_scoped3A = tpu.sem_alloc : memref<!tpu.dma_semaphore, #tpu.memory_space<semaphore_mem>>
      %dma_start3A = arith.constant 0 : i32
      %dma_start3A_114 = tpu.memref_slice %arg5[%add3A_36, %dma_start3A] : memref<10240x128xf32, #tpu.memory_space<vmem_shared>> -> memref<32x128xf32, #tpu.memory_space<vmem_shared>>
      %dma_start3A_115 = arith.constant 0 : i32
      %dma_start3A_116 = tpu.memref_slice %arg5[%add3A_36, %dma_start3A_115] : memref<10240x128xf32, #tpu.memory_space<vmem_shared>> -> memref<32x128xf32, #tpu.memory_space<vmem_shared>>
      tpu.enqueue_dma source(%arg9 : memref<32x128xf32, #tpu.memory_space<vmem>>) target(%dma_start3A_116 : memref<32x128xf32, #tpu.memory_space<vmem_shared>>) target_semaphore(%run_scoped3A : memref<!tpu.dma_semaphore, #tpu.memory_space<semaphore_mem>>)
      %dma_wait3A = arith.constant 0 : i32
      %dma_wait3A_117 = tpu.memref_slice %arg5[%add3A_36, %dma_wait3A] : memref<10240x128xf32, #tpu.memory_space<vmem_shared>> -> memref<32x128xf32, #tpu.memory_space<vmem_shared>>
      %dma_wait3A_118 = arith.constant 0 : i32
      %dma_wait3A_119 = tpu.memref_slice %arg5[%add3A_36, %dma_wait3A_118] : memref<10240x128xf32, #tpu.memory_space<vmem_shared>> -> memref<32x128xf32, #tpu.memory_space<vmem_shared>>
      tpu.wait_dma2 semaphore(%run_scoped3A : memref<!tpu.dma_semaphore, #tpu.memory_space<semaphore_mem>>) src(%arg9 : memref<32x128xf32, #tpu.memory_space<vmem>>) dst(%dma_wait3A_119 : memref<32x128xf32, #tpu.memory_space<vmem_shared>>)
      tpu.yield
    }) : () -> ()
    %mul3A_37 = arith.constant 640 : i32
    %mul3A_38 = arith.muli %arg1, %mul3A_37 : i32
    %add3A_39 = arith.constant 160 : i32
    %add3A_40 = arith.addi %mul3A_38, %add3A_39 : i32
    "tpu.region"() ({
      %run_scoped3A = tpu.sem_alloc : memref<!tpu.dma_semaphore, #tpu.memory_space<semaphore_mem>>
      %dma_start3A = arith.constant 0 : i32
      %dma_start3A_114 = tpu.memref_slice %arg5[%add3A_40, %dma_start3A] : memref<10240x128xf32, #tpu.memory_space<vmem_shared>> -> memref<32x128xf32, #tpu.memory_space<vmem_shared>>
      %dma_start3A_115 = arith.constant 0 : i32
      %dma_start3A_116 = tpu.memref_slice %arg5[%add3A_40, %dma_start3A_115] : memref<10240x128xf32, #tpu.memory_space<vmem_shared>> -> memref<32x128xf32, #tpu.memory_space<vmem_shared>>
      tpu.enqueue_dma source(%arg9 : memref<32x128xf32, #tpu.memory_space<vmem>>) target(%dma_start3A_116 : memref<32x128xf32, #tpu.memory_space<vmem_shared>>) target_semaphore(%run_scoped3A : memref<!tpu.dma_semaphore, #tpu.memory_space<semaphore_mem>>)
      %dma_wait3A = arith.constant 0 : i32
      %dma_wait3A_117 = tpu.memref_slice %arg5[%add3A_40, %dma_wait3A] : memref<10240x128xf32, #tpu.memory_space<vmem_shared>> -> memref<32x128xf32, #tpu.memory_space<vmem_shared>>
      %dma_wait3A_118 = arith.constant 0 : i32
      %dma_wait3A_119 = tpu.memref_slice %arg5[%add3A_40, %dma_wait3A_118] : memref<10240x128xf32, #tpu.memory_space<vmem_shared>> -> memref<32x128xf32, #tpu.memory_space<vmem_shared>>
      tpu.wait_dma2 semaphore(%run_scoped3A : memref<!tpu.dma_semaphore, #tpu.memory_space<semaphore_mem>>) src(%arg9 : memref<32x128xf32, #tpu.memory_space<vmem>>) dst(%dma_wait3A_119 : memref<32x128xf32, #tpu.memory_space<vmem_shared>>)
      tpu.yield
    }) : () -> ()
    %mul3A_41 = arith.constant 640 : i32
    %mul3A_42 = arith.muli %arg1, %mul3A_41 : i32
    %add3A_43 = arith.constant 192 : i32
    %add3A_44 = arith.addi %mul3A_42, %add3A_43 : i32
    "tpu.region"() ({
      %run_scoped3A = tpu.sem_alloc : memref<!tpu.dma_semaphore, #tpu.memory_space<semaphore_mem>>
      %dma_start3A = arith.constant 0 : i32
      %dma_start3A_114 = tpu.memref_slice %arg5[%add3A_44, %dma_start3A] : memref<10240x128xf32, #tpu.memory_space<vmem_shared>> -> memref<32x128xf32, #tpu.memory_space<vmem_shared>>
      %dma_start3A_115 = arith.constant 0 : i32
      %dma_start3A_116 = tpu.memref_slice %arg5[%add3A_44, %dma_start3A_115] : memref<10240x128xf32, #tpu.memory_space<vmem_shared>> -> memref<32x128xf32, #tpu.memory_space<vmem_shared>>
      tpu.enqueue_dma source(%arg9 : memref<32x128xf32, #tpu.memory_space<vmem>>) target(%dma_start3A_116 : memref<32x128xf32, #tpu.memory_space<vmem_shared>>) target_semaphore(%run_scoped3A : memref<!tpu.dma_semaphore, #tpu.memory_space<semaphore_mem>>)
      %dma_wait3A = arith.constant 0 : i32
      %dma_wait3A_117 = tpu.memref_slice %arg5[%add3A_44, %dma_wait3A] : memref<10240x128xf32, #tpu.memory_space<vmem_shared>> -> memref<32x128xf32, #tpu.memory_space<vmem_shared>>
      %dma_wait3A_118 = arith.constant 0 : i32
      %dma_wait3A_119 = tpu.memref_slice %arg5[%add3A_44, %dma_wait3A_118] : memref<10240x128xf32, #tpu.memory_space<vmem_shared>> -> memref<32x128xf32, #tpu.memory_space<vmem_shared>>
      tpu.wait_dma2 semaphore(%run_scoped3A : memref<!tpu.dma_semaphore, #tpu.memory_space<semaphore_mem>>) src(%arg9 : memref<32x128xf32, #tpu.memory_space<vmem>>) dst(%dma_wait3A_119 : memref<32x128xf32, #tpu.memory_space<vmem_shared>>)
      tpu.yield
    }) : () -> ()
    %mul3A_45 = arith.constant 640 : i32
    %mul3A_46 = arith.muli %arg1, %mul3A_45 : i32
    %add3A_47 = arith.constant 224 : i32
    %add3A_48 = arith.addi %mul3A_46, %add3A_47 : i32
    "tpu.region"() ({
      %run_scoped3A = tpu.sem_alloc : memref<!tpu.dma_semaphore, #tpu.memory_space<semaphore_mem>>
      %dma_start3A = arith.constant 0 : i32
      %dma_start3A_114 = tpu.memref_slice %arg5[%add3A_48, %dma_start3A] : memref<10240x128xf32, #tpu.memory_space<vmem_shared>> -> memref<32x128xf32, #tpu.memory_space<vmem_shared>>
      %dma_start3A_115 = arith.constant 0 : i32
      %dma_start3A_116 = tpu.memref_slice %arg5[%add3A_48, %dma_start3A_115] : memref<10240x128xf32, #tpu.memory_space<vmem_shared>> -> memref<32x128xf32, #tpu.memory_space<vmem_shared>>
      tpu.enqueue_dma source(%arg9 : memref<32x128xf32, #tpu.memory_space<vmem>>) target(%dma_start3A_116 : memref<32x128xf32, #tpu.memory_space<vmem_shared>>) target_semaphore(%run_scoped3A : memref<!tpu.dma_semaphore, #tpu.memory_space<semaphore_mem>>)
      %dma_wait3A = arith.constant 0 : i32
      %dma_wait3A_117 = tpu.memref_slice %arg5[%add3A_48, %dma_wait3A] : memref<10240x128xf32, #tpu.memory_space<vmem_shared>> -> memref<32x128xf32, #tpu.memory_space<vmem_shared>>
      %dma_wait3A_118 = arith.constant 0 : i32
      %dma_wait3A_119 = tpu.memref_slice %arg5[%add3A_48, %dma_wait3A_118] : memref<10240x128xf32, #tpu.memory_space<vmem_shared>> -> memref<32x128xf32, #tpu.memory_space<vmem_shared>>
      tpu.wait_dma2 semaphore(%run_scoped3A : memref<!tpu.dma_semaphore, #tpu.memory_space<semaphore_mem>>) src(%arg9 : memref<32x128xf32, #tpu.memory_space<vmem>>) dst(%dma_wait3A_119 : memref<32x128xf32, #tpu.memory_space<vmem_shared>>)
      tpu.yield
    }) : () -> ()
    %mul3A_49 = arith.constant 640 : i32
    %mul3A_50 = arith.muli %arg1, %mul3A_49 : i32
    %add3A_51 = arith.constant 256 : i32
    %add3A_52 = arith.addi %mul3A_50, %add3A_51 : i32
    "tpu.region"() ({
      %run_scoped3A = tpu.sem_alloc : memref<!tpu.dma_semaphore, #tpu.memory_space<semaphore_mem>>
      %dma_start3A = arith.constant 0 : i32
      %dma_start3A_114 = tpu.memref_slice %arg5[%add3A_52, %dma_start3A] : memref<10240x128xf32, #tpu.memory_space<vmem_shared>> -> memref<32x128xf32, #tpu.memory_space<vmem_shared>>
      %dma_start3A_115 = arith.constant 0 : i32
      %dma_start3A_116 = tpu.memref_slice %arg5[%add3A_52, %dma_start3A_115] : memref<10240x128xf32, #tpu.memory_space<vmem_shared>> -> memref<32x128xf32, #tpu.memory_space<vmem_shared>>
      tpu.enqueue_dma source(%arg9 : memref<32x128xf32, #tpu.memory_space<vmem>>) target(%dma_start3A_116 : memref<32x128xf32, #tpu.memory_space<vmem_shared>>) target_semaphore(%run_scoped3A : memref<!tpu.dma_semaphore, #tpu.memory_space<semaphore_mem>>)
      %dma_wait3A = arith.constant 0 : i32
      %dma_wait3A_117 = tpu.memref_slice %arg5[%add3A_52, %dma_wait3A] : memref<10240x128xf32, #tpu.memory_space<vmem_shared>> -> memref<32x128xf32, #tpu.memory_space<vmem_shared>>
      %dma_wait3A_118 = arith.constant 0 : i32
      %dma_wait3A_119 = tpu.memref_slice %arg5[%add3A_52, %dma_wait3A_118] : memref<10240x128xf32, #tpu.memory_space<vmem_shared>> -> memref<32x128xf32, #tpu.memory_space<vmem_shared>>
      tpu.wait_dma2 semaphore(%run_scoped3A : memref<!tpu.dma_semaphore, #tpu.memory_space<semaphore_mem>>) src(%arg9 : memref<32x128xf32, #tpu.memory_space<vmem>>) dst(%dma_wait3A_119 : memref<32x128xf32, #tpu.memory_space<vmem_shared>>)
      tpu.yield
    }) : () -> ()
    %mul3A_53 = arith.constant 640 : i32
    %mul3A_54 = arith.muli %arg1, %mul3A_53 : i32
    %add3A_55 = arith.constant 288 : i32
    %add3A_56 = arith.addi %mul3A_54, %add3A_55 : i32
    "tpu.region"() ({
      %run_scoped3A = tpu.sem_alloc : memref<!tpu.dma_semaphore, #tpu.memory_space<semaphore_mem>>
      %dma_start3A = arith.constant 0 : i32
      %dma_start3A_114 = tpu.memref_slice %arg5[%add3A_56, %dma_start3A] : memref<10240x128xf32, #tpu.memory_space<vmem_shared>> -> memref<32x128xf32, #tpu.memory_space<vmem_shared>>
      %dma_start3A_115 = arith.constant 0 : i32
      %dma_start3A_116 = tpu.memref_slice %arg5[%add3A_56, %dma_start3A_115] : memref<10240x128xf32, #tpu.memory_space<vmem_shared>> -> memref<32x128xf32, #tpu.memory_space<vmem_shared>>
      tpu.enqueue_dma source(%arg9 : memref<32x128xf32, #tpu.memory_space<vmem>>) target(%dma_start3A_116 : memref<32x128xf32, #tpu.memory_space<vmem_shared>>) target_semaphore(%run_scoped3A : memref<!tpu.dma_semaphore, #tpu.memory_space<semaphore_mem>>)
      %dma_wait3A = arith.constant 0 : i32
      %dma_wait3A_117 = tpu.memref_slice %arg5[%add3A_56, %dma_wait3A] : memref<10240x128xf32, #tpu.memory_space<vmem_shared>> -> memref<32x128xf32, #tpu.memory_space<vmem_shared>>
      %dma_wait3A_118 = arith.constant 0 : i32
      %dma_wait3A_119 = tpu.memref_slice %arg5[%add3A_56, %dma_wait3A_118] : memref<10240x128xf32, #tpu.memory_space<vmem_shared>> -> memref<32x128xf32, #tpu.memory_space<vmem_shared>>
      tpu.wait_dma2 semaphore(%run_scoped3A : memref<!tpu.dma_semaphore, #tpu.memory_space<semaphore_mem>>) src(%arg9 : memref<32x128xf32, #tpu.memory_space<vmem>>) dst(%dma_wait3A_119 : memref<32x128xf32, #tpu.memory_space<vmem_shared>>)
      tpu.yield
    }) : () -> ()
    %mul3A_57 = arith.constant 640 : i32
    %mul3A_58 = arith.muli %arg1, %mul3A_57 : i32
    %add3A_59 = arith.constant 320 : i32
    %add3A_60 = arith.addi %mul3A_58, %add3A_59 : i32
    "tpu.region"() ({
      %run_scoped3A = tpu.sem_alloc : memref<!tpu.dma_semaphore, #tpu.memory_space<semaphore_mem>>
      %dma_start3A = arith.constant 0 : i32
      %dma_start3A_114 = tpu.memref_slice %arg5[%add3A_60, %dma_start3A] : memref<10240x128xf32, #tpu.memory_space<vmem_shared>> -> memref<32x128xf32, #tpu.memory_space<vmem_shared>>
      %dma_start3A_115 = arith.constant 0 : i32
      %dma_start3A_116 = tpu.memref_slice %arg5[%add3A_60, %dma_start3A_115] : memref<10240x128xf32, #tpu.memory_space<vmem_shared>> -> memref<32x128xf32, #tpu.memory_space<vmem_shared>>
      tpu.enqueue_dma source(%arg9 : memref<32x128xf32, #tpu.memory_space<vmem>>) target(%dma_start3A_116 : memref<32x128xf32, #tpu.memory_space<vmem_shared>>) target_semaphore(%run_scoped3A : memref<!tpu.dma_semaphore, #tpu.memory_space<semaphore_mem>>)
      %dma_wait3A = arith.constant 0 : i32
      %dma_wait3A_117 = tpu.memref_slice %arg5[%add3A_60, %dma_wait3A] : memref<10240x128xf32, #tpu.memory_space<vmem_shared>> -> memref<32x128xf32, #tpu.memory_space<vmem_shared>>
      %dma_wait3A_118 = arith.constant 0 : i32
      %dma_wait3A_119 = tpu.memref_slice %arg5[%add3A_60, %dma_wait3A_118] : memref<10240x128xf32, #tpu.memory_space<vmem_shared>> -> memref<32x128xf32, #tpu.memory_space<vmem_shared>>
      tpu.wait_dma2 semaphore(%run_scoped3A : memref<!tpu.dma_semaphore, #tpu.memory_space<semaphore_mem>>) src(%arg9 : memref<32x128xf32, #tpu.memory_space<vmem>>) dst(%dma_wait3A_119 : memref<32x128xf32, #tpu.memory_space<vmem_shared>>)
      tpu.yield
    }) : () -> ()
    %mul3A_61 = arith.constant 640 : i32
    %mul3A_62 = arith.muli %arg1, %mul3A_61 : i32
    %add3A_63 = arith.constant 352 : i32
    %add3A_64 = arith.addi %mul3A_62, %add3A_63 : i32
    "tpu.region"() ({
      %run_scoped3A = tpu.sem_alloc : memref<!tpu.dma_semaphore, #tpu.memory_space<semaphore_mem>>
      %dma_start3A = arith.constant 0 : i32
      %dma_start3A_114 = tpu.memref_slice %arg5[%add3A_64, %dma_start3A] : memref<10240x128xf32, #tpu.memory_space<vmem_shared>> -> memref<32x128xf32, #tpu.memory_space<vmem_shared>>
      %dma_start3A_115 = arith.constant 0 : i32
      %dma_start3A_116 = tpu.memref_slice %arg5[%add3A_64, %dma_start3A_115] : memref<10240x128xf32, #tpu.memory_space<vmem_shared>> -> memref<32x128xf32, #tpu.memory_space<vmem_shared>>
      tpu.enqueue_dma source(%arg9 : memref<32x128xf32, #tpu.memory_space<vmem>>) target(%dma_start3A_116 : memref<32x128xf32, #tpu.memory_space<vmem_shared>>) target_semaphore(%run_scoped3A : memref<!tpu.dma_semaphore, #tpu.memory_space<semaphore_mem>>)
      %dma_wait3A = arith.constant 0 : i32
      %dma_wait3A_117 = tpu.memref_slice %arg5[%add3A_64, %dma_wait3A] : memref<10240x128xf32, #tpu.memory_space<vmem_shared>> -> memref<32x128xf32, #tpu.memory_space<vmem_shared>>
      %dma_wait3A_118 = arith.constant 0 : i32
      %dma_wait3A_119 = tpu.memref_slice %arg5[%add3A_64, %dma_wait3A_118] : memref<10240x128xf32, #tpu.memory_space<vmem_shared>> -> memref<32x128xf32, #tpu.memory_space<vmem_shared>>
      tpu.wait_dma2 semaphore(%run_scoped3A : memref<!tpu.dma_semaphore, #tpu.memory_space<semaphore_mem>>) src(%arg9 : memref<32x128xf32, #tpu.memory_space<vmem>>) dst(%dma_wait3A_119 : memref<32x128xf32, #tpu.memory_space<vmem_shared>>)
      tpu.yield
    }) : () -> ()
    %mul3A_65 = arith.constant 640 : i32
    %mul3A_66 = arith.muli %arg1, %mul3A_65 : i32
    %add3A_67 = arith.constant 384 : i32
    %add3A_68 = arith.addi %mul3A_66, %add3A_67 : i32
    "tpu.region"() ({
      %run_scoped3A = tpu.sem_alloc : memref<!tpu.dma_semaphore, #tpu.memory_space<semaphore_mem>>
      %dma_start3A = arith.constant 0 : i32
      %dma_start3A_114 = tpu.memref_slice %arg5[%add3A_68, %dma_start3A] : memref<10240x128xf32, #tpu.memory_space<vmem_shared>> -> memref<32x128xf32, #tpu.memory_space<vmem_shared>>
      %dma_start3A_115 = arith.constant 0 : i32
      %dma_start3A_116 = tpu.memref_slice %arg5[%add3A_68, %dma_start3A_115] : memref<10240x128xf32, #tpu.memory_space<vmem_shared>> -> memref<32x128xf32, #tpu.memory_space<vmem_shared>>
      tpu.enqueue_dma source(%arg9 : memref<32x128xf32, #tpu.memory_space<vmem>>) target(%dma_start3A_116 : memref<32x128xf32, #tpu.memory_space<vmem_shared>>) target_semaphore(%run_scoped3A : memref<!tpu.dma_semaphore, #tpu.memory_space<semaphore_mem>>)
      %dma_wait3A = arith.constant 0 : i32
      %dma_wait3A_117 = tpu.memref_slice %arg5[%add3A_68, %dma_wait3A] : memref<10240x128xf32, #tpu.memory_space<vmem_shared>> -> memref<32x128xf32, #tpu.memory_space<vmem_shared>>
      %dma_wait3A_118 = arith.constant 0 : i32
      %dma_wait3A_119 = tpu.memref_slice %arg5[%add3A_68, %dma_wait3A_118] : memref<10240x128xf32, #tpu.memory_space<vmem_shared>> -> memref<32x128xf32, #tpu.memory_space<vmem_shared>>
      tpu.wait_dma2 semaphore(%run_scoped3A : memref<!tpu.dma_semaphore, #tpu.memory_space<semaphore_mem>>) src(%arg9 : memref<32x128xf32, #tpu.memory_space<vmem>>) dst(%dma_wait3A_119 : memref<32x128xf32, #tpu.memory_space<vmem_shared>>)
      tpu.yield
    }) : () -> ()
    %mul3A_69 = arith.constant 640 : i32
    %mul3A_70 = arith.muli %arg1, %mul3A_69 : i32
    %add3A_71 = arith.constant 416 : i32
    %add3A_72 = arith.addi %mul3A_70, %add3A_71 : i32
    "tpu.region"() ({
      %run_scoped3A = tpu.sem_alloc : memref<!tpu.dma_semaphore, #tpu.memory_space<semaphore_mem>>
      %dma_start3A = arith.constant 0 : i32
      %dma_start3A_114 = tpu.memref_slice %arg5[%add3A_72, %dma_start3A] : memref<10240x128xf32, #tpu.memory_space<vmem_shared>> -> memref<32x128xf32, #tpu.memory_space<vmem_shared>>
      %dma_start3A_115 = arith.constant 0 : i32
      %dma_start3A_116 = tpu.memref_slice %arg5[%add3A_72, %dma_start3A_115] : memref<10240x128xf32, #tpu.memory_space<vmem_shared>> -> memref<32x128xf32, #tpu.memory_space<vmem_shared>>
      tpu.enqueue_dma source(%arg9 : memref<32x128xf32, #tpu.memory_space<vmem>>) target(%dma_start3A_116 : memref<32x128xf32, #tpu.memory_space<vmem_shared>>) target_semaphore(%run_scoped3A : memref<!tpu.dma_semaphore, #tpu.memory_space<semaphore_mem>>)
      %dma_wait3A = arith.constant 0 : i32
      %dma_wait3A_117 = tpu.memref_slice %arg5[%add3A_72, %dma_wait3A] : memref<10240x128xf32, #tpu.memory_space<vmem_shared>> -> memref<32x128xf32, #tpu.memory_space<vmem_shared>>
      %dma_wait3A_118 = arith.constant 0 : i32
      %dma_wait3A_119 = tpu.memref_slice %arg5[%add3A_72, %dma_wait3A_118] : memref<10240x128xf32, #tpu.memory_space<vmem_shared>> -> memref<32x128xf32, #tpu.memory_space<vmem_shared>>
      tpu.wait_dma2 semaphore(%run_scoped3A : memref<!tpu.dma_semaphore, #tpu.memory_space<semaphore_mem>>) src(%arg9 : memref<32x128xf32, #tpu.memory_space<vmem>>) dst(%dma_wait3A_119 : memref<32x128xf32, #tpu.memory_space<vmem_shared>>)
      tpu.yield
    }) : () -> ()
    %mul3A_73 = arith.constant 640 : i32
    %mul3A_74 = arith.muli %arg1, %mul3A_73 : i32
    %add3A_75 = arith.constant 448 : i32
    %add3A_76 = arith.addi %mul3A_74, %add3A_75 : i32
    "tpu.region"() ({
      %run_scoped3A = tpu.sem_alloc : memref<!tpu.dma_semaphore, #tpu.memory_space<semaphore_mem>>
      %dma_start3A = arith.constant 0 : i32
      %dma_start3A_114 = tpu.memref_slice %arg5[%add3A_76, %dma_start3A] : memref<10240x128xf32, #tpu.memory_space<vmem_shared>> -> memref<32x128xf32, #tpu.memory_space<vmem_shared>>
      %dma_start3A_115 = arith.constant 0 : i32
      %dma_start3A_116 = tpu.memref_slice %arg5[%add3A_76, %dma_start3A_115] : memref<10240x128xf32, #tpu.memory_space<vmem_shared>> -> memref<32x128xf32, #tpu.memory_space<vmem_shared>>
      tpu.enqueue_dma source(%arg9 : memref<32x128xf32, #tpu.memory_space<vmem>>) target(%dma_start3A_116 : memref<32x128xf32, #tpu.memory_space<vmem_shared>>) target_semaphore(%run_scoped3A : memref<!tpu.dma_semaphore, #tpu.memory_space<semaphore_mem>>)
      %dma_wait3A = arith.constant 0 : i32
      %dma_wait3A_117 = tpu.memref_slice %arg5[%add3A_76, %dma_wait3A] : memref<10240x128xf32, #tpu.memory_space<vmem_shared>> -> memref<32x128xf32, #tpu.memory_space<vmem_shared>>
      %dma_wait3A_118 = arith.constant 0 : i32
      %dma_wait3A_119 = tpu.memref_slice %arg5[%add3A_76, %dma_wait3A_118] : memref<10240x128xf32, #tpu.memory_space<vmem_shared>> -> memref<32x128xf32, #tpu.memory_space<vmem_shared>>
      tpu.wait_dma2 semaphore(%run_scoped3A : memref<!tpu.dma_semaphore, #tpu.memory_space<semaphore_mem>>) src(%arg9 : memref<32x128xf32, #tpu.memory_space<vmem>>) dst(%dma_wait3A_119 : memref<32x128xf32, #tpu.memory_space<vmem_shared>>)
      tpu.yield
    }) : () -> ()
    %mul3A_77 = arith.constant 640 : i32
    %mul3A_78 = arith.muli %arg1, %mul3A_77 : i32
    %add3A_79 = arith.constant 480 : i32
    %add3A_80 = arith.addi %mul3A_78, %add3A_79 : i32
    "tpu.region"() ({
      %run_scoped3A = tpu.sem_alloc : memref<!tpu.dma_semaphore, #tpu.memory_space<semaphore_mem>>
      %dma_start3A = arith.constant 0 : i32
      %dma_start3A_114 = tpu.memref_slice %arg5[%add3A_80, %dma_start3A] : memref<10240x128xf32, #tpu.memory_space<vmem_shared>> -> memref<32x128xf32, #tpu.memory_space<vmem_shared>>
      %dma_start3A_115 = arith.constant 0 : i32
      %dma_start3A_116 = tpu.memref_slice %arg5[%add3A_80, %dma_start3A_115] : memref<10240x128xf32, #tpu.memory_space<vmem_shared>> -> memref<32x128xf32, #tpu.memory_space<vmem_shared>>
      tpu.enqueue_dma source(%arg9 : memref<32x128xf32, #tpu.memory_space<vmem>>) target(%dma_start3A_116 : memref<32x128xf32, #tpu.memory_space<vmem_shared>>) target_semaphore(%run_scoped3A : memref<!tpu.dma_semaphore, #tpu.memory_space<semaphore_mem>>)
      %dma_wait3A = arith.constant 0 : i32
      %dma_wait3A_117 = tpu.memref_slice %arg5[%add3A_80, %dma_wait3A] : memref<10240x128xf32, #tpu.memory_space<vmem_shared>> -> memref<32x128xf32, #tpu.memory_space<vmem_shared>>
      %dma_wait3A_118 = arith.constant 0 : i32
      %dma_wait3A_119 = tpu.memref_slice %arg5[%add3A_80, %dma_wait3A_118] : memref<10240x128xf32, #tpu.memory_space<vmem_shared>> -> memref<32x128xf32, #tpu.memory_space<vmem_shared>>
      tpu.wait_dma2 semaphore(%run_scoped3A : memref<!tpu.dma_semaphore, #tpu.memory_space<semaphore_mem>>) src(%arg9 : memref<32x128xf32, #tpu.memory_space<vmem>>) dst(%dma_wait3A_119 : memref<32x128xf32, #tpu.memory_space<vmem_shared>>)
      tpu.yield
    }) : () -> ()
    %mul3A_81 = arith.constant 640 : i32
    %mul3A_82 = arith.muli %arg1, %mul3A_81 : i32
    %add3A_83 = arith.constant 512 : i32
    %add3A_84 = arith.addi %mul3A_82, %add3A_83 : i32
    "tpu.region"() ({
      %run_scoped3A = tpu.sem_alloc : memref<!tpu.dma_semaphore, #tpu.memory_space<semaphore_mem>>
      %dma_start3A = arith.constant 0 : i32
      %dma_start3A_114 = tpu.memref_slice %arg5[%add3A_84, %dma_start3A] : memref<10240x128xf32, #tpu.memory_space<vmem_shared>> -> memref<32x128xf32, #tpu.memory_space<vmem_shared>>
      %dma_start3A_115 = arith.constant 0 : i32
      %dma_start3A_116 = tpu.memref_slice %arg5[%add3A_84, %dma_start3A_115] : memref<10240x128xf32, #tpu.memory_space<vmem_shared>> -> memref<32x128xf32, #tpu.memory_space<vmem_shared>>
      tpu.enqueue_dma source(%arg9 : memref<32x128xf32, #tpu.memory_space<vmem>>) target(%dma_start3A_116 : memref<32x128xf32, #tpu.memory_space<vmem_shared>>) target_semaphore(%run_scoped3A : memref<!tpu.dma_semaphore, #tpu.memory_space<semaphore_mem>>)
      %dma_wait3A = arith.constant 0 : i32
      %dma_wait3A_117 = tpu.memref_slice %arg5[%add3A_84, %dma_wait3A] : memref<10240x128xf32, #tpu.memory_space<vmem_shared>> -> memref<32x128xf32, #tpu.memory_space<vmem_shared>>
      %dma_wait3A_118 = arith.constant 0 : i32
      %dma_wait3A_119 = tpu.memref_slice %arg5[%add3A_84, %dma_wait3A_118] : memref<10240x128xf32, #tpu.memory_space<vmem_shared>> -> memref<32x128xf32, #tpu.memory_space<vmem_shared>>
      tpu.wait_dma2 semaphore(%run_scoped3A : memref<!tpu.dma_semaphore, #tpu.memory_space<semaphore_mem>>) src(%arg9 : memref<32x128xf32, #tpu.memory_space<vmem>>) dst(%dma_wait3A_119 : memref<32x128xf32, #tpu.memory_space<vmem_shared>>)
      tpu.yield
    }) : () -> ()
    %mul3A_85 = arith.constant 640 : i32
    %mul3A_86 = arith.muli %arg1, %mul3A_85 : i32
    %add3A_87 = arith.constant 544 : i32
    %add3A_88 = arith.addi %mul3A_86, %add3A_87 : i32
    "tpu.region"() ({
      %run_scoped3A = tpu.sem_alloc : memref<!tpu.dma_semaphore, #tpu.memory_space<semaphore_mem>>
      %dma_start3A = arith.constant 0 : i32
      %dma_start3A_114 = tpu.memref_slice %arg5[%add3A_88, %dma_start3A] : memref<10240x128xf32, #tpu.memory_space<vmem_shared>> -> memref<32x128xf32, #tpu.memory_space<vmem_shared>>
      %dma_start3A_115 = arith.constant 0 : i32
      %dma_start3A_116 = tpu.memref_slice %arg5[%add3A_88, %dma_start3A_115] : memref<10240x128xf32, #tpu.memory_space<vmem_shared>> -> memref<32x128xf32, #tpu.memory_space<vmem_shared>>
      tpu.enqueue_dma source(%arg9 : memref<32x128xf32, #tpu.memory_space<vmem>>) target(%dma_start3A_116 : memref<32x128xf32, #tpu.memory_space<vmem_shared>>) target_semaphore(%run_scoped3A : memref<!tpu.dma_semaphore, #tpu.memory_space<semaphore_mem>>)
      %dma_wait3A = arith.constant 0 : i32
      %dma_wait3A_117 = tpu.memref_slice %arg5[%add3A_88, %dma_wait3A] : memref<10240x128xf32, #tpu.memory_space<vmem_shared>> -> memref<32x128xf32, #tpu.memory_space<vmem_shared>>
      %dma_wait3A_118 = arith.constant 0 : i32
      %dma_wait3A_119 = tpu.memref_slice %arg5[%add3A_88, %dma_wait3A_118] : memref<10240x128xf32, #tpu.memory_space<vmem_shared>> -> memref<32x128xf32, #tpu.memory_space<vmem_shared>>
      tpu.wait_dma2 semaphore(%run_scoped3A : memref<!tpu.dma_semaphore, #tpu.memory_space<semaphore_mem>>) src(%arg9 : memref<32x128xf32, #tpu.memory_space<vmem>>) dst(%dma_wait3A_119 : memref<32x128xf32, #tpu.memory_space<vmem_shared>>)
      tpu.yield
    }) : () -> ()
    %mul3A_89 = arith.constant 640 : i32
    %mul3A_90 = arith.muli %arg1, %mul3A_89 : i32
    %add3A_91 = arith.constant 576 : i32
    %add3A_92 = arith.addi %mul3A_90, %add3A_91 : i32
    "tpu.region"() ({
      %run_scoped3A = tpu.sem_alloc : memref<!tpu.dma_semaphore, #tpu.memory_space<semaphore_mem>>
      %dma_start3A = arith.constant 0 : i32
      %dma_start3A_114 = tpu.memref_slice %arg5[%add3A_92, %dma_start3A] : memref<10240x128xf32, #tpu.memory_space<vmem_shared>> -> memref<32x128xf32, #tpu.memory_space<vmem_shared>>
      %dma_start3A_115 = arith.constant 0 : i32
      %dma_start3A_116 = tpu.memref_slice %arg5[%add3A_92, %dma_start3A_115] : memref<10240x128xf32, #tpu.memory_space<vmem_shared>> -> memref<32x128xf32, #tpu.memory_space<vmem_shared>>
      tpu.enqueue_dma source(%arg9 : memref<32x128xf32, #tpu.memory_space<vmem>>) target(%dma_start3A_116 : memref<32x128xf32, #tpu.memory_space<vmem_shared>>) target_semaphore(%run_scoped3A : memref<!tpu.dma_semaphore, #tpu.memory_space<semaphore_mem>>)
      %dma_wait3A = arith.constant 0 : i32
      %dma_wait3A_117 = tpu.memref_slice %arg5[%add3A_92, %dma_wait3A] : memref<10240x128xf32, #tpu.memory_space<vmem_shared>> -> memref<32x128xf32, #tpu.memory_space<vmem_shared>>
      %dma_wait3A_118 = arith.constant 0 : i32
      %dma_wait3A_119 = tpu.memref_slice %arg5[%add3A_92, %dma_wait3A_118] : memref<10240x128xf32, #tpu.memory_space<vmem_shared>> -> memref<32x128xf32, #tpu.memory_space<vmem_shared>>
      tpu.wait_dma2 semaphore(%run_scoped3A : memref<!tpu.dma_semaphore, #tpu.memory_space<semaphore_mem>>) src(%arg9 : memref<32x128xf32, #tpu.memory_space<vmem>>) dst(%dma_wait3A_119 : memref<32x128xf32, #tpu.memory_space<vmem_shared>>)
      tpu.yield
    }) : () -> ()
    %mul3A_93 = arith.constant 640 : i32
    %mul3A_94 = arith.muli %arg1, %mul3A_93 : i32
    %add3A_95 = arith.constant 608 : i32
    %add3A_96 = arith.addi %mul3A_94, %add3A_95 : i32
    "tpu.region"() ({
      %run_scoped3A = tpu.sem_alloc : memref<!tpu.dma_semaphore, #tpu.memory_space<semaphore_mem>>
      %dma_start3A = arith.constant 0 : i32
      %dma_start3A_114 = tpu.memref_slice %arg5[%add3A_96, %dma_start3A] : memref<10240x128xf32, #tpu.memory_space<vmem_shared>> -> memref<32x128xf32, #tpu.memory_space<vmem_shared>>
      %dma_start3A_115 = arith.constant 0 : i32
      %dma_start3A_116 = tpu.memref_slice %arg5[%add3A_96, %dma_start3A_115] : memref<10240x128xf32, #tpu.memory_space<vmem_shared>> -> memref<32x128xf32, #tpu.memory_space<vmem_shared>>
      tpu.enqueue_dma source(%arg9 : memref<32x128xf32, #tpu.memory_space<vmem>>) target(%dma_start3A_116 : memref<32x128xf32, #tpu.memory_space<vmem_shared>>) target_semaphore(%run_scoped3A : memref<!tpu.dma_semaphore, #tpu.memory_space<semaphore_mem>>)
      %dma_wait3A = arith.constant 0 : i32
      %dma_wait3A_117 = tpu.memref_slice %arg5[%add3A_96, %dma_wait3A] : memref<10240x128xf32, #tpu.memory_space<vmem_shared>> -> memref<32x128xf32, #tpu.memory_space<vmem_shared>>
      %dma_wait3A_118 = arith.constant 0 : i32
      %dma_wait3A_119 = tpu.memref_slice %arg5[%add3A_96, %dma_wait3A_118] : memref<10240x128xf32, #tpu.memory_space<vmem_shared>> -> memref<32x128xf32, #tpu.memory_space<vmem_shared>>
      tpu.wait_dma2 semaphore(%run_scoped3A : memref<!tpu.dma_semaphore, #tpu.memory_space<semaphore_mem>>) src(%arg9 : memref<32x128xf32, #tpu.memory_space<vmem>>) dst(%dma_wait3A_119 : memref<32x128xf32, #tpu.memory_space<vmem_shared>>)
      tpu.yield
    }) : () -> ()
    %barrier3A = arith.constant 0 : index
    tpu.barrier barrier_id(%barrier3A)
    %scan3A_97 = arith.constant 0 : i32
    %scan3A_98 = arith.constant 0 : i32
    %scan3A_99 = arith.constant 8 : i32
    %scan3A_100 = arith.addi %scan3A_98, %scan3A_99 : i32
    %scan3A_101 = arith.constant 1 : i32
    %scan3A_102 = scf.for %scan3A_114 = %scan3A_98 to %scan3A_100 step %scan3A_101 iter_args(%scan3A_115 = %scan3A_97) -> (i32)  : i32 {
      %mul3A_116 = arith.constant 10 : i32
      %mul3A_117 = arith.muli %scan3A_114, %mul3A_116 : i32
      %add3A_118 = arith.constant 0 : i32
      %add3A_119 = arith.addi %mul3A_117, %add3A_118 : i32
      %dma_start3A = arith.constant 0 : i32
      %dma_start3A_120 = arith.constant 0 : i32
      %dma_start3A_121 = tpu.memref_slice %arg2[%add3A, %add3A_119, %dma_start3A, %dma_start3A_120] : memref<32x80x1x128xi32, #tpu.memory_space<hbm>> -> memref<1x1x1x128xi32, #tpu.memory_space<hbm>>
      %dma_start3A_122 = tpu.memref_squeeze %dma_start3A_121 : memref<1x1x1x128xi32, #tpu.memory_space<hbm>> -> memref<128xi32, #tpu.memory_space<hbm>>
      %dma_start3A_123 = arith.constant 0 : i32
      %dma_start3A_124 = tpu.memref_slice %arg2[%add3A, %add3A_119, %dma_start3A, %dma_start3A_123] : memref<32x80x1x128xi32, #tpu.memory_space<hbm>> -> memref<1x1x1x128xi32, #tpu.memory_space<hbm>>
      %dma_start3A_125 = tpu.memref_squeeze %dma_start3A_124 : memref<1x1x1x128xi32, #tpu.memory_space<hbm>> -> memref<128xi32, #tpu.memory_space<hbm>>
      tpu.enqueue_dma source(%dma_start3A_125 : memref<128xi32, #tpu.memory_space<hbm>>) target(%arg6 : memref<128xi32, #tpu.memory_space<vmem>>) target_semaphore(%arg10 : memref<!tpu.dma_semaphore, #tpu.memory_space<semaphore_mem>>)
      %mul3A_126 = arith.constant 10 : i32
      %mul3A_127 = arith.muli %scan3A_114, %mul3A_126 : i32
      %add3A_128 = arith.constant 1 : i32
      %add3A_129 = arith.addi %mul3A_127, %add3A_128 : i32
      %dma_start3A_130 = arith.constant 0 : i32
      %dma_start3A_131 = arith.constant 0 : i32
      %dma_start3A_132 = tpu.memref_slice %arg2[%add3A, %add3A_129, %dma_start3A_130, %dma_start3A_131] : memref<32x80x1x128xi32, #tpu.memory_space<hbm>> -> memref<1x1x1x128xi32, #tpu.memory_space<hbm>>
      %dma_start3A_133 = tpu.memref_squeeze %dma_start3A_132 : memref<1x1x1x128xi32, #tpu.memory_space<hbm>> -> memref<128xi32, #tpu.memory_space<hbm>>
      %dma_start3A_134 = arith.constant 0 : i32
      %dma_start3A_135 = tpu.memref_slice %arg2[%add3A, %add3A_129, %dma_start3A_130, %dma_start3A_134] : memref<32x80x1x128xi32, #tpu.memory_space<hbm>> -> memref<1x1x1x128xi32, #tpu.memory_space<hbm>>
      %dma_start3A_136 = tpu.memref_squeeze %dma_start3A_135 : memref<1x1x1x128xi32, #tpu.memory_space<hbm>> -> memref<128xi32, #tpu.memory_space<hbm>>
      tpu.enqueue_dma source(%dma_start3A_136 : memref<128xi32, #tpu.memory_space<hbm>>) target(%arg7 : memref<128xi32, #tpu.memory_space<vmem>>) target_semaphore(%arg11 : memref<!tpu.dma_semaphore, #tpu.memory_space<semaphore_mem>>)
      %dma_wait3A = arith.constant 0 : i32
      %dma_wait3A_137 = arith.constant 0 : i32
      %dma_wait3A_138 = tpu.memref_slice %arg2[%add3A, %add3A_119, %dma_wait3A, %dma_wait3A_137] : memref<32x80x1x128xi32, #tpu.memory_space<hbm>> -> memref<1x1x1x128xi32, #tpu.memory_space<hbm>>
      %dma_wait3A_139 = tpu.memref_squeeze %dma_wait3A_138 : memref<1x1x1x128xi32, #tpu.memory_space<hbm>> -> memref<128xi32, #tpu.memory_space<hbm>>
      %dma_wait3A_140 = arith.constant 0 : i32
      %dma_wait3A_141 = tpu.memref_slice %arg2[%add3A, %add3A_119, %dma_wait3A, %dma_wait3A_140] : memref<32x80x1x128xi32, #tpu.memory_space<hbm>> -> memref<1x1x1x128xi32, #tpu.memory_space<hbm>>
      %dma_wait3A_142 = tpu.memref_squeeze %dma_wait3A_141 : memref<1x1x1x128xi32, #tpu.memory_space<hbm>> -> memref<128xi32, #tpu.memory_space<hbm>>
      tpu.wait_dma2 semaphore(%arg10 : memref<!tpu.dma_semaphore, #tpu.memory_space<semaphore_mem>>) src(%dma_wait3A_142 : memref<128xi32, #tpu.memory_space<hbm>>) dst(%arg6 : memref<128xi32, #tpu.memory_space<vmem>>)
      "tpu.region"() ({
        %run_scoped3A = tpu.sem_alloc : memref<!tpu.dma_semaphore, #tpu.memory_space<semaphore_mem>>
        %dma_start3A_295 = arith.constant 0 : i32
        %dma_start3A_296 = arith.constant 0 : i32
        %dma_start3A_297 = tpu.memref_slice %arg5[%dma_start3A_295, %dma_start3A_296] : memref<10240x128xf32, #tpu.memory_space<vmem_shared>> -> memref<10240x128xf32, #tpu.memory_space<vmem_shared>>
        tpu.enqueue_indirect_dma source(%arg8 : memref<128x128xf32, #tpu.memory_space<vmem>>) target(%dma_start3A_297 : memref<10240x128xf32, #tpu.memory_space<vmem_shared>>) offsets(%arg6 : memref<128xi32, #tpu.memory_space<vmem>>) semaphore(%run_scoped3A : memref<!tpu.dma_semaphore, #tpu.memory_space<semaphore_mem>>) {add = true}
        %dma_wait3A_298 = arith.constant 0 : i32
        %dma_wait3A_299 = arith.constant 0 : i32
        %dma_wait3A_300 = tpu.memref_slice %arg5[%dma_wait3A_298, %dma_wait3A_299] : memref<10240x128xf32, #tpu.memory_space<vmem_shared>> -> memref<10240x128xf32, #tpu.memory_space<vmem_shared>>
        tpu.wait_indirect_dma semaphore(%run_scoped3A : memref<!tpu.dma_semaphore, #tpu.memory_space<semaphore_mem>>) src(%arg8 : memref<128x128xf32, #tpu.memory_space<vmem>>) dst(%dma_wait3A_300 : memref<10240x128xf32, #tpu.memory_space<vmem_shared>>)
        tpu.yield
      }) : () -> ()
      %mul3A_143 = arith.constant 10 : i32
      %mul3A_144 = arith.muli %scan3A_114, %mul3A_143 : i32
      %add3A_145 = arith.constant 2 : i32
      %add3A_146 = arith.addi %mul3A_144, %add3A_145 : i32
      %dma_start3A_147 = arith.constant 0 : i32
      %dma_start3A_148 = arith.constant 0 : i32
      %dma_start3A_149 = tpu.memref_slice %arg2[%add3A, %add3A_146, %dma_start3A_147, %dma_start3A_148] : memref<32x80x1x128xi32, #tpu.memory_space<hbm>> -> memref<1x1x1x128xi32, #tpu.memory_space<hbm>>
      %dma_start3A_150 = tpu.memref_squeeze %dma_start3A_149 : memref<1x1x1x128xi32, #tpu.memory_space<hbm>> -> memref<128xi32, #tpu.memory_space<hbm>>
      %dma_start3A_151 = arith.constant 0 : i32
      %dma_start3A_152 = tpu.memref_slice %arg2[%add3A, %add3A_146, %dma_start3A_147, %dma_start3A_151] : memref<32x80x1x128xi32, #tpu.memory_space<hbm>> -> memref<1x1x1x128xi32, #tpu.memory_space<hbm>>
      %dma_start3A_153 = tpu.memref_squeeze %dma_start3A_152 : memref<1x1x1x128xi32, #tpu.memory_space<hbm>> -> memref<128xi32, #tpu.memory_space<hbm>>
      tpu.enqueue_dma source(%dma_start3A_153 : memref<128xi32, #tpu.memory_space<hbm>>) target(%arg6 : memref<128xi32, #tpu.memory_space<vmem>>) target_semaphore(%arg10 : memref<!tpu.dma_semaphore, #tpu.memory_space<semaphore_mem>>)
      %dma_wait3A_154 = arith.constant 0 : i32
      %dma_wait3A_155 = arith.constant 0 : i32
      %dma_wait3A_156 = tpu.memref_slice %arg2[%add3A, %add3A_129, %dma_wait3A_154, %dma_wait3A_155] : memref<32x80x1x128xi32, #tpu.memory_space<hbm>> -> memref<1x1x1x128xi32, #tpu.memory_space<hbm>>
      %dma_wait3A_157 = tpu.memref_squeeze %dma_wait3A_156 : memref<1x1x1x128xi32, #tpu.memory_space<hbm>> -> memref<128xi32, #tpu.memory_space<hbm>>
      %dma_wait3A_158 = arith.constant 0 : i32
      %dma_wait3A_159 = tpu.memref_slice %arg2[%add3A, %add3A_129, %dma_wait3A_154, %dma_wait3A_158] : memref<32x80x1x128xi32, #tpu.memory_space<hbm>> -> memref<1x1x1x128xi32, #tpu.memory_space<hbm>>
      %dma_wait3A_160 = tpu.memref_squeeze %dma_wait3A_159 : memref<1x1x1x128xi32, #tpu.memory_space<hbm>> -> memref<128xi32, #tpu.memory_space<hbm>>
      tpu.wait_dma2 semaphore(%arg11 : memref<!tpu.dma_semaphore, #tpu.memory_space<semaphore_mem>>) src(%dma_wait3A_160 : memref<128xi32, #tpu.memory_space<hbm>>) dst(%arg7 : memref<128xi32, #tpu.memory_space<vmem>>)
      "tpu.region"() ({
        %run_scoped3A = tpu.sem_alloc : memref<!tpu.dma_semaphore, #tpu.memory_space<semaphore_mem>>
        %dma_start3A_295 = arith.constant 0 : i32
        %dma_start3A_296 = arith.constant 0 : i32
        %dma_start3A_297 = tpu.memref_slice %arg5[%dma_start3A_295, %dma_start3A_296] : memref<10240x128xf32, #tpu.memory_space<vmem_shared>> -> memref<10240x128xf32, #tpu.memory_space<vmem_shared>>
        tpu.enqueue_indirect_dma source(%arg8 : memref<128x128xf32, #tpu.memory_space<vmem>>) target(%dma_start3A_297 : memref<10240x128xf32, #tpu.memory_space<vmem_shared>>) offsets(%arg7 : memref<128xi32, #tpu.memory_space<vmem>>) semaphore(%run_scoped3A : memref<!tpu.dma_semaphore, #tpu.memory_space<semaphore_mem>>) {add = true}
        %dma_wait3A_298 = arith.constant 0 : i32
        %dma_wait3A_299 = arith.constant 0 : i32
        %dma_wait3A_300 = tpu.memref_slice %arg5[%dma_wait3A_298, %dma_wait3A_299] : memref<10240x128xf32, #tpu.memory_space<vmem_shared>> -> memref<10240x128xf32, #tpu.memory_space<vmem_shared>>
        tpu.wait_indirect_dma semaphore(%run_scoped3A : memref<!tpu.dma_semaphore, #tpu.memory_space<semaphore_mem>>) src(%arg8 : memref<128x128xf32, #tpu.memory_space<vmem>>) dst(%dma_wait3A_300 : memref<10240x128xf32, #tpu.memory_space<vmem_shared>>)
        tpu.yield
      }) : () -> ()
      %mul3A_161 = arith.constant 10 : i32
      %mul3A_162 = arith.muli %scan3A_114, %mul3A_161 : i32
      %add3A_163 = arith.constant 3 : i32
      %add3A_164 = arith.addi %mul3A_162, %add3A_163 : i32
      %dma_start3A_165 = arith.constant 0 : i32
      %dma_start3A_166 = arith.constant 0 : i32
      %dma_start3A_167 = tpu.memref_slice %arg2[%add3A, %add3A_164, %dma_start3A_165, %dma_start3A_166] : memref<32x80x1x128xi32, #tpu.memory_space<hbm>> -> memref<1x1x1x128xi32, #tpu.memory_space<hbm>>
      %dma_start3A_168 = tpu.memref_squeeze %dma_start3A_167 : memref<1x1x1x128xi32, #tpu.memory_space<hbm>> -> memref<128xi32, #tpu.memory_space<hbm>>
      %dma_start3A_169 = arith.constant 0 : i32
      %dma_start3A_170 = tpu.memref_slice %arg2[%add3A, %add3A_164, %dma_start3A_165, %dma_start3A_169] : memref<32x80x1x128xi32, #tpu.memory_space<hbm>> -> memref<1x1x1x128xi32, #tpu.memory_space<hbm>>
      %dma_start3A_171 = tpu.memref_squeeze %dma_start3A_170 : memref<1x1x1x128xi32, #tpu.memory_space<hbm>> -> memref<128xi32, #tpu.memory_space<hbm>>
      tpu.enqueue_dma source(%dma_start3A_171 : memref<128xi32, #tpu.memory_space<hbm>>) target(%arg7 : memref<128xi32, #tpu.memory_space<vmem>>) target_semaphore(%arg11 : memref<!tpu.dma_semaphore, #tpu.memory_space<semaphore_mem>>)
      %dma_wait3A_172 = arith.constant 0 : i32
      %dma_wait3A_173 = arith.constant 0 : i32
      %dma_wait3A_174 = tpu.memref_slice %arg2[%add3A, %add3A_146, %dma_wait3A_172, %dma_wait3A_173] : memref<32x80x1x128xi32, #tpu.memory_space<hbm>> -> memref<1x1x1x128xi32, #tpu.memory_space<hbm>>
      %dma_wait3A_175 = tpu.memref_squeeze %dma_wait3A_174 : memref<1x1x1x128xi32, #tpu.memory_space<hbm>> -> memref<128xi32, #tpu.memory_space<hbm>>
      %dma_wait3A_176 = arith.constant 0 : i32
      %dma_wait3A_177 = tpu.memref_slice %arg2[%add3A, %add3A_146, %dma_wait3A_172, %dma_wait3A_176] : memref<32x80x1x128xi32, #tpu.memory_space<hbm>> -> memref<1x1x1x128xi32, #tpu.memory_space<hbm>>
      %dma_wait3A_178 = tpu.memref_squeeze %dma_wait3A_177 : memref<1x1x1x128xi32, #tpu.memory_space<hbm>> -> memref<128xi32, #tpu.memory_space<hbm>>
      tpu.wait_dma2 semaphore(%arg10 : memref<!tpu.dma_semaphore, #tpu.memory_space<semaphore_mem>>) src(%dma_wait3A_178 : memref<128xi32, #tpu.memory_space<hbm>>) dst(%arg6 : memref<128xi32, #tpu.memory_space<vmem>>)
      "tpu.region"() ({
        %run_scoped3A = tpu.sem_alloc : memref<!tpu.dma_semaphore, #tpu.memory_space<semaphore_mem>>
        %dma_start3A_295 = arith.constant 0 : i32
        %dma_start3A_296 = arith.constant 0 : i32
        %dma_start3A_297 = tpu.memref_slice %arg5[%dma_start3A_295, %dma_start3A_296] : memref<10240x128xf32, #tpu.memory_space<vmem_shared>> -> memref<10240x128xf32, #tpu.memory_space<vmem_shared>>
        tpu.enqueue_indirect_dma source(%arg8 : memref<128x128xf32, #tpu.memory_space<vmem>>) target(%dma_start3A_297 : memref<10240x128xf32, #tpu.memory_space<vmem_shared>>) offsets(%arg6 : memref<128xi32, #tpu.memory_space<vmem>>) semaphore(%run_scoped3A : memref<!tpu.dma_semaphore, #tpu.memory_space<semaphore_mem>>) {add = true}
        %dma_wait3A_298 = arith.constant 0 : i32
        %dma_wait3A_299 = arith.constant 0 : i32
        %dma_wait3A_300 = tpu.memref_slice %arg5[%dma_wait3A_298, %dma_wait3A_299] : memref<10240x128xf32, #tpu.memory_space<vmem_shared>> -> memref<10240x128xf32, #tpu.memory_space<vmem_shared>>
        tpu.wait_indirect_dma semaphore(%run_scoped3A : memref<!tpu.dma_semaphore, #tpu.memory_space<semaphore_mem>>) src(%arg8 : memref<128x128xf32, #tpu.memory_space<vmem>>) dst(%dma_wait3A_300 : memref<10240x128xf32, #tpu.memory_space<vmem_shared>>)
        tpu.yield
      }) : () -> ()
      %mul3A_179 = arith.constant 10 : i32
      %mul3A_180 = arith.muli %scan3A_114, %mul3A_179 : i32
      %add3A_181 = arith.constant 4 : i32
      %add3A_182 = arith.addi %mul3A_180, %add3A_181 : i32
      %dma_start3A_183 = arith.constant 0 : i32
      %dma_start3A_184 = arith.constant 0 : i32
      %dma_start3A_185 = tpu.memref_slice %arg2[%add3A, %add3A_182, %dma_start3A_183, %dma_start3A_184] : memref<32x80x1x128xi32, #tpu.memory_space<hbm>> -> memref<1x1x1x128xi32, #tpu.memory_space<hbm>>
      %dma_start3A_186 = tpu.memref_squeeze %dma_start3A_185 : memref<1x1x1x128xi32, #tpu.memory_space<hbm>> -> memref<128xi32, #tpu.memory_space<hbm>>
      %dma_start3A_187 = arith.constant 0 : i32
      %dma_start3A_188 = tpu.memref_slice %arg2[%add3A, %add3A_182, %dma_start3A_183, %dma_start3A_187] : memref<32x80x1x128xi32, #tpu.memory_space<hbm>> -> memref<1x1x1x128xi32, #tpu.memory_space<hbm>>
      %dma_start3A_189 = tpu.memref_squeeze %dma_start3A_188 : memref<1x1x1x128xi32, #tpu.memory_space<hbm>> -> memref<128xi32, #tpu.memory_space<hbm>>
      tpu.enqueue_dma source(%dma_start3A_189 : memref<128xi32, #tpu.memory_space<hbm>>) target(%arg6 : memref<128xi32, #tpu.memory_space<vmem>>) target_semaphore(%arg10 : memref<!tpu.dma_semaphore, #tpu.memory_space<semaphore_mem>>)
      %dma_wait3A_190 = arith.constant 0 : i32
      %dma_wait3A_191 = arith.constant 0 : i32
      %dma_wait3A_192 = tpu.memref_slice %arg2[%add3A, %add3A_164, %dma_wait3A_190, %dma_wait3A_191] : memref<32x80x1x128xi32, #tpu.memory_space<hbm>> -> memref<1x1x1x128xi32, #tpu.memory_space<hbm>>
      %dma_wait3A_193 = tpu.memref_squeeze %dma_wait3A_192 : memref<1x1x1x128xi32, #tpu.memory_space<hbm>> -> memref<128xi32, #tpu.memory_space<hbm>>
      %dma_wait3A_194 = arith.constant 0 : i32
      %dma_wait3A_195 = tpu.memref_slice %arg2[%add3A, %add3A_164, %dma_wait3A_190, %dma_wait3A_194] : memref<32x80x1x128xi32, #tpu.memory_space<hbm>> -> memref<1x1x1x128xi32, #tpu.memory_space<hbm>>
      %dma_wait3A_196 = tpu.memref_squeeze %dma_wait3A_195 : memref<1x1x1x128xi32, #tpu.memory_space<hbm>> -> memref<128xi32, #tpu.memory_space<hbm>>
      tpu.wait_dma2 semaphore(%arg11 : memref<!tpu.dma_semaphore, #tpu.memory_space<semaphore_mem>>) src(%dma_wait3A_196 : memref<128xi32, #tpu.memory_space<hbm>>) dst(%arg7 : memref<128xi32, #tpu.memory_space<vmem>>)
      "tpu.region"() ({
        %run_scoped3A = tpu.sem_alloc : memref<!tpu.dma_semaphore, #tpu.memory_space<semaphore_mem>>
        %dma_start3A_295 = arith.constant 0 : i32
        %dma_start3A_296 = arith.constant 0 : i32
        %dma_start3A_297 = tpu.memref_slice %arg5[%dma_start3A_295, %dma_start3A_296] : memref<10240x128xf32, #tpu.memory_space<vmem_shared>> -> memref<10240x128xf32, #tpu.memory_space<vmem_shared>>
        tpu.enqueue_indirect_dma source(%arg8 : memref<128x128xf32, #tpu.memory_space<vmem>>) target(%dma_start3A_297 : memref<10240x128xf32, #tpu.memory_space<vmem_shared>>) offsets(%arg7 : memref<128xi32, #tpu.memory_space<vmem>>) semaphore(%run_scoped3A : memref<!tpu.dma_semaphore, #tpu.memory_space<semaphore_mem>>) {add = true}
        %dma_wait3A_298 = arith.constant 0 : i32
        %dma_wait3A_299 = arith.constant 0 : i32
        %dma_wait3A_300 = tpu.memref_slice %arg5[%dma_wait3A_298, %dma_wait3A_299] : memref<10240x128xf32, #tpu.memory_space<vmem_shared>> -> memref<10240x128xf32, #tpu.memory_space<vmem_shared>>
        tpu.wait_indirect_dma semaphore(%run_scoped3A : memref<!tpu.dma_semaphore, #tpu.memory_space<semaphore_mem>>) src(%arg8 : memref<128x128xf32, #tpu.memory_space<vmem>>) dst(%dma_wait3A_300 : memref<10240x128xf32, #tpu.memory_space<vmem_shared>>)
        tpu.yield
      }) : () -> ()
      %mul3A_197 = arith.constant 10 : i32
      %mul3A_198 = arith.muli %scan3A_114, %mul3A_197 : i32
      %add3A_199 = arith.constant 5 : i32
      %add3A_200 = arith.addi %mul3A_198, %add3A_199 : i32
      %dma_start3A_201 = arith.constant 0 : i32
      %dma_start3A_202 = arith.constant 0 : i32
      %dma_start3A_203 = tpu.memref_slice %arg2[%add3A, %add3A_200, %dma_start3A_201, %dma_start3A_202] : memref<32x80x1x128xi32, #tpu.memory_space<hbm>> -> memref<1x1x1x128xi32, #tpu.memory_space<hbm>>
      %dma_start3A_204 = tpu.memref_squeeze %dma_start3A_203 : memref<1x1x1x128xi32, #tpu.memory_space<hbm>> -> memref<128xi32, #tpu.memory_space<hbm>>
      %dma_start3A_205 = arith.constant 0 : i32
      %dma_start3A_206 = tpu.memref_slice %arg2[%add3A, %add3A_200, %dma_start3A_201, %dma_start3A_205] : memref<32x80x1x128xi32, #tpu.memory_space<hbm>> -> memref<1x1x1x128xi32, #tpu.memory_space<hbm>>
      %dma_start3A_207 = tpu.memref_squeeze %dma_start3A_206 : memref<1x1x1x128xi32, #tpu.memory_space<hbm>> -> memref<128xi32, #tpu.memory_space<hbm>>
      tpu.enqueue_dma source(%dma_start3A_207 : memref<128xi32, #tpu.memory_space<hbm>>) target(%arg7 : memref<128xi32, #tpu.memory_space<vmem>>) target_semaphore(%arg11 : memref<!tpu.dma_semaphore, #tpu.memory_space<semaphore_mem>>)
      %dma_wait3A_208 = arith.constant 0 : i32
      %dma_wait3A_209 = arith.constant 0 : i32
      %dma_wait3A_210 = tpu.memref_slice %arg2[%add3A, %add3A_182, %dma_wait3A_208, %dma_wait3A_209] : memref<32x80x1x128xi32, #tpu.memory_space<hbm>> -> memref<1x1x1x128xi32, #tpu.memory_space<hbm>>
      %dma_wait3A_211 = tpu.memref_squeeze %dma_wait3A_210 : memref<1x1x1x128xi32, #tpu.memory_space<hbm>> -> memref<128xi32, #tpu.memory_space<hbm>>
      %dma_wait3A_212 = arith.constant 0 : i32
      %dma_wait3A_213 = tpu.memref_slice %arg2[%add3A, %add3A_182, %dma_wait3A_208, %dma_wait3A_212] : memref<32x80x1x128xi32, #tpu.memory_space<hbm>> -> memref<1x1x1x128xi32, #tpu.memory_space<hbm>>
      %dma_wait3A_214 = tpu.memref_squeeze %dma_wait3A_213 : memref<1x1x1x128xi32, #tpu.memory_space<hbm>> -> memref<128xi32, #tpu.memory_space<hbm>>
      tpu.wait_dma2 semaphore(%arg10 : memref<!tpu.dma_semaphore, #tpu.memory_space<semaphore_mem>>) src(%dma_wait3A_214 : memref<128xi32, #tpu.memory_space<hbm>>) dst(%arg6 : memref<128xi32, #tpu.memory_space<vmem>>)
      "tpu.region"() ({
        %run_scoped3A = tpu.sem_alloc : memref<!tpu.dma_semaphore, #tpu.memory_space<semaphore_mem>>
        %dma_start3A_295 = arith.constant 0 : i32
        %dma_start3A_296 = arith.constant 0 : i32
        %dma_start3A_297 = tpu.memref_slice %arg5[%dma_start3A_295, %dma_start3A_296] : memref<10240x128xf32, #tpu.memory_space<vmem_shared>> -> memref<10240x128xf32, #tpu.memory_space<vmem_shared>>
        tpu.enqueue_indirect_dma source(%arg8 : memref<128x128xf32, #tpu.memory_space<vmem>>) target(%dma_start3A_297 : memref<10240x128xf32, #tpu.memory_space<vmem_shared>>) offsets(%arg6 : memref<128xi32, #tpu.memory_space<vmem>>) semaphore(%run_scoped3A : memref<!tpu.dma_semaphore, #tpu.memory_space<semaphore_mem>>) {add = true}
        %dma_wait3A_298 = arith.constant 0 : i32
        %dma_wait3A_299 = arith.constant 0 : i32
        %dma_wait3A_300 = tpu.memref_slice %arg5[%dma_wait3A_298, %dma_wait3A_299] : memref<10240x128xf32, #tpu.memory_space<vmem_shared>> -> memref<10240x128xf32, #tpu.memory_space<vmem_shared>>
        tpu.wait_indirect_dma semaphore(%run_scoped3A : memref<!tpu.dma_semaphore, #tpu.memory_space<semaphore_mem>>) src(%arg8 : memref<128x128xf32, #tpu.memory_space<vmem>>) dst(%dma_wait3A_300 : memref<10240x128xf32, #tpu.memory_space<vmem_shared>>)
        tpu.yield
      }) : () -> ()
      %mul3A_215 = arith.constant 10 : i32
      %mul3A_216 = arith.muli %scan3A_114, %mul3A_215 : i32
      %add3A_217 = arith.constant 6 : i32
      %add3A_218 = arith.addi %mul3A_216, %add3A_217 : i32
      %dma_start3A_219 = arith.constant 0 : i32
      %dma_start3A_220 = arith.constant 0 : i32
      %dma_start3A_221 = tpu.memref_slice %arg2[%add3A, %add3A_218, %dma_start3A_219, %dma_start3A_220] : memref<32x80x1x128xi32, #tpu.memory_space<hbm>> -> memref<1x1x1x128xi32, #tpu.memory_space<hbm>>
      %dma_start3A_222 = tpu.memref_squeeze %dma_start3A_221 : memref<1x1x1x128xi32, #tpu.memory_space<hbm>> -> memref<128xi32, #tpu.memory_space<hbm>>
      %dma_start3A_223 = arith.constant 0 : i32
      %dma_start3A_224 = tpu.memref_slice %arg2[%add3A, %add3A_218, %dma_start3A_219, %dma_start3A_223] : memref<32x80x1x128xi32, #tpu.memory_space<hbm>> -> memref<1x1x1x128xi32, #tpu.memory_space<hbm>>
      %dma_start3A_225 = tpu.memref_squeeze %dma_start3A_224 : memref<1x1x1x128xi32, #tpu.memory_space<hbm>> -> memref<128xi32, #tpu.memory_space<hbm>>
      tpu.enqueue_dma source(%dma_start3A_225 : memref<128xi32, #tpu.memory_space<hbm>>) target(%arg6 : memref<128xi32, #tpu.memory_space<vmem>>) target_semaphore(%arg10 : memref<!tpu.dma_semaphore, #tpu.memory_space<semaphore_mem>>)
      %dma_wait3A_226 = arith.constant 0 : i32
      %dma_wait3A_227 = arith.constant 0 : i32
      %dma_wait3A_228 = tpu.memref_slice %arg2[%add3A, %add3A_200, %dma_wait3A_226, %dma_wait3A_227] : memref<32x80x1x128xi32, #tpu.memory_space<hbm>> -> memref<1x1x1x128xi32, #tpu.memory_space<hbm>>
      %dma_wait3A_229 = tpu.memref_squeeze %dma_wait3A_228 : memref<1x1x1x128xi32, #tpu.memory_space<hbm>> -> memref<128xi32, #tpu.memory_space<hbm>>
      %dma_wait3A_230 = arith.constant 0 : i32
      %dma_wait3A_231 = tpu.memref_slice %arg2[%add3A, %add3A_200, %dma_wait3A_226, %dma_wait3A_230] : memref<32x80x1x128xi32, #tpu.memory_space<hbm>> -> memref<1x1x1x128xi32, #tpu.memory_space<hbm>>
      %dma_wait3A_232 = tpu.memref_squeeze %dma_wait3A_231 : memref<1x1x1x128xi32, #tpu.memory_space<hbm>> -> memref<128xi32, #tpu.memory_space<hbm>>
      tpu.wait_dma2 semaphore(%arg11 : memref<!tpu.dma_semaphore, #tpu.memory_space<semaphore_mem>>) src(%dma_wait3A_232 : memref<128xi32, #tpu.memory_space<hbm>>) dst(%arg7 : memref<128xi32, #tpu.memory_space<vmem>>)
      "tpu.region"() ({
        %run_scoped3A = tpu.sem_alloc : memref<!tpu.dma_semaphore, #tpu.memory_space<semaphore_mem>>
        %dma_start3A_295 = arith.constant 0 : i32
        %dma_start3A_296 = arith.constant 0 : i32
        %dma_start3A_297 = tpu.memref_slice %arg5[%dma_start3A_295, %dma_start3A_296] : memref<10240x128xf32, #tpu.memory_space<vmem_shared>> -> memref<10240x128xf32, #tpu.memory_space<vmem_shared>>
        tpu.enqueue_indirect_dma source(%arg8 : memref<128x128xf32, #tpu.memory_space<vmem>>) target(%dma_start3A_297 : memref<10240x128xf32, #tpu.memory_space<vmem_shared>>) offsets(%arg7 : memref<128xi32, #tpu.memory_space<vmem>>) semaphore(%run_scoped3A : memref<!tpu.dma_semaphore, #tpu.memory_space<semaphore_mem>>) {add = true}
        %dma_wait3A_298 = arith.constant 0 : i32
        %dma_wait3A_299 = arith.constant 0 : i32
        %dma_wait3A_300 = tpu.memref_slice %arg5[%dma_wait3A_298, %dma_wait3A_299] : memref<10240x128xf32, #tpu.memory_space<vmem_shared>> -> memref<10240x128xf32, #tpu.memory_space<vmem_shared>>
        tpu.wait_indirect_dma semaphore(%run_scoped3A : memref<!tpu.dma_semaphore, #tpu.memory_space<semaphore_mem>>) src(%arg8 : memref<128x128xf32, #tpu.memory_space<vmem>>) dst(%dma_wait3A_300 : memref<10240x128xf32, #tpu.memory_space<vmem_shared>>)
        tpu.yield
      }) : () -> ()
      %mul3A_233 = arith.constant 10 : i32
      %mul3A_234 = arith.muli %scan3A_114, %mul3A_233 : i32
      %add3A_235 = arith.constant 7 : i32
      %add3A_236 = arith.addi %mul3A_234, %add3A_235 : i32
      %dma_start3A_237 = arith.constant 0 : i32
      %dma_start3A_238 = arith.constant 0 : i32
      %dma_start3A_239 = tpu.memref_slice %arg2[%add3A, %add3A_236, %dma_start3A_237, %dma_start3A_238] : memref<32x80x1x128xi32, #tpu.memory_space<hbm>> -> memref<1x1x1x128xi32, #tpu.memory_space<hbm>>
      %dma_start3A_240 = tpu.memref_squeeze %dma_start3A_239 : memref<1x1x1x128xi32, #tpu.memory_space<hbm>> -> memref<128xi32, #tpu.memory_space<hbm>>
      %dma_start3A_241 = arith.constant 0 : i32
      %dma_start3A_242 = tpu.memref_slice %arg2[%add3A, %add3A_236, %dma_start3A_237, %dma_start3A_241] : memref<32x80x1x128xi32, #tpu.memory_space<hbm>> -> memref<1x1x1x128xi32, #tpu.memory_space<hbm>>
      %dma_start3A_243 = tpu.memref_squeeze %dma_start3A_242 : memref<1x1x1x128xi32, #tpu.memory_space<hbm>> -> memref<128xi32, #tpu.memory_space<hbm>>
      tpu.enqueue_dma source(%dma_start3A_243 : memref<128xi32, #tpu.memory_space<hbm>>) target(%arg7 : memref<128xi32, #tpu.memory_space<vmem>>) target_semaphore(%arg11 : memref<!tpu.dma_semaphore, #tpu.memory_space<semaphore_mem>>)
      %dma_wait3A_244 = arith.constant 0 : i32
      %dma_wait3A_245 = arith.constant 0 : i32
      %dma_wait3A_246 = tpu.memref_slice %arg2[%add3A, %add3A_218, %dma_wait3A_244, %dma_wait3A_245] : memref<32x80x1x128xi32, #tpu.memory_space<hbm>> -> memref<1x1x1x128xi32, #tpu.memory_space<hbm>>
      %dma_wait3A_247 = tpu.memref_squeeze %dma_wait3A_246 : memref<1x1x1x128xi32, #tpu.memory_space<hbm>> -> memref<128xi32, #tpu.memory_space<hbm>>
      %dma_wait3A_248 = arith.constant 0 : i32
      %dma_wait3A_249 = tpu.memref_slice %arg2[%add3A, %add3A_218, %dma_wait3A_244, %dma_wait3A_248] : memref<32x80x1x128xi32, #tpu.memory_space<hbm>> -> memref<1x1x1x128xi32, #tpu.memory_space<hbm>>
      %dma_wait3A_250 = tpu.memref_squeeze %dma_wait3A_249 : memref<1x1x1x128xi32, #tpu.memory_space<hbm>> -> memref<128xi32, #tpu.memory_space<hbm>>
      tpu.wait_dma2 semaphore(%arg10 : memref<!tpu.dma_semaphore, #tpu.memory_space<semaphore_mem>>) src(%dma_wait3A_250 : memref<128xi32, #tpu.memory_space<hbm>>) dst(%arg6 : memref<128xi32, #tpu.memory_space<vmem>>)
      "tpu.region"() ({
        %run_scoped3A = tpu.sem_alloc : memref<!tpu.dma_semaphore, #tpu.memory_space<semaphore_mem>>
        %dma_start3A_295 = arith.constant 0 : i32
        %dma_start3A_296 = arith.constant 0 : i32
        %dma_start3A_297 = tpu.memref_slice %arg5[%dma_start3A_295, %dma_start3A_296] : memref<10240x128xf32, #tpu.memory_space<vmem_shared>> -> memref<10240x128xf32, #tpu.memory_space<vmem_shared>>
        tpu.enqueue_indirect_dma source(%arg8 : memref<128x128xf32, #tpu.memory_space<vmem>>) target(%dma_start3A_297 : memref<10240x128xf32, #tpu.memory_space<vmem_shared>>) offsets(%arg6 : memref<128xi32, #tpu.memory_space<vmem>>) semaphore(%run_scoped3A : memref<!tpu.dma_semaphore, #tpu.memory_space<semaphore_mem>>) {add = true}
        %dma_wait3A_298 = arith.constant 0 : i32
        %dma_wait3A_299 = arith.constant 0 : i32
        %dma_wait3A_300 = tpu.memref_slice %arg5[%dma_wait3A_298, %dma_wait3A_299] : memref<10240x128xf32, #tpu.memory_space<vmem_shared>> -> memref<10240x128xf32, #tpu.memory_space<vmem_shared>>
        tpu.wait_indirect_dma semaphore(%run_scoped3A : memref<!tpu.dma_semaphore, #tpu.memory_space<semaphore_mem>>) src(%arg8 : memref<128x128xf32, #tpu.memory_space<vmem>>) dst(%dma_wait3A_300 : memref<10240x128xf32, #tpu.memory_space<vmem_shared>>)
        tpu.yield
      }) : () -> ()
      %mul3A_251 = arith.constant 10 : i32
      %mul3A_252 = arith.muli %scan3A_114, %mul3A_251 : i32
      %add3A_253 = arith.constant 8 : i32
      %add3A_254 = arith.addi %mul3A_252, %add3A_253 : i32
      %dma_start3A_255 = arith.constant 0 : i32
      %dma_start3A_256 = arith.constant 0 : i32
      %dma_start3A_257 = tpu.memref_slice %arg2[%add3A, %add3A_254, %dma_start3A_255, %dma_start3A_256] : memref<32x80x1x128xi32, #tpu.memory_space<hbm>> -> memref<1x1x1x128xi32, #tpu.memory_space<hbm>>
      %dma_start3A_258 = tpu.memref_squeeze %dma_start3A_257 : memref<1x1x1x128xi32, #tpu.memory_space<hbm>> -> memref<128xi32, #tpu.memory_space<hbm>>
      %dma_start3A_259 = arith.constant 0 : i32
      %dma_start3A_260 = tpu.memref_slice %arg2[%add3A, %add3A_254, %dma_start3A_255, %dma_start3A_259] : memref<32x80x1x128xi32, #tpu.memory_space<hbm>> -> memref<1x1x1x128xi32, #tpu.memory_space<hbm>>
      %dma_start3A_261 = tpu.memref_squeeze %dma_start3A_260 : memref<1x1x1x128xi32, #tpu.memory_space<hbm>> -> memref<128xi32, #tpu.memory_space<hbm>>
      tpu.enqueue_dma source(%dma_start3A_261 : memref<128xi32, #tpu.memory_space<hbm>>) target(%arg6 : memref<128xi32, #tpu.memory_space<vmem>>) target_semaphore(%arg10 : memref<!tpu.dma_semaphore, #tpu.memory_space<semaphore_mem>>)
      %dma_wait3A_262 = arith.constant 0 : i32
      %dma_wait3A_263 = arith.constant 0 : i32
      %dma_wait3A_264 = tpu.memref_slice %arg2[%add3A, %add3A_236, %dma_wait3A_262, %dma_wait3A_263] : memref<32x80x1x128xi32, #tpu.memory_space<hbm>> -> memref<1x1x1x128xi32, #tpu.memory_space<hbm>>
      %dma_wait3A_265 = tpu.memref_squeeze %dma_wait3A_264 : memref<1x1x1x128xi32, #tpu.memory_space<hbm>> -> memref<128xi32, #tpu.memory_space<hbm>>
      %dma_wait3A_266 = arith.constant 0 : i32
      %dma_wait3A_267 = tpu.memref_slice %arg2[%add3A, %add3A_236, %dma_wait3A_262, %dma_wait3A_266] : memref<32x80x1x128xi32, #tpu.memory_space<hbm>> -> memref<1x1x1x128xi32, #tpu.memory_space<hbm>>
      %dma_wait3A_268 = tpu.memref_squeeze %dma_wait3A_267 : memref<1x1x1x128xi32, #tpu.memory_space<hbm>> -> memref<128xi32, #tpu.memory_space<hbm>>
      tpu.wait_dma2 semaphore(%arg11 : memref<!tpu.dma_semaphore, #tpu.memory_space<semaphore_mem>>) src(%dma_wait3A_268 : memref<128xi32, #tpu.memory_space<hbm>>) dst(%arg7 : memref<128xi32, #tpu.memory_space<vmem>>)
      "tpu.region"() ({
        %run_scoped3A = tpu.sem_alloc : memref<!tpu.dma_semaphore, #tpu.memory_space<semaphore_mem>>
        %dma_start3A_295 = arith.constant 0 : i32
        %dma_start3A_296 = arith.constant 0 : i32
        %dma_start3A_297 = tpu.memref_slice %arg5[%dma_start3A_295, %dma_start3A_296] : memref<10240x128xf32, #tpu.memory_space<vmem_shared>> -> memref<10240x128xf32, #tpu.memory_space<vmem_shared>>
        tpu.enqueue_indirect_dma source(%arg8 : memref<128x128xf32, #tpu.memory_space<vmem>>) target(%dma_start3A_297 : memref<10240x128xf32, #tpu.memory_space<vmem_shared>>) offsets(%arg7 : memref<128xi32, #tpu.memory_space<vmem>>) semaphore(%run_scoped3A : memref<!tpu.dma_semaphore, #tpu.memory_space<semaphore_mem>>) {add = true}
        %dma_wait3A_298 = arith.constant 0 : i32
        %dma_wait3A_299 = arith.constant 0 : i32
        %dma_wait3A_300 = tpu.memref_slice %arg5[%dma_wait3A_298, %dma_wait3A_299] : memref<10240x128xf32, #tpu.memory_space<vmem_shared>> -> memref<10240x128xf32, #tpu.memory_space<vmem_shared>>
        tpu.wait_indirect_dma semaphore(%run_scoped3A : memref<!tpu.dma_semaphore, #tpu.memory_space<semaphore_mem>>) src(%arg8 : memref<128x128xf32, #tpu.memory_space<vmem>>) dst(%dma_wait3A_300 : memref<10240x128xf32, #tpu.memory_space<vmem_shared>>)
        tpu.yield
      }) : () -> ()
      %mul3A_269 = arith.constant 10 : i32
      %mul3A_270 = arith.muli %scan3A_114, %mul3A_269 : i32
      %add3A_271 = arith.constant 9 : i32
      %add3A_272 = arith.addi %mul3A_270, %add3A_271 : i32
      %dma_start3A_273 = arith.constant 0 : i32
      %dma_start3A_274 = arith.constant 0 : i32
      %dma_start3A_275 = tpu.memref_slice %arg2[%add3A, %add3A_272, %dma_start3A_273, %dma_start3A_274] : memref<32x80x1x128xi32, #tpu.memory_space<hbm>> -> memref<1x1x1x128xi32, #tpu.memory_space<hbm>>
      %dma_start3A_276 = tpu.memref_squeeze %dma_start3A_275 : memref<1x1x1x128xi32, #tpu.memory_space<hbm>> -> memref<128xi32, #tpu.memory_space<hbm>>
      %dma_start3A_277 = arith.constant 0 : i32
      %dma_start3A_278 = tpu.memref_slice %arg2[%add3A, %add3A_272, %dma_start3A_273, %dma_start3A_277] : memref<32x80x1x128xi32, #tpu.memory_space<hbm>> -> memref<1x1x1x128xi32, #tpu.memory_space<hbm>>
      %dma_start3A_279 = tpu.memref_squeeze %dma_start3A_278 : memref<1x1x1x128xi32, #tpu.memory_space<hbm>> -> memref<128xi32, #tpu.memory_space<hbm>>
      tpu.enqueue_dma source(%dma_start3A_279 : memref<128xi32, #tpu.memory_space<hbm>>) target(%arg7 : memref<128xi32, #tpu.memory_space<vmem>>) target_semaphore(%arg11 : memref<!tpu.dma_semaphore, #tpu.memory_space<semaphore_mem>>)
      %dma_wait3A_280 = arith.constant 0 : i32
      %dma_wait3A_281 = arith.constant 0 : i32
      %dma_wait3A_282 = tpu.memref_slice %arg2[%add3A, %add3A_254, %dma_wait3A_280, %dma_wait3A_281] : memref<32x80x1x128xi32, #tpu.memory_space<hbm>> -> memref<1x1x1x128xi32, #tpu.memory_space<hbm>>
      %dma_wait3A_283 = tpu.memref_squeeze %dma_wait3A_282 : memref<1x1x1x128xi32, #tpu.memory_space<hbm>> -> memref<128xi32, #tpu.memory_space<hbm>>
      %dma_wait3A_284 = arith.constant 0 : i32
      %dma_wait3A_285 = tpu.memref_slice %arg2[%add3A, %add3A_254, %dma_wait3A_280, %dma_wait3A_284] : memref<32x80x1x128xi32, #tpu.memory_space<hbm>> -> memref<1x1x1x128xi32, #tpu.memory_space<hbm>>
      %dma_wait3A_286 = tpu.memref_squeeze %dma_wait3A_285 : memref<1x1x1x128xi32, #tpu.memory_space<hbm>> -> memref<128xi32, #tpu.memory_space<hbm>>
      tpu.wait_dma2 semaphore(%arg10 : memref<!tpu.dma_semaphore, #tpu.memory_space<semaphore_mem>>) src(%dma_wait3A_286 : memref<128xi32, #tpu.memory_space<hbm>>) dst(%arg6 : memref<128xi32, #tpu.memory_space<vmem>>)
      "tpu.region"() ({
        %run_scoped3A = tpu.sem_alloc : memref<!tpu.dma_semaphore, #tpu.memory_space<semaphore_mem>>
        %dma_start3A_295 = arith.constant 0 : i32
        %dma_start3A_296 = arith.constant 0 : i32
        %dma_start3A_297 = tpu.memref_slice %arg5[%dma_start3A_295, %dma_start3A_296] : memref<10240x128xf32, #tpu.memory_space<vmem_shared>> -> memref<10240x128xf32, #tpu.memory_space<vmem_shared>>
        tpu.enqueue_indirect_dma source(%arg8 : memref<128x128xf32, #tpu.memory_space<vmem>>) target(%dma_start3A_297 : memref<10240x128xf32, #tpu.memory_space<vmem_shared>>) offsets(%arg6 : memref<128xi32, #tpu.memory_space<vmem>>) semaphore(%run_scoped3A : memref<!tpu.dma_semaphore, #tpu.memory_space<semaphore_mem>>) {add = true}
        %dma_wait3A_298 = arith.constant 0 : i32
        %dma_wait3A_299 = arith.constant 0 : i32
        %dma_wait3A_300 = tpu.memref_slice %arg5[%dma_wait3A_298, %dma_wait3A_299] : memref<10240x128xf32, #tpu.memory_space<vmem_shared>> -> memref<10240x128xf32, #tpu.memory_space<vmem_shared>>
        tpu.wait_indirect_dma semaphore(%run_scoped3A : memref<!tpu.dma_semaphore, #tpu.memory_space<semaphore_mem>>) src(%arg8 : memref<128x128xf32, #tpu.memory_space<vmem>>) dst(%dma_wait3A_300 : memref<10240x128xf32, #tpu.memory_space<vmem_shared>>)
        tpu.yield
      }) : () -> ()
      %dma_wait3A_287 = arith.constant 0 : i32
      %dma_wait3A_288 = arith.constant 0 : i32
      %dma_wait3A_289 = tpu.memref_slice %arg2[%add3A, %add3A_272, %dma_wait3A_287, %dma_wait3A_288] : memref<32x80x1x128xi32, #tpu.memory_space<hbm>> -> memref<1x1x1x128xi32, #tpu.memory_space<hbm>>
      %dma_wait3A_290 = tpu.memref_squeeze %dma_wait3A_289 : memref<1x1x1x128xi32, #tpu.memory_space<hbm>> -> memref<128xi32, #tpu.memory_space<hbm>>
      %dma_wait3A_291 = arith.constant 0 : i32
      %dma_wait3A_292 = tpu.memref_slice %arg2[%add3A, %add3A_272, %dma_wait3A_287, %dma_wait3A_291] : memref<32x80x1x128xi32, #tpu.memory_space<hbm>> -> memref<1x1x1x128xi32, #tpu.memory_space<hbm>>
      %dma_wait3A_293 = tpu.memref_squeeze %dma_wait3A_292 : memref<1x1x1x128xi32, #tpu.memory_space<hbm>> -> memref<128xi32, #tpu.memory_space<hbm>>
      tpu.wait_dma2 semaphore(%arg11 : memref<!tpu.dma_semaphore, #tpu.memory_space<semaphore_mem>>) src(%dma_wait3A_293 : memref<128xi32, #tpu.memory_space<hbm>>) dst(%arg7 : memref<128xi32, #tpu.memory_space<vmem>>)
      "tpu.region"() ({
        %run_scoped3A = tpu.sem_alloc : memref<!tpu.dma_semaphore, #tpu.memory_space<semaphore_mem>>
        %dma_start3A_295 = arith.constant 0 : i32
        %dma_start3A_296 = arith.constant 0 : i32
        %dma_start3A_297 = tpu.memref_slice %arg5[%dma_start3A_295, %dma_start3A_296] : memref<10240x128xf32, #tpu.memory_space<vmem_shared>> -> memref<10240x128xf32, #tpu.memory_space<vmem_shared>>
        tpu.enqueue_indirect_dma source(%arg8 : memref<128x128xf32, #tpu.memory_space<vmem>>) target(%dma_start3A_297 : memref<10240x128xf32, #tpu.memory_space<vmem_shared>>) offsets(%arg7 : memref<128xi32, #tpu.memory_space<vmem>>) semaphore(%run_scoped3A : memref<!tpu.dma_semaphore, #tpu.memory_space<semaphore_mem>>) {add = true}
        %dma_wait3A_298 = arith.constant 0 : i32
        %dma_wait3A_299 = arith.constant 0 : i32
        %dma_wait3A_300 = tpu.memref_slice %arg5[%dma_wait3A_298, %dma_wait3A_299] : memref<10240x128xf32, #tpu.memory_space<vmem_shared>> -> memref<10240x128xf32, #tpu.memory_space<vmem_shared>>
        tpu.wait_indirect_dma semaphore(%run_scoped3A : memref<!tpu.dma_semaphore, #tpu.memory_space<semaphore_mem>>) src(%arg8 : memref<128x128xf32, #tpu.memory_space<vmem>>) dst(%dma_wait3A_300 : memref<10240x128xf32, #tpu.memory_space<vmem_shared>>)
        tpu.yield
      }) : () -> ()
      %scan3A_294 = arith.constant 0 : i32
      scf.yield %scan3A_294 : i32
    }
    %scan3A_103 = arith.constant 8 : i32
    %barrier3A_104 = arith.constant 0 : index
    tpu.barrier barrier_id(%barrier3A_104)
    %mul3A_105 = arith.constant 640 : i32
    %mul3A_106 = arith.muli %arg1, %mul3A_105 : i32
    %eq3A = arith.constant 0 : i32
    %eq3A_107 = arith.cmpi eq, %arg0, %eq3A : i32
    %convert_element_type3A = arith.extui %eq3A_107 : i1 to i32
    %cond3A = arith.constant 0 : i32
    %cond3A_108 = arith.cmpi ne, %convert_element_type3A, %cond3A : i32
    scf.if %cond3A_108 {
      "tpu.region"() ({
        %run_scoped3A = tpu.sem_alloc : memref<!tpu.dma_semaphore, #tpu.memory_space<semaphore_mem>>
        %dma_start3A = arith.constant 0 : i32
        %dma_start3A_114 = tpu.memref_slice %arg3[%mul3A_106, %dma_start3A] : memref<10240x128xf32, #tpu.memory_space<hbm>> -> memref<640x128xf32, #tpu.memory_space<hbm>>
        %dma_start3A_115 = arith.constant 0 : i32
        %dma_start3A_116 = tpu.memref_slice %arg5[%mul3A_106, %dma_start3A_115] : memref<10240x128xf32, #tpu.memory_space<vmem_shared>> -> memref<640x128xf32, #tpu.memory_space<vmem_shared>>
        tpu.enqueue_dma source(%dma_start3A_116 : memref<640x128xf32, #tpu.memory_space<vmem_shared>>) target(%dma_start3A_114 : memref<640x128xf32, #tpu.memory_space<hbm>>) target_semaphore(%run_scoped3A : memref<!tpu.dma_semaphore, #tpu.memory_space<semaphore_mem>>)
        %dma_wait3A = arith.constant 0 : i32
        %dma_wait3A_117 = tpu.memref_slice %arg3[%mul3A_106, %dma_wait3A] : memref<10240x128xf32, #tpu.memory_space<hbm>> -> memref<640x128xf32, #tpu.memory_space<hbm>>
        %dma_wait3A_118 = arith.constant 0 : i32
        %dma_wait3A_119 = tpu.memref_slice %arg5[%mul3A_106, %dma_wait3A_118] : memref<10240x128xf32, #tpu.memory_space<vmem_shared>> -> memref<640x128xf32, #tpu.memory_space<vmem_shared>>
        tpu.wait_dma2 semaphore(%run_scoped3A : memref<!tpu.dma_semaphore, #tpu.memory_space<semaphore_mem>>) src(%dma_wait3A_119 : memref<640x128xf32, #tpu.memory_space<vmem_shared>>) dst(%dma_wait3A_117 : memref<640x128xf32, #tpu.memory_space<hbm>>)
        tpu.yield
      }) : () -> ()
    } else {
    }
    %eq3A_109 = arith.constant 1 : i32
    %eq3A_110 = arith.cmpi eq, %arg0, %eq3A_109 : i32
    %convert_element_type3A_111 = arith.extui %eq3A_110 : i1 to i32
    %cond3A_112 = arith.constant 0 : i32
    %cond3A_113 = arith.cmpi ne, %convert_element_type3A_111, %cond3A_112 : i32
    scf.if %cond3A_113 {
      "tpu.region"() ({
        %run_scoped3A = tpu.sem_alloc : memref<!tpu.dma_semaphore, #tpu.memory_space<semaphore_mem>>
        %dma_start3A = arith.constant 0 : i32
        %dma_start3A_114 = tpu.memref_slice %arg4[%mul3A_106, %dma_start3A] : memref<10240x128xf32, #tpu.memory_space<hbm>> -> memref<640x128xf32, #tpu.memory_space<hbm>>
        %dma_start3A_115 = arith.constant 0 : i32
        %dma_start3A_116 = tpu.memref_slice %arg5[%mul3A_106, %dma_start3A_115] : memref<10240x128xf32, #tpu.memory_space<vmem_shared>> -> memref<640x128xf32, #tpu.memory_space<vmem_shared>>
        tpu.enqueue_dma source(%dma_start3A_116 : memref<640x128xf32, #tpu.memory_space<vmem_shared>>) target(%dma_start3A_114 : memref<640x128xf32, #tpu.memory_space<hbm>>) target_semaphore(%run_scoped3A : memref<!tpu.dma_semaphore, #tpu.memory_space<semaphore_mem>>)
        %dma_wait3A = arith.constant 0 : i32
        %dma_wait3A_117 = tpu.memref_slice %arg4[%mul3A_106, %dma_wait3A] : memref<10240x128xf32, #tpu.memory_space<hbm>> -> memref<640x128xf32, #tpu.memory_space<hbm>>
        %dma_wait3A_118 = arith.constant 0 : i32
        %dma_wait3A_119 = tpu.memref_slice %arg5[%mul3A_106, %dma_wait3A_118] : memref<10240x128xf32, #tpu.memory_space<vmem_shared>> -> memref<640x128xf32, #tpu.memory_space<vmem_shared>>
        tpu.wait_dma2 semaphore(%run_scoped3A : memref<!tpu.dma_semaphore, #tpu.memory_space<semaphore_mem>>) src(%dma_wait3A_119 : memref<640x128xf32, #tpu.memory_space<vmem_shared>>) dst(%dma_wait3A_117 : memref<640x128xf32, #tpu.memory_space<hbm>>)
        tpu.yield
      }) : () -> ()
    } else {
    }
    return
  }
}

#map = affine_map<(d0, d1) -> (0, 0)>
#map1 = affine_map<(d0, d1) -> (0)>
module attributes {stable_mosaic.version = 14 : i64} {
  func.func @k(%arg0: i32, %arg1: i32, %arg2: memref<10240x128xf32, #tpu.memory_space<hbm>>, %arg3: memref<10240x128xf32, #tpu.memory_space<hbm>>, %arg4: memref<10240x128xf32, #tpu.memory_space<hbm>>, %arg5: memref<10240x128xf32, #tpu.memory_space<hbm>>, %arg6: memref<1024xi32, #tpu.memory_space<hbm>>, %arg7: memref<1024x128xf32, #tpu.memory_space<hbm>>, %arg8: memref<1024x128xf32, #tpu.memory_space<hbm>>, %arg9: memref<1024x128xf32, #tpu.memory_space<hbm>>, %arg10: memref<1024x128xf32, #tpu.memory_space<hbm>>, %arg11: memref<32xi32, #tpu.memory_space<vmem>>, %arg12: memref<32x128xf32, #tpu.memory_space<vmem>>, %arg13: memref<!tpu.dma_semaphore, #tpu.memory_space<semaphore_mem>>) attributes {dimension_semantics = [#tpu.dimension_semantics<core_parallel>, #tpu.dimension_semantics<subcore_parallel>], iteration_bounds = array<i64: 2, 16>, scalar_prefetch = 0 : i64, scratch_operands = 3 : i64, tpu.core_type = #tpu.core_type<sc_vector_subcore>, window_params = [{transform_indices = #map}, {transform_indices = #map}, {transform_indices = #map}, {transform_indices = #map}, {transform_indices = #map1}, {transform_indices = #map}, {transform_indices = #map}, {transform_indices = #map}, {transform_indices = #map}]} {
    %mul3A = arith.constant 2 : i32
    %mul3A_0 = arith.muli %arg1, %mul3A : i32
    %add3A = arith.addi %mul3A_0, %arg0 : i32
    %mul3A_1 = arith.constant 32 : i32
    %mul3A_2 = arith.muli %add3A, %mul3A_1 : i32
    "tpu.region"() ({
      %run_scoped3A = tpu.sem_alloc : memref<!tpu.dma_semaphore, #tpu.memory_space<semaphore_mem>>
      %dma_start3A_25 = tpu.memref_slice %arg6[%mul3A_2] : memref<1024xi32, #tpu.memory_space<hbm>> -> memref<32xi32, #tpu.memory_space<hbm>>
      %dma_start3A_26 = tpu.memref_slice %arg6[%mul3A_2] : memref<1024xi32, #tpu.memory_space<hbm>> -> memref<32xi32, #tpu.memory_space<hbm>>
      tpu.enqueue_dma source(%dma_start3A_26 : memref<32xi32, #tpu.memory_space<hbm>>) target(%arg11 : memref<32xi32, #tpu.memory_space<vmem>>) target_semaphore(%run_scoped3A : memref<!tpu.dma_semaphore, #tpu.memory_space<semaphore_mem>>)
      %dma_wait3A_27 = tpu.memref_slice %arg6[%mul3A_2] : memref<1024xi32, #tpu.memory_space<hbm>> -> memref<32xi32, #tpu.memory_space<hbm>>
      %dma_wait3A_28 = tpu.memref_slice %arg6[%mul3A_2] : memref<1024xi32, #tpu.memory_space<hbm>> -> memref<32xi32, #tpu.memory_space<hbm>>
      tpu.wait_dma2 semaphore(%run_scoped3A : memref<!tpu.dma_semaphore, #tpu.memory_space<semaphore_mem>>) src(%dma_wait3A_28 : memref<32xi32, #tpu.memory_space<hbm>>) dst(%arg11 : memref<32xi32, #tpu.memory_space<vmem>>)
      tpu.yield
    }) : () -> ()
    %dma_start3A = arith.constant 0 : i32
    %dma_start3A_3 = arith.constant 0 : i32
    %dma_start3A_4 = tpu.memref_slice %arg2[%dma_start3A, %dma_start3A_3] : memref<10240x128xf32, #tpu.memory_space<hbm>> -> memref<10240x128xf32, #tpu.memory_space<hbm>>
    tpu.enqueue_indirect_dma source(%dma_start3A_4 : memref<10240x128xf32, #tpu.memory_space<hbm>>) target(%arg12 : memref<32x128xf32, #tpu.memory_space<vmem>>) offsets(%arg11 : memref<32xi32, #tpu.memory_space<vmem>>) semaphore(%arg13 : memref<!tpu.dma_semaphore, #tpu.memory_space<semaphore_mem>>)
    %dma_wait3A = arith.constant 0 : i32
    %dma_wait3A_5 = arith.constant 0 : i32
    %dma_wait3A_6 = tpu.memref_slice %arg2[%dma_wait3A, %dma_wait3A_5] : memref<10240x128xf32, #tpu.memory_space<hbm>> -> memref<10240x128xf32, #tpu.memory_space<hbm>>
    tpu.wait_indirect_dma semaphore(%arg13 : memref<!tpu.dma_semaphore, #tpu.memory_space<semaphore_mem>>) src(%dma_wait3A_6 : memref<10240x128xf32, #tpu.memory_space<hbm>>) dst(%arg12 : memref<32x128xf32, #tpu.memory_space<vmem>>)
    "tpu.region"() ({
      %run_scoped3A = tpu.sem_alloc : memref<!tpu.dma_semaphore, #tpu.memory_space<semaphore_mem>>
      %dma_start3A_25 = arith.constant 0 : i32
      %dma_start3A_26 = tpu.memref_slice %arg7[%mul3A_2, %dma_start3A_25] : memref<1024x128xf32, #tpu.memory_space<hbm>> -> memref<32x128xf32, #tpu.memory_space<hbm>>
      %dma_start3A_27 = arith.constant 0 : i32
      %dma_start3A_28 = tpu.memref_slice %arg7[%mul3A_2, %dma_start3A_27] : memref<1024x128xf32, #tpu.memory_space<hbm>> -> memref<32x128xf32, #tpu.memory_space<hbm>>
      tpu.enqueue_dma source(%arg12 : memref<32x128xf32, #tpu.memory_space<vmem>>) target(%dma_start3A_28 : memref<32x128xf32, #tpu.memory_space<hbm>>) target_semaphore(%run_scoped3A : memref<!tpu.dma_semaphore, #tpu.memory_space<semaphore_mem>>)
      %dma_wait3A_29 = arith.constant 0 : i32
      %dma_wait3A_30 = tpu.memref_slice %arg7[%mul3A_2, %dma_wait3A_29] : memref<1024x128xf32, #tpu.memory_space<hbm>> -> memref<32x128xf32, #tpu.memory_space<hbm>>
      %dma_wait3A_31 = arith.constant 0 : i32
      %dma_wait3A_32 = tpu.memref_slice %arg7[%mul3A_2, %dma_wait3A_31] : memref<1024x128xf32, #tpu.memory_space<hbm>> -> memref<32x128xf32, #tpu.memory_space<hbm>>
      tpu.wait_dma2 semaphore(%run_scoped3A : memref<!tpu.dma_semaphore, #tpu.memory_space<semaphore_mem>>) src(%arg12 : memref<32x128xf32, #tpu.memory_space<vmem>>) dst(%dma_wait3A_32 : memref<32x128xf32, #tpu.memory_space<hbm>>)
      tpu.yield
    }) : () -> ()
    %dma_start3A_7 = arith.constant 0 : i32
    %dma_start3A_8 = arith.constant 0 : i32
    %dma_start3A_9 = tpu.memref_slice %arg3[%dma_start3A_7, %dma_start3A_8] : memref<10240x128xf32, #tpu.memory_space<hbm>> -> memref<10240x128xf32, #tpu.memory_space<hbm>>
    tpu.enqueue_indirect_dma source(%dma_start3A_9 : memref<10240x128xf32, #tpu.memory_space<hbm>>) target(%arg12 : memref<32x128xf32, #tpu.memory_space<vmem>>) offsets(%arg11 : memref<32xi32, #tpu.memory_space<vmem>>) semaphore(%arg13 : memref<!tpu.dma_semaphore, #tpu.memory_space<semaphore_mem>>)
    %dma_wait3A_10 = arith.constant 0 : i32
    %dma_wait3A_11 = arith.constant 0 : i32
    %dma_wait3A_12 = tpu.memref_slice %arg3[%dma_wait3A_10, %dma_wait3A_11] : memref<10240x128xf32, #tpu.memory_space<hbm>> -> memref<10240x128xf32, #tpu.memory_space<hbm>>
    tpu.wait_indirect_dma semaphore(%arg13 : memref<!tpu.dma_semaphore, #tpu.memory_space<semaphore_mem>>) src(%dma_wait3A_12 : memref<10240x128xf32, #tpu.memory_space<hbm>>) dst(%arg12 : memref<32x128xf32, #tpu.memory_space<vmem>>)
    "tpu.region"() ({
      %run_scoped3A = tpu.sem_alloc : memref<!tpu.dma_semaphore, #tpu.memory_space<semaphore_mem>>
      %dma_start3A_25 = arith.constant 0 : i32
      %dma_start3A_26 = tpu.memref_slice %arg8[%mul3A_2, %dma_start3A_25] : memref<1024x128xf32, #tpu.memory_space<hbm>> -> memref<32x128xf32, #tpu.memory_space<hbm>>
      %dma_start3A_27 = arith.constant 0 : i32
      %dma_start3A_28 = tpu.memref_slice %arg8[%mul3A_2, %dma_start3A_27] : memref<1024x128xf32, #tpu.memory_space<hbm>> -> memref<32x128xf32, #tpu.memory_space<hbm>>
      tpu.enqueue_dma source(%arg12 : memref<32x128xf32, #tpu.memory_space<vmem>>) target(%dma_start3A_28 : memref<32x128xf32, #tpu.memory_space<hbm>>) target_semaphore(%run_scoped3A : memref<!tpu.dma_semaphore, #tpu.memory_space<semaphore_mem>>)
      %dma_wait3A_29 = arith.constant 0 : i32
      %dma_wait3A_30 = tpu.memref_slice %arg8[%mul3A_2, %dma_wait3A_29] : memref<1024x128xf32, #tpu.memory_space<hbm>> -> memref<32x128xf32, #tpu.memory_space<hbm>>
      %dma_wait3A_31 = arith.constant 0 : i32
      %dma_wait3A_32 = tpu.memref_slice %arg8[%mul3A_2, %dma_wait3A_31] : memref<1024x128xf32, #tpu.memory_space<hbm>> -> memref<32x128xf32, #tpu.memory_space<hbm>>
      tpu.wait_dma2 semaphore(%run_scoped3A : memref<!tpu.dma_semaphore, #tpu.memory_space<semaphore_mem>>) src(%arg12 : memref<32x128xf32, #tpu.memory_space<vmem>>) dst(%dma_wait3A_32 : memref<32x128xf32, #tpu.memory_space<hbm>>)
      tpu.yield
    }) : () -> ()
    %dma_start3A_13 = arith.constant 0 : i32
    %dma_start3A_14 = arith.constant 0 : i32
    %dma_start3A_15 = tpu.memref_slice %arg4[%dma_start3A_13, %dma_start3A_14] : memref<10240x128xf32, #tpu.memory_space<hbm>> -> memref<10240x128xf32, #tpu.memory_space<hbm>>
    tpu.enqueue_indirect_dma source(%dma_start3A_15 : memref<10240x128xf32, #tpu.memory_space<hbm>>) target(%arg12 : memref<32x128xf32, #tpu.memory_space<vmem>>) offsets(%arg11 : memref<32xi32, #tpu.memory_space<vmem>>) semaphore(%arg13 : memref<!tpu.dma_semaphore, #tpu.memory_space<semaphore_mem>>)
    %dma_wait3A_16 = arith.constant 0 : i32
    %dma_wait3A_17 = arith.constant 0 : i32
    %dma_wait3A_18 = tpu.memref_slice %arg4[%dma_wait3A_16, %dma_wait3A_17] : memref<10240x128xf32, #tpu.memory_space<hbm>> -> memref<10240x128xf32, #tpu.memory_space<hbm>>
    tpu.wait_indirect_dma semaphore(%arg13 : memref<!tpu.dma_semaphore, #tpu.memory_space<semaphore_mem>>) src(%dma_wait3A_18 : memref<10240x128xf32, #tpu.memory_space<hbm>>) dst(%arg12 : memref<32x128xf32, #tpu.memory_space<vmem>>)
    "tpu.region"() ({
      %run_scoped3A = tpu.sem_alloc : memref<!tpu.dma_semaphore, #tpu.memory_space<semaphore_mem>>
      %dma_start3A_25 = arith.constant 0 : i32
      %dma_start3A_26 = tpu.memref_slice %arg9[%mul3A_2, %dma_start3A_25] : memref<1024x128xf32, #tpu.memory_space<hbm>> -> memref<32x128xf32, #tpu.memory_space<hbm>>
      %dma_start3A_27 = arith.constant 0 : i32
      %dma_start3A_28 = tpu.memref_slice %arg9[%mul3A_2, %dma_start3A_27] : memref<1024x128xf32, #tpu.memory_space<hbm>> -> memref<32x128xf32, #tpu.memory_space<hbm>>
      tpu.enqueue_dma source(%arg12 : memref<32x128xf32, #tpu.memory_space<vmem>>) target(%dma_start3A_28 : memref<32x128xf32, #tpu.memory_space<hbm>>) target_semaphore(%run_scoped3A : memref<!tpu.dma_semaphore, #tpu.memory_space<semaphore_mem>>)
      %dma_wait3A_29 = arith.constant 0 : i32
      %dma_wait3A_30 = tpu.memref_slice %arg9[%mul3A_2, %dma_wait3A_29] : memref<1024x128xf32, #tpu.memory_space<hbm>> -> memref<32x128xf32, #tpu.memory_space<hbm>>
      %dma_wait3A_31 = arith.constant 0 : i32
      %dma_wait3A_32 = tpu.memref_slice %arg9[%mul3A_2, %dma_wait3A_31] : memref<1024x128xf32, #tpu.memory_space<hbm>> -> memref<32x128xf32, #tpu.memory_space<hbm>>
      tpu.wait_dma2 semaphore(%run_scoped3A : memref<!tpu.dma_semaphore, #tpu.memory_space<semaphore_mem>>) src(%arg12 : memref<32x128xf32, #tpu.memory_space<vmem>>) dst(%dma_wait3A_32 : memref<32x128xf32, #tpu.memory_space<hbm>>)
      tpu.yield
    }) : () -> ()
    %dma_start3A_19 = arith.constant 0 : i32
    %dma_start3A_20 = arith.constant 0 : i32
    %dma_start3A_21 = tpu.memref_slice %arg5[%dma_start3A_19, %dma_start3A_20] : memref<10240x128xf32, #tpu.memory_space<hbm>> -> memref<10240x128xf32, #tpu.memory_space<hbm>>
    tpu.enqueue_indirect_dma source(%dma_start3A_21 : memref<10240x128xf32, #tpu.memory_space<hbm>>) target(%arg12 : memref<32x128xf32, #tpu.memory_space<vmem>>) offsets(%arg11 : memref<32xi32, #tpu.memory_space<vmem>>) semaphore(%arg13 : memref<!tpu.dma_semaphore, #tpu.memory_space<semaphore_mem>>)
    %dma_wait3A_22 = arith.constant 0 : i32
    %dma_wait3A_23 = arith.constant 0 : i32
    %dma_wait3A_24 = tpu.memref_slice %arg5[%dma_wait3A_22, %dma_wait3A_23] : memref<10240x128xf32, #tpu.memory_space<hbm>> -> memref<10240x128xf32, #tpu.memory_space<hbm>>
    tpu.wait_indirect_dma semaphore(%arg13 : memref<!tpu.dma_semaphore, #tpu.memory_space<semaphore_mem>>) src(%dma_wait3A_24 : memref<10240x128xf32, #tpu.memory_space<hbm>>) dst(%arg12 : memref<32x128xf32, #tpu.memory_space<vmem>>)
    "tpu.region"() ({
      %run_scoped3A = tpu.sem_alloc : memref<!tpu.dma_semaphore, #tpu.memory_space<semaphore_mem>>
      %dma_start3A_25 = arith.constant 0 : i32
      %dma_start3A_26 = tpu.memref_slice %arg10[%mul3A_2, %dma_start3A_25] : memref<1024x128xf32, #tpu.memory_space<hbm>> -> memref<32x128xf32, #tpu.memory_space<hbm>>
      %dma_start3A_27 = arith.constant 0 : i32
      %dma_start3A_28 = tpu.memref_slice %arg10[%mul3A_2, %dma_start3A_27] : memref<1024x128xf32, #tpu.memory_space<hbm>> -> memref<32x128xf32, #tpu.memory_space<hbm>>
      tpu.enqueue_dma source(%arg12 : memref<32x128xf32, #tpu.memory_space<vmem>>) target(%dma_start3A_28 : memref<32x128xf32, #tpu.memory_space<hbm>>) target_semaphore(%run_scoped3A : memref<!tpu.dma_semaphore, #tpu.memory_space<semaphore_mem>>)
      %dma_wait3A_29 = arith.constant 0 : i32
      %dma_wait3A_30 = tpu.memref_slice %arg10[%mul3A_2, %dma_wait3A_29] : memref<1024x128xf32, #tpu.memory_space<hbm>> -> memref<32x128xf32, #tpu.memory_space<hbm>>
      %dma_wait3A_31 = arith.constant 0 : i32
      %dma_wait3A_32 = tpu.memref_slice %arg10[%mul3A_2, %dma_wait3A_31] : memref<1024x128xf32, #tpu.memory_space<hbm>> -> memref<32x128xf32, #tpu.memory_space<hbm>>
      tpu.wait_dma2 semaphore(%run_scoped3A : memref<!tpu.dma_semaphore, #tpu.memory_space<semaphore_mem>>) src(%arg12 : memref<32x128xf32, #tpu.memory_space<vmem>>) dst(%dma_wait3A_32 : memref<32x128xf32, #tpu.memory_space<hbm>>)
      tpu.yield
    }) : () -> ()
    return
  }
}

module attributes {stable_mosaic.version = 14 : i64} {
  func.func @body(%arg0: i32, %arg1: memref<256x128xf32, #tpu.memory_space<vmem>>, %arg2: memref<256x128xf32, #tpu.memory_space<vmem>>, %arg3: memref<256x128xf32, #tpu.memory_space<vmem>>, %arg4: memref<256x128xf32, #tpu.memory_space<vmem>>, %arg5: memref<10000x128xf32, #tpu.memory_space<vmem>>, %arg6: memref<1x10000xf32, #tpu.memory_space<vmem>>, %arg7: memref<10000x128xf32, #tpu.memory_space<vmem>>, %arg8: memref<256x10000xf32, #tpu.memory_space<vmem>>) attributes {dimension_semantics = [#tpu.dimension_semantics<arbitrary>], iteration_bounds = array<i64: 4>, scalar_prefetch = 0 : i64, scratch_operands = 0 : i64, tpu.core_type = #tpu.core_type<tc>, window_params = [{transform_indices = @transform_0, window_bounds = array<i64: 256, 128>}, {transform_indices = @transform_1, window_bounds = array<i64: 256, 128>}, {transform_indices = @transform_2, window_bounds = array<i64: 256, 128>}, {transform_indices = @transform_3, window_bounds = array<i64: 256, 128>}, {pipeline_mode = #tpu.pipeline_mode<synchronous>, transform_indices = @transform_4, window_bounds = array<i64: 10000, 128>}, {pipeline_mode = #tpu.pipeline_mode<synchronous>, transform_indices = @transform_5, window_bounds = array<i64: 1, 10000>}, {pipeline_mode = #tpu.pipeline_mode<synchronous>, transform_indices = @transform_6, window_bounds = array<i64: 10000, 128>}, {transform_indices = @transform_7, window_bounds = array<i64: 256, 10000>}]} {
    %get3A = arith.constant 0 : index
    %get3A_0 = arith.constant 0 : index
    %get3A_1 = vector.load %arg1[%get3A, %get3A_0] : memref<256x128xf32, #tpu.memory_space<vmem>>, vector<256x128xf32>
    %get3A_2 = arith.constant 0 : index
    %get3A_3 = arith.constant 0 : index
    %get3A_4 = vector.load %arg2[%get3A_2, %get3A_3] : memref<256x128xf32, #tpu.memory_space<vmem>>, vector<256x128xf32>
    %add3A = arith.addf %get3A_1, %get3A_4 : vector<256x128xf32>
    %get3A_5 = arith.constant 0 : index
    %get3A_6 = arith.constant 0 : index
    %get3A_7 = vector.load %arg3[%get3A_5, %get3A_6] : memref<256x128xf32, #tpu.memory_space<vmem>>, vector<256x1xf32>
    %div3A = vector.broadcast %get3A_7 : vector<256x1xf32> to vector<256x128xf32>
    %div3A_8 = arith.divf %add3A, %div3A : vector<256x128xf32>
    %get3A_9 = arith.constant 0 : index
    %get3A_10 = arith.constant 0 : index
    %get3A_11 = vector.load %arg5[%get3A_9, %get3A_10] : memref<10000x128xf32, #tpu.memory_space<vmem>>, vector<10000x128xf32>
    %dot_general3A = arith.constant dense<0.000000e+00> : vector<256x10000xf32>
    %dot_general3A_12 = tpu.matmul %div3A_8, %get3A_11, %dot_general3A {dimension_numbers = #tpu.dot_dimension_numbers<[1], [1], [0], [0], [0, 0, 1, 0], [], []>, transpose_lhs_hint = false} : vector<256x128xf32>, vector<10000x128xf32>, vector<256x10000xf32> -> vector<256x10000xf32>
    %get3A_13 = arith.constant 0 : index
    %get3A_14 = arith.constant 0 : index
    %get3A_15 = vector.load %arg6[%get3A_13, %get3A_14] : memref<1x10000xf32, #tpu.memory_space<vmem>>, vector<1x10000xf32>
    %add3A_16 = vector.broadcast %get3A_15 : vector<1x10000xf32> to vector<256x10000xf32>
    %add3A_17 = arith.addf %dot_general3A_12, %add3A_16 : vector<256x10000xf32>
    %get3A_18 = arith.constant 0 : index
    %get3A_19 = arith.constant 0 : index
    %get3A_20 = vector.load %arg4[%get3A_18, %get3A_19] : memref<256x128xf32, #tpu.memory_space<vmem>>, vector<256x128xf32>
    %get3A_21 = arith.constant 0 : index
    %get3A_22 = arith.constant 0 : index
    %get3A_23 = vector.load %arg7[%get3A_21, %get3A_22] : memref<10000x128xf32, #tpu.memory_space<vmem>>, vector<10000x128xf32>
    %dot_general3A_24 = arith.constant dense<0.000000e+00> : vector<256x10000xf32>
    %dot_general3A_25 = tpu.matmul %get3A_20, %get3A_23, %dot_general3A_24 {dimension_numbers = #tpu.dot_dimension_numbers<[1], [1], [0], [0], [0, 0, 1, 0], [], []>, transpose_lhs_hint = false} : vector<256x128xf32>, vector<10000x128xf32>, vector<256x10000xf32> -> vector<256x10000xf32>
    %add3A_26 = arith.addf %add3A_17, %dot_general3A_25 : vector<256x10000xf32>
    %reduce_max3A = arith.constant dense<0xFF800000> : vector<256xf32>
    %reduce_max3A_27 = vector.multi_reduction <maximumf>, %add3A_26, %reduce_max3A [1] : vector<256x10000xf32> to vector<256xf32>
    %broadcast_in_dim3A = vector.shape_cast %reduce_max3A_27 : vector<256xf32> to vector<256x1xf32>
    %sub3A = vector.broadcast %broadcast_in_dim3A : vector<256x1xf32> to vector<256x10000xf32>
    %sub3A_28 = arith.subf %add3A_26, %sub3A : vector<256x10000xf32>
    %exp3A = math.exp %sub3A_28 : vector<256x10000xf32>
    %reduce_sum3A = arith.constant dense<0.000000e+00> : vector<256xf32>
    %reduce_sum3A_29 = vector.multi_reduction <add>, %exp3A, %reduce_sum3A [1] : vector<256x10000xf32> to vector<256xf32>
    %broadcast_in_dim3A_30 = vector.shape_cast %reduce_sum3A_29 : vector<256xf32> to vector<256x1xf32>
    %log3A = math.log %broadcast_in_dim3A_30 : vector<256x1xf32>
    %sub3A_31 = vector.broadcast %log3A : vector<256x1xf32> to vector<256x10000xf32>
    %sub3A_32 = arith.subf %sub3A_28, %sub3A_31 : vector<256x10000xf32>
    %swap3A = arith.constant 0 : index
    %swap3A_33 = arith.constant 0 : index
    %swap3A_34 = vector.load %arg8[%swap3A, %swap3A_33] : memref<256x10000xf32, #tpu.memory_space<vmem>>, vector<256x10000xf32>
    tpu.vector_store %arg8[%swap3A, %swap3A_33], %sub3A_32 {strides = array<i32>} : memref<256x10000xf32, #tpu.memory_space<vmem>>, vector<256x10000xf32>,
    return
  }
  func.func @transform_0(%arg0: i32) -> (i32, i32) {
    %c0_i32 = arith.constant 0 : i32
    %c0_i32_0 = arith.constant 0 : i32
    return %arg0, %c0_i32 : i32, i32
  }
  func.func @transform_1(%arg0: i32) -> (i32, i32) {
    %c0_i32 = arith.constant 0 : i32
    %c0_i32_0 = arith.constant 0 : i32
    return %arg0, %c0_i32 : i32, i32
  }
  func.func @transform_2(%arg0: i32) -> (i32, i32) {
    %c0_i32 = arith.constant 0 : i32
    %c0_i32_0 = arith.constant 0 : i32
    return %arg0, %c0_i32 : i32, i32
  }
  func.func @transform_3(%arg0: i32) -> (i32, i32) {
    %c0_i32 = arith.constant 0 : i32
    %c0_i32_0 = arith.constant 0 : i32
    return %arg0, %c0_i32 : i32, i32
  }
  func.func @transform_4(%arg0: i32) -> (i32, i32) {
    %c0_i32 = arith.constant 0 : i32
    %c0_i32_0 = arith.constant 0 : i32
    %c0_i32_1 = arith.constant 0 : i32
    return %c0_i32, %c0_i32_0 : i32, i32
  }
  func.func @transform_5(%arg0: i32) -> (i32, i32) {
    %c0_i32 = arith.constant 0 : i32
    %c0_i32_0 = arith.constant 0 : i32
    %c0_i32_1 = arith.constant 0 : i32
    return %c0_i32, %c0_i32_0 : i32, i32
  }
  func.func @transform_6(%arg0: i32) -> (i32, i32) {
    %c0_i32 = arith.constant 0 : i32
    %c0_i32_0 = arith.constant 0 : i32
    %c0_i32_1 = arith.constant 0 : i32
    return %c0_i32, %c0_i32_0 : i32, i32
  }
  func.func @transform_7(%arg0: i32) -> (i32, i32) {
    %c0_i32 = arith.constant 0 : i32
    %c0_i32_0 = arith.constant 0 : i32
    return %arg0, %c0_i32 : i32, i32
  }
}

module attributes {stable_mosaic.version = 14 : i64} {
  func.func @body(%arg0: i32, %arg1: memref<1024x128xf32, #tpu.memory_space<vmem>>, %arg2: memref<1024x128xf32, #tpu.memory_space<vmem>>, %arg3: memref<1024x128xf32, #tpu.memory_space<vmem>>, %arg4: memref<1024x128xf32, #tpu.memory_space<vmem>>, %arg5: memref<1024x128xf32, #tpu.memory_space<vmem>>, %arg6: memref<128x128xf32, #tpu.memory_space<vmem>>, %arg7: memref<1x128xf32, #tpu.memory_space<vmem>>, %arg8: memref<128x128xf32, #tpu.memory_space<vmem>>, %arg9: memref<1024x128xf32, #tpu.memory_space<vmem>>, %arg10: memref<1024x128xf32, #tpu.memory_space<vmem>>) attributes {dimension_semantics = [#tpu.dimension_semantics<arbitrary>], iteration_bounds = array<i64: 10>, scalar_prefetch = 0 : i64, scratch_operands = 0 : i64, tpu.core_type = #tpu.core_type<tc>, window_params = [{transform_indices = @transform_0, window_bounds = array<i64: 1024, 128>}, {transform_indices = @transform_1, window_bounds = array<i64: 1024, 128>}, {transform_indices = @transform_2, window_bounds = array<i64: 1024, 128>}, {transform_indices = @transform_3, window_bounds = array<i64: 1024, 128>}, {transform_indices = @transform_4, window_bounds = array<i64: 1024, 128>}, {pipeline_mode = #tpu.pipeline_mode<synchronous>, transform_indices = @transform_5, window_bounds = array<i64: 128, 128>}, {pipeline_mode = #tpu.pipeline_mode<synchronous>, transform_indices = @transform_6, window_bounds = array<i64: 1, 128>}, {pipeline_mode = #tpu.pipeline_mode<synchronous>, transform_indices = @transform_7, window_bounds = array<i64: 128, 128>}, {transform_indices = @transform_8, window_bounds = array<i64: 1024, 128>}, {transform_indices = @transform_9, window_bounds = array<i64: 1024, 128>}]} {
    %get3A = arith.constant 0 : index
    %get3A_0 = arith.constant 0 : index
    %get3A_1 = vector.load %arg3[%get3A, %get3A_0] : memref<1024x128xf32, #tpu.memory_space<vmem>>, vector<1024x1xf32>
    %get3A_2 = arith.constant 0 : index
    %get3A_3 = arith.constant 0 : index
    %get3A_4 = vector.load %arg4[%get3A_2, %get3A_3] : memref<1024x128xf32, #tpu.memory_space<vmem>>, vector<1024x1xf32>
    %add3A = arith.addf %get3A_1, %get3A_4 : vector<1024x1xf32>
    %max3A = arith.constant 1.000000e+00 : f32
    %max3A_5 = vector.broadcast %max3A : f32 to vector<1024x1xf32>
    %max3A_6 = arith.maximumf %add3A, %max3A_5 : vector<1024x1xf32>
    %get3A_7 = arith.constant 0 : index
    %get3A_8 = arith.constant 0 : index
    %get3A_9 = vector.load %arg1[%get3A_7, %get3A_8] : memref<1024x128xf32, #tpu.memory_space<vmem>>, vector<1024x128xf32>
    %get3A_10 = arith.constant 0 : index
    %get3A_11 = arith.constant 0 : index
    %get3A_12 = vector.load %arg2[%get3A_10, %get3A_11] : memref<1024x128xf32, #tpu.memory_space<vmem>>, vector<1024x128xf32>
    %add3A_13 = arith.addf %get3A_9, %get3A_12 : vector<1024x128xf32>
    %div3A = vector.broadcast %max3A_6 : vector<1024x1xf32> to vector<1024x128xf32>
    %div3A_14 = arith.divf %add3A_13, %div3A : vector<1024x128xf32>
    %get3A_15 = arith.constant 0 : index
    %get3A_16 = arith.constant 0 : index
    %get3A_17 = vector.load %arg6[%get3A_15, %get3A_16] : memref<128x128xf32, #tpu.memory_space<vmem>>, vector<128x128xf32>
    %dot_general3A = arith.constant dense<0.000000e+00> : vector<1024x128xf32>
    %dot_general3A_18 = tpu.matmul %div3A_14, %get3A_17, %dot_general3A {dimension_numbers = #tpu.dot_dimension_numbers<[1], [1], [0], [0], [0, 0, 1, 0], [], []>, transpose_lhs_hint = false} : vector<1024x128xf32>, vector<128x128xf32>, vector<1024x128xf32> -> vector<1024x128xf32>
    %get3A_19 = arith.constant 0 : index
    %get3A_20 = arith.constant 0 : index
    %get3A_21 = vector.load %arg7[%get3A_19, %get3A_20] : memref<1x128xf32, #tpu.memory_space<vmem>>, vector<1x128xf32>
    %add3A_22 = vector.broadcast %get3A_21 : vector<1x128xf32> to vector<1024x128xf32>
    %add3A_23 = arith.addf %dot_general3A_18, %add3A_22 : vector<1024x128xf32>
    %get3A_24 = arith.constant 0 : index
    %get3A_25 = arith.constant 0 : index
    %get3A_26 = vector.load %arg5[%get3A_24, %get3A_25] : memref<1024x128xf32, #tpu.memory_space<vmem>>, vector<1024x128xf32>
    %get3A_27 = arith.constant 0 : index
    %get3A_28 = arith.constant 0 : index
    %get3A_29 = vector.load %arg8[%get3A_27, %get3A_28] : memref<128x128xf32, #tpu.memory_space<vmem>>, vector<128x128xf32>
    %dot_general3A_30 = arith.constant dense<0.000000e+00> : vector<1024x128xf32>
    %dot_general3A_31 = tpu.matmul %get3A_26, %get3A_29, %dot_general3A_30 {dimension_numbers = #tpu.dot_dimension_numbers<[1], [1], [0], [0], [0, 0, 1, 0], [], []>, transpose_lhs_hint = false} : vector<1024x128xf32>, vector<128x128xf32>, vector<1024x128xf32> -> vector<1024x128xf32>
    %add3A_32 = arith.addf %add3A_23, %dot_general3A_31 : vector<1024x128xf32>
    %max3A_33 = arith.constant 0.000000e+00 : f32
    %max3A_34 = vector.broadcast %max3A_33 : f32 to vector<1024x128xf32>
    %max3A_35 = arith.maximumf %add3A_32, %max3A_34 : vector<1024x128xf32>
    %swap3A = arith.constant 0 : index
    %swap3A_36 = arith.constant 0 : index
    %swap3A_37 = vector.load %arg9[%swap3A, %swap3A_36] : memref<1024x128xf32, #tpu.memory_space<vmem>>, vector<1024x128xf32>
    tpu.vector_store %arg9[%swap3A, %swap3A_36], %max3A_35 {strides = array<i32>} : memref<1024x128xf32, #tpu.memory_space<vmem>>, vector<1024x128xf32>,
    %broadcast_in_dim3A = vector.shape_cast %max3A_6 : vector<1024x1xf32> to vector<1024x1xf32>
    %broadcast_in_dim3A_38 = vector.broadcast %broadcast_in_dim3A : vector<1024x1xf32> to vector<1024x128xf32>
    %swap3A_39 = arith.constant 0 : index
    %swap3A_40 = arith.constant 0 : index
    %swap3A_41 = vector.load %arg10[%swap3A_39, %swap3A_40] : memref<1024x128xf32, #tpu.memory_space<vmem>>, vector<1024x128xf32>
    tpu.vector_store %arg10[%swap3A_39, %swap3A_40], %broadcast_in_dim3A_38 {strides = array<i32>} : memref<1024x128xf32, #tpu.memory_space<vmem>>, vector<1024x128xf32>,
    return
  }
  func.func @transform_0(%arg0: i32) -> (i32, i32) {
    %c0_i32 = arith.constant 0 : i32
    %c0_i32_0 = arith.constant 0 : i32
    return %arg0, %c0_i32 : i32, i32
  }
  func.func @transform_1(%arg0: i32) -> (i32, i32) {
    %c0_i32 = arith.constant 0 : i32
    %c0_i32_0 = arith.constant 0 : i32
    return %arg0, %c0_i32 : i32, i32
  }
  func.func @transform_2(%arg0: i32) -> (i32, i32) {
    %c0_i32 = arith.constant 0 : i32
    %c0_i32_0 = arith.constant 0 : i32
    return %arg0, %c0_i32 : i32, i32
  }
  func.func @transform_3(%arg0: i32) -> (i32, i32) {
    %c0_i32 = arith.constant 0 : i32
    %c0_i32_0 = arith.constant 0 : i32
    return %arg0, %c0_i32 : i32, i32
  }
  func.func @transform_4(%arg0: i32) -> (i32, i32) {
    %c0_i32 = arith.constant 0 : i32
    %c0_i32_0 = arith.constant 0 : i32
    return %arg0, %c0_i32 : i32, i32
  }
  func.func @transform_5(%arg0: i32) -> (i32, i32) {
    %c0_i32 = arith.constant 0 : i32
    %c0_i32_0 = arith.constant 0 : i32
    %c0_i32_1 = arith.constant 0 : i32
    return %c0_i32, %c0_i32_0 : i32, i32
  }
  func.func @transform_6(%arg0: i32) -> (i32, i32) {
    %c0_i32 = arith.constant 0 : i32
    %c0_i32_0 = arith.constant 0 : i32
    %c0_i32_1 = arith.constant 0 : i32
    return %c0_i32, %c0_i32_0 : i32, i32
  }
  func.func @transform_7(%arg0: i32) -> (i32, i32) {
    %c0_i32 = arith.constant 0 : i32
    %c0_i32_0 = arith.constant 0 : i32
    %c0_i32_1 = arith.constant 0 : i32
    return %c0_i32, %c0_i32_0 : i32, i32
  }
  func.func @transform_8(%arg0: i32) -> (i32, i32) {
    %c0_i32 = arith.constant 0 : i32
    %c0_i32_0 = arith.constant 0 : i32
    return %arg0, %c0_i32 : i32, i32
  }
  func.func @transform_9(%arg0: i32) -> (i32, i32) {
    %c0_i32 = arith.constant 0 : i32
    %c0_i32_0 = arith.constant 0 : i32
    return %arg0, %c0_i32 : i32, i32
  }
}

</mosaic_0001>

<sc_bundles>
// kernel: kernel.12.cloned.1.call-start
scs
__scs_entry_jumppad:
0x0: {  	(pc) =	sbr.rel $0x88, $3  }
0x1: {  	(tag) =	ssettag $0x0;
	lr =	simm.s32 $0x1  }
0x2: {  	[smem:$0x3F97] =	sst lr;
	_ =	strace $0xD0000000  }
0x3: {  	_ = 	snop  }
0x4: {  	_ = 	snop  }
0x5: {  	_ = 	snop  }
0x6: {  	_ = 	snop  }
0x7: {  	_ = 	snop  }
__scs_overlays_trampoline_lowered:
0x8: {  	[smem:$0x3FA6] =	sst s0  }
0x9: {  	[smem:$0x3FA7] =	sst s1  }
0xa: {  	[smem:$0x3FA8] =	sst s2  }
0xb: {  	[smem:$0x3FA9] =	sst s3  }
0xc: {  	[smem:$0x3FAA] =	sst s4  }
0xd: {  	[smem:$0x3FAB] =	sst s5  }
0xe: {  	[smem:$0x3FAC] =	sst s6  }
0xf: {  	[smem:$0x3FAD] =	sst s7  }
0x10: {  	[smem:$0x3FAE] =	sst s8  }
0x11: {  	[smem:$0x3FAF] =	sst s9;
	s0 =	simm.s32 @!p0 $0x0  }
0x12: {  	s1 =	sld [smem:$0x3F95];
	s0 =	simm.s32 @p0 $0x1  }
0x13: {  	[smem:$0x3FB0] =	sst s0;
	s0 =	simm.s32 @!p1 $0x0  }
0x14: {  	s2 =	sld [smem:$0x3F94];
	s0 =	simm.s32 @p1 $0x1  }
0x15: {  	[smem:$0x3FB1] =	sst s0;
	s0 =	simm.s32 @!p2 $0x0  }
0x16: {  	s3 =	sld [smem:$0x3FDB];
	s0 =	simm.s32 @p2 $0x1  }
0x17: {  	s4 =	simm.s32 $0x1BF5;
	[smem:$0x3FB3] =	sst s0  }
0x18: {  	s0 =	sld [smem:$0x3F96];
	_ =	swait.ge [sflag:s4], $0x0  }
0x19: {  	s7 =	sld [smem:$0x3F97]  }
0x1a: {  	s8 =	sadd.s32 $0xFFFFE003, lr  }
0x1b: {  	s9 =	sadd.s32 $0xFFFFFEF7, lr;
	s5 =	simm.s32 $0xFFFFFFFF;
	p2 =	slt.u32 s8, $0xFFFFF086  }
0x1c: {  	p1 =	slt.u32 s9, $0xF7A;
	s5 =	simm.s32 @!p2 $0x0  }
0x1d: {  	s5 =	simm.s32 @p1 $0x1;
	p0 =	seq.s32 s7, s2  }
0x1e: {  	s7 =	smul.u32 @!p0 $0xF7A, s2;
	p2 =	seq.s32 @!p0 s5, $0x0  }
0x1f: {  	s9 =	smul.u32 $0xF7A, s1;
	s8 =	simm.s32 @!p0 $0x1BF5;
	p2 =	por !p2, p0  }
0x20: {  	[sflag:s8] =	ssyncset.s32 @!p0 $0xFFFFF086;
	s6 =	sadd.s32 @!p0 s3, s7;
	s7 =	simm.s32 @!p0 $0x108  }
0x21: {  	s3 =	sadd.s32 s3, s9;
	s6 =	sadd.s32 @!p0 $0x88, s6;
	s7 =	simm.s32 @p2 $0x1082  }
0x22: {  	[simem:s7], [sflag:s8] =	dma.local @!p0 [hbm:s6], $0xF7A  }
0x23: {  	s9 =	sor.u32 $0xD0000000, s2;
	s6 =	simm.s32 $0x108;
	_ =	swait.ge @!p0 [sflag:s8], $0x0  }
0x24: {  	s3 =	sadd.s32 $0x88, s3;
	s6 =	simm.s32 @!p1 $0x1082;
	[sflag:s4] =	ssyncset.s32 $0xFFFFF086  }
0x25: {  	[simem:s6], [sflag:s4] =	dma.local [hbm:s3], $0xF7A  }
0x26: {  	[smem:$0x3F97] =	sst s1;
	(tag) =	ssettag s2;
	_ =	strace s9  }
0x27: {  	s1 =	sld [smem:$0x3FA7]  }
0x28: {  	s2 =	sld [smem:$0x3FA8]  }
0x29: {  	s4 =	sld [smem:$0x3FAA]  }
0x2a: {  	p0 =	seq.s32 s5, $0x0;
	s5 =	sld [smem:$0x3FAB]  }
0x2b: {  	s6 =	sld [smem:$0x3FAC]  }
0x2c: {  	s7 =	sld [smem:$0x3FAD]  }
0x2d: {  	s3 =	simm.s32 $0x108;
	s8 =	sld [smem:$0x3FAE]  }
0x2e: {  	s3 =	simm.s32 @!p0 $0x1082;
	s9 =	sld [smem:$0x3FAF]  }
0x2f: {  	lr =	sadd.s32 s0, s3;
	s0 =	sld [smem:$0x3FA6]  }
0x30: {  	s3 =	sld [smem:$0x3FA9]  }
0x31: {  	[smem:$0x3FB2] =	sst s10  }
0x32: {  	s10 =	sld [smem:$0x3FB0];
	_ =	sdelay $0x3  }
0x33: {  	p0 =	seq.s32 s10, $0x1;
	s10 =	sld [smem:$0x3FB2];
	_ =	sdelay $0x3  }
0x34: {  	[smem:$0x3FB2] =	sst s10  }
0x35: {  	s10 =	sld [smem:$0x3FB1];
	_ =	sdelay $0x3  }
0x36: {  	p1 =	seq.s32 s10, $0x1;
	s10 =	sld [smem:$0x3FB2];
	_ =	sdelay $0x3  }
0x37: {  	[smem:$0x3FB2] =	sst s10  }
0x38: {  	s10 =	sld [smem:$0x3FB3]  }
0x39: {  	_ = 	snop;
	(pc) =	sbr.ind lr, $3  }
0x3a: {  	_ = 	snop  }
0x3b: {  	_ = 	snop  }
0x3c: {  	p2 =	seq.s32 s10, $0x1;
	s10 =	sld [smem:$0x3FB2]  }
0x3d: {  	_ =	shalt  }
0x3e: {  	_ =	shalt  }
0x3f: {  	_ =	shalt  }
0x40: {  	_ =	shalt  }
0x41: {  	_ =	shalt  }
0x42: {  	_ =	shalt  }
0x43: {  	_ =	shalt  }
0x44: {  	_ =	shalt  }
0x45: {  	_ =	shalt  }
0x46: {  	_ =	shalt  }
0x47: {  	_ =	shalt  }
0x48: {  	_ =	shalt  }
0x49: {  	_ =	shalt  }
0x4a: {  	_ =	shalt  }
0x4b: {  	_ =	shalt  }
0x4c: {  	_ =	shalt  }
0x4d: {  	_ =	shalt  }
0x4e: {  	_ =	shalt  }
0x4f: {  	_ =	shalt  }
0x50: {  	_ =	shalt  }
0x51: {  	_ =	shalt  }
0x52: {  	_ =	shalt  }
0x53: {  	_ =	shalt  }
0x54: {  	_ =	shalt  }
0x55: {  	_ =	shalt  }
0x56: {  	_ =	shalt  }
0x57: {  	_ =	shalt  }
0x58: {  	_ =	shalt  }
0x59: {  	_ =	shalt  }
0x5a: {  	_ =	shalt  }
0x5b: {  	_ =	shalt  }
0x5c: {  	_ =	shalt  }
0x5d: {  	_ =	shalt  }
0x5e: {  	_ =	shalt  }
0x5f: {  	_ =	shalt  }
0x60: {  	_ =	shalt  }
0x61: {  	_ =	shalt  }
0x62: {  	_ =	shalt  }
0x63: {  	_ =	shalt  }
0x64: {  	_ =	shalt  }
0x65: {  	_ =	shalt  }
0x66: {  	_ =	shalt  }
0x67: {  	_ =	shalt  }
0x68: {  	_ =	shalt  }
0x69: {  	_ =	shalt  }
0x6a: {  	_ =	shalt  }
0x6b: {  	_ =	shalt  }
0x6c: {  	_ =	shalt  }
0x6d: {  	_ =	shalt  }
0x6e: {  	_ =	shalt  }
0x6f: {  	_ =	shalt  }
0x70: {  	_ =	shalt  }
0x71: {  	_ =	shalt  }
0x72: {  	_ =	shalt  }
0x73: {  	_ =	shalt  }
0x74: {  	_ =	shalt  }
0x75: {  	_ =	shalt  }
0x76: {  	_ =	shalt  }
0x77: {  	_ =	shalt  }
0x78: {  	_ =	shalt  }
0x79: {  	_ =	shalt  }
0x7a: {  	_ =	shalt  }
0x7b: {  	_ =	shalt  }
0x7c: {  	_ =	shalt  }
0x7d: {  	_ =	shalt  }
0x7e: {  	_ =	shalt  }
0x7f: {  	_ =	shalt  }
0x80: {  	_ =	shalt  }
0x81: {  	_ =	shalt  }
0x82: {  	_ =	shalt  }
0x83: {  	_ =	shalt  }
0x84: {  	_ =	shalt  }
0x85: {  	_ =	shalt  }
0x86: {  	_ =	shalt  }
0x87: {  	_ =	shalt  }
.Lfunc_end0:
.L_simem_size_0:
called_computation.1_lowered:
.L_overlay_start_0:
0x88: {  	s2 =	sld [smem:$0x3FD9]  }
0x89: {  	s3 =	sld [smem:$0x3FFE];
	_ =	sdelay $0x1  }
0x8a: {  	s1 =	srdreg.scid  }
0x8b: {  	s0 =	sand.u32 $0x1, s1  }
0x8c: {  	s17 =	sshll.u32 s0, $0xA;
	s2 =	sadd.s32 s3, s2  }
0x8d: {  	s2 =	sadd.s32 s2, s17  }
0x8e: {  	[smem:$0x3FBE] =	sst s2  }
0x8f: {  	_ = 	snop  }
0x90: {  	s18 =	sld [smem:$0x3FD0];
	(tm) =	ssettm $0x1  }
0x91: {  	s19 =	sld [smem:$0x3FFB];
	_ =	sdelay $0x3  }
0x92: {  	_ =	strace s19  }
0x93: {  	s2 =	sld [smem:$0x3FFC];
	_ =	sdelay $0x3  }
0x94: {  	_ =	strace s2  }
0x95: {  	s2 =	sld [smem:$0x3FFD];
	_ =	sdelay $0x3  }
0x96: {  	_ =	strace s2  }
0x97: {  	_ =	strace $0x8FFFFFFF  }
0x98: {  	s20 =	sld [smem:$0x3FDB];
	_ =	sdelay $0x1  }
0x99: {  	s4 =	simm.s32 $_scs_section_size  }
0x9a: {  	s5 =	simm.s32 $_size__tile_overlayer_lowered;
	s6 =	simm.s32 $_tile_overlayer_lowered  }
0x9b: {  	s7 =	simm.s32 $0x1BFF;
	s21 =	sshll.u32 s6, $0x1;
	s4 =	sadd.s32 s4, s20  }
0x9c: {  	s22 =	simm.s32 $0x0;
	s5 =	sshll.u32 s5, $0x1;
	s6 =	sadd.s32 s21, s4  }
0x9d: {  	[timem:s22], [sflag:s7] =	dma.local [hbm:s6], s5  }
0x9e: {  	_ =	swait.ge [sflag:s7], s5  }
0x9f: {  	s5 =	ssub.s32 $0x0, s5;
	[sflag:s7] =	ssyncset.done $0x0  }
0xa0: {  	[sflag:s7] =	ssyncadd.s32 s5;
	_ =	sdelay $0x1  }
0xa1: {  	s23 =	simm.s32 $0x1B8B  }
0xa2: {  	_ =	swait.ge [sflag:s23], $0x1  }
0xa3: {  	[sflag:s23] =	ssyncset.done $0x0  }
0xa4: {  	[sflag:s23] =	ssyncadd.s32 $0xFFFFFFFF  }
0xa5: {  	s5 =	sld [smem:$0x0]  }
0xa6: {  	s6 =	sand.u32 $0xFFFFFFFE, s1  }
0xa7: {  	p0 =	sne.s32 s1, s6  }
0xa8: {  	s6 =	sshll.u32 @p0 s6, $0xE  }
0xa9: {  	s6 =	sadd.s32 @p0 $0x11B8D, s6;
	s7 =	sshll.u32 @p0 s5, $0x11  }
0xaa: {  	s6 =	sor.u32 @p0 s7, s6  }
0xab: {  	[sflag:s6] =	ssyncadd.remote.s32 @p0 $0x1;
	_ =	sdelay $0x1  }
0xac: {  	s6 =	simm.s32 @p0 $0x1B8D  }
0xad: {  	_ =	swait.eq @p0 [sflag:s6], $0x1  }
0xae: {  	[sflag:s6] =	ssyncadd.s32 @p0 $0xFFFFFFFF  }
0xaf: {  	s7 =	sshll.u32 @!p0 s1, $0xE  }
0xb0: {  	s7 =	sor.u32 @!p0 $0x4000, s7;
	s6 =	simm.s32 @!p0 $0x1B8D  }
0xb1: {  	s5 =	sshll.u32 @!p0 s5, $0x11;
	s7 =	sadd.s32 @!p0 $0x11B8D, s7;
	_ =	swait.eq @!p0 [sflag:s6], $0x1  }
0xb2: {  	s5 =	sor.u32 @!p0 s5, s7;
	[sflag:s6] =	ssyncadd.s32 @!p0 $0xFFFFFFFF  }
0xb3: {  	s25 =	simm.s32 $0x1B8E;
	s24 =	sld [smem:$0x3FFE];
	[sflag:s5] =	ssyncadd.remote.s32 @!p0 $0x1  }
0xb4: {  	s26 =	simm.s32 $execute0_lowered;
	[smem:$0x3FD2] =	sst s25  }
0xb5: {  	s6 =	sshll.u32 s26, $0x1;
	_ =	strace $0x8000004C;
	[dreg:$0x1] =	wrdreg $0xFFFFFFFF  }
0xb6: {  	s28 =	simm.s32 $_size_execute0_lowered;
	s4 =	sadd.s32 s4, s6;
	[dreg:$0x0] =	wrdreg $0x0  }
0xb7: {  	s6 =	sshll.u32 s28, $0x1;
	[dreg:$0x2] =	wrdreg s4  }
0xb8: {  	[dreg:$0x3] =	wrdreg s6  }
0xb9: {  	[dreg:$0x4] =	wrdreg $0xC0  }
0xba: {  	_ =	task [dreg:s22], $0x5FFFF  }
0xbb: {  	[dreg:$0x1] =	wrdreg $0xFFFFFFFF  }
0xbc: {  	[dreg:$0x0] =	wrdreg $0x60  }
0xbd: {  	[dreg:$0x2] =	wrdreg s24  }
0xbe: {  	[dreg:$0x3] =	wrdreg s18  }
0xbf: {  	[dreg:$0x4] =	wrdreg $0x0  }
0xc0: {  	[dreg:$0x5] =	wrdreg $0xA  }
0xc1: {  	_ =	task.clear_ibuf [dreg:s22], $0x6FFFF;
	_ =	strace $0x9000004C  }
0xc2: {  	s29 =	simm.s32 $0xA;
	_ =	strace $0x8000004E  }
0xc3: {  	_ =	swait.ge [sflag:s29], $0x1  }
0xc4: {  	[sflag:s29] =	ssyncadd.s32 $0xFFFFFFFF  }
0xc5: {  	_ =	strace $0x9000004E  }
0xc6: {  	_ =	sfence  }
0xc7: {  	s30 =	sld [smem:$0x0];
	_ =	sdelay $0x2  }
0xc8: {  	s31 =	sshll.u32 s1, $0xD;
	s1 =	sshrl.u32 s1, $0x2  }
0xc9: {  	s4 =	sand.u32 $0x4000, s31;
	s1 =	sadd.s32 s1, s30  }
0xca: {  	s0 =	sor.u32 s4, s0;
	s1 =	sshll.u32 s1, $0x11  }
0xcb: {  	s0 =	sor.u32 s1, s0  }
0xcc: {  	s0 =	sadd.s32 $0x8F2B, s0  }
0xcd: {  	[sflag:s0] =	ssyncadd.remote.s32 $0x1  }
0xce: {  	_ =	sfence.sel $0xFFFF  }
0xcf: {  	[dreg:$0x0] =	wrdreg $0xFFFFFFFF;
	(pc) =	sbr.abs _section_cstart, $3  }
0xd0: {  	[dreg:$0x1] =	wrdreg $0xFFFFFFFF  }
0xd1: {  	_ =	task.clear_ibuf [dreg:s22], $0x2FFFF;
	_ =	strace $0x9FFFFFFF  }
0xd2: {  	(tm) =	ssettm $0x7FFFFFFF  }
0xd3: {  	_ =	shalt  }
tec
execute0_lowered:
.L_overlay_start_1:
0x0: {  	(tag) =	ssettag $0x1  }
0x1: {  	s0 =	rddreg [dreg:$0x0]  }
0x2: {  	s1 =	rddreg [dreg:$0x1];
	s11 =	stileid.u32  }
0x3: {  	s3 =	srdreg.scid;
	s5 =	smul.u32 $0x7D00, s11  }
0x4: {  	s2 =	rddreg [dreg:$0x2];
	s6 =	sand.u32 $0x1, s3;
	s8 =	smul.u32 $0x50000, s11  }
0x5: {  	s30 =	simm.s32 $0x16900;
	s31 =	simm.s32 $0x2;
	s7 =	smul.u32 $0x3E80, s6  }
0x6: {  	s3 =	simm.s32 $0x0;
	s4 =	sadd.s32 $0x4400, s0;
	s26 =	smul.u32 $0x2800, s11  }
0x7: {  	[smem:$0x7FF] =	sst s3;
	s17 =	ssub.s32 $0x2, s6;
	s5 =	sadd.s32 s7, s5  }
0x8: {  	p0 =	seq.s32 s6, $0x1;
	s8 =	sshrl.u32 s8, $0x2;
	s5 =	sshrl.u32 s5, $0x3  }
0x9: {  	s6 =	simm.s32 $0x50;
	s9 =	sadd.s32 s5, s0;
	s5 =	sadd.s32 s8, s2  }
0xa: {  	_ =	strace $0x8000004D;
	s10 =	sshrl.u32 s17, $0x1;
	s8 =	sadd.s32 $0x1000, s5  }
0xb: {  	s7 =	ssub.s32 s17, s10;
	s18 =	sadd.s32 $0x2000, s5;
	[dreg:$0x4] =	wrdreg s8  }
0xc: {  	s0 =	sadd.s32 $0xA5800, s0;
	s19 =	sadd.s32 $0x3000, s5;
	[dreg:$0x5] =	wrdreg s18  }
0xd: {  	s20 =	sadd.s32 $0x4000, s5;
	s21 =	sadd.s32 $0x5000, s5;
	[dreg:$0x6] =	wrdreg s19  }
0xe: {  	s22 =	sadd.s32 $0x6000, s5;
	s23 =	sadd.s32 $0x7000, s5;
	[dreg:$0x7] =	wrdreg s20  }
0xf: {  	s24 =	sadd.s32 $0x8000, s5;
	s25 =	sadd.s32 $0x9000, s5;
	[dreg:$0x8] =	wrdreg s21  }
0x10: {  	s15 =	sadd.s32 $0xA000, s5;
	s16 =	sadd.s32 $0xB000, s5;
	[dreg:$0x9] =	wrdreg s22  }
0x11: {  	s17 =	sadd.s32 $0xC000, s5;
	s1 =	smov.u32 @p0 s0;
	[dreg:$0xa] =	wrdreg s23  }
0x12: {  	s28 =	sadd.s32 $0x12000, s5;
	s29 =	sadd.s32 $0x13000, s5;
	[dreg:$0xb] =	wrdreg s24  }
0x13: {  	s0 =	simm.s32 $0x14080;
	[dreg:$0xc] =	wrdreg s25;
	s18 =	sadd.s32 $0xD000, s5  }
0x14: {  	s19 =	sadd.s32 $0xE000, s5;
	s20 =	sadd.s32 $0xF000, s5;
	s21 =	sadd.s32 $0x10000, s5  }
0x15: {  	s22 =	smax.u32 s7, $0x1;
	s23 =	sadd.s32 s1, s26;
	s24 =	sadd.s32 $0x86400, s9  }
0x16: {  	s25 =	sadd.s32 $0x95E00, s9;
	s26 =	sadd.s32 $0x11000, s5;
	s1 =	simm.s32 $0x14000  }
0x17: {  	v0 =	vimm.f32 $0.0e+00;
	s7 =	simm.s32 $0x14100;
	s8 =	simm.s32 $0x1;
	s9 =	simm.s32 $0x0  }
.LBB2_1:
0x18: {  	s10 =	simm.s32 $0x0;
	s11 =	simm.s32 $0x200  }
.LBB2_2:
0x19: {  	p0 =	sne.s32 s11, $0x3E00;
	[tilespmem:s10+$0x16970] =	vst v0  }
0x1a: {  	[tilespmem:s10+$0x16900] =	vst v0  }
0x1b: {  	[tilespmem:s10+$0x16910] =	vst v0  }
.Ltmp0:
0x1c: {  	[tilespmem:s10+$0x16920] =	vst v0;
	(pc) =	sbr.rel @p0 .LBB2_2-.Ltmp0, $4  }
0x1d: {  	[tilespmem:s10+$0x16930] =	vst v0  }
0x1e: {  	[tilespmem:s10+$0x16940] =	vst v0  }
0x1f: {  	[tilespmem:s10+$0x16950] =	vst v0  }
0x20: {  	[tilespmem:s10+$0x16960] =	vst v0;
	s10 =	sshra.s32 s11, $0x2;
	s11 =	sadd.s32 $0x200, s11  }
0x21: {  	[tilespmem:s10+$0x16970] =	vst v0  }
0x22: {  	[tilespmem:s10+$0x16900] =	vst v0  }
0x23: {  	[tilespmem:s10+$0x16910] =	vst v0  }
0x24: {  	[tilespmem:s10+$0x16920] =	vst v0  }
0x25: {  	[tilespmem:s10+$0x16930] =	vst v0  }
0x26: {  	[tilespmem:s10+$0x16940] =	vst v0  }
0x27: {  	[tilespmem:s10+$0x16950] =	vst v0  }
0x28: {  	[tilespmem:s10+$0x16960] =	vst v0  }
0x29: {  	[spmem:s5] =	stream.linear.scatter [tilespmem:s30], [sflag:$0x2], $0x1000, $0x38;
	[tilespmem:$0x17900] =	vst v63  }
0x2a: {  	_ =	swait.ge [sflag:s31], $0x1000  }
0x2b: {  	[sflag:s31] =	ssyncset.done $0x0  }
0x2c: {  	s12 =	rddreg [dreg:$0x4];
	[sflag:s31] =	ssyncadd.s32 $0xFFFFF000  }
0x2d: {  	[spmem:s12] =	stream.linear.scatter [tilespmem:s30], [sflag:$0x2], $0x1000, $0x38;
	[tilespmem:$0x17900] =	vst v63  }
0x2e: {  	_ =	swait.ge [sflag:s31], $0x1000  }
0x2f: {  	[sflag:s31] =	ssyncset.done $0x0  }
0x30: {  	s13 =	rddreg [dreg:$0x5];
	[sflag:s31] =	ssyncadd.s32 $0xFFFFF000  }
0x31: {  	[spmem:s13] =	stream.linear.scatter [tilespmem:s30], [sflag:$0x2], $0x1000, $0x38;
	[tilespmem:$0x17900] =	vst v63  }
0x32: {  	_ =	swait.ge [sflag:s31], $0x1000  }
0x33: {  	[sflag:s31] =	ssyncset.done $0x0  }
0x34: {  	s14 =	rddreg [dreg:$0x6];
	[sflag:s31] =	ssyncadd.s32 $0xFFFFF000  }
0x35: {  	[spmem:s14] =	stream.linear.scatter [tilespmem:s30], [sflag:$0x2], $0x1000, $0x38;
	[tilespmem:$0x17900] =	vst v63  }
0x36: {  	_ =	swait.ge [sflag:s31], $0x1000  }
0x37: {  	[sflag:s31] =	ssyncset.done $0x0  }
0x38: {  	s11 =	rddreg [dreg:$0x7];
	[sflag:s31] =	ssyncadd.s32 $0xFFFFF000  }
0x39: {  	[spmem:s11] =	stream.linear.scatter [tilespmem:s30], [sflag:$0x2], $0x1000, $0x38;
	[tilespmem:$0x17900] =	vst v63  }
0x3a: {  	_ =	swait.ge [sflag:s31], $0x1000  }
0x3b: {  	[sflag:s31] =	ssyncset.done $0x0  }
0x3c: {  	s12 =	rddreg [dreg:$0x8];
	[sflag:s31] =	ssyncadd.s32 $0xFFFFF000  }
0x3d: {  	[spmem:s12] =	stream.linear.scatter [tilespmem:s30], [sflag:$0x2], $0x1000, $0x38;
	[tilespmem:$0x17900] =	vst v63  }
0x3e: {  	_ =	swait.ge [sflag:s31], $0x1000  }
0x3f: {  	[sflag:s31] =	ssyncset.done $0x0  }
0x40: {  	s13 =	rddreg [dreg:$0x9];
	[sflag:s31] =	ssyncadd.s32 $0xFFFFF000  }
0x41: {  	[spmem:s13] =	stream.linear.scatter [tilespmem:s30], [sflag:$0x2], $0x1000, $0x38;
	[tilespmem:$0x17900] =	vst v63  }
0x42: {  	_ =	swait.ge [sflag:s31], $0x1000  }
0x43: {  	[sflag:s31] =	ssyncset.done $0x0  }
0x44: {  	s14 =	rddreg [dreg:$0xa];
	[sflag:s31] =	ssyncadd.s32 $0xFFFFF000  }
0x45: {  	[spmem:s14] =	stream.linear.scatter [tilespmem:s30], [sflag:$0x2], $0x1000, $0x38;
	[tilespmem:$0x17900] =	vst v63  }
0x46: {  	_ =	swait.ge [sflag:s31], $0x1000  }
0x47: {  	[sflag:s31] =	ssyncset.done $0x0  }
0x48: {  	s11 =	rddreg [dreg:$0xb];
	[sflag:s31] =	ssyncadd.s32 $0xFFFFF000  }
0x49: {  	[spmem:s11] =	stream.linear.scatter [tilespmem:s30], [sflag:$0x2], $0x1000, $0x38;
	[tilespmem:$0x17900] =	vst v63  }
0x4a: {  	_ =	swait.ge [sflag:s31], $0x1000  }
0x4b: {  	[sflag:s31] =	ssyncset.done $0x0  }
0x4c: {  	s12 =	rddreg [dreg:$0xc];
	[sflag:s31] =	ssyncadd.s32 $0xFFFFF000  }
0x4d: {  	[spmem:s12] =	stream.linear.scatter [tilespmem:s30], [sflag:$0x2], $0x1000, $0x38;
	[tilespmem:$0x17900] =	vst v63  }
0x4e: {  	_ =	swait.ge [sflag:s31], $0x1000  }
0x4f: {  	[sflag:s31] =	ssyncset.done $0x0  }
0x50: {  	[sflag:s31] =	ssyncadd.s32 $0xFFFFF000  }
0x51: {  	[spmem:s15] =	stream.linear.scatter [tilespmem:s30], [sflag:$0x2], $0x1000, $0x38;
	[tilespmem:$0x17900] =	vst v63  }
0x52: {  	_ =	swait.ge [sflag:s31], $0x1000  }
0x53: {  	[sflag:s31] =	ssyncset.done $0x0  }
0x54: {  	[sflag:s31] =	ssyncadd.s32 $0xFFFFF000  }
0x55: {  	[spmem:s16] =	stream.linear.scatter [tilespmem:s30], [sflag:$0x2], $0x1000, $0x38;
	[tilespmem:$0x17900] =	vst v63  }
0x56: {  	_ =	swait.ge [sflag:s31], $0x1000  }
0x57: {  	[sflag:s31] =	ssyncset.done $0x0  }
0x58: {  	[sflag:s31] =	ssyncadd.s32 $0xFFFFF000  }
0x59: {  	[spmem:s17] =	stream.linear.scatter [tilespmem:s30], [sflag:$0x2], $0x1000, $0x38;
	[tilespmem:$0x17900] =	vst v63  }
0x5a: {  	_ =	swait.ge [sflag:s31], $0x1000  }
0x5b: {  	[sflag:s31] =	ssyncset.done $0x0  }
0x5c: {  	[sflag:s31] =	ssyncadd.s32 $0xFFFFF000  }
0x5d: {  	[spmem:s18] =	stream.linear.scatter [tilespmem:s30], [sflag:$0x2], $0x1000, $0x38;
	[tilespmem:$0x17900] =	vst v63  }
0x5e: {  	_ =	swait.ge [sflag:s31], $0x1000  }
0x5f: {  	[sflag:s31] =	ssyncset.done $0x0  }
0x60: {  	[sflag:s31] =	ssyncadd.s32 $0xFFFFF000  }
0x61: {  	[spmem:s19] =	stream.linear.scatter [tilespmem:s30], [sflag:$0x2], $0x1000, $0x38;
	[tilespmem:$0x17900] =	vst v63  }
0x62: {  	_ =	swait.ge [sflag:s31], $0x1000  }
0x63: {  	[sflag:s31] =	ssyncset.done $0x0  }
0x64: {  	[sflag:s31] =	ssyncadd.s32 $0xFFFFF000  }
0x65: {  	[spmem:s20] =	stream.linear.scatter [tilespmem:s30], [sflag:$0x2], $0x1000, $0x38;
	[tilespmem:$0x17900] =	vst v63  }
0x66: {  	_ =	swait.ge [sflag:s31], $0x1000  }
0x67: {  	[sflag:s31] =	ssyncset.done $0x0  }
0x68: {  	[sflag:s31] =	ssyncadd.s32 $0xFFFFF000  }
0x69: {  	[spmem:s21] =	stream.linear.scatter [tilespmem:s30], [sflag:$0x2], $0x1000, $0x38;
	[tilespmem:$0x17900] =	vst v63  }
0x6a: {  	_ =	swait.ge [sflag:s31], $0x1000  }
0x6b: {  	[sflag:s31] =	ssyncset.done $0x0  }
0x6c: {  	[sflag:s31] =	ssyncadd.s32 $0xFFFFF000  }
0x6d: {  	[spmem:s26] =	stream.linear.scatter [tilespmem:s30], [sflag:$0x2], $0x1000, $0x38;
	[tilespmem:$0x17900] =	vst v63  }
0x6e: {  	_ =	swait.ge [sflag:s31], $0x1000  }
0x6f: {  	[sflag:s31] =	ssyncset.done $0x0  }
0x70: {  	[sflag:s31] =	ssyncadd.s32 $0xFFFFF000  }
0x71: {  	[spmem:s28] =	stream.linear.scatter [tilespmem:s30], [sflag:$0x2], $0x1000, $0x38;
	[tilespmem:$0x17900] =	vst v63  }
0x72: {  	_ =	swait.ge [sflag:s31], $0x1000  }
0x73: {  	[sflag:s31] =	ssyncset.done $0x0  }
0x74: {  	[sflag:s31] =	ssyncadd.s32 $0xFFFFF000  }
0x75: {  	[spmem:s29] =	stream.linear.scatter [tilespmem:s30], [sflag:$0x2], $0x1000, $0x38;
	[tilespmem:$0x17900] =	vst v63  }
0x76: {  	_ =	swait.ge [sflag:s31], $0x1000  }
0x77: {  	[sflag:s31] =	ssyncset.done $0x0  }
0x78: {  	[sflag:s31] =	ssyncadd.s32 $0xFFFFF000  }
0x79: {  	s13 =	sadd.s32 $0x0, s25;
	[bflag:$0x0] =	sbarrier.arrive $0xFFFF  }
0x7a: {  	[tilespmem:s1], [sflag:$0x2] =	stream.linear.gather [hbm4b:s13+s3], $0x80, $0x38;
	[tilespmem:$0x17900] =	vst v63  }
0x7b: {  	_ =	swait.ge [sflag:s31], $0x80  }
0x7c: {  	[sflag:s31] =	ssyncset.done $0x0  }
0x7d: {  	s14 =	sadd.s32 $0x0, s24;
	[sflag:s31] =	ssyncadd.s32 $0xFFFFFF80  }
0x7e: {  	[tilespmem:s0], [sflag:$0x2] =	stream.linear.gather [hbm4b:s14+s3], $0x80, $0x38;
	[tilespmem:$0x17900] =	vst v63  }
0x7f: {  	_ =	swait.ge [sflag:s31], $0x80  }
0x80: {  	[sflag:s31] =	ssyncset.done $0x0  }
0x81: {  	[sflag:s31] =	ssyncadd.s32 $0xFFFFFF80  }
0x82: {  	[tilespmem:s7], [sflag:$0x1] =	stream.indirect.gather [hbm4b:s4+s6], $0x80, s1, s6, $0xb8;
	[tilespmem:$0x17900] =	vst v63  }
0x83: {  	_ =	swait.ge [sflag:s8], $0x2800  }
0x84: {  	[sflag:s8] =	ssyncset.done $0x0  }
0x85: {  	[sflag:s8] =	ssyncadd.s32 $0xFFFFD800  }
0x86: {  	[spmem:s2] =	stream.indirect.scatter.add.f32 [tilespmem:s7], [sflag:$0x2], $0x80, s0, s6, $0xb8;
	[tilespmem:$0x17900] =	vst v63  }
0x87: {  	_ =	swait.ge [sflag:s31], $0x2800  }
0x88: {  	s10 =	simm.s32 $0x10;
	s11 =	simm.s32 $0x20;
	[sflag:s31] =	ssyncset.done $0x0  }
.LBB2_4:
0x89: {  	s12 =	sadd.s32 s10, s25  }
0x8a: {  	[sflag:s31] =	ssyncadd.s32 $0xFFFFD800;
	s13 =	smov.u32 s11;
	s14 =	sadd.s32 $0x10, s11  }
0x8b: {  	[tilespmem:s1], [sflag:$0x2] =	stream.linear.gather [hbm4b:s12+s3], $0x80, $0x38;
	[tilespmem:$0x17900] =	vst v63  }
0x8c: {  	p0 =	sne.s32 s11, $0x7C0;
	_ =	swait.ge [sflag:s31], $0x80  }
0x8d: {  	[sflag:s31] =	ssyncset.done $0x0  }
0x8e: {  	s11 =	sadd.s32 s10, s24;
	s10 =	smov.u32 s13;
	[sflag:s31] =	ssyncadd.s32 $0xFFFFFF80  }
0x8f: {  	[tilespmem:s0], [sflag:$0x2] =	stream.linear.gather [hbm4b:s11+s3], $0x80, $0x38;
	[tilespmem:$0x17900] =	vst v63  }
0x90: {  	_ =	swait.ge [sflag:s31], $0x80  }
0x91: {  	[sflag:s31] =	ssyncset.done $0x0  }
0x92: {  	[sflag:s31] =	ssyncadd.s32 $0xFFFFFF80  }
0x93: {  	[tilespmem:s7], [sflag:$0x1] =	stream.indirect.gather [hbm4b:s4+s6], $0x80, s1, s6, $0xb8;
	[tilespmem:$0x17900] =	vst v63  }
0x94: {  	_ =	swait.ge [sflag:s8], $0x2800  }
.Ltmp1:
0x95: {  	[sflag:s8] =	ssyncset.done $0x0;
	(pc) =	sbr.rel @p0 .LBB2_4-.Ltmp1, $4  }
0x96: {  	[sflag:s8] =	ssyncadd.s32 $0xFFFFD800  }
0x97: {  	[spmem:s2] =	stream.indirect.scatter.add.f32 [tilespmem:s7], [sflag:$0x2], $0x80, s0, s6, $0xb8;
	[tilespmem:$0x17900] =	vst v63  }
0x98: {  	_ =	swait.ge [sflag:s31], $0x2800  }
0x99: {  	s11 =	smov.u32 s14;
	[sflag:s31] =	ssyncset.done $0x0  }
0x9a: {  	s11 =	sadd.s32 s10, s25;
	[sflag:s31] =	ssyncadd.s32 $0xFFFFD800  }
0x9b: {  	[tilespmem:s1], [sflag:$0x2] =	stream.linear.gather [hbm4b:s11+s3], $0x80, $0x38;
	[tilespmem:$0x17900] =	vst v63  }
0x9c: {  	_ =	swait.ge [sflag:s31], $0x80  }
0x9d: {  	[sflag:s31] =	ssyncset.done $0x0  }
0x9e: {  	s12 =	sadd.s32 s10, s24;
	[sflag:s31] =	ssyncadd.s32 $0xFFFFFF80  }
0x9f: {  	[tilespmem:s0], [sflag:$0x2] =	stream.linear.gather [hbm4b:s12+s3], $0x80, $0x38;
	[tilespmem:$0x17900] =	vst v63  }
0xa0: {  	_ =	swait.ge [sflag:s31], $0x80  }
0xa1: {  	[sflag:s31] =	ssyncset.done $0x0  }
0xa2: {  	[sflag:s31] =	ssyncadd.s32 $0xFFFFFF80  }
0xa3: {  	[tilespmem:s7], [sflag:$0x1] =	stream.indirect.gather [hbm4b:s4+s6], $0x80, s1, s6, $0xb8;
	[tilespmem:$0x17900] =	vst v63  }
0xa4: {  	_ =	swait.ge [sflag:s8], $0x2800  }
0xa5: {  	[sflag:s8] =	ssyncset.done $0x0  }
0xa6: {  	[sflag:s8] =	ssyncadd.s32 $0xFFFFD800  }
0xa7: {  	[spmem:s2] =	stream.indirect.scatter.add.f32 [tilespmem:s7], [sflag:$0x2], $0x80, s0, s6, $0xb8;
	[tilespmem:$0x17900] =	vst v63  }
0xa8: {  	s13 =	stileid.u32;
	_ =	swait.ge [sflag:s31], $0x2800  }
0xa9: {  	s14 =	sshrl.u32 s5, $0x3;
	s9 =	sadd.s32 $0x1, s9;
	[sflag:s31] =	ssyncset.done $0x0  }
0xaa: {  	s10 =	sshll.u32 s13, $0x6;
	p0 =	sne.s32 s9, s22;
	[sflag:s31] =	ssyncadd.s32 $0xFFFFD800  }
.Ltmp2:
0xab: {  	s10 =	sor.u32 $0x1C02, s10;
	[bflag:$0x0] =	sbarrier.arrive $0xFFFF;
	(pc) =	sbr.rel @p0 .LBB2_1-.Ltmp2, $4  }
0xac: {  	[hbm:s23], [sflag:s10] =	dma.local [spmem:s14], $0x2800  }
0xad: {  	_ =	swait.ge [sflag:s31], $0x2800  }
0xae: {  	[sflag:s31] =	ssyncset.done $0x0  }
0xaf: {  	[sflag:s31] =	ssyncadd.s32 $0xFFFFD800  }
0xb0: {  	_ =	sfence.sel $0x180000  }
0xb1: {  	[bflag:$0x0] =	sbarrier.arrive $0xFFFF  }
0xb2: {  	_ =	strace $0x9000004D  }
0xb3: {  	s0 =	stileid.u32;
	[bflag:$0x2] =	sbarrier.arrive $0xFFFF  }
0xb4: {  	p0 =	sne.s32 s0, $0x0;
	s0 =	rddreg [dreg:$0x3]  }
0xb5: {  	s0 =	sadd.s32 @!p0 $0x100000, s0  }
0xb6: {  	[sflag:s0] =	ssyncadd.tile.s32 @!p0 $0x1;
	_ =	shalt  }
.Lfunc_end2:
_tile_overlayer_lowered:
.L_overlay_start_2:
0xb7: {  	(tag) =	ssettag $0x2  }
0xb8: {  	s0 =	rddreg [dreg:$0x0];
	s2 =	stileid.u32  }
0xb9: {  	s1 =	rddreg [dreg:$0x1];
	p0 =	sne.s32 s2, $0x0  }
0xba: {  	s3 =	rddreg [dreg:$0x2];
	[bflag:$0x3] =	sbarrier.arrive $0xFFFF;
	s2 =	simm.s32 @!p0 $0x1C02  }
0xbb: {  	[timem:s3], [sflag:s2] =	dma.local @!p0 [hbm:s0], s1  }
0xbc: {  	s0 =	simm.s32 @!p0 $0x2  }
0xbd: {  	_ =	swait.ge @!p0 [sflag:s0], s1  }
0xbe: {  	s1 =	ssub.s32 @!p0 $0x0, s1;
	[sflag:s0] =	ssyncset.done @!p0 $0x0  }
0xbf: {  	[sflag:s0] =	ssyncadd.s32 @!p0 s1  }
0xc0: {  	[bflag:$0x3] =	sbarrier.arrive $0xFFFF  }
0xc1: {  	_ =	shalt  }

// kernel: kernel.15.cloned.1.call-start
scs
__scs_entry_jumppad:
0x0: {  	(pc) =	sbr.rel $0x88, $3  }
0x1: {  	(tag) =	ssettag $0x0;
	lr =	simm.s32 $0x1  }
0x2: {  	[smem:$0x3F97] =	sst lr;
	_ =	strace $0xD0000000  }
0x3: {  	_ = 	snop  }
0x4: {  	_ = 	snop  }
0x5: {  	_ = 	snop  }
0x6: {  	_ = 	snop  }
0x7: {  	_ = 	snop  }
__scs_overlays_trampoline_lowered:
0x8: {  	[smem:$0x3FA6] =	sst s0  }
0x9: {  	[smem:$0x3FA7] =	sst s1  }
0xa: {  	[smem:$0x3FA8] =	sst s2  }
0xb: {  	[smem:$0x3FA9] =	sst s3  }
0xc: {  	[smem:$0x3FAA] =	sst s4  }
0xd: {  	[smem:$0x3FAB] =	sst s5  }
0xe: {  	[smem:$0x3FAC] =	sst s6  }
0xf: {  	[smem:$0x3FAD] =	sst s7  }
0x10: {  	[smem:$0x3FAE] =	sst s8  }
0x11: {  	[smem:$0x3FAF] =	sst s9;
	s0 =	simm.s32 @!p0 $0x0  }
0x12: {  	s1 =	sld [smem:$0x3F95];
	s0 =	simm.s32 @p0 $0x1  }
0x13: {  	[smem:$0x3FB0] =	sst s0;
	s0 =	simm.s32 @!p1 $0x0  }
0x14: {  	s2 =	sld [smem:$0x3F94];
	s0 =	simm.s32 @p1 $0x1  }
0x15: {  	[smem:$0x3FB1] =	sst s0;
	s0 =	simm.s32 @!p2 $0x0  }
0x16: {  	s3 =	sld [smem:$0x3FDB];
	s0 =	simm.s32 @p2 $0x1  }
0x17: {  	s4 =	simm.s32 $0x1BF5;
	[smem:$0x3FB3] =	sst s0  }
0x18: {  	s0 =	sld [smem:$0x3F96];
	_ =	swait.ge [sflag:s4], $0x0  }
0x19: {  	s7 =	sld [smem:$0x3F97]  }
0x1a: {  	s8 =	sadd.s32 $0xFFFFE003, lr  }
0x1b: {  	s9 =	sadd.s32 $0xFFFFFEF7, lr;
	s5 =	simm.s32 $0xFFFFFFFF;
	p2 =	slt.u32 s8, $0xFFFFF086  }
0x1c: {  	p1 =	slt.u32 s9, $0xF7A;
	s5 =	simm.s32 @!p2 $0x0  }
0x1d: {  	s5 =	simm.s32 @p1 $0x1;
	p0 =	seq.s32 s7, s2  }
0x1e: {  	s7 =	smul.u32 @!p0 $0xF7A, s2;
	p2 =	seq.s32 @!p0 s5, $0x0  }
0x1f: {  	s9 =	smul.u32 $0xF7A, s1;
	s8 =	simm.s32 @!p0 $0x1BF5;
	p2 =	por !p2, p0  }
0x20: {  	[sflag:s8] =	ssyncset.s32 @!p0 $0xFFFFF086;
	s6 =	sadd.s32 @!p0 s3, s7;
	s7 =	simm.s32 @!p0 $0x108  }
0x21: {  	s3 =	sadd.s32 s3, s9;
	s6 =	sadd.s32 @!p0 $0x88, s6;
	s7 =	simm.s32 @p2 $0x1082  }
0x22: {  	[simem:s7], [sflag:s8] =	dma.local @!p0 [hbm:s6], $0xF7A  }
0x23: {  	s9 =	sor.u32 $0xD0000000, s2;
	s6 =	simm.s32 $0x108;
	_ =	swait.ge @!p0 [sflag:s8], $0x0  }
0x24: {  	s3 =	sadd.s32 $0x88, s3;
	s6 =	simm.s32 @!p1 $0x1082;
	[sflag:s4] =	ssyncset.s32 $0xFFFFF086  }
0x25: {  	[simem:s6], [sflag:s4] =	dma.local [hbm:s3], $0xF7A  }
0x26: {  	[smem:$0x3F97] =	sst s1;
	(tag) =	ssettag s2;
	_ =	strace s9  }
0x27: {  	s1 =	sld [smem:$0x3FA7]  }
0x28: {  	s2 =	sld [smem:$0x3FA8]  }
0x29: {  	s4 =	sld [smem:$0x3FAA]  }
0x2a: {  	p0 =	seq.s32 s5, $0x0;
	s5 =	sld [smem:$0x3FAB]  }
0x2b: {  	s6 =	sld [smem:$0x3FAC]  }
0x2c: {  	s7 =	sld [smem:$0x3FAD]  }
0x2d: {  	s3 =	simm.s32 $0x108;
	s8 =	sld [smem:$0x3FAE]  }
0x2e: {  	s3 =	simm.s32 @!p0 $0x1082;
	s9 =	sld [smem:$0x3FAF]  }
0x2f: {  	lr =	sadd.s32 s0, s3;
	s0 =	sld [smem:$0x3FA6]  }
0x30: {  	s3 =	sld [smem:$0x3FA9]  }
0x31: {  	[smem:$0x3FB2] =	sst s10  }
0x32: {  	s10 =	sld [smem:$0x3FB0];
	_ =	sdelay $0x3  }
0x33: {  	p0 =	seq.s32 s10, $0x1;
	s10 =	sld [smem:$0x3FB2];
	_ =	sdelay $0x3  }
0x34: {  	[smem:$0x3FB2] =	sst s10  }
0x35: {  	s10 =	sld [smem:$0x3FB1];
	_ =	sdelay $0x3  }
0x36: {  	p1 =	seq.s32 s10, $0x1;
	s10 =	sld [smem:$0x3FB2];
	_ =	sdelay $0x3  }
0x37: {  	[smem:$0x3FB2] =	sst s10  }
0x38: {  	s10 =	sld [smem:$0x3FB3]  }
0x39: {  	_ = 	snop;
	(pc) =	sbr.ind lr, $3  }
0x3a: {  	_ = 	snop  }
0x3b: {  	_ = 	snop  }
0x3c: {  	p2 =	seq.s32 s10, $0x1;
	s10 =	sld [smem:$0x3FB2]  }
0x3d: {  	_ =	shalt  }
0x3e: {  	_ =	shalt  }
0x3f: {  	_ =	shalt  }
0x40: {  	_ =	shalt  }
0x41: {  	_ =	shalt  }
0x42: {  	_ =	shalt  }
0x43: {  	_ =	shalt  }
0x44: {  	_ =	shalt  }
0x45: {  	_ =	shalt  }
0x46: {  	_ =	shalt  }
0x47: {  	_ =	shalt  }
0x48: {  	_ =	shalt  }
0x49: {  	_ =	shalt  }
0x4a: {  	_ =	shalt  }
0x4b: {  	_ =	shalt  }
0x4c: {  	_ =	shalt  }
0x4d: {  	_ =	shalt  }
0x4e: {  	_ =	shalt  }
0x4f: {  	_ =	shalt  }
0x50: {  	_ =	shalt  }
0x51: {  	_ =	shalt  }
0x52: {  	_ =	shalt  }
0x53: {  	_ =	shalt  }
0x54: {  	_ =	shalt  }
0x55: {  	_ =	shalt  }
0x56: {  	_ =	shalt  }
0x57: {  	_ =	shalt  }
0x58: {  	_ =	shalt  }
0x59: {  	_ =	shalt  }
0x5a: {  	_ =	shalt  }
0x5b: {  	_ =	shalt  }
0x5c: {  	_ =	shalt  }
0x5d: {  	_ =	shalt  }
0x5e: {  	_ =	shalt  }
0x5f: {  	_ =	shalt  }
0x60: {  	_ =	shalt  }
0x61: {  	_ =	shalt  }
0x62: {  	_ =	shalt  }
0x63: {  	_ =	shalt  }
0x64: {  	_ =	shalt  }
0x65: {  	_ =	shalt  }
0x66: {  	_ =	shalt  }
0x67: {  	_ =	shalt  }
0x68: {  	_ =	shalt  }
0x69: {  	_ =	shalt  }
0x6a: {  	_ =	shalt  }
0x6b: {  	_ =	shalt  }
0x6c: {  	_ =	shalt  }
0x6d: {  	_ =	shalt  }
0x6e: {  	_ =	shalt  }
0x6f: {  	_ =	shalt  }
0x70: {  	_ =	shalt  }
0x71: {  	_ =	shalt  }
0x72: {  	_ =	shalt  }
0x73: {  	_ =	shalt  }
0x74: {  	_ =	shalt  }
0x75: {  	_ =	shalt  }
0x76: {  	_ =	shalt  }
0x77: {  	_ =	shalt  }
0x78: {  	_ =	shalt  }
0x79: {  	_ =	shalt  }
0x7a: {  	_ =	shalt  }
0x7b: {  	_ =	shalt  }
0x7c: {  	_ =	shalt  }
0x7d: {  	_ =	shalt  }
0x7e: {  	_ =	shalt  }
0x7f: {  	_ =	shalt  }
0x80: {  	_ =	shalt  }
0x81: {  	_ =	shalt  }
0x82: {  	_ =	shalt  }
0x83: {  	_ =	shalt  }
0x84: {  	_ =	shalt  }
0x85: {  	_ =	shalt  }
0x86: {  	_ =	shalt  }
0x87: {  	_ =	shalt  }
.Lfunc_end0:
.L_simem_size_0:
called_computation.2_lowered:
.L_overlay_start_0:
0x88: {  	s2 =	sld [smem:$0x3FD9]  }
0x89: {  	s3 =	sld [smem:$0x3FFE];
	_ =	sdelay $0x1  }
0x8a: {  	s1 =	srdreg.scid  }
0x8b: {  	s0 =	sand.u32 $0x1, s1  }
0x8c: {  	s17 =	sshll.u32 s0, $0xA;
	s2 =	sadd.s32 s3, s2  }
0x8d: {  	s2 =	sadd.s32 s2, s17  }
0x8e: {  	[smem:$0x3FBE] =	sst s2  }
0x8f: {  	_ = 	snop  }
0x90: {  	(tm) =	ssettm $0x1  }
0x91: {  	s18 =	sld [smem:$0x3FFB];
	_ =	sdelay $0x3  }
0x92: {  	_ =	strace s18  }
0x93: {  	s2 =	sld [smem:$0x3FFC];
	_ =	sdelay $0x3  }
0x94: {  	_ =	strace s2  }
0x95: {  	s2 =	sld [smem:$0x3FFD];
	_ =	sdelay $0x3  }
0x96: {  	_ =	strace s2  }
0x97: {  	_ =	strace $0x8FFFFFFF  }
0x98: {  	s19 =	sld [smem:$0x3FDB];
	_ =	sdelay $0x1  }
0x99: {  	s20 =	simm.s32 $_scs_section_size  }
0x9a: {  	s4 =	simm.s32 $_size__tile_overlayer_lowered;
	s5 =	simm.s32 $_tile_overlayer_lowered  }
0x9b: {  	s6 =	simm.s32 $0x1BFF;
	s21 =	sshll.u32 s5, $0x1;
	s3 =	sadd.s32 s20, s19  }
0x9c: {  	s22 =	simm.s32 $0x0;
	s4 =	sshll.u32 s4, $0x1;
	s5 =	sadd.s32 s21, s3  }
0x9d: {  	[timem:s22], [sflag:s6] =	dma.local [hbm:s5], s4  }
0x9e: {  	_ =	swait.ge [sflag:s6], s4  }
0x9f: {  	s4 =	ssub.s32 $0x0, s4;
	[sflag:s6] =	ssyncset.done $0x0  }
0xa0: {  	[sflag:s6] =	ssyncadd.s32 s4;
	_ =	sdelay $0x1  }
0xa1: {  	s23 =	simm.s32 $0x1B8B  }
0xa2: {  	_ =	swait.ge [sflag:s23], $0x1  }
0xa3: {  	[sflag:s23] =	ssyncset.done $0x0  }
0xa4: {  	[sflag:s23] =	ssyncadd.s32 $0xFFFFFFFF  }
0xa5: {  	s4 =	sld [smem:$0x0]  }
0xa6: {  	s5 =	sand.u32 $0xFFFFFFFE, s1  }
0xa7: {  	p0 =	sne.s32 s1, s5  }
0xa8: {  	s5 =	sshll.u32 @p0 s5, $0xE  }
0xa9: {  	s5 =	sadd.s32 @p0 $0x11B8D, s5;
	s6 =	sshll.u32 @p0 s4, $0x11  }
0xaa: {  	s5 =	sor.u32 @p0 s6, s5  }
0xab: {  	[sflag:s5] =	ssyncadd.remote.s32 @p0 $0x1;
	_ =	sdelay $0x1  }
0xac: {  	s5 =	simm.s32 @p0 $0x1B8D  }
0xad: {  	_ =	swait.eq @p0 [sflag:s5], $0x1  }
0xae: {  	[sflag:s5] =	ssyncadd.s32 @p0 $0xFFFFFFFF  }
0xaf: {  	s6 =	sshll.u32 @!p0 s1, $0xE  }
0xb0: {  	s6 =	sor.u32 @!p0 $0x4000, s6;
	s5 =	simm.s32 @!p0 $0x1B8D  }
0xb1: {  	s4 =	sshll.u32 @!p0 s4, $0x11;
	s6 =	sadd.s32 @!p0 $0x11B8D, s6;
	_ =	swait.eq @!p0 [sflag:s5], $0x1  }
0xb2: {  	s4 =	sor.u32 @!p0 s4, s6;
	[sflag:s5] =	ssyncadd.s32 @!p0 $0xFFFFFFFF  }
0xb3: {  	s25 =	simm.s32 $0x1B8E;
	s24 =	sld [smem:$0x3FFE];
	[sflag:s4] =	ssyncadd.remote.s32 @!p0 $0x1  }
0xb4: {  	s26 =	simm.s32 $execute0_lowered;
	[smem:$0x3FD2] =	sst s25  }
0xb5: {  	s5 =	sshll.u32 s26, $0x1;
	_ =	strace $0x80000049;
	[dreg:$0x1] =	wrdreg $0xFFFFFFFF  }
0xb6: {  	s28 =	simm.s32 $_size_execute0_lowered;
	s3 =	sadd.s32 s3, s5;
	[dreg:$0x0] =	wrdreg $0x0  }
0xb7: {  	s5 =	sshll.u32 s28, $0x1;
	[dreg:$0x2] =	wrdreg s3  }
0xb8: {  	[dreg:$0x3] =	wrdreg s5  }
0xb9: {  	[dreg:$0x4] =	wrdreg $0xC0  }
0xba: {  	_ =	task [dreg:s22], $0x5FFFF  }
0xbb: {  	[dreg:$0x1] =	wrdreg $0xFFFFFFFF  }
0xbc: {  	[dreg:$0x0] =	wrdreg $0x60  }
0xbd: {  	[dreg:$0x2] =	wrdreg s24  }
0xbe: {  	[dreg:$0x3] =	wrdreg $0x0  }
0xbf: {  	[dreg:$0x4] =	wrdreg $0x9  }
0xc0: {  	_ =	task.clear_ibuf [dreg:s22], $0x5FFFF;
	_ =	strace $0x90000049  }
0xc1: {  	s29 =	simm.s32 $0x9;
	_ =	strace $0x8000004B  }
0xc2: {  	_ =	swait.ge [sflag:s29], $0x1  }
0xc3: {  	[sflag:s29] =	ssyncadd.s32 $0xFFFFFFFF  }
0xc4: {  	_ =	strace $0x9000004B  }
0xc5: {  	_ =	sfence  }
0xc6: {  	s30 =	sld [smem:$0x0];
	_ =	sdelay $0x2  }
0xc7: {  	s31 =	sshll.u32 s1, $0xD;
	s1 =	sshrl.u32 s1, $0x2  }
0xc8: {  	s4 =	sand.u32 $0x4000, s31;
	s1 =	sadd.s32 s1, s30  }
0xc9: {  	s0 =	sor.u32 s4, s0;
	s1 =	sshll.u32 s1, $0x11  }
0xca: {  	s0 =	sor.u32 s1, s0  }
0xcb: {  	s0 =	sadd.s32 $0x8F2B, s0  }
0xcc: {  	[sflag:s0] =	ssyncadd.remote.s32 $0x1  }
0xcd: {  	_ =	sfence.sel $0xFFFF  }
0xce: {  	[dreg:$0x0] =	wrdreg $0xFFFFFFFF;
	(pc) =	sbr.abs _section_cstart, $3  }
0xcf: {  	[dreg:$0x1] =	wrdreg $0xFFFFFFFF  }
0xd0: {  	_ =	task.clear_ibuf [dreg:s22], $0x2FFFF;
	_ =	strace $0x9FFFFFFF  }
0xd1: {  	(tm) =	ssettm $0x7FFFFFFF  }
tec
execute0_lowered:
.L_overlay_start_1:
0x0: {  	(tag) =	ssettag $0x1  }
0x1: {  	s0 =	rddreg [dreg:$0x0]  }
0x2: {  	s2 =	rddreg [dreg:$0x1];
	s9 =	stileid.u32  }
0x3: {  	s1 =	srdreg.scid;
	s3 =	simm.s32 $0x0;
	s4 =	smul.u32 $0x50000, s9  }
0x4: {  	s1 =	sand.u32 $0x1, s1;
	[smem:$0x7FF] =	sst s3;
	s20 =	smul.u32 $0x5000, s9  }
0x5: {  	s7 =	sadd.s32 $0x2C400, s0;
	s9 =	smul.u32 $0x2800, s9;
	s5 =	ssub.s32 $0x2, s1  }
0x6: {  	_ =	strace $0x8000004A;
	s22 =	smul.u32 $0x2800, s1;
	p0 =	seq.s32 s1, $0x1  }
0x7: {  	s1 =	simm.s32 $0x5E400;
	s4 =	sshrl.u32 s4, $0x2;
	s6 =	sshrl.u32 s5, $0x1  }
0x8: {  	s1 =	simm.s32 @!p0 $0x36400;
	s4 =	sadd.s32 s4, s2;
	s5 =	ssub.s32 s5, s6  }
0x9: {  	s6 =	sadd.s32 s22, s20;
	s0 =	sadd.s32 s1, s0;
	s17 =	sadd.s32 $0x1000, s4  }
0xa: {  	s18 =	sadd.s32 $0x2000, s4;
	s19 =	sadd.s32 $0x3000, s4;
	[dreg:$0x3] =	wrdreg s17  }
0xb: {  	s8 =	sadd.s32 $0x4000, s4;
	s21 =	sadd.s32 $0x5000, s4;
	[dreg:$0x4] =	wrdreg s18  }
0xc: {  	s10 =	sadd.s32 $0x6000, s4;
	s23 =	sadd.s32 $0x7000, s4;
	[dreg:$0x5] =	wrdreg s19  }
0xd: {  	s24 =	sor.u32 $0x480, s6;
	s25 =	sadd.s32 $0x8000, s4;
	[dreg:$0x6] =	wrdreg s8  }
0xe: {  	s0 =	sadd.s32 s0, s9;
	s28 =	sor.u32 $0x400, s6;
	[dreg:$0x7] =	wrdreg s21  }
0xf: {  	s29 =	sor.u32 $0x380, s6;
	s30 =	sor.u32 $0x300, s6;
	[dreg:$0x8] =	wrdreg s10  }
0x10: {  	s9 =	sor.u32 $0x180, s6;
	s11 =	sor.u32 $0x100, s6;
	[dreg:$0x9] =	wrdreg s23  }
0x11: {  	s12 =	sor.u32 $0x80, s6;
	s13 =	sadd.s32 $0x9000, s4;
	[dreg:$0xa] =	wrdreg s25  }
0x12: {  	[dreg:$0xb] =	wrdreg s0;
	s26 =	sshrl.u32 s24, $0x3;
	s0 =	sshrl.u32 s28, $0x3  }
0x13: {  	s1 =	sshrl.u32 s29, $0x3;
	s31 =	sshrl.u32 s30, $0x3;
	s8 =	sor.u32 $0x200, s6  }
0x14: {  	s10 =	sshrl.u32 s9, $0x3;
	[dreg:$0xc] =	wrdreg s13;
	s24 =	smax.u32 s5, $0x1  }
0x15: {  	s25 =	sadd.s32 $0xA000, s4;
	s28 =	sadd.s32 $0xC000, s4;
	s29 =	sadd.s32 $0xD000, s4  }
0x16: {  	s30 =	sadd.s32 $0xE000, s4;
	s5 =	sadd.s32 $0x11000, s4;
	s9 =	simm.s32 $0x3  }
0x17: {  	s13 =	simm.s32 $0x80;
	s14 =	sadd.s32 s26, s7;
	[dreg:$0xd] =	wrdreg s24  }
0x18: {  	s15 =	sadd.s32 s0, s7;
	s16 =	sadd.s32 s1, s7;
	[dreg:$0xe] =	wrdreg s25  }
0x19: {  	s17 =	sadd.s32 s31, s7;
	s1 =	sor.u32 $0x280, s6;
	[dreg:$0x10] =	wrdreg s28  }
0x1a: {  	s20 =	sadd.s32 s10, s7;
	s6 =	sshrl.u32 s6, $0x3;
	[dreg:$0x11] =	wrdreg s29  }
0x1b: {  	s26 =	sadd.s32 $0xB000, s4;
	[dreg:$0x12] =	wrdreg s30;
	s31 =	sadd.s32 $0xF000, s4  }
0x1c: {  	s10 =	simm.s32 $0x14000;
	s24 =	simm.s32 $0x14100;
	s25 =	simm.s32 $0x2  }
0x1d: {  	s0 =	sshrl.u32 s1, $0x3;
	s1 =	sshrl.u32 s8, $0x3;
	[dreg:$0xf] =	wrdreg s26  }
0x1e: {  	s23 =	sadd.s32 s6, s7;
	[dreg:$0x13] =	wrdreg s31;
	s6 =	sadd.s32 $0x12000, s4  }
0x1f: {  	s8 =	simm.s32 $0x18100;
	s26 =	simm.s32 $0x0;
	s18 =	sadd.s32 s0, s7  }
0x20: {  	s19 =	sadd.s32 s1, s7;
	s0 =	sshrl.u32 s11, $0x3;
	s1 =	sshrl.u32 s12, $0x3  }
0x21: {  	s11 =	simm.s32 $0x14080;
	s12 =	simm.s32 $0x1;
	s21 =	sadd.s32 s0, s7  }
0x22: {  	v0 =	vimm.f32 $0.0e+00;
	v1 =	vimm.f32 $1.000000000e+00;
	s22 =	sadd.s32 s1, s7;
	s0 =	sadd.s32 $0x10000, s4;
	s7 =	sadd.s32 $0x13000, s4  }
.LBB2_1:
0x23: {  	s28 =	simm.s32 $0x0;
	s29 =	simm.s32 $0x200  }
.LBB2_2:
0x24: {  	p0 =	sne.s32 s29, $0x3E00;
	[tilespmem:s28+$0x18170] =	vst v0  }
0x25: {  	[tilespmem:s28+$0x18100] =	vst v0  }
0x26: {  	[tilespmem:s28+$0x18110] =	vst v0  }
.Ltmp0:
0x27: {  	[tilespmem:s28+$0x18120] =	vst v0;
	(pc) =	sbr.rel @p0 .LBB2_2-.Ltmp0, $4  }
0x28: {  	[tilespmem:s28+$0x18130] =	vst v0  }
0x29: {  	[tilespmem:s28+$0x18140] =	vst v0  }
0x2a: {  	[tilespmem:s28+$0x18150] =	vst v0  }
0x2b: {  	[tilespmem:s28+$0x18160] =	vst v0;
	s28 =	sshra.s32 s29, $0x2;
	s29 =	sadd.s32 $0x200, s29  }
0x2c: {  	[tilespmem:s28+$0x18170] =	vst v0  }
0x2d: {  	[tilespmem:s28+$0x18100] =	vst v0  }
0x2e: {  	[tilespmem:s28+$0x18110] =	vst v0  }
0x2f: {  	[tilespmem:s28+$0x18120] =	vst v0  }
0x30: {  	[tilespmem:s28+$0x18130] =	vst v0  }
0x31: {  	[tilespmem:s28+$0x18140] =	vst v0  }
0x32: {  	[tilespmem:s28+$0x18150] =	vst v0  }
0x33: {  	[tilespmem:s28+$0x18160] =	vst v0;
	s28 =	simm.s32 $0x0;
	s29 =	simm.s32 $0x200  }
.LBB2_4:
0x34: {  	p0 =	sne.s32 s29, $0xFE00;
	[tilespmem:s28+$0x14170] =	vst v1  }
0x35: {  	[tilespmem:s28+$0x14100] =	vst v1  }
0x36: {  	[tilespmem:s28+$0x14110] =	vst v1  }
.Ltmp1:
0x37: {  	[tilespmem:s28+$0x14120] =	vst v1;
	(pc) =	sbr.rel @p0 .LBB2_4-.Ltmp1, $4  }
0x38: {  	[tilespmem:s28+$0x14130] =	vst v1  }
0x39: {  	[tilespmem:s28+$0x14140] =	vst v1  }
0x3a: {  	[tilespmem:s28+$0x14150] =	vst v1  }
0x3b: {  	[tilespmem:s28+$0x14160] =	vst v1;
	s28 =	sshra.s32 s29, $0x2;
	s29 =	sadd.s32 $0x200, s29  }
0x3c: {  	[tilespmem:s28+$0x14170] =	vst v1  }
0x3d: {  	[tilespmem:s28+$0x14100] =	vst v1  }
0x3e: {  	[tilespmem:s28+$0x14110] =	vst v1  }
0x3f: {  	[tilespmem:s28+$0x14120] =	vst v1  }
0x40: {  	[tilespmem:s28+$0x14130] =	vst v1  }
0x41: {  	[tilespmem:s28+$0x14140] =	vst v1  }
0x42: {  	[tilespmem:s28+$0x14150] =	vst v1  }
0x43: {  	[tilespmem:s28+$0x14160] =	vst v1  }
0x44: {  	[spmem:s4] =	stream.linear.scatter [tilespmem:s8], [sflag:$0x3], $0x1000, $0x38;
	[tilespmem:$0x19100] =	vst v63  }
0x45: {  	_ =	swait.ge [sflag:s9], $0x1000  }
0x46: {  	[sflag:s9] =	ssyncset.done $0x0  }
0x47: {  	s1 =	rddreg [dreg:$0x3];
	[sflag:s9] =	ssyncadd.s32 $0xFFFFF000  }
0x48: {  	[spmem:s1] =	stream.linear.scatter [tilespmem:s8], [sflag:$0x3], $0x1000, $0x38;
	[tilespmem:$0x19100] =	vst v63  }
0x49: {  	_ =	swait.ge [sflag:s9], $0x1000  }
0x4a: {  	[sflag:s9] =	ssyncset.done $0x0  }
0x4b: {  	s30 =	rddreg [dreg:$0x4];
	[sflag:s9] =	ssyncadd.s32 $0xFFFFF000  }
0x4c: {  	[spmem:s30] =	stream.linear.scatter [tilespmem:s8], [sflag:$0x3], $0x1000, $0x38;
	[tilespmem:$0x19100] =	vst v63  }
0x4d: {  	_ =	swait.ge [sflag:s9], $0x1000  }
0x4e: {  	[sflag:s9] =	ssyncset.done $0x0  }
0x4f: {  	s31 =	rddreg [dreg:$0x5];
	[sflag:s9] =	ssyncadd.s32 $0xFFFFF000  }
0x50: {  	[spmem:s31] =	stream.linear.scatter [tilespmem:s8], [sflag:$0x3], $0x1000, $0x38;
	[tilespmem:$0x19100] =	vst v63  }
0x51: {  	_ =	swait.ge [sflag:s9], $0x1000  }
0x52: {  	[sflag:s9] =	ssyncset.done $0x0  }
0x53: {  	s30 =	rddreg [dreg:$0x6];
	[sflag:s9] =	ssyncadd.s32 $0xFFFFF000  }
0x54: {  	[spmem:s30] =	stream.linear.scatter [tilespmem:s8], [sflag:$0x3], $0x1000, $0x38;
	[tilespmem:$0x19100] =	vst v63  }
0x55: {  	_ =	swait.ge [sflag:s9], $0x1000  }
0x56: {  	[sflag:s9] =	ssyncset.done $0x0  }
0x57: {  	s31 =	rddreg [dreg:$0x7];
	[sflag:s9] =	ssyncadd.s32 $0xFFFFF000  }
0x58: {  	[spmem:s31] =	stream.linear.scatter [tilespmem:s8], [sflag:$0x3], $0x1000, $0x38;
	[tilespmem:$0x19100] =	vst v63  }
0x59: {  	_ =	swait.ge [sflag:s9], $0x1000  }
0x5a: {  	[sflag:s9] =	ssyncset.done $0x0  }
0x5b: {  	s30 =	rddreg [dreg:$0x8];
	[sflag:s9] =	ssyncadd.s32 $0xFFFFF000  }
0x5c: {  	[spmem:s30] =	stream.linear.scatter [tilespmem:s8], [sflag:$0x3], $0x1000, $0x38;
	[tilespmem:$0x19100] =	vst v63  }
0x5d: {  	_ =	swait.ge [sflag:s9], $0x1000  }
0x5e: {  	[sflag:s9] =	ssyncset.done $0x0  }
0x5f: {  	s31 =	rddreg [dreg:$0x9];
	[sflag:s9] =	ssyncadd.s32 $0xFFFFF000  }
0x60: {  	[spmem:s31] =	stream.linear.scatter [tilespmem:s8], [sflag:$0x3], $0x1000, $0x38;
	[tilespmem:$0x19100] =	vst v63  }
0x61: {  	_ =	swait.ge [sflag:s9], $0x1000  }
0x62: {  	[sflag:s9] =	ssyncset.done $0x0  }
0x63: {  	s30 =	rddreg [dreg:$0xa];
	[sflag:s9] =	ssyncadd.s32 $0xFFFFF000  }
0x64: {  	[spmem:s30] =	stream.linear.scatter [tilespmem:s8], [sflag:$0x3], $0x1000, $0x38;
	[tilespmem:$0x19100] =	vst v63  }
0x65: {  	_ =	swait.ge [sflag:s9], $0x1000  }
0x66: {  	[sflag:s9] =	ssyncset.done $0x0  }
0x67: {  	s31 =	rddreg [dreg:$0xc];
	[sflag:s9] =	ssyncadd.s32 $0xFFFFF000  }
0x68: {  	[spmem:s31] =	stream.linear.scatter [tilespmem:s8], [sflag:$0x3], $0x1000, $0x38;
	[tilespmem:$0x19100] =	vst v63  }
0x69: {  	_ =	swait.ge [sflag:s9], $0x1000  }
0x6a: {  	[sflag:s9] =	ssyncset.done $0x0  }
0x6b: {  	s30 =	rddreg [dreg:$0xe];
	[sflag:s9] =	ssyncadd.s32 $0xFFFFF000  }
0x6c: {  	[spmem:s30] =	stream.linear.scatter [tilespmem:s8], [sflag:$0x3], $0x1000, $0x38;
	[tilespmem:$0x19100] =	vst v63  }
0x6d: {  	_ =	swait.ge [sflag:s9], $0x1000  }
0x6e: {  	[sflag:s9] =	ssyncset.done $0x0  }
0x6f: {  	s31 =	rddreg [dreg:$0xf];
	[sflag:s9] =	ssyncadd.s32 $0xFFFFF000  }
0x70: {  	[spmem:s31] =	stream.linear.scatter [tilespmem:s8], [sflag:$0x3], $0x1000, $0x38;
	[tilespmem:$0x19100] =	vst v63  }
0x71: {  	_ =	swait.ge [sflag:s9], $0x1000  }
0x72: {  	[sflag:s9] =	ssyncset.done $0x0  }
0x73: {  	s30 =	rddreg [dreg:$0x10];
	[sflag:s9] =	ssyncadd.s32 $0xFFFFF000  }
0x74: {  	[spmem:s30] =	stream.linear.scatter [tilespmem:s8], [sflag:$0x3], $0x1000, $0x38;
	[tilespmem:$0x19100] =	vst v63  }
0x75: {  	_ =	swait.ge [sflag:s9], $0x1000  }
0x76: {  	[sflag:s9] =	ssyncset.done $0x0  }
0x77: {  	s31 =	rddreg [dreg:$0x11];
	[sflag:s9] =	ssyncadd.s32 $0xFFFFF000  }
0x78: {  	[spmem:s31] =	stream.linear.scatter [tilespmem:s8], [sflag:$0x3], $0x1000, $0x38;
	[tilespmem:$0x19100] =	vst v63  }
0x79: {  	_ =	swait.ge [sflag:s9], $0x1000  }
0x7a: {  	[sflag:s9] =	ssyncset.done $0x0  }
0x7b: {  	s30 =	rddreg [dreg:$0x12];
	[sflag:s9] =	ssyncadd.s32 $0xFFFFF000  }
0x7c: {  	[spmem:s30] =	stream.linear.scatter [tilespmem:s8], [sflag:$0x3], $0x1000, $0x38;
	[tilespmem:$0x19100] =	vst v63  }
0x7d: {  	_ =	swait.ge [sflag:s9], $0x1000  }
0x7e: {  	[sflag:s9] =	ssyncset.done $0x0  }
0x7f: {  	s31 =	rddreg [dreg:$0x13];
	[sflag:s9] =	ssyncadd.s32 $0xFFFFF000  }
0x80: {  	[spmem:s31] =	stream.linear.scatter [tilespmem:s8], [sflag:$0x3], $0x1000, $0x38;
	[tilespmem:$0x19100] =	vst v63  }
0x81: {  	_ =	swait.ge [sflag:s9], $0x1000  }
0x82: {  	[sflag:s9] =	ssyncset.done $0x0  }
0x83: {  	[sflag:s9] =	ssyncadd.s32 $0xFFFFF000  }
0x84: {  	[spmem:s0] =	stream.linear.scatter [tilespmem:s8], [sflag:$0x3], $0x1000, $0x38;
	[tilespmem:$0x19100] =	vst v63  }
0x85: {  	_ =	swait.ge [sflag:s9], $0x1000  }
0x86: {  	[sflag:s9] =	ssyncset.done $0x0  }
0x87: {  	[sflag:s9] =	ssyncadd.s32 $0xFFFFF000  }
0x88: {  	[spmem:s5] =	stream.linear.scatter [tilespmem:s8], [sflag:$0x3], $0x1000, $0x38;
	[tilespmem:$0x19100] =	vst v63  }
0x89: {  	_ =	swait.ge [sflag:s9], $0x1000  }
0x8a: {  	[sflag:s9] =	ssyncset.done $0x0  }
0x8b: {  	[sflag:s9] =	ssyncadd.s32 $0xFFFFF000  }
0x8c: {  	[spmem:s6] =	stream.linear.scatter [tilespmem:s8], [sflag:$0x3], $0x1000, $0x38;
	[tilespmem:$0x19100] =	vst v63  }
0x8d: {  	_ =	swait.ge [sflag:s9], $0x1000  }
0x8e: {  	[sflag:s9] =	ssyncset.done $0x0  }
0x8f: {  	[sflag:s9] =	ssyncadd.s32 $0xFFFFF000  }
0x90: {  	[spmem:s7] =	stream.linear.scatter [tilespmem:s8], [sflag:$0x3], $0x1000, $0x38;
	[tilespmem:$0x19100] =	vst v63  }
0x91: {  	_ =	swait.ge [sflag:s9], $0x1000  }
0x92: {  	[sflag:s9] =	ssyncset.done $0x0  }
0x93: {  	[sflag:s9] =	ssyncadd.s32 $0xFFFFF000  }
0x94: {  	s28 =	sadd.s32 $0x0, s23;
	[bflag:$0x0] =	sbarrier.arrive $0xFFFF  }
0x95: {  	[tilespmem:s10], [sflag:$0x1] =	stream.linear.gather [hbm4b:s28+s3], $0x80, $0x38;
	[tilespmem:$0x19100] =	vst v63  }
0x96: {  	s28 =	sadd.s32 $0x0, s22  }
0x97: {  	[tilespmem:s11], [sflag:$0x2] =	stream.linear.gather [hbm4b:s28+s3], $0x80, $0x38;
	[tilespmem:$0x19100] =	vst v63  }
0x98: {  	_ =	swait.ge [sflag:s12], $0x80  }
0x99: {  	[sflag:s12] =	ssyncset.done $0x0  }
0x9a: {  	[sflag:s12] =	ssyncadd.s32 $0xFFFFFF80  }
0x9b: {  	[spmem:s2] =	stream.indirect.scatter.add.f32 [tilespmem:s24], [sflag:$0x3], $0x80, s10, s13, $0xb8;
	[tilespmem:$0x19100] =	vst v63  }
0x9c: {  	_ =	swait.ge [sflag:s9], $0x4000  }
0x9d: {  	[sflag:s9] =	ssyncset.done $0x0  }
0x9e: {  	s28 =	sadd.s32 $0x0, s21;
	[sflag:s9] =	ssyncadd.s32 $0xFFFFC000  }
0x9f: {  	[tilespmem:s10], [sflag:$0x1] =	stream.linear.gather [hbm4b:s28+s3], $0x80, $0x38;
	[tilespmem:$0x19100] =	vst v63  }
0xa0: {  	_ =	swait.ge [sflag:s25], $0x80  }
0xa1: {  	[sflag:s25] =	ssyncset.done $0x0  }
0xa2: {  	[sflag:s25] =	ssyncadd.s32 $0xFFFFFF80  }
0xa3: {  	[spmem:s2] =	stream.indirect.scatter.add.f32 [tilespmem:s24], [sflag:$0x3], $0x80, s11, s13, $0xb8;
	[tilespmem:$0x19100] =	vst v63  }
0xa4: {  	_ =	swait.ge [sflag:s9], $0x4000  }
0xa5: {  	[sflag:s9] =	ssyncset.done $0x0  }
0xa6: {  	s28 =	sadd.s32 $0x0, s20;
	[sflag:s9] =	ssyncadd.s32 $0xFFFFC000  }
0xa7: {  	[tilespmem:s11], [sflag:$0x2] =	stream.linear.gather [hbm4b:s28+s3], $0x80, $0x38;
	[tilespmem:$0x19100] =	vst v63  }
0xa8: {  	_ =	swait.ge [sflag:s12], $0x80  }
0xa9: {  	[sflag:s12] =	ssyncset.done $0x0  }
0xaa: {  	[sflag:s12] =	ssyncadd.s32 $0xFFFFFF80  }
0xab: {  	[spmem:s2] =	stream.indirect.scatter.add.f32 [tilespmem:s24], [sflag:$0x3], $0x80, s10, s13, $0xb8;
	[tilespmem:$0x19100] =	vst v63  }
0xac: {  	_ =	swait.ge [sflag:s9], $0x4000  }
0xad: {  	[sflag:s9] =	ssyncset.done $0x0  }
0xae: {  	s28 =	sadd.s32 $0x0, s19;
	[sflag:s9] =	ssyncadd.s32 $0xFFFFC000  }
0xaf: {  	[tilespmem:s10], [sflag:$0x1] =	stream.linear.gather [hbm4b:s28+s3], $0x80, $0x38;
	[tilespmem:$0x19100] =	vst v63  }
0xb0: {  	_ =	swait.ge [sflag:s25], $0x80  }
0xb1: {  	[sflag:s25] =	ssyncset.done $0x0  }
0xb2: {  	[sflag:s25] =	ssyncadd.s32 $0xFFFFFF80  }
0xb3: {  	[spmem:s2] =	stream.indirect.scatter.add.f32 [tilespmem:s24], [sflag:$0x3], $0x80, s11, s13, $0xb8;
	[tilespmem:$0x19100] =	vst v63  }
0xb4: {  	_ =	swait.ge [sflag:s9], $0x4000  }
0xb5: {  	[sflag:s9] =	ssyncset.done $0x0  }
0xb6: {  	s28 =	sadd.s32 $0x0, s18;
	[sflag:s9] =	ssyncadd.s32 $0xFFFFC000  }
0xb7: {  	[tilespmem:s11], [sflag:$0x2] =	stream.linear.gather [hbm4b:s28+s3], $0x80, $0x38;
	[tilespmem:$0x19100] =	vst v63  }
0xb8: {  	_ =	swait.ge [sflag:s12], $0x80  }
0xb9: {  	[sflag:s12] =	ssyncset.done $0x0  }
0xba: {  	[sflag:s12] =	ssyncadd.s32 $0xFFFFFF80  }
0xbb: {  	[spmem:s2] =	stream.indirect.scatter.add.f32 [tilespmem:s24], [sflag:$0x3], $0x80, s10, s13, $0xb8;
	[tilespmem:$0x19100] =	vst v63  }
0xbc: {  	_ =	swait.ge [sflag:s9], $0x4000  }
0xbd: {  	[sflag:s9] =	ssyncset.done $0x0  }
0xbe: {  	s28 =	sadd.s32 $0x0, s17;
	[sflag:s9] =	ssyncadd.s32 $0xFFFFC000  }
0xbf: {  	[tilespmem:s10], [sflag:$0x1] =	stream.linear.gather [hbm4b:s28+s3], $0x80, $0x38;
	[tilespmem:$0x19100] =	vst v63  }
0xc0: {  	_ =	swait.ge [sflag:s25], $0x80  }
0xc1: {  	[sflag:s25] =	ssyncset.done $0x0  }
0xc2: {  	[sflag:s25] =	ssyncadd.s32 $0xFFFFFF80  }
0xc3: {  	[spmem:s2] =	stream.indirect.scatter.add.f32 [tilespmem:s24], [sflag:$0x3], $0x80, s11, s13, $0xb8;
	[tilespmem:$0x19100] =	vst v63  }
0xc4: {  	_ =	swait.ge [sflag:s9], $0x4000  }
0xc5: {  	[sflag:s9] =	ssyncset.done $0x0  }
0xc6: {  	s28 =	sadd.s32 $0x0, s16;
	[sflag:s9] =	ssyncadd.s32 $0xFFFFC000  }
0xc7: {  	[tilespmem:s11], [sflag:$0x2] =	stream.linear.gather [hbm4b:s28+s3], $0x80, $0x38;
	[tilespmem:$0x19100] =	vst v63  }
0xc8: {  	_ =	swait.ge [sflag:s12], $0x80  }
0xc9: {  	[sflag:s12] =	ssyncset.done $0x0  }
0xca: {  	[sflag:s12] =	ssyncadd.s32 $0xFFFFFF80  }
0xcb: {  	[spmem:s2] =	stream.indirect.scatter.add.f32 [tilespmem:s24], [sflag:$0x3], $0x80, s10, s13, $0xb8;
	[tilespmem:$0x19100] =	vst v63  }
0xcc: {  	_ =	swait.ge [sflag:s9], $0x4000  }
0xcd: {  	[sflag:s9] =	ssyncset.done $0x0  }
0xce: {  	s28 =	sadd.s32 $0x0, s15;
	[sflag:s9] =	ssyncadd.s32 $0xFFFFC000  }
0xcf: {  	[tilespmem:s10], [sflag:$0x1] =	stream.linear.gather [hbm4b:s28+s3], $0x80, $0x38;
	[tilespmem:$0x19100] =	vst v63  }
0xd0: {  	_ =	swait.ge [sflag:s25], $0x80  }
0xd1: {  	[sflag:s25] =	ssyncset.done $0x0  }
0xd2: {  	[sflag:s25] =	ssyncadd.s32 $0xFFFFFF80  }
0xd3: {  	[spmem:s2] =	stream.indirect.scatter.add.f32 [tilespmem:s24], [sflag:$0x3], $0x80, s11, s13, $0xb8;
	[tilespmem:$0x19100] =	vst v63  }
0xd4: {  	_ =	swait.ge [sflag:s9], $0x4000  }
0xd5: {  	[sflag:s9] =	ssyncset.done $0x0  }
0xd6: {  	s28 =	sadd.s32 $0x0, s14;
	[sflag:s9] =	ssyncadd.s32 $0xFFFFC000  }
0xd7: {  	[tilespmem:s11], [sflag:$0x2] =	stream.linear.gather [hbm4b:s28+s3], $0x80, $0x38;
	[tilespmem:$0x19100] =	vst v63  }
0xd8: {  	_ =	swait.ge [sflag:s12], $0x80  }
0xd9: {  	[sflag:s12] =	ssyncset.done $0x0  }
0xda: {  	[sflag:s12] =	ssyncadd.s32 $0xFFFFFF80  }
0xdb: {  	[spmem:s2] =	stream.indirect.scatter.add.f32 [tilespmem:s24], [sflag:$0x3], $0x80, s10, s13, $0xb8;
	[tilespmem:$0x19100] =	vst v63  }
0xdc: {  	_ =	swait.ge [sflag:s9], $0x4000  }
0xdd: {  	[sflag:s9] =	ssyncset.done $0x0  }
0xde: {  	[sflag:s9] =	ssyncadd.s32 $0xFFFFC000  }
0xdf: {  	_ =	swait.ge [sflag:s25], $0x80  }
0xe0: {  	[sflag:s25] =	ssyncset.done $0x0  }
0xe1: {  	[sflag:s25] =	ssyncadd.s32 $0xFFFFFF80  }
0xe2: {  	[spmem:s2] =	stream.indirect.scatter.add.f32 [tilespmem:s24], [sflag:$0x3], $0x80, s11, s13, $0xb8;
	[tilespmem:$0x19100] =	vst v63  }
0xe3: {  	_ =	swait.ge [sflag:s9], $0x4000  }
0xe4: {  	s29 =	simm.s32 $0x140;
	s28 =	simm.s32 $0xA0;
	[sflag:s9] =	ssyncset.done $0x0  }
.LBB2_6:
0xe5: {  	s1 =	sadd.s32 s28, s23  }
0xe6: {  	[sflag:s9] =	ssyncadd.s32 $0xFFFFC000;
	s30 =	smov.u32 s29;
	s31 =	sadd.s32 $0xA0, s29  }
0xe7: {  	[tilespmem:s10], [sflag:$0x1] =	stream.linear.gather [hbm4b:s1+s3], $0x80, $0x38;
	[tilespmem:$0x19100] =	vst v63  }
0xe8: {  	p0 =	sne.s32 s29, $0x460;
	s1 =	sadd.s32 s28, s22  }
0xe9: {  	[tilespmem:s11], [sflag:$0x2] =	stream.linear.gather [hbm4b:s1+s3], $0x80, $0x38;
	[tilespmem:$0x19100] =	vst v63  }
0xea: {  	_ =	swait.ge [sflag:s12], $0x80  }
0xeb: {  	[sflag:s12] =	ssyncset.done $0x0  }
0xec: {  	[sflag:s12] =	ssyncadd.s32 $0xFFFFFF80  }
0xed: {  	[spmem:s2] =	stream.indirect.scatter.add.f32 [tilespmem:s24], [sflag:$0x3], $0x80, s10, s13, $0xb8;
	[tilespmem:$0x19100] =	vst v63  }
0xee: {  	_ =	swait.ge [sflag:s9], $0x4000  }
0xef: {  	[sflag:s9] =	ssyncset.done $0x0  }
0xf0: {  	s1 =	sadd.s32 s28, s21;
	[sflag:s9] =	ssyncadd.s32 $0xFFFFC000  }
0xf1: {  	[tilespmem:s10], [sflag:$0x1] =	stream.linear.gather [hbm4b:s1+s3], $0x80, $0x38;
	[tilespmem:$0x19100] =	vst v63  }
0xf2: {  	_ =	swait.ge [sflag:s25], $0x80  }
0xf3: {  	[sflag:s25] =	ssyncset.done $0x0  }
0xf4: {  	[sflag:s25] =	ssyncadd.s32 $0xFFFFFF80  }
0xf5: {  	[spmem:s2] =	stream.indirect.scatter.add.f32 [tilespmem:s24], [sflag:$0x3], $0x80, s11, s13, $0xb8;
	[tilespmem:$0x19100] =	vst v63  }
0xf6: {  	_ =	swait.ge [sflag:s9], $0x4000  }
0xf7: {  	[sflag:s9] =	ssyncset.done $0x0  }
0xf8: {  	s1 =	sadd.s32 s28, s20;
	[sflag:s9] =	ssyncadd.s32 $0xFFFFC000  }
0xf9: {  	[tilespmem:s11], [sflag:$0x2] =	stream.linear.gather [hbm4b:s1+s3], $0x80, $0x38;
	[tilespmem:$0x19100] =	vst v63  }
0xfa: {  	_ =	swait.ge [sflag:s12], $0x80  }
0xfb: {  	[sflag:s12] =	ssyncset.done $0x0  }
0xfc: {  	[sflag:s12] =	ssyncadd.s32 $0xFFFFFF80  }
0xfd: {  	[spmem:s2] =	stream.indirect.scatter.add.f32 [tilespmem:s24], [sflag:$0x3], $0x80, s10, s13, $0xb8;
	[tilespmem:$0x19100] =	vst v63  }
0xfe: {  	_ =	swait.ge [sflag:s9], $0x4000  }
0xff: {  	[sflag:s9] =	ssyncset.done $0x0  }
0x100: {  	s1 =	sadd.s32 s28, s19;
	[sflag:s9] =	ssyncadd.s32 $0xFFFFC000  }
0x101: {  	[tilespmem:s10], [sflag:$0x1] =	stream.linear.gather [hbm4b:s1+s3], $0x80, $0x38;
	[tilespmem:$0x19100] =	vst v63  }
0x102: {  	_ =	swait.ge [sflag:s25], $0x80  }
0x103: {  	[sflag:s25] =	ssyncset.done $0x0  }
0x104: {  	[sflag:s25] =	ssyncadd.s32 $0xFFFFFF80  }
0x105: {  	[spmem:s2] =	stream.indirect.scatter.add.f32 [tilespmem:s24], [sflag:$0x3], $0x80, s11, s13, $0xb8;
	[tilespmem:$0x19100] =	vst v63  }
0x106: {  	_ =	swait.ge [sflag:s9], $0x4000  }
0x107: {  	[sflag:s9] =	ssyncset.done $0x0  }
0x108: {  	s1 =	sadd.s32 s28, s18;
	[sflag:s9] =	ssyncadd.s32 $0xFFFFC000  }
0x109: {  	[tilespmem:s11], [sflag:$0x2] =	stream.linear.gather [hbm4b:s1+s3], $0x80, $0x38;
	[tilespmem:$0x19100] =	vst v63  }
0x10a: {  	_ =	swait.ge [sflag:s12], $0x80  }
0x10b: {  	[sflag:s12] =	ssyncset.done $0x0  }
0x10c: {  	[sflag:s12] =	ssyncadd.s32 $0xFFFFFF80  }
0x10d: {  	[spmem:s2] =	stream.indirect.scatter.add.f32 [tilespmem:s24], [sflag:$0x3], $0x80, s10, s13, $0xb8;
	[tilespmem:$0x19100] =	vst v63  }
0x10e: {  	_ =	swait.ge [sflag:s9], $0x4000  }
0x10f: {  	[sflag:s9] =	ssyncset.done $0x0  }
0x110: {  	s1 =	sadd.s32 s28, s17;
	[sflag:s9] =	ssyncadd.s32 $0xFFFFC000  }
0x111: {  	[tilespmem:s10], [sflag:$0x1] =	stream.linear.gather [hbm4b:s1+s3], $0x80, $0x38;
	[tilespmem:$0x19100] =	vst v63  }
0x112: {  	_ =	swait.ge [sflag:s25], $0x80  }
0x113: {  	[sflag:s25] =	ssyncset.done $0x0  }
0x114: {  	[sflag:s25] =	ssyncadd.s32 $0xFFFFFF80  }
0x115: {  	[spmem:s2] =	stream.indirect.scatter.add.f32 [tilespmem:s24], [sflag:$0x3], $0x80, s11, s13, $0xb8;
	[tilespmem:$0x19100] =	vst v63  }
0x116: {  	_ =	swait.ge [sflag:s9], $0x4000  }
0x117: {  	[sflag:s9] =	ssyncset.done $0x0  }
0x118: {  	s1 =	sadd.s32 s28, s16;
	[sflag:s9] =	ssyncadd.s32 $0xFFFFC000  }
0x119: {  	[tilespmem:s11], [sflag:$0x2] =	stream.linear.gather [hbm4b:s1+s3], $0x80, $0x38;
	[tilespmem:$0x19100] =	vst v63  }
0x11a: {  	_ =	swait.ge [sflag:s12], $0x80  }
0x11b: {  	[sflag:s12] =	ssyncset.done $0x0  }
0x11c: {  	[sflag:s12] =	ssyncadd.s32 $0xFFFFFF80  }
0x11d: {  	[spmem:s2] =	stream.indirect.scatter.add.f32 [tilespmem:s24], [sflag:$0x3], $0x80, s10, s13, $0xb8;
	[tilespmem:$0x19100] =	vst v63  }
0x11e: {  	_ =	swait.ge [sflag:s9], $0x4000  }
0x11f: {  	[sflag:s9] =	ssyncset.done $0x0  }
0x120: {  	s1 =	sadd.s32 s28, s15;
	[sflag:s9] =	ssyncadd.s32 $0xFFFFC000  }
0x121: {  	[tilespmem:s10], [sflag:$0x1] =	stream.linear.gather [hbm4b:s1+s3], $0x80, $0x38;
	[tilespmem:$0x19100] =	vst v63  }
0x122: {  	_ =	swait.ge [sflag:s25], $0x80  }
0x123: {  	[sflag:s25] =	ssyncset.done $0x0  }
0x124: {  	[sflag:s25] =	ssyncadd.s32 $0xFFFFFF80  }
0x125: {  	[spmem:s2] =	stream.indirect.scatter.add.f32 [tilespmem:s24], [sflag:$0x3], $0x80, s11, s13, $0xb8;
	[tilespmem:$0x19100] =	vst v63  }
0x126: {  	_ =	swait.ge [sflag:s9], $0x4000  }
0x127: {  	[sflag:s9] =	ssyncset.done $0x0  }
0x128: {  	s1 =	sadd.s32 s28, s14;
	s28 =	smov.u32 s30;
	[sflag:s9] =	ssyncadd.s32 $0xFFFFC000  }
0x129: {  	[tilespmem:s11], [sflag:$0x2] =	stream.linear.gather [hbm4b:s1+s3], $0x80, $0x38;
	[tilespmem:$0x19100] =	vst v63  }
0x12a: {  	_ =	swait.ge [sflag:s12], $0x80  }
0x12b: {  	[sflag:s12] =	ssyncset.done $0x0  }
0x12c: {  	[sflag:s12] =	ssyncadd.s32 $0xFFFFFF80  }
0x12d: {  	[spmem:s2] =	stream.indirect.scatter.add.f32 [tilespmem:s24], [sflag:$0x3], $0x80, s10, s13, $0xb8;
	[tilespmem:$0x19100] =	vst v63  }
0x12e: {  	_ =	swait.ge [sflag:s9], $0x4000  }
0x12f: {  	[sflag:s9] =	ssyncset.done $0x0  }
0x130: {  	[sflag:s9] =	ssyncadd.s32 $0xFFFFC000  }
0x131: {  	_ =	swait.ge [sflag:s25], $0x80  }
.Ltmp2:
0x132: {  	[sflag:s25] =	ssyncset.done $0x0;
	(pc) =	sbr.rel @p0 .LBB2_6-.Ltmp2, $4  }
0x133: {  	[sflag:s25] =	ssyncadd.s32 $0xFFFFFF80  }
0x134: {  	[spmem:s2] =	stream.indirect.scatter.add.f32 [tilespmem:s24], [sflag:$0x3], $0x80, s11, s13, $0xb8;
	[tilespmem:$0x19100] =	vst v63  }
0x135: {  	_ =	swait.ge [sflag:s9], $0x4000  }
0x136: {  	s29 =	smov.u32 s31;
	[sflag:s9] =	ssyncset.done $0x0  }
0x137: {  	s1 =	sadd.s32 s28, s23;
	[sflag:s9] =	ssyncadd.s32 $0xFFFFC000  }
0x138: {  	[tilespmem:s10], [sflag:$0x1] =	stream.linear.gather [hbm4b:s1+s3], $0x80, $0x38;
	[tilespmem:$0x19100] =	vst v63  }
0x139: {  	s30 =	sadd.s32 s28, s22  }
0x13a: {  	[tilespmem:s11], [sflag:$0x2] =	stream.linear.gather [hbm4b:s30+s3], $0x80, $0x38;
	[tilespmem:$0x19100] =	vst v63  }
0x13b: {  	_ =	swait.ge [sflag:s12], $0x80  }
0x13c: {  	[sflag:s12] =	ssyncset.done $0x0  }
0x13d: {  	[sflag:s12] =	ssyncadd.s32 $0xFFFFFF80  }
0x13e: {  	[spmem:s2] =	stream.indirect.scatter.add.f32 [tilespmem:s24], [sflag:$0x3], $0x80, s10, s13, $0xb8;
	[tilespmem:$0x19100] =	vst v63  }
0x13f: {  	_ =	swait.ge [sflag:s9], $0x4000  }
0x140: {  	[sflag:s9] =	ssyncset.done $0x0  }
0x141: {  	s31 =	sadd.s32 s28, s21;
	[sflag:s9] =	ssyncadd.s32 $0xFFFFC000  }
0x142: {  	[tilespmem:s10], [sflag:$0x1] =	stream.linear.gather [hbm4b:s31+s3], $0x80, $0x38;
	[tilespmem:$0x19100] =	vst v63  }
0x143: {  	_ =	swait.ge [sflag:s25], $0x80  }
0x144: {  	[sflag:s25] =	ssyncset.done $0x0  }
0x145: {  	[sflag:s25] =	ssyncadd.s32 $0xFFFFFF80  }
0x146: {  	[spmem:s2] =	stream.indirect.scatter.add.f32 [tilespmem:s24], [sflag:$0x3], $0x80, s11, s13, $0xb8;
	[tilespmem:$0x19100] =	vst v63  }
0x147: {  	_ =	swait.ge [sflag:s9], $0x4000  }
0x148: {  	[sflag:s9] =	ssyncset.done $0x0  }
0x149: {  	s29 =	sadd.s32 s28, s20;
	[sflag:s9] =	ssyncadd.s32 $0xFFFFC000  }
0x14a: {  	[tilespmem:s11], [sflag:$0x2] =	stream.linear.gather [hbm4b:s29+s3], $0x80, $0x38;
	[tilespmem:$0x19100] =	vst v63  }
0x14b: {  	_ =	swait.ge [sflag:s12], $0x80  }
0x14c: {  	[sflag:s12] =	ssyncset.done $0x0  }
0x14d: {  	[sflag:s12] =	ssyncadd.s32 $0xFFFFFF80  }
0x14e: {  	[spmem:s2] =	stream.indirect.scatter.add.f32 [tilespmem:s24], [sflag:$0x3], $0x80, s10, s13, $0xb8;
	[tilespmem:$0x19100] =	vst v63  }
0x14f: {  	_ =	swait.ge [sflag:s9], $0x4000  }
0x150: {  	[sflag:s9] =	ssyncset.done $0x0  }
0x151: {  	s30 =	sadd.s32 s28, s19;
	[sflag:s9] =	ssyncadd.s32 $0xFFFFC000  }
0x152: {  	[tilespmem:s10], [sflag:$0x1] =	stream.linear.gather [hbm4b:s30+s3], $0x80, $0x38;
	[tilespmem:$0x19100] =	vst v63  }
0x153: {  	_ =	swait.ge [sflag:s25], $0x80  }
0x154: {  	[sflag:s25] =	ssyncset.done $0x0  }
0x155: {  	[sflag:s25] =	ssyncadd.s32 $0xFFFFFF80  }
0x156: {  	[spmem:s2] =	stream.indirect.scatter.add.f32 [tilespmem:s24], [sflag:$0x3], $0x80, s11, s13, $0xb8;
	[tilespmem:$0x19100] =	vst v63  }
0x157: {  	_ =	swait.ge [sflag:s9], $0x4000  }
0x158: {  	[sflag:s9] =	ssyncset.done $0x0  }
0x159: {  	s31 =	sadd.s32 s28, s18;
	[sflag:s9] =	ssyncadd.s32 $0xFFFFC000  }
0x15a: {  	[tilespmem:s11], [sflag:$0x2] =	stream.linear.gather [hbm4b:s31+s3], $0x80, $0x38;
	[tilespmem:$0x19100] =	vst v63  }
0x15b: {  	_ =	swait.ge [sflag:s12], $0x80  }
0x15c: {  	[sflag:s12] =	ssyncset.done $0x0  }
0x15d: {  	[sflag:s12] =	ssyncadd.s32 $0xFFFFFF80  }
0x15e: {  	[spmem:s2] =	stream.indirect.scatter.add.f32 [tilespmem:s24], [sflag:$0x3], $0x80, s10, s13, $0xb8;
	[tilespmem:$0x19100] =	vst v63  }
0x15f: {  	_ =	swait.ge [sflag:s9], $0x4000  }
0x160: {  	[sflag:s9] =	ssyncset.done $0x0  }
0x161: {  	s29 =	sadd.s32 s28, s17;
	[sflag:s9] =	ssyncadd.s32 $0xFFFFC000  }
0x162: {  	[tilespmem:s10], [sflag:$0x1] =	stream.linear.gather [hbm4b:s29+s3], $0x80, $0x38;
	[tilespmem:$0x19100] =	vst v63  }
0x163: {  	_ =	swait.ge [sflag:s25], $0x80  }
0x164: {  	[sflag:s25] =	ssyncset.done $0x0  }
0x165: {  	[sflag:s25] =	ssyncadd.s32 $0xFFFFFF80  }
0x166: {  	[spmem:s2] =	stream.indirect.scatter.add.f32 [tilespmem:s24], [sflag:$0x3], $0x80, s11, s13, $0xb8;
	[tilespmem:$0x19100] =	vst v63  }
0x167: {  	_ =	swait.ge [sflag:s9], $0x4000  }
0x168: {  	[sflag:s9] =	ssyncset.done $0x0  }
0x169: {  	s30 =	sadd.s32 s28, s16;
	[sflag:s9] =	ssyncadd.s32 $0xFFFFC000  }
0x16a: {  	[tilespmem:s11], [sflag:$0x2] =	stream.linear.gather [hbm4b:s30+s3], $0x80, $0x38;
	[tilespmem:$0x19100] =	vst v63  }
0x16b: {  	_ =	swait.ge [sflag:s12], $0x80  }
0x16c: {  	[sflag:s12] =	ssyncset.done $0x0  }
0x16d: {  	[sflag:s12] =	ssyncadd.s32 $0xFFFFFF80  }
0x16e: {  	[spmem:s2] =	stream.indirect.scatter.add.f32 [tilespmem:s24], [sflag:$0x3], $0x80, s10, s13, $0xb8;
	[tilespmem:$0x19100] =	vst v63  }
0x16f: {  	_ =	swait.ge [sflag:s9], $0x4000  }
0x170: {  	[sflag:s9] =	ssyncset.done $0x0  }
0x171: {  	s31 =	sadd.s32 s28, s15;
	[sflag:s9] =	ssyncadd.s32 $0xFFFFC000  }
0x172: {  	[tilespmem:s10], [sflag:$0x1] =	stream.linear.gather [hbm4b:s31+s3], $0x80, $0x38;
	[tilespmem:$0x19100] =	vst v63  }
0x173: {  	_ =	swait.ge [sflag:s25], $0x80  }
0x174: {  	[sflag:s25] =	ssyncset.done $0x0  }
0x175: {  	[sflag:s25] =	ssyncadd.s32 $0xFFFFFF80  }
0x176: {  	[spmem:s2] =	stream.indirect.scatter.add.f32 [tilespmem:s24], [sflag:$0x3], $0x80, s11, s13, $0xb8;
	[tilespmem:$0x19100] =	vst v63  }
0x177: {  	_ =	swait.ge [sflag:s9], $0x4000  }
0x178: {  	[sflag:s9] =	ssyncset.done $0x0  }
0x179: {  	s28 =	sadd.s32 s28, s14;
	[sflag:s9] =	ssyncadd.s32 $0xFFFFC000  }
0x17a: {  	[tilespmem:s11], [sflag:$0x2] =	stream.linear.gather [hbm4b:s28+s3], $0x80, $0x38;
	[tilespmem:$0x19100] =	vst v63  }
0x17b: {  	_ =	swait.ge [sflag:s12], $0x80  }
0x17c: {  	[sflag:s12] =	ssyncset.done $0x0  }
0x17d: {  	[sflag:s12] =	ssyncadd.s32 $0xFFFFFF80  }
0x17e: {  	[spmem:s2] =	stream.indirect.scatter.add.f32 [tilespmem:s24], [sflag:$0x3], $0x80, s10, s13, $0xb8;
	[tilespmem:$0x19100] =	vst v63  }
0x17f: {  	_ =	swait.ge [sflag:s9], $0x4000  }
0x180: {  	[sflag:s9] =	ssyncset.done $0x0  }
0x181: {  	[sflag:s9] =	ssyncadd.s32 $0xFFFFC000  }
0x182: {  	_ =	swait.ge [sflag:s25], $0x80  }
0x183: {  	[sflag:s25] =	ssyncset.done $0x0  }
0x184: {  	[sflag:s25] =	ssyncadd.s32 $0xFFFFFF80  }
0x185: {  	[spmem:s2] =	stream.indirect.scatter.add.f32 [tilespmem:s24], [sflag:$0x3], $0x80, s11, s13, $0xb8;
	[tilespmem:$0x19100] =	vst v63  }
0x186: {  	_ =	swait.ge [sflag:s9], $0x4000  }
0x187: {  	[sflag:s9] =	ssyncset.done $0x0  }
0x188: {  	s29 =	stileid.u32;
	[sflag:s9] =	ssyncadd.s32 $0xFFFFC000  }
0x189: {  	s1 =	sshll.u32 s29, $0x6;
	[bflag:$0x0] =	sbarrier.arrive $0xFFFF  }
0x18a: {  	s1 =	sor.u32 $0x1C03, s1;
	s30 =	sshrl.u32 s4, $0x3;
	s29 =	rddreg [dreg:$0xb]  }
0x18b: {  	[hbm:s29], [sflag:s1] =	dma.local [spmem:s30], $0x2800  }
0x18c: {  	_ =	swait.ge [sflag:s9], $0x2800  }
0x18d: {  	s26 =	sadd.s32 $0x1, s26;
	s31 =	rddreg [dreg:$0xd]  }
0x18e: {  	p0 =	sne.s32 s26, s31  }
.Ltmp3:
0x18f: {  	_ = 	snop;
	(pc) =	sbr.rel @p0 .LBB2_1-.Ltmp3, $3  }
0x190: {  	_ =	sdelay $0x1  }
0x191: {  	[sflag:s9] =	ssyncset.done $0x0  }
0x192: {  	[sflag:s9] =	ssyncadd.s32 $0xFFFFD800  }
0x193: {  	_ =	sfence.sel $0x180000  }
0x194: {  	[bflag:$0x0] =	sbarrier.arrive $0xFFFF  }
0x195: {  	_ =	strace $0x9000004A  }
0x196: {  	s0 =	stileid.u32;
	[bflag:$0x2] =	sbarrier.arrive $0xFFFF  }
0x197: {  	p0 =	sne.s32 s0, $0x0;
	s0 =	rddreg [dreg:$0x2]  }
0x198: {  	s0 =	sadd.s32 @!p0 $0x100000, s0  }
0x199: {  	[sflag:s0] =	ssyncadd.tile.s32 @!p0 $0x1;
	_ =	shalt  }
.Lfunc_end2:
_tile_overlayer_lowered:
.L_overlay_start_2:
0x19a: {  	(tag) =	ssettag $0x2  }
0x19b: {  	s0 =	rddreg [dreg:$0x0];
	s2 =	stileid.u32  }
0x19c: {  	s1 =	rddreg [dreg:$0x1];
	p0 =	sne.s32 s2, $0x0  }
0x19d: {  	s3 =	rddreg [dreg:$0x2];
	[bflag:$0x3] =	sbarrier.arrive $0xFFFF;
	s2 =	simm.s32 @!p0 $0x1C03  }
0x19e: {  	[timem:s3], [sflag:s2] =	dma.local @!p0 [hbm:s0], s1  }
0x19f: {  	s0 =	simm.s32 @!p0 $0x3  }
0x1a0: {  	_ =	swait.ge @!p0 [sflag:s0], s1  }
0x1a1: {  	s1 =	ssub.s32 @!p0 $0x0, s1;
	[sflag:s0] =	ssyncset.done @!p0 $0x0  }
0x1a2: {  	[sflag:s0] =	ssyncadd.s32 @!p0 s1  }
0x1a3: {  	[bflag:$0x3] =	sbarrier.arrive $0xFFFF  }
0x1a4: {  	_ =	shalt  }

// kernel: kernel.18.cloned.1.call-start
scs
__scs_entry_jumppad:
0x0: {  	(pc) =	sbr.rel $0x88, $3  }
0x1: {  	(tag) =	ssettag $0x0;
	lr =	simm.s32 $0x1  }
0x2: {  	[smem:$0x3F97] =	sst lr;
	_ =	strace $0xD0000000  }
0x3: {  	_ = 	snop  }
0x4: {  	_ = 	snop  }
0x5: {  	_ = 	snop  }
0x6: {  	_ = 	snop  }
0x7: {  	_ = 	snop  }
__scs_overlays_trampoline_lowered:
0x8: {  	[smem:$0x3FA6] =	sst s0  }
0x9: {  	[smem:$0x3FA7] =	sst s1  }
0xa: {  	[smem:$0x3FA8] =	sst s2  }
0xb: {  	[smem:$0x3FA9] =	sst s3  }
0xc: {  	[smem:$0x3FAA] =	sst s4  }
0xd: {  	[smem:$0x3FAB] =	sst s5  }
0xe: {  	[smem:$0x3FAC] =	sst s6  }
0xf: {  	[smem:$0x3FAD] =	sst s7  }
0x10: {  	[smem:$0x3FAE] =	sst s8  }
0x11: {  	[smem:$0x3FAF] =	sst s9;
	s0 =	simm.s32 @!p0 $0x0  }
0x12: {  	s1 =	sld [smem:$0x3F95];
	s0 =	simm.s32 @p0 $0x1  }
0x13: {  	[smem:$0x3FB0] =	sst s0;
	s0 =	simm.s32 @!p1 $0x0  }
0x14: {  	s2 =	sld [smem:$0x3F94];
	s0 =	simm.s32 @p1 $0x1  }
0x15: {  	[smem:$0x3FB1] =	sst s0;
	s0 =	simm.s32 @!p2 $0x0  }
0x16: {  	s3 =	sld [smem:$0x3FDB];
	s0 =	simm.s32 @p2 $0x1  }
0x17: {  	s4 =	simm.s32 $0x1BF5;
	[smem:$0x3FB3] =	sst s0  }
0x18: {  	s0 =	sld [smem:$0x3F96];
	_ =	swait.ge [sflag:s4], $0x0  }
0x19: {  	s7 =	sld [smem:$0x3F97]  }
0x1a: {  	s8 =	sadd.s32 $0xFFFFE003, lr  }
0x1b: {  	s9 =	sadd.s32 $0xFFFFFEF7, lr;
	s5 =	simm.s32 $0xFFFFFFFF;
	p2 =	slt.u32 s8, $0xFFFFF086  }
0x1c: {  	p1 =	slt.u32 s9, $0xF7A;
	s5 =	simm.s32 @!p2 $0x0  }
0x1d: {  	s5 =	simm.s32 @p1 $0x1;
	p0 =	seq.s32 s7, s2  }
0x1e: {  	s7 =	smul.u32 @!p0 $0xF7A, s2;
	p2 =	seq.s32 @!p0 s5, $0x0  }
0x1f: {  	s9 =	smul.u32 $0xF7A, s1;
	s8 =	simm.s32 @!p0 $0x1BF5;
	p2 =	por !p2, p0  }
0x20: {  	[sflag:s8] =	ssyncset.s32 @!p0 $0xFFFFF086;
	s6 =	sadd.s32 @!p0 s3, s7;
	s7 =	simm.s32 @!p0 $0x108  }
0x21: {  	s3 =	sadd.s32 s3, s9;
	s6 =	sadd.s32 @!p0 $0x88, s6;
	s7 =	simm.s32 @p2 $0x1082  }
0x22: {  	[simem:s7], [sflag:s8] =	dma.local @!p0 [hbm:s6], $0xF7A  }
0x23: {  	s9 =	sor.u32 $0xD0000000, s2;
	s6 =	simm.s32 $0x108;
	_ =	swait.ge @!p0 [sflag:s8], $0x0  }
0x24: {  	s3 =	sadd.s32 $0x88, s3;
	s6 =	simm.s32 @!p1 $0x1082;
	[sflag:s4] =	ssyncset.s32 $0xFFFFF086  }
0x25: {  	[simem:s6], [sflag:s4] =	dma.local [hbm:s3], $0xF7A  }
0x26: {  	[smem:$0x3F97] =	sst s1;
	(tag) =	ssettag s2;
	_ =	strace s9  }
0x27: {  	s1 =	sld [smem:$0x3FA7]  }
0x28: {  	s2 =	sld [smem:$0x3FA8]  }
0x29: {  	s4 =	sld [smem:$0x3FAA]  }
0x2a: {  	p0 =	seq.s32 s5, $0x0;
	s5 =	sld [smem:$0x3FAB]  }
0x2b: {  	s6 =	sld [smem:$0x3FAC]  }
0x2c: {  	s7 =	sld [smem:$0x3FAD]  }
0x2d: {  	s3 =	simm.s32 $0x108;
	s8 =	sld [smem:$0x3FAE]  }
0x2e: {  	s3 =	simm.s32 @!p0 $0x1082;
	s9 =	sld [smem:$0x3FAF]  }
0x2f: {  	lr =	sadd.s32 s0, s3;
	s0 =	sld [smem:$0x3FA6]  }
0x30: {  	s3 =	sld [smem:$0x3FA9]  }
0x31: {  	[smem:$0x3FB2] =	sst s10  }
0x32: {  	s10 =	sld [smem:$0x3FB0];
	_ =	sdelay $0x3  }
0x33: {  	p0 =	seq.s32 s10, $0x1;
	s10 =	sld [smem:$0x3FB2];
	_ =	sdelay $0x3  }
0x34: {  	[smem:$0x3FB2] =	sst s10  }
0x35: {  	s10 =	sld [smem:$0x3FB1];
	_ =	sdelay $0x3  }
0x36: {  	p1 =	seq.s32 s10, $0x1;
	s10 =	sld [smem:$0x3FB2];
	_ =	sdelay $0x3  }
0x37: {  	[smem:$0x3FB2] =	sst s10  }
0x38: {  	s10 =	sld [smem:$0x3FB3]  }
0x39: {  	_ = 	snop;
	(pc) =	sbr.ind lr, $3  }
0x3a: {  	_ = 	snop  }
0x3b: {  	_ = 	snop  }
0x3c: {  	p2 =	seq.s32 s10, $0x1;
	s10 =	sld [smem:$0x3FB2]  }
0x3d: {  	_ =	shalt  }
0x3e: {  	_ =	shalt  }
0x3f: {  	_ =	shalt  }
0x40: {  	_ =	shalt  }
0x41: {  	_ =	shalt  }
0x42: {  	_ =	shalt  }
0x43: {  	_ =	shalt  }
0x44: {  	_ =	shalt  }
0x45: {  	_ =	shalt  }
0x46: {  	_ =	shalt  }
0x47: {  	_ =	shalt  }
0x48: {  	_ =	shalt  }
0x49: {  	_ =	shalt  }
0x4a: {  	_ =	shalt  }
0x4b: {  	_ =	shalt  }
0x4c: {  	_ =	shalt  }
0x4d: {  	_ =	shalt  }
0x4e: {  	_ =	shalt  }
0x4f: {  	_ =	shalt  }
0x50: {  	_ =	shalt  }
0x51: {  	_ =	shalt  }
0x52: {  	_ =	shalt  }
0x53: {  	_ =	shalt  }
0x54: {  	_ =	shalt  }
0x55: {  	_ =	shalt  }
0x56: {  	_ =	shalt  }
0x57: {  	_ =	shalt  }
0x58: {  	_ =	shalt  }
0x59: {  	_ =	shalt  }
0x5a: {  	_ =	shalt  }
0x5b: {  	_ =	shalt  }
0x5c: {  	_ =	shalt  }
0x5d: {  	_ =	shalt  }
0x5e: {  	_ =	shalt  }
0x5f: {  	_ =	shalt  }
0x60: {  	_ =	shalt  }
0x61: {  	_ =	shalt  }
0x62: {  	_ =	shalt  }
0x63: {  	_ =	shalt  }
0x64: {  	_ =	shalt  }
0x65: {  	_ =	shalt  }
0x66: {  	_ =	shalt  }
0x67: {  	_ =	shalt  }
0x68: {  	_ =	shalt  }
0x69: {  	_ =	shalt  }
0x6a: {  	_ =	shalt  }
0x6b: {  	_ =	shalt  }
0x6c: {  	_ =	shalt  }
0x6d: {  	_ =	shalt  }
0x6e: {  	_ =	shalt  }
0x6f: {  	_ =	shalt  }
0x70: {  	_ =	shalt  }
0x71: {  	_ =	shalt  }
0x72: {  	_ =	shalt  }
0x73: {  	_ =	shalt  }
0x74: {  	_ =	shalt  }
0x75: {  	_ =	shalt  }
0x76: {  	_ =	shalt  }
0x77: {  	_ =	shalt  }
0x78: {  	_ =	shalt  }
0x79: {  	_ =	shalt  }
0x7a: {  	_ =	shalt  }
0x7b: {  	_ =	shalt  }
0x7c: {  	_ =	shalt  }
0x7d: {  	_ =	shalt  }
0x7e: {  	_ =	shalt  }
0x7f: {  	_ =	shalt  }
0x80: {  	_ =	shalt  }
0x81: {  	_ =	shalt  }
0x82: {  	_ =	shalt  }
0x83: {  	_ =	shalt  }
0x84: {  	_ =	shalt  }
0x85: {  	_ =	shalt  }
0x86: {  	_ =	shalt  }
0x87: {  	_ =	shalt  }
.Lfunc_end0:
.L_simem_size_0:
called_computation.3_lowered:
.L_overlay_start_0:
0x88: {  	s2 =	sld [smem:$0x3FD9]  }
0x89: {  	s3 =	sld [smem:$0x3FFE];
	_ =	sdelay $0x1  }
0x8a: {  	s1 =	srdreg.scid  }
0x8b: {  	s0 =	sand.u32 $0x1, s1  }
0x8c: {  	s17 =	sshll.u32 s0, $0xA;
	s2 =	sadd.s32 s3, s2  }
0x8d: {  	s2 =	sadd.s32 s2, s17  }
0x8e: {  	[smem:$0x3FBE] =	sst s2  }
0x8f: {  	_ = 	snop  }
0x90: {  	s2 =	sld [smem:$0x3FD0];
	(tm) =	ssettm $0x1  }
0x91: {  	s18 =	sld [smem:$0x3FFB];
	_ =	sdelay $0x3  }
0x92: {  	_ =	strace s18  }
0x93: {  	s3 =	sld [smem:$0x3FFC];
	_ =	sdelay $0x3  }
0x94: {  	_ =	strace s3  }
0x95: {  	s3 =	sld [smem:$0x3FFD];
	_ =	sdelay $0x3  }
0x96: {  	_ =	strace s3  }
0x97: {  	_ =	strace $0x8FFFFFFF  }
0x98: {  	s19 =	sld [smem:$0x3FDB];
	_ =	sdelay $0x1  }
0x99: {  	s4 =	simm.s32 $_scs_section_size  }
0x9a: {  	s5 =	simm.s32 $_size__tile_overlayer_lowered;
	s6 =	simm.s32 $_tile_overlayer_lowered  }
0x9b: {  	s22 =	simm.s32 $0x1BFF;
	s21 =	sshll.u32 s6, $0x1;
	s3 =	sadd.s32 s4, s19  }
0x9c: {  	s7 =	simm.s32 $0x0;
	s20 =	sshll.u32 s5, $0x1;
	s5 =	sadd.s32 s21, s3  }
0x9d: {  	[timem:s7], [sflag:s22] =	dma.local [hbm:s5], s20  }
0x9e: {  	_ =	swait.ge [sflag:s22], s20  }
0x9f: {  	s4 =	ssub.s32 $0x0, s20;
	[sflag:s22] =	ssyncset.done $0x0  }
0xa0: {  	[sflag:s22] =	ssyncadd.s32 s4;
	_ =	sdelay $0x1  }
0xa1: {  	s23 =	simm.s32 $0x1B8B  }
0xa2: {  	_ =	swait.ge [sflag:s23], $0x1  }
0xa3: {  	[sflag:s23] =	ssyncset.done $0x0  }
0xa4: {  	s25 =	simm.s32 $0x1B8E;
	s24 =	sld [smem:$0x3FFE];
	[sflag:s23] =	ssyncadd.s32 $0xFFFFFFFF  }
0xa5: {  	s26 =	simm.s32 $execute0_lowered;
	[smem:$0x3FD2] =	sst s25  }
0xa6: {  	s5 =	sshll.u32 s26, $0x1;
	_ =	strace $0x8000004F;
	[dreg:$0x1] =	wrdreg $0xFFFFFFFF  }
0xa7: {  	s28 =	simm.s32 $_size_execute0_lowered;
	s3 =	sadd.s32 s3, s5;
	[dreg:$0x0] =	wrdreg $0x0  }
0xa8: {  	s5 =	sshll.u32 s28, $0x1;
	[dreg:$0x2] =	wrdreg s3  }
0xa9: {  	[dreg:$0x3] =	wrdreg s5  }
0xaa: {  	[dreg:$0x4] =	wrdreg $0xC0  }
0xab: {  	_ =	task [dreg:s7], $0x5FFFF  }
0xac: {  	[dreg:$0x1] =	wrdreg $0xFFFFFFFF  }
0xad: {  	[dreg:$0x0] =	wrdreg $0x60  }
0xae: {  	[dreg:$0x2] =	wrdreg s2  }
0xaf: {  	[dreg:$0x3] =	wrdreg s24  }
0xb0: {  	[dreg:$0x4] =	wrdreg $0x0  }
0xb1: {  	[dreg:$0x5] =	wrdreg $0x9  }
0xb2: {  	_ =	task.clear_ibuf [dreg:s7], $0x6FFFF;
	_ =	strace $0x9000004F  }
0xb3: {  	s29 =	simm.s32 $0x9;
	_ =	strace $0x80000051  }
0xb4: {  	_ =	swait.ge [sflag:s29], $0x1  }
0xb5: {  	[sflag:s29] =	ssyncadd.s32 $0xFFFFFFFF  }
0xb6: {  	_ =	strace $0x90000051  }
0xb7: {  	_ =	sfence  }
0xb8: {  	s30 =	sld [smem:$0x0];
	_ =	sdelay $0x2  }
0xb9: {  	s31 =	sshll.u32 s1, $0xD;
	s1 =	sshrl.u32 s1, $0x2  }
0xba: {  	s3 =	sand.u32 $0x4000, s31;
	s1 =	sadd.s32 s1, s30  }
0xbb: {  	s0 =	sor.u32 s3, s0;
	s1 =	sshll.u32 s1, $0x11  }
0xbc: {  	s0 =	sor.u32 s1, s0  }
0xbd: {  	s0 =	sadd.s32 $0x8F2B, s0  }
0xbe: {  	[sflag:s0] =	ssyncadd.remote.s32 $0x1  }
0xbf: {  	_ =	sfence.sel $0xFFFF  }
0xc0: {  	[dreg:$0x0] =	wrdreg $0xFFFFFFFF;
	(pc) =	sbr.abs _section_cstart, $3  }
0xc1: {  	[dreg:$0x1] =	wrdreg $0xFFFFFFFF  }
0xc2: {  	_ =	task.clear_ibuf [dreg:s7], $0x2FFFF;
	_ =	strace $0x9FFFFFFF  }
0xc3: {  	(tm) =	ssettm $0x7FFFFFFF  }
tec
execute0_lowered:
.L_overlay_start_1:
0x0: {  	(tag) =	ssettag $0x1  }
0x1: {  	s1 =	rddreg [dreg:$0x0]  }
0x2: {  	s0 =	rddreg [dreg:$0x1];
	s10 =	stileid.u32  }
0x3: {  	s2 =	srdreg.scid;
	s5 =	smul.u32 $0x7D00, s10  }
0x4: {  	s3 =	rddreg [dreg:$0x2];
	s2 =	sand.u32 $0x1, s2;
	s7 =	smul.u32 $0x50000, s10  }
0x5: {  	s4 =	simm.s32 $0x0;
	s30 =	simm.s32 $0x16900;
	s6 =	smul.u32 $0x3E80, s2  }
0x6: {  	s31 =	simm.s32 $0x2;
	[smem:$0x7FF] =	sst s4;
	s26 =	smul.u32 $0x2800, s10  }
0x7: {  	_ =	strace $0x80000050;
	s17 =	ssub.s32 $0x2, s2;
	s5 =	sadd.s32 s6, s5  }
0x8: {  	p0 =	seq.s32 s2, $0x1;
	s7 =	sshrl.u32 s7, $0x2;
	s5 =	sshrl.u32 s5, $0x3  }
0x9: {  	s2 =	simm.s32 $0x54400;
	s9 =	sadd.s32 s5, s0;
	s5 =	sadd.s32 s7, s3  }
0xa: {  	s8 =	sshrl.u32 s17, $0x1;
	s2 =	simm.s32 @!p0 $0x2C400;
	s7 =	sadd.s32 $0x1000, s5  }
0xb: {  	s6 =	ssub.s32 s17, s8;
	s18 =	sadd.s32 $0x2000, s5;
	[dreg:$0x4] =	wrdreg s7  }
0xc: {  	s8 =	simm.s32 $0x1;
	s19 =	sadd.s32 $0x3000, s5;
	[dreg:$0x5] =	wrdreg s18  }
0xd: {  	s0 =	sadd.s32 s2, s0;
	s20 =	sadd.s32 $0x4000, s5;
	[dreg:$0x6] =	wrdreg s19  }
0xe: {  	s2 =	simm.s32 $0x14000;
	s21 =	sadd.s32 $0x5000, s5;
	[dreg:$0x7] =	wrdreg s20  }
0xf: {  	s22 =	sadd.s32 $0x6000, s5;
	s23 =	sadd.s32 $0x7000, s5;
	[dreg:$0x8] =	wrdreg s21  }
0x10: {  	s24 =	sadd.s32 $0x8000, s5;
	s25 =	sadd.s32 $0x9000, s5;
	[dreg:$0x9] =	wrdreg s22  }
0x11: {  	s15 =	sadd.s32 $0xA000, s5;
	s16 =	sadd.s32 $0xB000, s5;
	[dreg:$0xa] =	wrdreg s23  }
0x12: {  	s17 =	sadd.s32 $0xC000, s5;
	s28 =	sadd.s32 $0x12000, s5;
	[dreg:$0xb] =	wrdreg s24  }
0x13: {  	s29 =	sadd.s32 $0x13000, s5;
	[dreg:$0xc] =	wrdreg s25;
	s18 =	sadd.s32 $0xD000, s5  }
0x14: {  	s19 =	sadd.s32 $0xE000, s5;
	s20 =	sadd.s32 $0xF000, s5;
	s21 =	sadd.s32 $0x10000, s5  }
0x15: {  	s22 =	smax.u32 s6, $0x1;
	s23 =	sadd.s32 s0, s26;
	s24 =	sadd.s32 $0x86400, s9  }
0x16: {  	s25 =	sadd.s32 $0x95E00, s9;
	s26 =	sadd.s32 $0x11000, s5;
	s0 =	simm.s32 $0x14080  }
0x17: {  	v0 =	vimm.f32 $0.0e+00;
	s6 =	simm.s32 $0x50;
	s7 =	simm.s32 $0x14100;
	s9 =	simm.s32 $0x0  }
.LBB2_1:
0x18: {  	s10 =	simm.s32 $0x0;
	s11 =	simm.s32 $0x200  }
.LBB2_2:
0x19: {  	p0 =	sne.s32 s11, $0x3E00;
	[tilespmem:s10+$0x16970] =	vst v0  }
0x1a: {  	[tilespmem:s10+$0x16900] =	vst v0  }
0x1b: {  	[tilespmem:s10+$0x16910] =	vst v0  }
.Ltmp0:
0x1c: {  	[tilespmem:s10+$0x16920] =	vst v0;
	(pc) =	sbr.rel @p0 .LBB2_2-.Ltmp0, $4  }
0x1d: {  	[tilespmem:s10+$0x16930] =	vst v0  }
0x1e: {  	[tilespmem:s10+$0x16940] =	vst v0  }
0x1f: {  	[tilespmem:s10+$0x16950] =	vst v0  }
0x20: {  	[tilespmem:s10+$0x16960] =	vst v0;
	s10 =	sshra.s32 s11, $0x2;
	s11 =	sadd.s32 $0x200, s11  }
0x21: {  	[tilespmem:s10+$0x16970] =	vst v0  }
0x22: {  	[tilespmem:s10+$0x16900] =	vst v0  }
0x23: {  	[tilespmem:s10+$0x16910] =	vst v0  }
0x24: {  	[tilespmem:s10+$0x16920] =	vst v0  }
0x25: {  	[tilespmem:s10+$0x16930] =	vst v0  }
0x26: {  	[tilespmem:s10+$0x16940] =	vst v0  }
0x27: {  	[tilespmem:s10+$0x16950] =	vst v0  }
0x28: {  	[tilespmem:s10+$0x16960] =	vst v0  }
0x29: {  	[spmem:s5] =	stream.linear.scatter [tilespmem:s30], [sflag:$0x2], $0x1000, $0x38;
	[tilespmem:$0x17900] =	vst v63  }
0x2a: {  	_ =	swait.ge [sflag:s31], $0x1000  }
0x2b: {  	[sflag:s31] =	ssyncset.done $0x0  }
0x2c: {  	s12 =	rddreg [dreg:$0x4];
	[sflag:s31] =	ssyncadd.s32 $0xFFFFF000  }
0x2d: {  	[spmem:s12] =	stream.linear.scatter [tilespmem:s30], [sflag:$0x2], $0x1000, $0x38;
	[tilespmem:$0x17900] =	vst v63  }
0x2e: {  	_ =	swait.ge [sflag:s31], $0x1000  }
0x2f: {  	[sflag:s31] =	ssyncset.done $0x0  }
0x30: {  	s13 =	rddreg [dreg:$0x5];
	[sflag:s31] =	ssyncadd.s32 $0xFFFFF000  }
0x31: {  	[spmem:s13] =	stream.linear.scatter [tilespmem:s30], [sflag:$0x2], $0x1000, $0x38;
	[tilespmem:$0x17900] =	vst v63  }
0x32: {  	_ =	swait.ge [sflag:s31], $0x1000  }
0x33: {  	[sflag:s31] =	ssyncset.done $0x0  }
0x34: {  	s14 =	rddreg [dreg:$0x6];
	[sflag:s31] =	ssyncadd.s32 $0xFFFFF000  }
0x35: {  	[spmem:s14] =	stream.linear.scatter [tilespmem:s30], [sflag:$0x2], $0x1000, $0x38;
	[tilespmem:$0x17900] =	vst v63  }
0x36: {  	_ =	swait.ge [sflag:s31], $0x1000  }
0x37: {  	[sflag:s31] =	ssyncset.done $0x0  }
0x38: {  	s11 =	rddreg [dreg:$0x7];
	[sflag:s31] =	ssyncadd.s32 $0xFFFFF000  }
0x39: {  	[spmem:s11] =	stream.linear.scatter [tilespmem:s30], [sflag:$0x2], $0x1000, $0x38;
	[tilespmem:$0x17900] =	vst v63  }
0x3a: {  	_ =	swait.ge [sflag:s31], $0x1000  }
0x3b: {  	[sflag:s31] =	ssyncset.done $0x0  }
0x3c: {  	s12 =	rddreg [dreg:$0x8];
	[sflag:s31] =	ssyncadd.s32 $0xFFFFF000  }
0x3d: {  	[spmem:s12] =	stream.linear.scatter [tilespmem:s30], [sflag:$0x2], $0x1000, $0x38;
	[tilespmem:$0x17900] =	vst v63  }
0x3e: {  	_ =	swait.ge [sflag:s31], $0x1000  }
0x3f: {  	[sflag:s31] =	ssyncset.done $0x0  }
0x40: {  	s13 =	rddreg [dreg:$0x9];
	[sflag:s31] =	ssyncadd.s32 $0xFFFFF000  }
0x41: {  	[spmem:s13] =	stream.linear.scatter [tilespmem:s30], [sflag:$0x2], $0x1000, $0x38;
	[tilespmem:$0x17900] =	vst v63  }
0x42: {  	_ =	swait.ge [sflag:s31], $0x1000  }
0x43: {  	[sflag:s31] =	ssyncset.done $0x0  }
0x44: {  	s14 =	rddreg [dreg:$0xa];
	[sflag:s31] =	ssyncadd.s32 $0xFFFFF000  }
0x45: {  	[spmem:s14] =	stream.linear.scatter [tilespmem:s30], [sflag:$0x2], $0x1000, $0x38;
	[tilespmem:$0x17900] =	vst v63  }
0x46: {  	_ =	swait.ge [sflag:s31], $0x1000  }
0x47: {  	[sflag:s31] =	ssyncset.done $0x0  }
0x48: {  	s11 =	rddreg [dreg:$0xb];
	[sflag:s31] =	ssyncadd.s32 $0xFFFFF000  }
0x49: {  	[spmem:s11] =	stream.linear.scatter [tilespmem:s30], [sflag:$0x2], $0x1000, $0x38;
	[tilespmem:$0x17900] =	vst v63  }
0x4a: {  	_ =	swait.ge [sflag:s31], $0x1000  }
0x4b: {  	[sflag:s31] =	ssyncset.done $0x0  }
0x4c: {  	s12 =	rddreg [dreg:$0xc];
	[sflag:s31] =	ssyncadd.s32 $0xFFFFF000  }
0x4d: {  	[spmem:s12] =	stream.linear.scatter [tilespmem:s30], [sflag:$0x2], $0x1000, $0x38;
	[tilespmem:$0x17900] =	vst v63  }
0x4e: {  	_ =	swait.ge [sflag:s31], $0x1000  }
0x4f: {  	[sflag:s31] =	ssyncset.done $0x0  }
0x50: {  	[sflag:s31] =	ssyncadd.s32 $0xFFFFF000  }
0x51: {  	[spmem:s15] =	stream.linear.scatter [tilespmem:s30], [sflag:$0x2], $0x1000, $0x38;
	[tilespmem:$0x17900] =	vst v63  }
0x52: {  	_ =	swait.ge [sflag:s31], $0x1000  }
0x53: {  	[sflag:s31] =	ssyncset.done $0x0  }
0x54: {  	[sflag:s31] =	ssyncadd.s32 $0xFFFFF000  }
0x55: {  	[spmem:s16] =	stream.linear.scatter [tilespmem:s30], [sflag:$0x2], $0x1000, $0x38;
	[tilespmem:$0x17900] =	vst v63  }
0x56: {  	_ =	swait.ge [sflag:s31], $0x1000  }
0x57: {  	[sflag:s31] =	ssyncset.done $0x0  }
0x58: {  	[sflag:s31] =	ssyncadd.s32 $0xFFFFF000  }
0x59: {  	[spmem:s17] =	stream.linear.scatter [tilespmem:s30], [sflag:$0x2], $0x1000, $0x38;
	[tilespmem:$0x17900] =	vst v63  }
0x5a: {  	_ =	swait.ge [sflag:s31], $0x1000  }
0x5b: {  	[sflag:s31] =	ssyncset.done $0x0  }
0x5c: {  	[sflag:s31] =	ssyncadd.s32 $0xFFFFF000  }
0x5d: {  	[spmem:s18] =	stream.linear.scatter [tilespmem:s30], [sflag:$0x2], $0x1000, $0x38;
	[tilespmem:$0x17900] =	vst v63  }
0x5e: {  	_ =	swait.ge [sflag:s31], $0x1000  }
0x5f: {  	[sflag:s31] =	ssyncset.done $0x0  }
0x60: {  	[sflag:s31] =	ssyncadd.s32 $0xFFFFF000  }
0x61: {  	[spmem:s19] =	stream.linear.scatter [tilespmem:s30], [sflag:$0x2], $0x1000, $0x38;
	[tilespmem:$0x17900] =	vst v63  }
0x62: {  	_ =	swait.ge [sflag:s31], $0x1000  }
0x63: {  	[sflag:s31] =	ssyncset.done $0x0  }
0x64: {  	[sflag:s31] =	ssyncadd.s32 $0xFFFFF000  }
0x65: {  	[spmem:s20] =	stream.linear.scatter [tilespmem:s30], [sflag:$0x2], $0x1000, $0x38;
	[tilespmem:$0x17900] =	vst v63  }
0x66: {  	_ =	swait.ge [sflag:s31], $0x1000  }
0x67: {  	[sflag:s31] =	ssyncset.done $0x0  }
0x68: {  	[sflag:s31] =	ssyncadd.s32 $0xFFFFF000  }
0x69: {  	[spmem:s21] =	stream.linear.scatter [tilespmem:s30], [sflag:$0x2], $0x1000, $0x38;
	[tilespmem:$0x17900] =	vst v63  }
0x6a: {  	_ =	swait.ge [sflag:s31], $0x1000  }
0x6b: {  	[sflag:s31] =	ssyncset.done $0x0  }
0x6c: {  	[sflag:s31] =	ssyncadd.s32 $0xFFFFF000  }
0x6d: {  	[spmem:s26] =	stream.linear.scatter [tilespmem:s30], [sflag:$0x2], $0x1000, $0x38;
	[tilespmem:$0x17900] =	vst v63  }
0x6e: {  	_ =	swait.ge [sflag:s31], $0x1000  }
0x6f: {  	[sflag:s31] =	ssyncset.done $0x0  }
0x70: {  	[sflag:s31] =	ssyncadd.s32 $0xFFFFF000  }
0x71: {  	[spmem:s28] =	stream.linear.scatter [tilespmem:s30], [sflag:$0x2], $0x1000, $0x38;
	[tilespmem:$0x17900] =	vst v63  }
0x72: {  	_ =	swait.ge [sflag:s31], $0x1000  }
0x73: {  	[sflag:s31] =	ssyncset.done $0x0  }
0x74: {  	[sflag:s31] =	ssyncadd.s32 $0xFFFFF000  }
0x75: {  	[spmem:s29] =	stream.linear.scatter [tilespmem:s30], [sflag:$0x2], $0x1000, $0x38;
	[tilespmem:$0x17900] =	vst v63  }
0x76: {  	_ =	swait.ge [sflag:s31], $0x1000  }
0x77: {  	[sflag:s31] =	ssyncset.done $0x0  }
0x78: {  	[sflag:s31] =	ssyncadd.s32 $0xFFFFF000  }
0x79: {  	s13 =	sadd.s32 $0x0, s25;
	[bflag:$0x0] =	sbarrier.arrive $0xFFFF  }
0x7a: {  	[tilespmem:s2], [sflag:$0x2] =	stream.linear.gather [hbm4b:s13+s4], $0x80, $0x38;
	[tilespmem:$0x17900] =	vst v63  }
0x7b: {  	_ =	swait.ge [sflag:s31], $0x80  }
0x7c: {  	[sflag:s31] =	ssyncset.done $0x0  }
0x7d: {  	s14 =	sadd.s32 $0x0, s24;
	[sflag:s31] =	ssyncadd.s32 $0xFFFFFF80  }
0x7e: {  	[tilespmem:s0], [sflag:$0x2] =	stream.linear.gather [hbm4b:s14+s4], $0x80, $0x38;
	[tilespmem:$0x17900] =	vst v63  }
0x7f: {  	_ =	swait.ge [sflag:s31], $0x80  }
0x80: {  	[sflag:s31] =	ssyncset.done $0x0  }
0x81: {  	[sflag:s31] =	ssyncadd.s32 $0xFFFFFF80  }
0x82: {  	[tilespmem:s7], [sflag:$0x1] =	stream.indirect.gather [hbm4b:s1+s6], $0x80, s2, s6, $0xb8;
	[tilespmem:$0x17900] =	vst v63  }
0x83: {  	_ =	swait.ge [sflag:s8], $0x2800  }
0x84: {  	[sflag:s8] =	ssyncset.done $0x0  }
0x85: {  	[sflag:s8] =	ssyncadd.s32 $0xFFFFD800  }
0x86: {  	[spmem:s3] =	stream.indirect.scatter.add.f32 [tilespmem:s7], [sflag:$0x2], $0x80, s0, s6, $0xb8;
	[tilespmem:$0x17900] =	vst v63  }
0x87: {  	_ =	swait.ge [sflag:s31], $0x2800  }
0x88: {  	s10 =	simm.s32 $0x10;
	s11 =	simm.s32 $0x20;
	[sflag:s31] =	ssyncset.done $0x0  }
.LBB2_4:
0x89: {  	s12 =	sadd.s32 s10, s25  }
0x8a: {  	[sflag:s31] =	ssyncadd.s32 $0xFFFFD800;
	s13 =	smov.u32 s11;
	s14 =	sadd.s32 $0x10, s11  }
0x8b: {  	[tilespmem:s2], [sflag:$0x2] =	stream.linear.gather [hbm4b:s12+s4], $0x80, $0x38;
	[tilespmem:$0x17900] =	vst v63  }
0x8c: {  	p0 =	sne.s32 s11, $0x7C0;
	_ =	swait.ge [sflag:s31], $0x80  }
0x8d: {  	[sflag:s31] =	ssyncset.done $0x0  }
0x8e: {  	s11 =	sadd.s32 s10, s24;
	s10 =	smov.u32 s13;
	[sflag:s31] =	ssyncadd.s32 $0xFFFFFF80  }
0x8f: {  	[tilespmem:s0], [sflag:$0x2] =	stream.linear.gather [hbm4b:s11+s4], $0x80, $0x38;
	[tilespmem:$0x17900] =	vst v63  }
0x90: {  	_ =	swait.ge [sflag:s31], $0x80  }
0x91: {  	[sflag:s31] =	ssyncset.done $0x0  }
0x92: {  	[sflag:s31] =	ssyncadd.s32 $0xFFFFFF80  }
0x93: {  	[tilespmem:s7], [sflag:$0x1] =	stream.indirect.gather [hbm4b:s1+s6], $0x80, s2, s6, $0xb8;
	[tilespmem:$0x17900] =	vst v63  }
0x94: {  	_ =	swait.ge [sflag:s8], $0x2800  }
.Ltmp1:
0x95: {  	[sflag:s8] =	ssyncset.done $0x0;
	(pc) =	sbr.rel @p0 .LBB2_4-.Ltmp1, $4  }
0x96: {  	[sflag:s8] =	ssyncadd.s32 $0xFFFFD800  }
0x97: {  	[spmem:s3] =	stream.indirect.scatter.add.f32 [tilespmem:s7], [sflag:$0x2], $0x80, s0, s6, $0xb8;
	[tilespmem:$0x17900] =	vst v63  }
0x98: {  	_ =	swait.ge [sflag:s31], $0x2800  }
0x99: {  	s11 =	smov.u32 s14;
	[sflag:s31] =	ssyncset.done $0x0  }
0x9a: {  	s11 =	sadd.s32 s10, s25;
	[sflag:s31] =	ssyncadd.s32 $0xFFFFD800  }
0x9b: {  	[tilespmem:s2], [sflag:$0x2] =	stream.linear.gather [hbm4b:s11+s4], $0x80, $0x38;
	[tilespmem:$0x17900] =	vst v63  }
0x9c: {  	_ =	swait.ge [sflag:s31], $0x80  }
0x9d: {  	[sflag:s31] =	ssyncset.done $0x0  }
0x9e: {  	s12 =	sadd.s32 s10, s24;
	[sflag:s31] =	ssyncadd.s32 $0xFFFFFF80  }
0x9f: {  	[tilespmem:s0], [sflag:$0x2] =	stream.linear.gather [hbm4b:s12+s4], $0x80, $0x38;
	[tilespmem:$0x17900] =	vst v63  }
0xa0: {  	_ =	swait.ge [sflag:s31], $0x80  }
0xa1: {  	[sflag:s31] =	ssyncset.done $0x0  }
0xa2: {  	[sflag:s31] =	ssyncadd.s32 $0xFFFFFF80  }
0xa3: {  	[tilespmem:s7], [sflag:$0x1] =	stream.indirect.gather [hbm4b:s1+s6], $0x80, s2, s6, $0xb8;
	[tilespmem:$0x17900] =	vst v63  }
0xa4: {  	_ =	swait.ge [sflag:s8], $0x2800  }
0xa5: {  	[sflag:s8] =	ssyncset.done $0x0  }
0xa6: {  	[sflag:s8] =	ssyncadd.s32 $0xFFFFD800  }
0xa7: {  	[spmem:s3] =	stream.indirect.scatter.add.f32 [tilespmem:s7], [sflag:$0x2], $0x80, s0, s6, $0xb8;
	[tilespmem:$0x17900] =	vst v63  }
0xa8: {  	s13 =	stileid.u32;
	_ =	swait.ge [sflag:s31], $0x2800  }
0xa9: {  	s14 =	sshrl.u32 s5, $0x3;
	s9 =	sadd.s32 $0x1, s9;
	[sflag:s31] =	ssyncset.done $0x0  }
0xaa: {  	s10 =	sshll.u32 s13, $0x6;
	p0 =	sne.s32 s9, s22;
	[sflag:s31] =	ssyncadd.s32 $0xFFFFD800  }
.Ltmp2:
0xab: {  	s10 =	sor.u32 $0x1C02, s10;
	[bflag:$0x0] =	sbarrier.arrive $0xFFFF;
	(pc) =	sbr.rel @p0 .LBB2_1-.Ltmp2, $4  }
0xac: {  	[hbm:s23], [sflag:s10] =	dma.local [spmem:s14], $0x2800  }
0xad: {  	_ =	swait.ge [sflag:s31], $0x2800  }
0xae: {  	[sflag:s31] =	ssyncset.done $0x0  }
0xaf: {  	[sflag:s31] =	ssyncadd.s32 $0xFFFFD800  }
0xb0: {  	_ =	sfence.sel $0x180000  }
0xb1: {  	[bflag:$0x0] =	sbarrier.arrive $0xFFFF  }
0xb2: {  	_ =	strace $0x90000050  }
0xb3: {  	s0 =	stileid.u32;
	[bflag:$0x2] =	sbarrier.arrive $0xFFFF  }
0xb4: {  	p0 =	sne.s32 s0, $0x0;
	s0 =	rddreg [dreg:$0x3]  }
0xb5: {  	s0 =	sadd.s32 @!p0 $0x100000, s0  }
0xb6: {  	[sflag:s0] =	ssyncadd.tile.s32 @!p0 $0x1;
	_ =	shalt  }
.Lfunc_end2:
_tile_overlayer_lowered:
.L_overlay_start_2:
0xb7: {  	(tag) =	ssettag $0x2  }
0xb8: {  	s0 =	rddreg [dreg:$0x0];
	s2 =	stileid.u32  }
0xb9: {  	s1 =	rddreg [dreg:$0x1];
	p0 =	sne.s32 s2, $0x0  }
0xba: {  	s3 =	rddreg [dreg:$0x2];
	[bflag:$0x3] =	sbarrier.arrive $0xFFFF;
	s2 =	simm.s32 @!p0 $0x1C02  }
0xbb: {  	[timem:s3], [sflag:s2] =	dma.local @!p0 [hbm:s0], s1  }
0xbc: {  	s0 =	simm.s32 @!p0 $0x2  }
0xbd: {  	_ =	swait.ge @!p0 [sflag:s0], s1  }
0xbe: {  	s1 =	ssub.s32 @!p0 $0x0, s1;
	[sflag:s0] =	ssyncset.done @!p0 $0x0  }
0xbf: {  	[sflag:s0] =	ssyncadd.s32 @!p0 s1  }
0xc0: {  	[bflag:$0x3] =	sbarrier.arrive $0xFFFF  }
0xc1: {  	_ =	shalt  }

// kernel: kernel.21.cloned.1.call-start
scs
__scs_entry_jumppad:
0x0: {  	(pc) =	sbr.rel $0x88, $3  }
0x1: {  	(tag) =	ssettag $0x0;
	lr =	simm.s32 $0x1  }
0x2: {  	[smem:$0x3F97] =	sst lr;
	_ =	strace $0xD0000000  }
0x3: {  	_ = 	snop  }
0x4: {  	_ = 	snop  }
0x5: {  	_ = 	snop  }
0x6: {  	_ = 	snop  }
0x7: {  	_ = 	snop  }
__scs_overlays_trampoline_lowered:
0x8: {  	[smem:$0x3FA6] =	sst s0  }
0x9: {  	[smem:$0x3FA7] =	sst s1  }
0xa: {  	[smem:$0x3FA8] =	sst s2  }
0xb: {  	[smem:$0x3FA9] =	sst s3  }
0xc: {  	[smem:$0x3FAA] =	sst s4  }
0xd: {  	[smem:$0x3FAB] =	sst s5  }
0xe: {  	[smem:$0x3FAC] =	sst s6  }
0xf: {  	[smem:$0x3FAD] =	sst s7  }
0x10: {  	[smem:$0x3FAE] =	sst s8  }
0x11: {  	[smem:$0x3FAF] =	sst s9;
	s0 =	simm.s32 @!p0 $0x0  }
0x12: {  	s1 =	sld [smem:$0x3F95];
	s0 =	simm.s32 @p0 $0x1  }
0x13: {  	[smem:$0x3FB0] =	sst s0;
	s0 =	simm.s32 @!p1 $0x0  }
0x14: {  	s2 =	sld [smem:$0x3F94];
	s0 =	simm.s32 @p1 $0x1  }
0x15: {  	[smem:$0x3FB1] =	sst s0;
	s0 =	simm.s32 @!p2 $0x0  }
0x16: {  	s3 =	sld [smem:$0x3FDB];
	s0 =	simm.s32 @p2 $0x1  }
0x17: {  	s4 =	simm.s32 $0x1BF5;
	[smem:$0x3FB3] =	sst s0  }
0x18: {  	s0 =	sld [smem:$0x3F96];
	_ =	swait.ge [sflag:s4], $0x0  }
0x19: {  	s7 =	sld [smem:$0x3F97]  }
0x1a: {  	s8 =	sadd.s32 $0xFFFFE003, lr  }
0x1b: {  	s9 =	sadd.s32 $0xFFFFFEF7, lr;
	s5 =	simm.s32 $0xFFFFFFFF;
	p2 =	slt.u32 s8, $0xFFFFF086  }
0x1c: {  	p1 =	slt.u32 s9, $0xF7A;
	s5 =	simm.s32 @!p2 $0x0  }
0x1d: {  	s5 =	simm.s32 @p1 $0x1;
	p0 =	seq.s32 s7, s2  }
0x1e: {  	s7 =	smul.u32 @!p0 $0xF7A, s2;
	p2 =	seq.s32 @!p0 s5, $0x0  }
0x1f: {  	s9 =	smul.u32 $0xF7A, s1;
	s8 =	simm.s32 @!p0 $0x1BF5;
	p2 =	por !p2, p0  }
0x20: {  	[sflag:s8] =	ssyncset.s32 @!p0 $0xFFFFF086;
	s6 =	sadd.s32 @!p0 s3, s7;
	s7 =	simm.s32 @!p0 $0x108  }
0x21: {  	s3 =	sadd.s32 s3, s9;
	s6 =	sadd.s32 @!p0 $0x88, s6;
	s7 =	simm.s32 @p2 $0x1082  }
0x22: {  	[simem:s7], [sflag:s8] =	dma.local @!p0 [hbm:s6], $0xF7A  }
0x23: {  	s9 =	sor.u32 $0xD0000000, s2;
	s6 =	simm.s32 $0x108;
	_ =	swait.ge @!p0 [sflag:s8], $0x0  }
0x24: {  	s3 =	sadd.s32 $0x88, s3;
	s6 =	simm.s32 @!p1 $0x1082;
	[sflag:s4] =	ssyncset.s32 $0xFFFFF086  }
0x25: {  	[simem:s6], [sflag:s4] =	dma.local [hbm:s3], $0xF7A  }
0x26: {  	[smem:$0x3F97] =	sst s1;
	(tag) =	ssettag s2;
	_ =	strace s9  }
0x27: {  	s1 =	sld [smem:$0x3FA7]  }
0x28: {  	s2 =	sld [smem:$0x3FA8]  }
0x29: {  	s4 =	sld [smem:$0x3FAA]  }
0x2a: {  	p0 =	seq.s32 s5, $0x0;
	s5 =	sld [smem:$0x3FAB]  }
0x2b: {  	s6 =	sld [smem:$0x3FAC]  }
0x2c: {  	s7 =	sld [smem:$0x3FAD]  }
0x2d: {  	s3 =	simm.s32 $0x108;
	s8 =	sld [smem:$0x3FAE]  }
0x2e: {  	s3 =	simm.s32 @!p0 $0x1082;
	s9 =	sld [smem:$0x3FAF]  }
0x2f: {  	lr =	sadd.s32 s0, s3;
	s0 =	sld [smem:$0x3FA6]  }
0x30: {  	s3 =	sld [smem:$0x3FA9]  }
0x31: {  	[smem:$0x3FB2] =	sst s10  }
0x32: {  	s10 =	sld [smem:$0x3FB0];
	_ =	sdelay $0x3  }
0x33: {  	p0 =	seq.s32 s10, $0x1;
	s10 =	sld [smem:$0x3FB2];
	_ =	sdelay $0x3  }
0x34: {  	[smem:$0x3FB2] =	sst s10  }
0x35: {  	s10 =	sld [smem:$0x3FB1];
	_ =	sdelay $0x3  }
0x36: {  	p1 =	seq.s32 s10, $0x1;
	s10 =	sld [smem:$0x3FB2];
	_ =	sdelay $0x3  }
0x37: {  	[smem:$0x3FB2] =	sst s10  }
0x38: {  	s10 =	sld [smem:$0x3FB3]  }
0x39: {  	_ = 	snop;
	(pc) =	sbr.ind lr, $3  }
0x3a: {  	_ = 	snop  }
0x3b: {  	_ = 	snop  }
0x3c: {  	p2 =	seq.s32 s10, $0x1;
	s10 =	sld [smem:$0x3FB2]  }
0x3d: {  	_ =	shalt  }
0x3e: {  	_ =	shalt  }
0x3f: {  	_ =	shalt  }
0x40: {  	_ =	shalt  }
0x41: {  	_ =	shalt  }
0x42: {  	_ =	shalt  }
0x43: {  	_ =	shalt  }
0x44: {  	_ =	shalt  }
0x45: {  	_ =	shalt  }
0x46: {  	_ =	shalt  }
0x47: {  	_ =	shalt  }
0x48: {  	_ =	shalt  }
0x49: {  	_ =	shalt  }
0x4a: {  	_ =	shalt  }
0x4b: {  	_ =	shalt  }
0x4c: {  	_ =	shalt  }
0x4d: {  	_ =	shalt  }
0x4e: {  	_ =	shalt  }
0x4f: {  	_ =	shalt  }
0x50: {  	_ =	shalt  }
0x51: {  	_ =	shalt  }
0x52: {  	_ =	shalt  }
0x53: {  	_ =	shalt  }
0x54: {  	_ =	shalt  }
0x55: {  	_ =	shalt  }
0x56: {  	_ =	shalt  }
0x57: {  	_ =	shalt  }
0x58: {  	_ =	shalt  }
0x59: {  	_ =	shalt  }
0x5a: {  	_ =	shalt  }
0x5b: {  	_ =	shalt  }
0x5c: {  	_ =	shalt  }
0x5d: {  	_ =	shalt  }
0x5e: {  	_ =	shalt  }
0x5f: {  	_ =	shalt  }
0x60: {  	_ =	shalt  }
0x61: {  	_ =	shalt  }
0x62: {  	_ =	shalt  }
0x63: {  	_ =	shalt  }
0x64: {  	_ =	shalt  }
0x65: {  	_ =	shalt  }
0x66: {  	_ =	shalt  }
0x67: {  	_ =	shalt  }
0x68: {  	_ =	shalt  }
0x69: {  	_ =	shalt  }
0x6a: {  	_ =	shalt  }
0x6b: {  	_ =	shalt  }
0x6c: {  	_ =	shalt  }
0x6d: {  	_ =	shalt  }
0x6e: {  	_ =	shalt  }
0x6f: {  	_ =	shalt  }
0x70: {  	_ =	shalt  }
0x71: {  	_ =	shalt  }
0x72: {  	_ =	shalt  }
0x73: {  	_ =	shalt  }
0x74: {  	_ =	shalt  }
0x75: {  	_ =	shalt  }
0x76: {  	_ =	shalt  }
0x77: {  	_ =	shalt  }
0x78: {  	_ =	shalt  }
0x79: {  	_ =	shalt  }
0x7a: {  	_ =	shalt  }
0x7b: {  	_ =	shalt  }
0x7c: {  	_ =	shalt  }
0x7d: {  	_ =	shalt  }
0x7e: {  	_ =	shalt  }
0x7f: {  	_ =	shalt  }
0x80: {  	_ =	shalt  }
0x81: {  	_ =	shalt  }
0x82: {  	_ =	shalt  }
0x83: {  	_ =	shalt  }
0x84: {  	_ =	shalt  }
0x85: {  	_ =	shalt  }
0x86: {  	_ =	shalt  }
0x87: {  	_ =	shalt  }
.Lfunc_end0:
.L_simem_size_0:
called_computation.4_lowered:
.L_overlay_start_0:
0x88: {  	s2 =	sld [smem:$0x3FD9]  }
0x89: {  	s3 =	sld [smem:$0x3FFE];
	_ =	sdelay $0x1  }
0x8a: {  	s1 =	srdreg.scid  }
0x8b: {  	s0 =	sand.u32 $0x1, s1  }
0x8c: {  	s17 =	sshll.u32 s0, $0xA;
	s2 =	sadd.s32 s3, s2  }
0x8d: {  	s2 =	sadd.s32 s2, s17  }
0x8e: {  	[smem:$0x3FBE] =	sst s2  }
0x8f: {  	_ = 	snop  }
0x90: {  	s2 =	sld [smem:$0x3FD0];
	(tm) =	ssettm $0x1  }
0x91: {  	s18 =	sld [smem:$0x3FFB];
	_ =	sdelay $0x3  }
0x92: {  	_ =	strace s18  }
0x93: {  	s3 =	sld [smem:$0x3FFC];
	_ =	sdelay $0x3  }
0x94: {  	_ =	strace s3  }
0x95: {  	s3 =	sld [smem:$0x3FFD];
	_ =	sdelay $0x3  }
0x96: {  	_ =	strace s3  }
0x97: {  	_ =	strace $0x8FFFFFFF  }
0x98: {  	s19 =	sld [smem:$0x3FDB];
	_ =	sdelay $0x1  }
0x99: {  	s4 =	simm.s32 $_scs_section_size  }
0x9a: {  	s5 =	simm.s32 $_size__tile_overlayer_lowered;
	s6 =	simm.s32 $_tile_overlayer_lowered  }
0x9b: {  	s22 =	simm.s32 $0x1BFF;
	s21 =	sshll.u32 s6, $0x1;
	s3 =	sadd.s32 s4, s19  }
0x9c: {  	s7 =	simm.s32 $0x0;
	s20 =	sshll.u32 s5, $0x1;
	s5 =	sadd.s32 s21, s3  }
0x9d: {  	[timem:s7], [sflag:s22] =	dma.local [hbm:s5], s20  }
0x9e: {  	_ =	swait.ge [sflag:s22], s20  }
0x9f: {  	s4 =	ssub.s32 $0x0, s20;
	[sflag:s22] =	ssyncset.done $0x0  }
0xa0: {  	[sflag:s22] =	ssyncadd.s32 s4;
	_ =	sdelay $0x1  }
0xa1: {  	s23 =	simm.s32 $0x1B8B  }
0xa2: {  	_ =	swait.ge [sflag:s23], $0x1  }
0xa3: {  	[sflag:s23] =	ssyncset.done $0x0  }
0xa4: {  	s25 =	simm.s32 $0x1B8E;
	s24 =	sld [smem:$0x3FFE];
	[sflag:s23] =	ssyncadd.s32 $0xFFFFFFFF  }
0xa5: {  	s26 =	simm.s32 $execute0_lowered;
	[smem:$0x3FD2] =	sst s25  }
0xa6: {  	s5 =	sshll.u32 s26, $0x1;
	_ =	strace $0x80000052;
	[dreg:$0x1] =	wrdreg $0xFFFFFFFF  }
0xa7: {  	s28 =	simm.s32 $_size_execute0_lowered;
	s3 =	sadd.s32 s3, s5;
	[dreg:$0x0] =	wrdreg $0x0  }
0xa8: {  	s5 =	sshll.u32 s28, $0x1;
	[dreg:$0x2] =	wrdreg s3  }
0xa9: {  	[dreg:$0x3] =	wrdreg s5  }
0xaa: {  	[dreg:$0x4] =	wrdreg $0xC0  }
0xab: {  	_ =	task [dreg:s7], $0x5FFFF  }
0xac: {  	[dreg:$0x1] =	wrdreg $0xFFFFFFFF  }
0xad: {  	[dreg:$0x0] =	wrdreg $0x60  }
0xae: {  	[dreg:$0x2] =	wrdreg s24  }
0xaf: {  	[dreg:$0x3] =	wrdreg s2  }
0xb0: {  	[dreg:$0x4] =	wrdreg $0x9  }
0xb1: {  	_ =	task.clear_ibuf [dreg:s7], $0x5FFFF;
	_ =	strace $0x90000052  }
0xb2: {  	s29 =	simm.s32 $0x9;
	_ =	strace $0x80000054  }
0xb3: {  	_ =	swait.ge [sflag:s29], $0x1  }
0xb4: {  	[sflag:s29] =	ssyncadd.s32 $0xFFFFFFFF  }
0xb5: {  	_ =	strace $0x90000054  }
0xb6: {  	_ =	sfence  }
0xb7: {  	s30 =	sld [smem:$0x0];
	_ =	sdelay $0x2  }
0xb8: {  	s31 =	sshll.u32 s1, $0xD;
	s1 =	sshrl.u32 s1, $0x2  }
0xb9: {  	s3 =	sand.u32 $0x4000, s31;
	s1 =	sadd.s32 s1, s30  }
0xba: {  	s0 =	sor.u32 s3, s0;
	s1 =	sshll.u32 s1, $0x11  }
0xbb: {  	s0 =	sor.u32 s1, s0  }
0xbc: {  	s0 =	sadd.s32 $0x8F2B, s0  }
0xbd: {  	[sflag:s0] =	ssyncadd.remote.s32 $0x1  }
0xbe: {  	_ =	sfence.sel $0xFFFF  }
0xbf: {  	[dreg:$0x0] =	wrdreg $0xFFFFFFFF;
	(pc) =	sbr.abs _section_cstart, $3  }
0xc0: {  	[dreg:$0x1] =	wrdreg $0xFFFFFFFF  }
0xc1: {  	_ =	task.clear_ibuf [dreg:s7], $0x2FFFF;
	_ =	strace $0x9FFFFFFF  }
0xc2: {  	(tm) =	ssettm $0x7FFFFFFF  }
0xc3: {  	_ =	shalt  }
tec
execute0_lowered:
.L_overlay_start_1:
0x0: {  	(tag) =	ssettag $0x1  }
0x1: {  	s1 =	srdreg.scid  }
0x2: {  	s0 =	stileid.u32;
	s15 =	sand.u32 $0x1, s1  }
0x3: {  	s14 =	rddreg [dreg:$0x0];
	s30 =	sshll.u32 s0, $0x6;
	s3 =	sshll.u32 s15, $0x5  }
0x4: {  	s2 =	rddreg [dreg:$0x1];
	s10 =	sor.u32 s3, s30  }
0x5: {  	s1 =	rddreg [dreg:$0x2];
	s3 =	simm.s32 $0x0;
	s4 =	sshrl.u32 s10, $0x3  }
0x6: {  	[smem:$0x7FF] =	sst s3;
	s4 =	sadd.s32 s4, s14  }
0x7: {  	_ =	strace $0x80000053;
	s5 =	sadd.s32 $0x7C400, s4;
	s4 =	simm.s32 $0x2  }
0x8: {  	[tilespmem:s3], [sflag:$0x2] =	stream.linear.gather [hbm4b:s5+s3], $0x20, $0x38;
	[tilespmem:$0x1080] =	vst v63  }
0x9: {  	_ =	swait.ge [sflag:s4], $0x20  }
0xa: {  	s7 =	simm.s32 $0x20;
	s8 =	simm.s32 $0x80;
	[sflag:s4] =	ssyncset.done $0x0  }
0xb: {  	s9 =	simm.s32 $0x1;
	s6 =	sadd.s32 $0x2C400, s14;
	[sflag:s4] =	ssyncadd.s32 $0xFFFFFFE0  }
0xc: {  	[tilespmem:s8], [sflag:$0x1] =	stream.indirect.gather [hbm4b:s6+s7], $0x80, s3, s7, $0xb8;
	[tilespmem:$0x1080] =	vst v63  }
0xd: {  	s10 =	sshll.u32 s10, $0x4;
	_ =	swait.ge [sflag:s9], $0x1000  }
0xe: {  	s16 =	sadd.s32 s10, s14;
	[sflag:s9] =	ssyncset.done $0x0  }
0xf: {  	s10 =	sadd.s32 $0x7C600, s16;
	[sflag:s9] =	ssyncadd.s32 $0xFFFFF000  }
0x10: {  	[hbm4b:s10+s3] =	stream.linear.scatter [tilespmem:s8], [sflag:$0x2], $0x1000, $0x38;
	[tilespmem:$0x1080] =	vst v63  }
0x11: {  	_ =	swait.ge [sflag:s4], $0x1000  }
0x12: {  	[sflag:s4] =	ssyncset.done $0x0  }
0x13: {  	s11 =	sadd.s32 $0x54400, s14;
	[sflag:s4] =	ssyncadd.s32 $0xFFFFF000  }
0x14: {  	[tilespmem:s8], [sflag:$0x1] =	stream.indirect.gather [hbm4b:s11+s7], $0x80, s3, s7, $0xb8;
	[tilespmem:$0x1080] =	vst v63  }
0x15: {  	_ =	swait.ge [sflag:s9], $0x1000  }
0x16: {  	[sflag:s9] =	ssyncset.done $0x0  }
0x17: {  	s12 =	sadd.s32 $0x80600, s16;
	[sflag:s9] =	ssyncadd.s32 $0xFFFFF000  }
0x18: {  	[hbm4b:s12+s3] =	stream.linear.scatter [tilespmem:s8], [sflag:$0x2], $0x1000, $0x38;
	[tilespmem:$0x1080] =	vst v63  }
0x19: {  	_ =	swait.ge [sflag:s4], $0x1000  }
0x1a: {  	[sflag:s4] =	ssyncset.done $0x0  }
0x1b: {  	[sflag:s4] =	ssyncadd.s32 $0xFFFFF000  }
0x1c: {  	[tilespmem:s8], [sflag:$0x1] =	stream.indirect.gather [hbm4b:s2+s7], $0x80, s3, s7, $0xb8;
	[tilespmem:$0x1080] =	vst v63  }
0x1d: {  	_ =	swait.ge [sflag:s9], $0x1000  }
0x1e: {  	[sflag:s9] =	ssyncset.done $0x0  }
0x1f: {  	s15 =	ssub.s32 $0x2, s15;
	s13 =	sadd.s32 $0x84600, s16;
	[sflag:s9] =	ssyncadd.s32 $0xFFFFF000  }
0x20: {  	[hbm4b:s13+s3] =	stream.linear.scatter [tilespmem:s8], [sflag:$0x2], $0x1000, $0x38;
	[tilespmem:$0x1080] =	vst v63  }
0x21: {  	s17 =	sshrl.u32 s15, $0x1;
	_ =	swait.ge [sflag:s4], $0x1000  }
0x22: {  	s17 =	ssub.s32 s15, s17;
	[sflag:s4] =	ssyncset.done $0x0  }
0x23: {  	s14 =	sadd.s32 $0x4400, s14;
	s31 =	smax.u32 s17, $0x1;
	[sflag:s4] =	ssyncadd.s32 $0xFFFFF000  }
0x24: {  	[tilespmem:s8], [sflag:$0x1] =	stream.indirect.gather [hbm4b:s14+s7], $0x80, s3, s7, $0xb8;
	[tilespmem:$0x1080] =	vst v63  }
0x25: {  	p0 =	sne.s32 s31, $0x1;
	_ =	swait.ge [sflag:s9], $0x1000  }
.Ltmp0:
0x26: {  	[sflag:s9] =	ssyncset.done $0x0;
	(pc) =	sbr.rel @!p0 .LBB2_2-.Ltmp0, $4  }
0x27: {  	s15 =	sadd.s32 $0x88600, s16;
	[sflag:s9] =	ssyncadd.s32 $0xFFFFF000  }
0x28: {  	[hbm4b:s15+s3] =	stream.linear.scatter [tilespmem:s8], [sflag:$0x2], $0x1000, $0x38;
	[tilespmem:$0x1080] =	vst v63  }
0x29: {  	_ =	swait.ge [sflag:s4], $0x1000  }
0x2a: {  	s16 =	sadd.s32 $0xFFFFFFFF, s31;
	[sflag:s4] =	ssyncset.done $0x0  }
.LBB2_1:
0x2b: {  	p0 =	sne.s32 s16, $0x1;
	s16 =	sadd.s32 $0xFFFFFFFF, s16;
	[sflag:s4] =	ssyncadd.s32 $0xFFFFF000  }
0x2c: {  	[tilespmem:s3], [sflag:$0x2] =	stream.linear.gather [hbm4b:s5+s3], $0x20, $0x38;
	[tilespmem:$0x1080] =	vst v63  }
0x2d: {  	_ =	swait.ge [sflag:s4], $0x20  }
0x2e: {  	[sflag:s4] =	ssyncset.done $0x0  }
0x2f: {  	[sflag:s4] =	ssyncadd.s32 $0xFFFFFFE0  }
0x30: {  	[tilespmem:s8], [sflag:$0x1] =	stream.indirect.gather [hbm4b:s6+s7], $0x80, s3, s7, $0xb8;
	[tilespmem:$0x1080] =	vst v63  }
0x31: {  	_ =	swait.ge [sflag:s9], $0x1000  }
0x32: {  	[sflag:s9] =	ssyncset.done $0x0  }
0x33: {  	[sflag:s9] =	ssyncadd.s32 $0xFFFFF000  }
0x34: {  	[hbm4b:s10+s3] =	stream.linear.scatter [tilespmem:s8], [sflag:$0x2], $0x1000, $0x38;
	[tilespmem:$0x1080] =	vst v63  }
0x35: {  	_ =	swait.ge [sflag:s4], $0x1000  }
0x36: {  	[sflag:s4] =	ssyncset.done $0x0  }
0x37: {  	[sflag:s4] =	ssyncadd.s32 $0xFFFFF000  }
0x38: {  	[tilespmem:s8], [sflag:$0x1] =	stream.indirect.gather [hbm4b:s11+s7], $0x80, s3, s7, $0xb8;
	[tilespmem:$0x1080] =	vst v63  }
0x39: {  	_ =	swait.ge [sflag:s9], $0x1000  }
0x3a: {  	[sflag:s9] =	ssyncset.done $0x0  }
0x3b: {  	[sflag:s9] =	ssyncadd.s32 $0xFFFFF000  }
0x3c: {  	[hbm4b:s12+s3] =	stream.linear.scatter [tilespmem:s8], [sflag:$0x2], $0x1000, $0x38;
	[tilespmem:$0x1080] =	vst v63  }
0x3d: {  	_ =	swait.ge [sflag:s4], $0x1000  }
0x3e: {  	[sflag:s4] =	ssyncset.done $0x0  }
0x3f: {  	[sflag:s4] =	ssyncadd.s32 $0xFFFFF000  }
0x40: {  	[tilespmem:s8], [sflag:$0x1] =	stream.indirect.gather [hbm4b:s2+s7], $0x80, s3, s7, $0xb8;
	[tilespmem:$0x1080] =	vst v63  }
0x41: {  	_ =	swait.ge [sflag:s9], $0x1000  }
0x42: {  	[sflag:s9] =	ssyncset.done $0x0  }
0x43: {  	[sflag:s9] =	ssyncadd.s32 $0xFFFFF000  }
0x44: {  	[hbm4b:s13+s3] =	stream.linear.scatter [tilespmem:s8], [sflag:$0x2], $0x1000, $0x38;
	[tilespmem:$0x1080] =	vst v63  }
0x45: {  	_ =	swait.ge [sflag:s4], $0x1000  }
0x46: {  	[sflag:s4] =	ssyncset.done $0x0  }
0x47: {  	[sflag:s4] =	ssyncadd.s32 $0xFFFFF000  }
0x48: {  	[tilespmem:s8], [sflag:$0x1] =	stream.indirect.gather [hbm4b:s14+s7], $0x80, s3, s7, $0xb8;
	[tilespmem:$0x1080] =	vst v63  }
0x49: {  	_ =	swait.ge [sflag:s9], $0x1000  }
.Ltmp1:
0x4a: {  	[sflag:s9] =	ssyncset.done $0x0;
	(pc) =	sbr.rel @p0 .LBB2_1-.Ltmp1, $4  }
0x4b: {  	[sflag:s9] =	ssyncadd.s32 $0xFFFFF000  }
0x4c: {  	[hbm4b:s15+s3] =	stream.linear.scatter [tilespmem:s8], [sflag:$0x2], $0x1000, $0x38;
	[tilespmem:$0x1080] =	vst v63  }
0x4d: {  	_ =	swait.ge [sflag:s4], $0x1000  }
0x4e: {  	[sflag:s4] =	ssyncset.done $0x0  }
.LBB2_2:
0x4f: {  	[sflag:s4] =	ssyncadd.s32 $0xFFFFF000  }
0x50: {  	_ =	sfence.sel $0x180000  }
0x51: {  	[bflag:$0x0] =	sbarrier.arrive $0xFFFF  }
0x52: {  	p0 =	sne.s32 s0, $0x0;
	_ =	strace $0x90000053  }
0x53: {  	s0 =	sadd.s32 @!p0 $0x100000, s1;
	[bflag:$0x2] =	sbarrier.arrive $0xFFFF  }
0x54: {  	[sflag:s0] =	ssyncadd.tile.s32 @!p0 $0x1;
	_ =	shalt  }
.Lfunc_end2:
_tile_overlayer_lowered:
.L_overlay_start_2:
0x55: {  	(tag) =	ssettag $0x2  }
0x56: {  	s0 =	rddreg [dreg:$0x0];
	s2 =	stileid.u32  }
0x57: {  	s1 =	rddreg [dreg:$0x1];
	p0 =	sne.s32 s2, $0x0  }
0x58: {  	s3 =	rddreg [dreg:$0x2];
	[bflag:$0x3] =	sbarrier.arrive $0xFFFF;
	s2 =	simm.s32 @!p0 $0x1C02  }
0x59: {  	[timem:s3], [sflag:s2] =	dma.local @!p0 [hbm:s0], s1  }
0x5a: {  	s0 =	simm.s32 @!p0 $0x2  }
0x5b: {  	_ =	swait.ge @!p0 [sflag:s0], s1  }
0x5c: {  	s1 =	ssub.s32 @!p0 $0x0, s1;
	[sflag:s0] =	ssyncset.done @!p0 $0x0  }
0x5d: {  	[sflag:s0] =	ssyncadd.s32 @!p0 s1  }
0x5e: {  	[bflag:$0x3] =	sbarrier.arrive $0xFFFF  }
0x5f: {  	_ =	shalt  }

// kernel: kernel.9.cloned.1.call-start
scs
__scs_entry_jumppad:
0x0: {  	(pc) =	sbr.rel $0x88, $3  }
0x1: {  	(tag) =	ssettag $0x0;
	lr =	simm.s32 $0x1  }
0x2: {  	[smem:$0x3F97] =	sst lr;
	_ =	strace $0xD0000000  }
0x3: {  	_ = 	snop  }
0x4: {  	_ = 	snop  }
0x5: {  	_ = 	snop  }
0x6: {  	_ = 	snop  }
0x7: {  	_ = 	snop  }
__scs_overlays_trampoline_lowered:
0x8: {  	[smem:$0x3FA6] =	sst s0  }
0x9: {  	[smem:$0x3FA7] =	sst s1  }
0xa: {  	[smem:$0x3FA8] =	sst s2  }
0xb: {  	[smem:$0x3FA9] =	sst s3  }
0xc: {  	[smem:$0x3FAA] =	sst s4  }
0xd: {  	[smem:$0x3FAB] =	sst s5  }
0xe: {  	[smem:$0x3FAC] =	sst s6  }
0xf: {  	[smem:$0x3FAD] =	sst s7  }
0x10: {  	[smem:$0x3FAE] =	sst s8  }
0x11: {  	[smem:$0x3FAF] =	sst s9;
	s0 =	simm.s32 @!p0 $0x0  }
0x12: {  	s1 =	sld [smem:$0x3F95];
	s0 =	simm.s32 @p0 $0x1  }
0x13: {  	[smem:$0x3FB0] =	sst s0;
	s0 =	simm.s32 @!p1 $0x0  }
0x14: {  	s2 =	sld [smem:$0x3F94];
	s0 =	simm.s32 @p1 $0x1  }
0x15: {  	[smem:$0x3FB1] =	sst s0;
	s0 =	simm.s32 @!p2 $0x0  }
0x16: {  	s3 =	sld [smem:$0x3FDB];
	s0 =	simm.s32 @p2 $0x1  }
0x17: {  	s4 =	simm.s32 $0x1BF5;
	[smem:$0x3FB3] =	sst s0  }
0x18: {  	s0 =	sld [smem:$0x3F96];
	_ =	swait.ge [sflag:s4], $0x0  }
0x19: {  	s7 =	sld [smem:$0x3F97]  }
0x1a: {  	s8 =	sadd.s32 $0xFFFFE003, lr  }
0x1b: {  	s9 =	sadd.s32 $0xFFFFFEF7, lr;
	s5 =	simm.s32 $0xFFFFFFFF;
	p2 =	slt.u32 s8, $0xFFFFF086  }
0x1c: {  	p1 =	slt.u32 s9, $0xF7A;
	s5 =	simm.s32 @!p2 $0x0  }
0x1d: {  	s5 =	simm.s32 @p1 $0x1;
	p0 =	seq.s32 s7, s2  }
0x1e: {  	s7 =	smul.u32 @!p0 $0xF7A, s2;
	p2 =	seq.s32 @!p0 s5, $0x0  }
0x1f: {  	s9 =	smul.u32 $0xF7A, s1;
	s8 =	simm.s32 @!p0 $0x1BF5;
	p2 =	por !p2, p0  }
0x20: {  	[sflag:s8] =	ssyncset.s32 @!p0 $0xFFFFF086;
	s6 =	sadd.s32 @!p0 s3, s7;
	s7 =	simm.s32 @!p0 $0x108  }
0x21: {  	s3 =	sadd.s32 s3, s9;
	s6 =	sadd.s32 @!p0 $0x88, s6;
	s7 =	simm.s32 @p2 $0x1082  }
0x22: {  	[simem:s7], [sflag:s8] =	dma.local @!p0 [hbm:s6], $0xF7A  }
0x23: {  	s9 =	sor.u32 $0xD0000000, s2;
	s6 =	simm.s32 $0x108;
	_ =	swait.ge @!p0 [sflag:s8], $0x0  }
0x24: {  	s3 =	sadd.s32 $0x88, s3;
	s6 =	simm.s32 @!p1 $0x1082;
	[sflag:s4] =	ssyncset.s32 $0xFFFFF086  }
0x25: {  	[simem:s6], [sflag:s4] =	dma.local [hbm:s3], $0xF7A  }
0x26: {  	[smem:$0x3F97] =	sst s1;
	(tag) =	ssettag s2;
	_ =	strace s9  }
0x27: {  	s1 =	sld [smem:$0x3FA7]  }
0x28: {  	s2 =	sld [smem:$0x3FA8]  }
0x29: {  	s4 =	sld [smem:$0x3FAA]  }
0x2a: {  	p0 =	seq.s32 s5, $0x0;
	s5 =	sld [smem:$0x3FAB]  }
0x2b: {  	s6 =	sld [smem:$0x3FAC]  }
0x2c: {  	s7 =	sld [smem:$0x3FAD]  }
0x2d: {  	s3 =	simm.s32 $0x108;
	s8 =	sld [smem:$0x3FAE]  }
0x2e: {  	s3 =	simm.s32 @!p0 $0x1082;
	s9 =	sld [smem:$0x3FAF]  }
0x2f: {  	lr =	sadd.s32 s0, s3;
	s0 =	sld [smem:$0x3FA6]  }
0x30: {  	s3 =	sld [smem:$0x3FA9]  }
0x31: {  	[smem:$0x3FB2] =	sst s10  }
0x32: {  	s10 =	sld [smem:$0x3FB0];
	_ =	sdelay $0x3  }
0x33: {  	p0 =	seq.s32 s10, $0x1;
	s10 =	sld [smem:$0x3FB2];
	_ =	sdelay $0x3  }
0x34: {  	[smem:$0x3FB2] =	sst s10  }
0x35: {  	s10 =	sld [smem:$0x3FB1];
	_ =	sdelay $0x3  }
0x36: {  	p1 =	seq.s32 s10, $0x1;
	s10 =	sld [smem:$0x3FB2];
	_ =	sdelay $0x3  }
0x37: {  	[smem:$0x3FB2] =	sst s10  }
0x38: {  	s10 =	sld [smem:$0x3FB3]  }
0x39: {  	_ = 	snop;
	(pc) =	sbr.ind lr, $3  }
0x3a: {  	_ = 	snop  }
0x3b: {  	_ = 	snop  }
0x3c: {  	p2 =	seq.s32 s10, $0x1;
	s10 =	sld [smem:$0x3FB2]  }
0x3d: {  	_ =	shalt  }
0x3e: {  	_ =	shalt  }
0x3f: {  	_ =	shalt  }
0x40: {  	_ =	shalt  }
0x41: {  	_ =	shalt  }
0x42: {  	_ =	shalt  }
0x43: {  	_ =	shalt  }
0x44: {  	_ =	shalt  }
0x45: {  	_ =	shalt  }
0x46: {  	_ =	shalt  }
0x47: {  	_ =	shalt  }
0x48: {  	_ =	shalt  }
0x49: {  	_ =	shalt  }
0x4a: {  	_ =	shalt  }
0x4b: {  	_ =	shalt  }
0x4c: {  	_ =	shalt  }
0x4d: {  	_ =	shalt  }
0x4e: {  	_ =	shalt  }
0x4f: {  	_ =	shalt  }
0x50: {  	_ =	shalt  }
0x51: {  	_ =	shalt  }
0x52: {  	_ =	shalt  }
0x53: {  	_ =	shalt  }
0x54: {  	_ =	shalt  }
0x55: {  	_ =	shalt  }
0x56: {  	_ =	shalt  }
0x57: {  	_ =	shalt  }
0x58: {  	_ =	shalt  }
0x59: {  	_ =	shalt  }
0x5a: {  	_ =	shalt  }
0x5b: {  	_ =	shalt  }
0x5c: {  	_ =	shalt  }
0x5d: {  	_ =	shalt  }
0x5e: {  	_ =	shalt  }
0x5f: {  	_ =	shalt  }
0x60: {  	_ =	shalt  }
0x61: {  	_ =	shalt  }
0x62: {  	_ =	shalt  }
0x63: {  	_ =	shalt  }
0x64: {  	_ =	shalt  }
0x65: {  	_ =	shalt  }
0x66: {  	_ =	shalt  }
0x67: {  	_ =	shalt  }
0x68: {  	_ =	shalt  }
0x69: {  	_ =	shalt  }
0x6a: {  	_ =	shalt  }
0x6b: {  	_ =	shalt  }
0x6c: {  	_ =	shalt  }
0x6d: {  	_ =	shalt  }
0x6e: {  	_ =	shalt  }
0x6f: {  	_ =	shalt  }
0x70: {  	_ =	shalt  }
0x71: {  	_ =	shalt  }
0x72: {  	_ =	shalt  }
0x73: {  	_ =	shalt  }
0x74: {  	_ =	shalt  }
0x75: {  	_ =	shalt  }
0x76: {  	_ =	shalt  }
0x77: {  	_ =	shalt  }
0x78: {  	_ =	shalt  }
0x79: {  	_ =	shalt  }
0x7a: {  	_ =	shalt  }
0x7b: {  	_ =	shalt  }
0x7c: {  	_ =	shalt  }
0x7d: {  	_ =	shalt  }
0x7e: {  	_ =	shalt  }
0x7f: {  	_ =	shalt  }
0x80: {  	_ =	shalt  }
0x81: {  	_ =	shalt  }
0x82: {  	_ =	shalt  }
0x83: {  	_ =	shalt  }
0x84: {  	_ =	shalt  }
0x85: {  	_ =	shalt  }
0x86: {  	_ =	shalt  }
0x87: {  	_ =	shalt  }
.Lfunc_end0:
.L_simem_size_0:
called_computation_lowered:
.L_overlay_start_0:
0x88: {  	s2 =	sld [smem:$0x3FD9]  }
0x89: {  	s3 =	sld [smem:$0x3FFE];
	_ =	sdelay $0x1  }
0x8a: {  	s1 =	srdreg.scid  }
0x8b: {  	s0 =	sand.u32 $0x1, s1  }
0x8c: {  	s17 =	sshll.u32 s0, $0xA;
	s2 =	sadd.s32 s3, s2  }
0x8d: {  	s2 =	sadd.s32 s2, s17  }
0x8e: {  	[smem:$0x3FBE] =	sst s2  }
0x8f: {  	_ = 	snop  }
0x90: {  	s2 =	sld [smem:$0x3FC6]  }
0x91: {  	s18 =	sld [smem:$0x3FD0];
	(tm) =	ssettm $0x1  }
0x92: {  	s4 =	sld [smem:$0x3FFB];
	_ =	sdelay $0x3  }
0x93: {  	_ =	strace s4  }
0x94: {  	s4 =	sld [smem:$0x3FFC];
	_ =	sdelay $0x3  }
0x95: {  	_ =	strace s4  }
0x96: {  	s4 =	sld [smem:$0x3FFD];
	_ =	sdelay $0x3  }
0x97: {  	_ =	strace s4  }
0x98: {  	_ =	strace $0x8FFFFFFF  }
0x99: {  	s19 =	sld [smem:$0x3FDB];
	_ =	sdelay $0x1  }
0x9a: {  	s5 =	simm.s32 $_scs_section_size  }
0x9b: {  	s6 =	simm.s32 $_size__tile_overlayer_lowered;
	s7 =	simm.s32 $_tile_overlayer_lowered  }
0x9c: {  	s22 =	simm.s32 $0x1BFF;
	s21 =	sshll.u32 s7, $0x1;
	s4 =	sadd.s32 s5, s19  }
0x9d: {  	s8 =	simm.s32 $0x0;
	s20 =	sshll.u32 s6, $0x1;
	s6 =	sadd.s32 s21, s4  }
0x9e: {  	[timem:s8], [sflag:s22] =	dma.local [hbm:s6], s20  }
0x9f: {  	_ =	swait.ge [sflag:s22], s20  }
0xa0: {  	s5 =	ssub.s32 $0x0, s20;
	[sflag:s22] =	ssyncset.done $0x0  }
0xa1: {  	[sflag:s22] =	ssyncadd.s32 s5;
	_ =	sdelay $0x1  }
0xa2: {  	s23 =	simm.s32 $0x1B8B  }
0xa3: {  	_ =	swait.ge [sflag:s23], $0x1  }
0xa4: {  	[sflag:s23] =	ssyncset.done $0x0  }
0xa5: {  	s25 =	simm.s32 $0x1B8E;
	s24 =	sld [smem:$0x3FFE];
	[sflag:s23] =	ssyncadd.s32 $0xFFFFFFFF  }
0xa6: {  	s26 =	simm.s32 $execute0_lowered;
	[smem:$0x3FD2] =	sst s25  }
0xa7: {  	s6 =	sshll.u32 s26, $0x1;
	_ =	strace $0x80000046;
	[dreg:$0x1] =	wrdreg $0xFFFFFFFF  }
0xa8: {  	s28 =	simm.s32 $_size_execute0_lowered;
	s4 =	sadd.s32 s4, s6;
	[dreg:$0x0] =	wrdreg $0x0  }
0xa9: {  	s6 =	sshll.u32 s28, $0x1;
	[dreg:$0x2] =	wrdreg s4  }
0xaa: {  	[dreg:$0x3] =	wrdreg s6  }
0xab: {  	[dreg:$0x4] =	wrdreg $0xC0  }
0xac: {  	_ =	task [dreg:s8], $0x5FFFF  }
0xad: {  	[dreg:$0x1] =	wrdreg $0xFFFFFFFF  }
0xae: {  	[dreg:$0x0] =	wrdreg $0x60  }
0xaf: {  	[dreg:$0x2] =	wrdreg s18  }
0xb0: {  	[dreg:$0x3] =	wrdreg s2  }
0xb1: {  	[dreg:$0x4] =	wrdreg s24  }
0xb2: {  	[dreg:$0x5] =	wrdreg $0xA  }
0xb3: {  	_ =	task.clear_ibuf [dreg:s8], $0x6FFFF;
	_ =	strace $0x90000046  }
0xb4: {  	s29 =	simm.s32 $0xA;
	_ =	strace $0x80000048  }
0xb5: {  	_ =	swait.ge [sflag:s29], $0x1  }
0xb6: {  	[sflag:s29] =	ssyncadd.s32 $0xFFFFFFFF  }
0xb7: {  	_ =	strace $0x90000048  }
0xb8: {  	_ =	sfence  }
0xb9: {  	s30 =	sld [smem:$0x0];
	_ =	sdelay $0x2  }
0xba: {  	s31 =	sshll.u32 s1, $0xD;
	s1 =	sshrl.u32 s1, $0x2  }
0xbb: {  	s3 =	sand.u32 $0x4000, s31;
	s1 =	sadd.s32 s1, s30  }
0xbc: {  	s0 =	sor.u32 s3, s0;
	s1 =	sshll.u32 s1, $0x11  }
0xbd: {  	s0 =	sor.u32 s1, s0  }
0xbe: {  	s0 =	sadd.s32 $0x8F2B, s0  }
0xbf: {  	[sflag:s0] =	ssyncadd.remote.s32 $0x1  }
0xc0: {  	_ =	sfence.sel $0xFFFF  }
0xc1: {  	[dreg:$0x0] =	wrdreg $0xFFFFFFFF;
	(pc) =	sbr.abs _section_cstart, $3  }
0xc2: {  	[dreg:$0x1] =	wrdreg $0xFFFFFFFF  }
0xc3: {  	_ =	task.clear_ibuf [dreg:s8], $0x2FFFF;
	_ =	strace $0x9FFFFFFF  }
0xc4: {  	(tm) =	ssettm $0x7FFFFFFF  }
0xc5: {  	_ =	shalt  }
tec
execute0_lowered:
.L_overlay_start_1:
0x0: {  	(tag) =	ssettag $0x1  }
0x1: {  	s1 =	srdreg.scid;
	s0 =	stileid.u32  }
0x2: {  	s4 =	rddreg [dreg:$0x0];
	s17 =	sand.u32 $0x1, s1;
	s30 =	sshll.u32 s0, $0x1  }
0x3: {  	s2 =	rddreg [dreg:$0x1];
	s11 =	sor.u32 s17, s30  }
0x4: {  	s9 =	rddreg [dreg:$0x2];
	s5 =	smul.u32 $0x280, s11  }
0x5: {  	s3 =	simm.s32 $0x0;
	s1 =	rddreg [dreg:$0x3]  }
0x6: {  	[smem:$0x7FF] =	sst s3;
	s5 =	sshrl.u32 s5, $0x3  }
0x7: {  	_ =	strace $0x80000047;
	s5 =	sadd.s32 s4, s5;
	s4 =	simm.s32 $0x2  }
0x8: {  	[tilespmem:s3], [sflag:$0x2] =	stream.linear.gather [hbm4b:s5+s3], $0x80, $0x38;
	[tilespmem:$0x2080] =	vst v63  }
0x9: {  	_ =	swait.ge [sflag:s4], $0x80  }
0xa: {  	s6 =	simm.s32 $0x40;
	[sflag:s4] =	ssyncset.done $0x0  }
0xb: {  	s7 =	simm.s32 $0x80;
	s8 =	simm.s32 $0x1;
	[sflag:s4] =	ssyncadd.s32 $0xFFFFFF80  }
0xc: {  	[tilespmem:s7], [sflag:$0x1] =	stream.indirect.gather [hbm4b:s2+s6], $0x80, s3, s6, $0xb8;
	[tilespmem:$0x2080] =	vst v63  }
0xd: {  	s10 =	smul.u32 $0x1400, s11;
	_ =	swait.ge [sflag:s8], $0x2000  }
0xe: {  	s12 =	sadd.s32 $0x4400, s9;
	[sflag:s8] =	ssyncset.done $0x0  }
0xf: {  	s9 =	sadd.s32 s12, s10;
	[sflag:s8] =	ssyncadd.s32 $0xFFFFE000  }
0x10: {  	[hbm4b:s9+s3] =	stream.linear.scatter [tilespmem:s7], [sflag:$0x2], $0x2000, $0x38;
	[tilespmem:$0x2080] =	vst v63  }
0x11: {  	_ =	swait.ge [sflag:s4], $0x2000  }
0x12: {  	[sflag:s4] =	ssyncset.done $0x0  }
0x13: {  	s10 =	sadd.s32 $0x10, s5;
	[sflag:s4] =	ssyncadd.s32 $0xFFFFE000  }
0x14: {  	[tilespmem:s3], [sflag:$0x2] =	stream.linear.gather [hbm4b:s10+s3], $0x80, $0x38;
	[tilespmem:$0x2080] =	vst v63  }
0x15: {  	_ =	swait.ge [sflag:s4], $0x80  }
0x16: {  	[sflag:s4] =	ssyncset.done $0x0  }
0x17: {  	s11 =	smul.u32 $0xA000, s11;
	[sflag:s4] =	ssyncadd.s32 $0xFFFFFF80  }
0x18: {  	[tilespmem:s7], [sflag:$0x1] =	stream.indirect.gather [hbm4b:s2+s6], $0x80, s3, s6, $0xb8;
	[tilespmem:$0x2080] =	vst v63  }
0x19: {  	s11 =	sshrl.u32 s11, $0x3;
	_ =	swait.ge [sflag:s8], $0x2000  }
0x1a: {  	s18 =	sadd.s32 s12, s11;
	[sflag:s8] =	ssyncset.done $0x0  }
0x1b: {  	s11 =	sadd.s32 $0x400, s18;
	[sflag:s8] =	ssyncadd.s32 $0xFFFFE000  }
0x1c: {  	[hbm4b:s11+s3] =	stream.linear.scatter [tilespmem:s7], [sflag:$0x2], $0x2000, $0x38;
	[tilespmem:$0x2080] =	vst v63  }
0x1d: {  	_ =	swait.ge [sflag:s4], $0x2000  }
0x1e: {  	[sflag:s4] =	ssyncset.done $0x0  }
0x1f: {  	s12 =	sadd.s32 $0x20, s5;
	[sflag:s4] =	ssyncadd.s32 $0xFFFFE000  }
0x20: {  	[tilespmem:s3], [sflag:$0x2] =	stream.linear.gather [hbm4b:s12+s3], $0x80, $0x38;
	[tilespmem:$0x2080] =	vst v63  }
0x21: {  	_ =	swait.ge [sflag:s4], $0x80  }
0x22: {  	[sflag:s4] =	ssyncset.done $0x0  }
0x23: {  	[sflag:s4] =	ssyncadd.s32 $0xFFFFFF80  }
0x24: {  	[tilespmem:s7], [sflag:$0x1] =	stream.indirect.gather [hbm4b:s2+s6], $0x80, s3, s6, $0xb8;
	[tilespmem:$0x2080] =	vst v63  }
0x25: {  	_ =	swait.ge [sflag:s8], $0x2000  }
0x26: {  	[sflag:s8] =	ssyncset.done $0x0  }
0x27: {  	s13 =	sadd.s32 $0x800, s18;
	[sflag:s8] =	ssyncadd.s32 $0xFFFFE000  }
0x28: {  	[hbm4b:s13+s3] =	stream.linear.scatter [tilespmem:s7], [sflag:$0x2], $0x2000, $0x38;
	[tilespmem:$0x2080] =	vst v63  }
0x29: {  	_ =	swait.ge [sflag:s4], $0x2000  }
0x2a: {  	[sflag:s4] =	ssyncset.done $0x0  }
0x2b: {  	s14 =	sadd.s32 $0x30, s5;
	[sflag:s4] =	ssyncadd.s32 $0xFFFFE000  }
0x2c: {  	[tilespmem:s3], [sflag:$0x2] =	stream.linear.gather [hbm4b:s14+s3], $0x80, $0x38;
	[tilespmem:$0x2080] =	vst v63  }
0x2d: {  	_ =	swait.ge [sflag:s4], $0x80  }
0x2e: {  	[sflag:s4] =	ssyncset.done $0x0  }
0x2f: {  	[sflag:s4] =	ssyncadd.s32 $0xFFFFFF80  }
0x30: {  	[tilespmem:s7], [sflag:$0x1] =	stream.indirect.gather [hbm4b:s2+s6], $0x80, s3, s6, $0xb8;
	[tilespmem:$0x2080] =	vst v63  }
0x31: {  	_ =	swait.ge [sflag:s8], $0x2000  }
0x32: {  	[sflag:s8] =	ssyncset.done $0x0  }
0x33: {  	s15 =	sadd.s32 $0xC00, s18;
	[sflag:s8] =	ssyncadd.s32 $0xFFFFE000  }
0x34: {  	[hbm4b:s15+s3] =	stream.linear.scatter [tilespmem:s7], [sflag:$0x2], $0x2000, $0x38;
	[tilespmem:$0x2080] =	vst v63  }
0x35: {  	_ =	swait.ge [sflag:s4], $0x2000  }
0x36: {  	[sflag:s4] =	ssyncset.done $0x0  }
0x37: {  	s17 =	ssub.s32 $0x2, s17;
	s16 =	sadd.s32 $0x40, s5;
	[sflag:s4] =	ssyncadd.s32 $0xFFFFE000  }
0x38: {  	[tilespmem:s3], [sflag:$0x2] =	stream.linear.gather [hbm4b:s16+s3], $0x80, $0x38;
	[tilespmem:$0x2080] =	vst v63  }
0x39: {  	s19 =	sshrl.u32 s17, $0x1;
	_ =	swait.ge [sflag:s4], $0x80  }
0x3a: {  	s19 =	ssub.s32 s17, s19;
	[sflag:s4] =	ssyncset.done $0x0  }
0x3b: {  	s31 =	smax.u32 s19, $0x1;
	[sflag:s4] =	ssyncadd.s32 $0xFFFFFF80  }
0x3c: {  	[tilespmem:s7], [sflag:$0x1] =	stream.indirect.gather [hbm4b:s2+s6], $0x80, s3, s6, $0xb8;
	[tilespmem:$0x2080] =	vst v63  }
0x3d: {  	p0 =	sne.s32 s31, $0x1;
	_ =	swait.ge [sflag:s8], $0x2000  }
.Ltmp0:
0x3e: {  	[sflag:s8] =	ssyncset.done $0x0;
	(pc) =	sbr.rel @!p0 .LBB2_2-.Ltmp0, $4  }
0x3f: {  	s17 =	sadd.s32 $0x1000, s18;
	[sflag:s8] =	ssyncadd.s32 $0xFFFFE000  }
0x40: {  	[hbm4b:s17+s3] =	stream.linear.scatter [tilespmem:s7], [sflag:$0x2], $0x2000, $0x38;
	[tilespmem:$0x2080] =	vst v63  }
0x41: {  	_ =	swait.ge [sflag:s4], $0x2000  }
0x42: {  	s18 =	sadd.s32 $0xFFFFFFFF, s31;
	[sflag:s4] =	ssyncset.done $0x0  }
.LBB2_1:
0x43: {  	p0 =	sne.s32 s18, $0x1;
	s18 =	sadd.s32 $0xFFFFFFFF, s18;
	[sflag:s4] =	ssyncadd.s32 $0xFFFFE000  }
0x44: {  	[tilespmem:s3], [sflag:$0x2] =	stream.linear.gather [hbm4b:s5+s3], $0x80, $0x38;
	[tilespmem:$0x2080] =	vst v63  }
0x45: {  	_ =	swait.ge [sflag:s4], $0x80  }
0x46: {  	[sflag:s4] =	ssyncset.done $0x0  }
0x47: {  	[sflag:s4] =	ssyncadd.s32 $0xFFFFFF80  }
0x48: {  	[tilespmem:s7], [sflag:$0x1] =	stream.indirect.gather [hbm4b:s2+s6], $0x80, s3, s6, $0xb8;
	[tilespmem:$0x2080] =	vst v63  }
0x49: {  	_ =	swait.ge [sflag:s8], $0x2000  }
0x4a: {  	[sflag:s8] =	ssyncset.done $0x0  }
0x4b: {  	[sflag:s8] =	ssyncadd.s32 $0xFFFFE000  }
0x4c: {  	[hbm4b:s9+s3] =	stream.linear.scatter [tilespmem:s7], [sflag:$0x2], $0x2000, $0x38;
	[tilespmem:$0x2080] =	vst v63  }
0x4d: {  	_ =	swait.ge [sflag:s4], $0x2000  }
0x4e: {  	[sflag:s4] =	ssyncset.done $0x0  }
0x4f: {  	[sflag:s4] =	ssyncadd.s32 $0xFFFFE000  }
0x50: {  	[tilespmem:s3], [sflag:$0x2] =	stream.linear.gather [hbm4b:s10+s3], $0x80, $0x38;
	[tilespmem:$0x2080] =	vst v63  }
0x51: {  	_ =	swait.ge [sflag:s4], $0x80  }
0x52: {  	[sflag:s4] =	ssyncset.done $0x0  }
0x53: {  	[sflag:s4] =	ssyncadd.s32 $0xFFFFFF80  }
0x54: {  	[tilespmem:s7], [sflag:$0x1] =	stream.indirect.gather [hbm4b:s2+s6], $0x80, s3, s6, $0xb8;
	[tilespmem:$0x2080] =	vst v63  }
0x55: {  	_ =	swait.ge [sflag:s8], $0x2000  }
0x56: {  	[sflag:s8] =	ssyncset.done $0x0  }
0x57: {  	[sflag:s8] =	ssyncadd.s32 $0xFFFFE000  }
0x58: {  	[hbm4b:s11+s3] =	stream.linear.scatter [tilespmem:s7], [sflag:$0x2], $0x2000, $0x38;
	[tilespmem:$0x2080] =	vst v63  }
0x59: {  	_ =	swait.ge [sflag:s4], $0x2000  }
0x5a: {  	[sflag:s4] =	ssyncset.done $0x0  }
0x5b: {  	[sflag:s4] =	ssyncadd.s32 $0xFFFFE000  }
0x5c: {  	[tilespmem:s3], [sflag:$0x2] =	stream.linear.gather [hbm4b:s12+s3], $0x80, $0x38;
	[tilespmem:$0x2080] =	vst v63  }
0x5d: {  	_ =	swait.ge [sflag:s4], $0x80  }
0x5e: {  	[sflag:s4] =	ssyncset.done $0x0  }
0x5f: {  	[sflag:s4] =	ssyncadd.s32 $0xFFFFFF80  }
0x60: {  	[tilespmem:s7], [sflag:$0x1] =	stream.indirect.gather [hbm4b:s2+s6], $0x80, s3, s6, $0xb8;
	[tilespmem:$0x2080] =	vst v63  }
0x61: {  	_ =	swait.ge [sflag:s8], $0x2000  }
0x62: {  	[sflag:s8] =	ssyncset.done $0x0  }
0x63: {  	[sflag:s8] =	ssyncadd.s32 $0xFFFFE000  }
0x64: {  	[hbm4b:s13+s3] =	stream.linear.scatter [tilespmem:s7], [sflag:$0x2], $0x2000, $0x38;
	[tilespmem:$0x2080] =	vst v63  }
0x65: {  	_ =	swait.ge [sflag:s4], $0x2000  }
0x66: {  	[sflag:s4] =	ssyncset.done $0x0  }
0x67: {  	[sflag:s4] =	ssyncadd.s32 $0xFFFFE000  }
0x68: {  	[tilespmem:s3], [sflag:$0x2] =	stream.linear.gather [hbm4b:s14+s3], $0x80, $0x38;
	[tilespmem:$0x2080] =	vst v63  }
0x69: {  	_ =	swait.ge [sflag:s4], $0x80  }
0x6a: {  	[sflag:s4] =	ssyncset.done $0x0  }
0x6b: {  	[sflag:s4] =	ssyncadd.s32 $0xFFFFFF80  }
0x6c: {  	[tilespmem:s7], [sflag:$0x1] =	stream.indirect.gather [hbm4b:s2+s6], $0x80, s3, s6, $0xb8;
	[tilespmem:$0x2080] =	vst v63  }
0x6d: {  	_ =	swait.ge [sflag:s8], $0x2000  }
0x6e: {  	[sflag:s8] =	ssyncset.done $0x0  }
0x6f: {  	[sflag:s8] =	ssyncadd.s32 $0xFFFFE000  }
0x70: {  	[hbm4b:s15+s3] =	stream.linear.scatter [tilespmem:s7], [sflag:$0x2], $0x2000, $0x38;
	[tilespmem:$0x2080] =	vst v63  }
0x71: {  	_ =	swait.ge [sflag:s4], $0x2000  }
0x72: {  	[sflag:s4] =	ssyncset.done $0x0  }
0x73: {  	[sflag:s4] =	ssyncadd.s32 $0xFFFFE000  }
0x74: {  	[tilespmem:s3], [sflag:$0x2] =	stream.linear.gather [hbm4b:s16+s3], $0x80, $0x38;
	[tilespmem:$0x2080] =	vst v63  }
0x75: {  	_ =	swait.ge [sflag:s4], $0x80  }
0x76: {  	[sflag:s4] =	ssyncset.done $0x0  }
0x77: {  	[sflag:s4] =	ssyncadd.s32 $0xFFFFFF80  }
0x78: {  	[tilespmem:s7], [sflag:$0x1] =	stream.indirect.gather [hbm4b:s2+s6], $0x80, s3, s6, $0xb8;
	[tilespmem:$0x2080] =	vst v63  }
0x79: {  	_ =	swait.ge [sflag:s8], $0x2000  }
.Ltmp1:
0x7a: {  	[sflag:s8] =	ssyncset.done $0x0;
	(pc) =	sbr.rel @p0 .LBB2_1-.Ltmp1, $4  }
0x7b: {  	[sflag:s8] =	ssyncadd.s32 $0xFFFFE000  }
0x7c: {  	[hbm4b:s17+s3] =	stream.linear.scatter [tilespmem:s7], [sflag:$0x2], $0x2000, $0x38;
	[tilespmem:$0x2080] =	vst v63  }
0x7d: {  	_ =	swait.ge [sflag:s4], $0x2000  }
0x7e: {  	[sflag:s4] =	ssyncset.done $0x0  }
.LBB2_2:
0x7f: {  	[sflag:s4] =	ssyncadd.s32 $0xFFFFE000  }
0x80: {  	_ =	sfence.sel $0x180000  }
0x81: {  	[bflag:$0x0] =	sbarrier.arrive $0xFFFF  }
0x82: {  	p0 =	sne.s32 s0, $0x0;
	_ =	strace $0x90000047  }
0x83: {  	s0 =	sadd.s32 @!p0 $0x100000, s1;
	[bflag:$0x2] =	sbarrier.arrive $0xFFFF  }
0x84: {  	[sflag:s0] =	ssyncadd.tile.s32 @!p0 $0x1;
	_ =	shalt  }
.Lfunc_end2:
_tile_overlayer_lowered:
.L_overlay_start_2:
0x85: {  	(tag) =	ssettag $0x2  }
0x86: {  	s0 =	rddreg [dreg:$0x0];
	s2 =	stileid.u32  }
0x87: {  	s1 =	rddreg [dreg:$0x1];
	p0 =	sne.s32 s2, $0x0  }
0x88: {  	s3 =	rddreg [dreg:$0x2];
	[bflag:$0x3] =	sbarrier.arrive $0xFFFF;
	s2 =	simm.s32 @!p0 $0x1C02  }
0x89: {  	[timem:s3], [sflag:s2] =	dma.local @!p0 [hbm:s0], s1  }
0x8a: {  	s0 =	simm.s32 @!p0 $0x2  }
0x8b: {  	_ =	swait.ge @!p0 [sflag:s0], s1  }
0x8c: {  	s1 =	ssub.s32 @!p0 $0x0, s1;
	[sflag:s0] =	ssyncset.done @!p0 $0x0  }
0x8d: {  	[sflag:s0] =	ssyncadd.s32 @!p0 s1  }
0x8e: {  	[bflag:$0x3] =	sbarrier.arrive $0xFFFF  }
0x8f: {  	_ =	shalt  }

</sc_bundles>
